<compile_context>
chip_gen: v7x
topology: tpu7x:2x2x1
jax: 0.10.2.dev20260603
libtpu: 0.0.44.dev20260713+nightly
codegen_flags: <defaults>
</compile_context>

<pallas_src>
import functools

import jax
import jax.numpy as jnp
from jax import lax
from jax.experimental import pallas as pl
from jax.experimental.pallas import tpu as pltpu
from jax.experimental.pallas import tpu_sc as plsc

N_NODES = 10000
N_PAD = 10240
E_TOTAL = 320000
D_IN = 128
NUM_HEADS = 8
HEAD_DIM = 16
FEAT = NUM_HEADS * HEAD_DIM

NUM_CORES = 2
NUM_SUBCORES = 16
NUM_WORKERS = NUM_CORES * NUM_SUBCORES
E_PER_W = E_TOTAL // NUM_WORKERS
B_EDGE = 80
NUM_BLOCKS = E_PER_W // B_EDGE
ROWS_PER_TILE = N_PAD // NUM_SUBCORES
ACC_CH = 128
NUM_CH = ROWS_PER_TILE // ACC_CH


def _proj_body(x_ref, w_ref, a_ref, xk_ref, ftab_ref):
    xk = jnp.dot(x_ref[...], w_ref[...], preferred_element_type=jnp.float32)
    xk_ref[...] = xk
    ftab_ref[...] = jnp.dot(xk, a_ref[...], preferred_element_type=jnp.float32)


def _project(x, w, a16):
    rb = 1000
    return pl.pallas_call(
        _proj_body,
        grid=(N_NODES // rb,),
        in_specs=[
            pl.BlockSpec((rb, D_IN), lambda i: (i, 0)),
            pl.BlockSpec((D_IN, FEAT), lambda i: (0, 0)),
            pl.BlockSpec((FEAT, 16), lambda i: (0, 0)),
        ],
        out_specs=[
            pl.BlockSpec((rb, FEAT), lambda i: (i, 0)),
            pl.BlockSpec((rb, 16), lambda i: (i, 0)),
        ],
        out_shape=[
            jax.ShapeDtypeStruct((N_NODES, FEAT), jnp.float32),
            jax.ShapeDtypeStruct((N_NODES, 16), jnp.float32),
        ],
    )(x, w, a16)


def _edge_body(xk, ftab, src, dst, acc_out, s_out,
               is0, it0, iu0, rx0, rt0, ru0, pr0,
               is1, it1, iu1, rx1, rt1, ru1, pr1,
               ic0, ic1, acc_sh, sacc_sh, sem_i, sem_g, sem_r0, sem_r1, sem_s0, sem_s1):
    cid = lax.axis_index("c")
    sid = lax.axis_index("s")
    wid = cid * NUM_SUBCORES + sid
    ebase = wid * E_PER_W
    LAST = NUM_BLOCKS - 1

    BUFS = ((is0, it0, iu0, rx0, rt0, ru0, pr0, sem_r0, ic0, sem_s0),
            (is1, it1, iu1, rx1, rt1, ru1, pr1, sem_r1, ic1, sem_s1))

    zero16 = jnp.zeros((16,), jnp.float32)

    def zrow(i, carry):
        for c in range(FEAT // 16):
            rx0[i, pl.ds(c * 16, 16)] = zero16
        pr0[i, :] = zero16
        return carry

    lax.fori_loop(0, B_EDGE, zrow, 0)
    base_row = sid * ROWS_PER_TILE
    for k in range(ROWS_PER_TILE // B_EDGE):
        pltpu.sync_copy(rx0, acc_sh.at[pl.ds(base_row + k * B_EDGE, B_EDGE), :])
        pltpu.sync_copy(pr0, sacc_sh.at[pl.ds(base_row + k * B_EDGE, B_EDGE), :])
    plsc.subcore_barrier()

    lanes = lax.iota(jnp.int32, 16)
    head_mask = lanes < NUM_HEADS

    def off(m):
        return pl.multiple_of(ebase + m * B_EDGE, 8)

    def start_idx(m, b):
        pltpu.async_copy(src.at[pl.ds(off(m), B_EDGE)], b[0], sem_i)
        pltpu.async_copy(dst.at[pl.ds(off(m), B_EDGE)], b[1], sem_i)

    def wait_idx(m, b):
        pltpu.make_async_copy(src.at[pl.ds(off(m), B_EDGE)], b[0], sem_i).wait()
        pltpu.make_async_copy(dst.at[pl.ds(off(m), B_EDGE)], b[1], sem_i).wait()

    def start_t2(b):
        pltpu.async_copy(dst.at[b[0]], b[2], sem_g)

    def wait_t2(b):
        pltpu.make_async_copy(dst.at[b[0]], b[2], sem_g).wait()

    def start_rows_xt(b):
        pltpu.async_copy(xk.at[b[0]], b[3], b[7])
        pltpu.async_copy(ftab.at[b[1]], b[4], b[7])

    def start_rows_u(b):
        pltpu.async_copy(ftab.at[b[2]], b[5], b[7])

    def wait_rows(b):
        pltpu.make_async_copy(xk.at[b[0]], b[3], b[7]).wait()
        pltpu.make_async_copy(ftab.at[b[1]], b[4], b[7]).wait()
        pltpu.make_async_copy(ftab.at[b[2]], b[5], b[7]).wait()

    def compute(b):
        rows_x, rows_t, rows_u, prow = b[3], b[4], b[5], b[6]

        def edge4(j, ecarry):
            es = [4 * j + q for q in range(4)]
            zs = [rows_t[e, :] + rows_u[e, :] for e in es]
            ps = [jnp.where(head_mask,
                            jnp.exp(jnp.maximum(z, 0.2 * z)), 0.0) for z in zs]
            for e, p in zip(es, ps):
                prow[e, :] = p
            ls = [[rows_x[e, pl.ds(h * HEAD_DIM, HEAD_DIM)]
                   for h in range(NUM_HEADS)] for e in es]
            ms = [[ls[q][h] * ps[q][h] for h in range(NUM_HEADS)]
                  for q in range(4)]
            for q, e in enumerate(es):
                for h in range(NUM_HEADS):
                    rows_x[e, pl.ds(h * HEAD_DIM, HEAD_DIM)] = ms[q][h]
            return ecarry

        lax.fori_loop(0, B_EDGE // 4, edge4, 0)

    def scatter_start(b):
        for c in range(B_EDGE // 16):
            b[8][pl.ds(c * 16, 16)] = b[1][pl.ds(c * 16, 16)]
        pltpu.async_copy(b[3], acc_sh.at[b[8]], b[9], add=True)
        pltpu.async_copy(b[6], sacc_sh.at[b[8]], b[9], add=True)

    def wait_scatter(b):
        pltpu.make_async_copy(b[3], acc_sh.at[b[8]], b[9]).wait()
        pltpu.make_async_copy(b[6], sacc_sh.at[b[8]], b[9]).wait()

    def process(m, par):
        cur, nxt = BUFS[par], BUFS[1 - par]

        @pl.when(jnp.logical_and(m >= 1, m + 1 <= LAST))
        def _():
            wait_scatter(nxt)

        @pl.when(m + 1 <= LAST)
        def _():
            wait_idx(m + 1, nxt)
            start_t2(nxt)
            start_rows_xt(nxt)

        wait_rows(cur)
        compute(cur)
        scatter_start(cur)

        @pl.when(m + 2 <= LAST)
        def _():
            start_idx(m + 2, cur)

        @pl.when(m + 1 <= LAST)
        def _():
            wait_t2(nxt)
            start_rows_u(nxt)

    start_idx(0, BUFS[0])
    wait_idx(0, BUFS[0])
    start_t2(BUFS[0])
    start_rows_xt(BUFS[0])
    start_idx(1, BUFS[1])
    wait_t2(BUFS[0])
    start_rows_u(BUFS[0])

    def outer(i, carry):
        process(2 * i, 0)
        process(2 * i + 1, 1)
        return carry

    lax.fori_loop(0, NUM_BLOCKS // 2, outer, 0)
    process(LAST, 0)
    wait_scatter(BUFS[1])
    wait_scatter(BUFS[0])
    plsc.subcore_barrier()

    for k in range(NUM_CH):
        r0 = base_row + k * ACC_CH
        pltpu.sync_copy(acc_sh.at[pl.ds(r0, ACC_CH), :],
                        acc_out.at[cid, pl.ds(r0, ACC_CH), :])
        pltpu.sync_copy(sacc_sh.at[pl.ds(r0, ACC_CH), :],
                        s_out.at[cid, pl.ds(r0, ACC_CH), :])

_edge_pass = functools.partial(
    pl.kernel,
    out_type=[
        jax.ShapeDtypeStruct((NUM_CORES, N_PAD, FEAT), jnp.float32),
        jax.ShapeDtypeStruct((NUM_CORES, N_PAD, 16), jnp.float32),
    ],
    mesh=plsc.VectorSubcoreMesh(
        core_axis_name="c", subcore_axis_name="s",
        num_cores=NUM_CORES, num_subcores=NUM_SUBCORES),
    compiler_params=pltpu.CompilerParams(use_tc_tiling_on_sc=False),
    scratch_types=[
        pltpu.VMEM((B_EDGE,), jnp.int32),
        pltpu.VMEM((B_EDGE,), jnp.int32),
        pltpu.VMEM((B_EDGE,), jnp.int32),
        pltpu.VMEM((B_EDGE, FEAT), jnp.float32),
        pltpu.VMEM((B_EDGE, 16), jnp.float32),
        pltpu.VMEM((B_EDGE, 16), jnp.float32),
        pltpu.VMEM((B_EDGE, 16), jnp.float32),
        pltpu.VMEM((B_EDGE,), jnp.int32),
        pltpu.VMEM((B_EDGE,), jnp.int32),
        pltpu.VMEM((B_EDGE,), jnp.int32),
        pltpu.VMEM((B_EDGE, FEAT), jnp.float32),
        pltpu.VMEM((B_EDGE, 16), jnp.float32),
        pltpu.VMEM((B_EDGE, 16), jnp.float32),
        pltpu.VMEM((B_EDGE, 16), jnp.float32),
        pltpu.VMEM((B_EDGE,), jnp.int32),
        pltpu.VMEM((B_EDGE,), jnp.int32),
        pltpu.VMEM_SHARED((N_PAD, FEAT), jnp.float32),
        pltpu.VMEM_SHARED((N_PAD, 16), jnp.float32),
        pltpu.SemaphoreType.DMA,
        pltpu.SemaphoreType.DMA,
        pltpu.SemaphoreType.DMA,
        pltpu.SemaphoreType.DMA,
        pltpu.SemaphoreType.DMA,
        pltpu.SemaphoreType.DMA,
    ],
)(_edge_body)


def _final_body(acc_ref, s_ref, rep_ref, bias_ref, o_ref):
    num = acc_ref[0] + acc_ref[1]
    den = s_ref[0] + s_ref[1]
    den_rep = jnp.dot(den, rep_ref[...], preferred_element_type=jnp.float32)
    y = num / (den_rep + 1e-7) + bias_ref[...]
    o_ref[...] = jnp.where(y > 0, y, jnp.exp(jnp.minimum(y, 0.0)) - 1.0)


def _finalize(acc, s, rep, bias2d):
    rb = 1000
    return pl.pallas_call(
        _final_body,
        grid=(N_NODES // rb,),
        in_specs=[
            pl.BlockSpec((NUM_CORES, rb, FEAT), lambda i: (0, i, 0)),
            pl.BlockSpec((NUM_CORES, rb, 16), lambda i: (0, i, 0)),
            pl.BlockSpec((16, FEAT), lambda i: (0, 0)),
            pl.BlockSpec((1, FEAT), lambda i: (0, 0)),
        ],
        out_specs=pl.BlockSpec((rb, FEAT), lambda i: (i, 0)),
        out_shape=jax.ShapeDtypeStruct((N_NODES, FEAT), jnp.float32),
    )(acc, s, rep, bias2d)


def kernel(x, edges, kernel, kernel_attention1, kernel_attention2, bias, training):
    del kernel_attention2, training
    src = edges[:, 0].astype(jnp.int32)
    dst = edges[:, 1].astype(jnp.int32)

    ka1 = kernel_attention1[0].astype(jnp.float32)
    a8 = (ka1[:, :, None] * jnp.eye(NUM_HEADS, dtype=jnp.float32)[:, None, :])
    a16 = jnp.concatenate(
        [a8.reshape(FEAT, NUM_HEADS),
         jnp.zeros((FEAT, NUM_HEADS), jnp.float32)], axis=1)

    rep = jnp.concatenate(
        [jnp.kron(jnp.eye(NUM_HEADS, dtype=jnp.float32),
                  jnp.ones((1, HEAD_DIM), jnp.float32)),
         jnp.zeros((NUM_HEADS, FEAT), jnp.float32)], axis=0)

    xk, ftab = _project(x, kernel.astype(jnp.float32), a16)
    acc, s = _edge_pass(xk, ftab, src, dst)
    return _finalize(acc, s, rep, bias.reshape(1, FEAT).astype(jnp.float32))

# --- scband reference (transcript-rebuilt; emitter-appended) ---
"""Pipeline reference for scband-multi-head-graph-attention-22960895165079 (READ-ONLY COPY).

The authoritative reference and input builder live on the scoring server;
editing this copy changes nothing except your own understanding.
"""

import jax, jax.numpy as jnp
import numpy as np

N = 10000
E = 320000
D = 128
H = 8
U = 16


def setup_inputs(seed: int = 0) -> dict:
    key = jax.random.key(seed)
    k1, k2, k3, k4, k5 = jax.random.split(key, 5)
    x = jax.random.normal(k1, (N, D), dtype=jnp.float32)
    edges = jax.random.randint(k2, (E, 2), 0, N)
    kernel = jax.random.normal(k3, (D, H * U), dtype=jnp.float32) * (1.0 / np.sqrt(D))
    kernel_attention1 = jax.random.normal(k4, (1, H, U), dtype=jnp.float32) * 0.1
    kernel_attention2 = jax.random.normal(k5, (1, H, U), dtype=jnp.float32) * 0.1
    bias = jnp.zeros((H * U,), dtype=jnp.float32)
    return {
        'x': x,
        'edges': edges,
        'kernel': kernel,
        'kernel_attention1': kernel_attention1,
        'kernel_attention2': kernel_attention2,
        'bias': bias,
        'training': 0,
    }


def reference(x, edges, kernel, kernel_attention1, kernel_attention2, bias, training):
    # Faithful translation of MultiHeadGraphAttention.call with merge_type='concat'.
    # training=0 (inference) -> dropout branches are no-ops (dropout_rate=0 anyway).
    targets = edges[:, 1]
    sources = edges[:, 0]
    n_nodes = x.shape[-2]
    xk = jnp.matmul(x, kernel)                       # [N, H*U]
    xk = xk.reshape(-1, H, U)                        # [N, H, U]
    f_t = jnp.sum(xk * kernel_attention1, axis=-1)   # [N, H]
    f_t = jnp.take(f_t, targets, axis=0)             # [E, H]
    f_s = jnp.sum(xk * kernel_attention2, axis=-1)   # [N, H]  (computed then overwritten, as in original)
    f_s = jnp.take(f_t, sources, axis=0)             # NOTE: original code gathers from f_t (replicated bug)
    scores = jax.nn.leaky_relu(f_t + f_s, negative_slope=0.2)  # tf default alpha=0.2
    seg_max = jax.ops.segment_max(scores, targets, num_segments=n_nodes)
    scores = jnp.exp(scores - jnp.take(seg_max, targets, axis=0))
    seg_sum = jax.ops.segment_sum(scores, targets, num_segments=n_nodes)
    scores = scores / (jnp.take(seg_sum, targets, axis=0) + 1e-07)
    scores = scores[..., None]                       # [E, H, 1]
    out = scores * jnp.take(xk, sources, axis=0)     # [E, H, U]
    out = jax.ops.segment_sum(out, targets, num_segments=n_nodes)  # [N, H, U]
    out = out.reshape(n_nodes, H * U)                # concat merge
    return jax.nn.elu(out + bias)

if __name__ == "__main__":
    import jax
    _d = setup_inputs()
    print(jax.jit(kernel)(*tuple(_d.values())))

</pallas_src>

<mosaic_0001>
#map = affine_map<(d0, d1) -> (0, 0)>
#map1 = affine_map<(d0, d1) -> (0)>
#map2 = affine_map<(d0, d1) -> (0, 0, 0)>
module attributes {stable_mosaic.version = 14 : i64} {
  func.func @_edge_body(%arg0: i32, %arg1: i32, %arg2: memref<10000x128xf32, #tpu.memory_space<hbm>>, %arg3: memref<10000x16xf32, #tpu.memory_space<hbm>>, %arg4: memref<320000xi32, #tpu.memory_space<hbm>>, %arg5: memref<320000xi32, #tpu.memory_space<hbm>>, %arg6: memref<2x10240x128xf32, #tpu.memory_space<hbm>>, %arg7: memref<2x10240x16xf32, #tpu.memory_space<hbm>>, %arg8: memref<80xi32, #tpu.memory_space<vmem>>, %arg9: memref<80xi32, #tpu.memory_space<vmem>>, %arg10: memref<80xi32, #tpu.memory_space<vmem>>, %arg11: memref<80x128xf32, #tpu.memory_space<vmem>>, %arg12: memref<80x16xf32, #tpu.memory_space<vmem>>, %arg13: memref<80x16xf32, #tpu.memory_space<vmem>>, %arg14: memref<80x16xf32, #tpu.memory_space<vmem>>, %arg15: memref<80xi32, #tpu.memory_space<vmem>>, %arg16: memref<80xi32, #tpu.memory_space<vmem>>, %arg17: memref<80xi32, #tpu.memory_space<vmem>>, %arg18: memref<80x128xf32, #tpu.memory_space<vmem>>, %arg19: memref<80x16xf32, #tpu.memory_space<vmem>>, %arg20: memref<80x16xf32, #tpu.memory_space<vmem>>, %arg21: memref<80x16xf32, #tpu.memory_space<vmem>>, %arg22: memref<80xi32, #tpu.memory_space<vmem>>, %arg23: memref<80xi32, #tpu.memory_space<vmem>>, %arg24: memref<10240x128xf32, #tpu.memory_space<vmem_shared>>, %arg25: memref<10240x16xf32, #tpu.memory_space<vmem_shared>>, %arg26: memref<!tpu.dma_semaphore, #tpu.memory_space<semaphore_mem>>, %arg27: memref<!tpu.dma_semaphore, #tpu.memory_space<semaphore_mem>>, %arg28: memref<!tpu.dma_semaphore, #tpu.memory_space<semaphore_mem>>, %arg29: memref<!tpu.dma_semaphore, #tpu.memory_space<semaphore_mem>>, %arg30: memref<!tpu.dma_semaphore, #tpu.memory_space<semaphore_mem>>, %arg31: memref<!tpu.dma_semaphore, #tpu.memory_space<semaphore_mem>>) attributes {dimension_semantics = [#tpu.dimension_semantics<core_parallel>, #tpu.dimension_semantics<subcore_parallel>], iteration_bounds = array<i64: 2, 16>, scalar_prefetch = 0 : i64, scratch_operands = 24 : i64, tpu.core_type = #tpu.core_type<sc_vector_subcore>, window_params = [{transform_indices = #map}, {transform_indices = #map}, {transform_indices = #map1}, {transform_indices = #map1}, {transform_indices = #map2}, {transform_indices = #map2}]} {
    %mul3A = arith.constant 16 : i32
    %mul3A_0 = arith.muli %arg0, %mul3A : i32
    %add3A = arith.addi %mul3A_0, %arg1 : i32
    %mul3A_1 = arith.constant 10000 : i32
    %mul3A_2 = arith.muli %add3A, %mul3A_1 : i32
    %broadcast_in_dim3A = arith.constant 0.000000e+00 : f32
    %broadcast_in_dim3A_3 = vector.broadcast %broadcast_in_dim3A : f32 to vector<16xf32>
    %scan3A = arith.constant 0 : i32
    %scan3A_4 = arith.constant 0 : i32
    %scan3A_5 = arith.constant 80 : i32
    %scan3A_6 = arith.addi %scan3A_4, %scan3A_5 : i32
    %scan3A_7 = arith.constant 1 : i32
    scf.for %scan3A_171 = %scan3A_4 to %scan3A_6 step %scan3A_7  : i32 {
      %swap3A_172 = arith.index_cast %scan3A_171 : i32 to index
      %swap3A_173 = arith.constant 0 : index
      %swap3A_174 = tpu.vector_load %arg11[%swap3A_172, %swap3A_173] {strides = array<i32>} : memref<80x128xf32, #tpu.memory_space<vmem>>, vector<1x16xf32>,
      %swap3A_175 = vector.shape_cast %swap3A_174 : vector<1x16xf32> to vector<16xf32>
      %swap3A_176 = vector.shape_cast %broadcast_in_dim3A_3 : vector<16xf32> to vector<1x16xf32>
      tpu.vector_store %arg11[%swap3A_172, %swap3A_173], %swap3A_176 {strides = array<i32>} : memref<80x128xf32, #tpu.memory_space<vmem>>, vector<1x16xf32>,
      %swap3A_177 = arith.index_cast %scan3A_171 : i32 to index
      %swap3A_178 = arith.constant 16 : index
      %swap3A_179 = tpu.vector_load %arg11[%swap3A_177, %swap3A_178] {strides = array<i32>} : memref<80x128xf32, #tpu.memory_space<vmem>>, vector<1x16xf32>,
      %swap3A_180 = vector.shape_cast %swap3A_179 : vector<1x16xf32> to vector<16xf32>
      %swap3A_181 = vector.shape_cast %broadcast_in_dim3A_3 : vector<16xf32> to vector<1x16xf32>
      tpu.vector_store %arg11[%swap3A_177, %swap3A_178], %swap3A_181 {strides = array<i32>} : memref<80x128xf32, #tpu.memory_space<vmem>>, vector<1x16xf32>,
      %swap3A_182 = arith.index_cast %scan3A_171 : i32 to index
      %swap3A_183 = arith.constant 32 : index
      %swap3A_184 = tpu.vector_load %arg11[%swap3A_182, %swap3A_183] {strides = array<i32>} : memref<80x128xf32, #tpu.memory_space<vmem>>, vector<1x16xf32>,
      %swap3A_185 = vector.shape_cast %swap3A_184 : vector<1x16xf32> to vector<16xf32>
      %swap3A_186 = vector.shape_cast %broadcast_in_dim3A_3 : vector<16xf32> to vector<1x16xf32>
      tpu.vector_store %arg11[%swap3A_182, %swap3A_183], %swap3A_186 {strides = array<i32>} : memref<80x128xf32, #tpu.memory_space<vmem>>, vector<1x16xf32>,
      %swap3A_187 = arith.index_cast %scan3A_171 : i32 to index
      %swap3A_188 = arith.constant 48 : index
      %swap3A_189 = tpu.vector_load %arg11[%swap3A_187, %swap3A_188] {strides = array<i32>} : memref<80x128xf32, #tpu.memory_space<vmem>>, vector<1x16xf32>,
      %swap3A_190 = vector.shape_cast %swap3A_189 : vector<1x16xf32> to vector<16xf32>
      %swap3A_191 = vector.shape_cast %broadcast_in_dim3A_3 : vector<16xf32> to vector<1x16xf32>
      tpu.vector_store %arg11[%swap3A_187, %swap3A_188], %swap3A_191 {strides = array<i32>} : memref<80x128xf32, #tpu.memory_space<vmem>>, vector<1x16xf32>,
      %swap3A_192 = arith.index_cast %scan3A_171 : i32 to index
      %swap3A_193 = arith.constant 64 : index
      %swap3A_194 = tpu.vector_load %arg11[%swap3A_192, %swap3A_193] {strides = array<i32>} : memref<80x128xf32, #tpu.memory_space<vmem>>, vector<1x16xf32>,
      %swap3A_195 = vector.shape_cast %swap3A_194 : vector<1x16xf32> to vector<16xf32>
      %swap3A_196 = vector.shape_cast %broadcast_in_dim3A_3 : vector<16xf32> to vector<1x16xf32>
      tpu.vector_store %arg11[%swap3A_192, %swap3A_193], %swap3A_196 {strides = array<i32>} : memref<80x128xf32, #tpu.memory_space<vmem>>, vector<1x16xf32>,
      %swap3A_197 = arith.index_cast %scan3A_171 : i32 to index
      %swap3A_198 = arith.constant 80 : index
      %swap3A_199 = tpu.vector_load %arg11[%swap3A_197, %swap3A_198] {strides = array<i32>} : memref<80x128xf32, #tpu.memory_space<vmem>>, vector<1x16xf32>,
      %swap3A_200 = vector.shape_cast %swap3A_199 : vector<1x16xf32> to vector<16xf32>
      %swap3A_201 = vector.shape_cast %broadcast_in_dim3A_3 : vector<16xf32> to vector<1x16xf32>
      tpu.vector_store %arg11[%swap3A_197, %swap3A_198], %swap3A_201 {strides = array<i32>} : memref<80x128xf32, #tpu.memory_space<vmem>>, vector<1x16xf32>,
      %swap3A_202 = arith.index_cast %scan3A_171 : i32 to index
      %swap3A_203 = arith.constant 96 : index
      %swap3A_204 = tpu.vector_load %arg11[%swap3A_202, %swap3A_203] {strides = array<i32>} : memref<80x128xf32, #tpu.memory_space<vmem>>, vector<1x16xf32>,
      %swap3A_205 = vector.shape_cast %swap3A_204 : vector<1x16xf32> to vector<16xf32>
      %swap3A_206 = vector.shape_cast %broadcast_in_dim3A_3 : vector<16xf32> to vector<1x16xf32>
      tpu.vector_store %arg11[%swap3A_202, %swap3A_203], %swap3A_206 {strides = array<i32>} : memref<80x128xf32, #tpu.memory_space<vmem>>, vector<1x16xf32>,
      %swap3A_207 = arith.index_cast %scan3A_171 : i32 to index
      %swap3A_208 = arith.constant 112 : index
      %swap3A_209 = tpu.vector_load %arg11[%swap3A_207, %swap3A_208] {strides = array<i32>} : memref<80x128xf32, #tpu.memory_space<vmem>>, vector<1x16xf32>,
      %swap3A_210 = vector.shape_cast %swap3A_209 : vector<1x16xf32> to vector<16xf32>
      %swap3A_211 = vector.shape_cast %broadcast_in_dim3A_3 : vector<16xf32> to vector<1x16xf32>
      tpu.vector_store %arg11[%swap3A_207, %swap3A_208], %swap3A_211 {strides = array<i32>} : memref<80x128xf32, #tpu.memory_space<vmem>>, vector<1x16xf32>,
      %swap3A_212 = arith.index_cast %scan3A_171 : i32 to index
      %swap3A_213 = arith.constant 0 : index
      %swap3A_214 = tpu.vector_load %arg14[%swap3A_212, %swap3A_213] {strides = array<i32>} : memref<80x16xf32, #tpu.memory_space<vmem>>, vector<1x16xf32>,
      %swap3A_215 = vector.shape_cast %swap3A_214 : vector<1x16xf32> to vector<16xf32>
      %swap3A_216 = vector.shape_cast %broadcast_in_dim3A_3 : vector<16xf32> to vector<1x16xf32>
      tpu.vector_store %arg14[%swap3A_212, %swap3A_213], %swap3A_216 {strides = array<i32>} : memref<80x16xf32, #tpu.memory_space<vmem>>, vector<1x16xf32>,
    }
    %scan3A_8 = arith.constant 80 : i32
    %mul3A_9 = arith.constant 640 : i32
    %mul3A_10 = arith.muli %arg1, %mul3A_9 : i32
    %add3A_11 = arith.constant 0 : i32
    %add3A_12 = arith.addi %mul3A_10, %add3A_11 : i32
    "tpu.region"() ({
      %run_scoped3A = tpu.sem_alloc : memref<!tpu.dma_semaphore, #tpu.memory_space<semaphore_mem>>
      %dma_start3A_171 = arith.constant 0 : i32
      %dma_start3A_172 = tpu.memref_slice %arg24[%add3A_12, %dma_start3A_171] : memref<10240x128xf32, #tpu.memory_space<vmem_shared>> -> memref<80x128xf32, #tpu.memory_space<vmem_shared>>
      %dma_start3A_173 = arith.constant 0 : i32
      %dma_start3A_174 = tpu.memref_slice %arg24[%add3A_12, %dma_start3A_173] : memref<10240x128xf32, #tpu.memory_space<vmem_shared>> -> memref<80x128xf32, #tpu.memory_space<vmem_shared>>
      tpu.enqueue_dma source(%arg11 : memref<80x128xf32, #tpu.memory_space<vmem>>) target(%dma_start3A_174 : memref<80x128xf32, #tpu.memory_space<vmem_shared>>) target_semaphore(%run_scoped3A : memref<!tpu.dma_semaphore, #tpu.memory_space<semaphore_mem>>)
      %dma_wait3A_175 = arith.constant 0 : i32
      %dma_wait3A_176 = tpu.memref_slice %arg24[%add3A_12, %dma_wait3A_175] : memref<10240x128xf32, #tpu.memory_space<vmem_shared>> -> memref<80x128xf32, #tpu.memory_space<vmem_shared>>
      %dma_wait3A_177 = arith.constant 0 : i32
      %dma_wait3A_178 = tpu.memref_slice %arg24[%add3A_12, %dma_wait3A_177] : memref<10240x128xf32, #tpu.memory_space<vmem_shared>> -> memref<80x128xf32, #tpu.memory_space<vmem_shared>>
      tpu.wait_dma2 semaphore(%run_scoped3A : memref<!tpu.dma_semaphore, #tpu.memory_space<semaphore_mem>>) src(%arg11 : memref<80x128xf32, #tpu.memory_space<vmem>>) dst(%dma_wait3A_178 : memref<80x128xf32, #tpu.memory_space<vmem_shared>>)
      tpu.yield
    }) : () -> ()
    %add3A_13 = arith.constant 0 : i32
    %add3A_14 = arith.addi %mul3A_10, %add3A_13 : i32
    "tpu.region"() ({
      %run_scoped3A = tpu.sem_alloc : memref<!tpu.dma_semaphore, #tpu.memory_space<semaphore_mem>>
      %dma_start3A_171 = arith.constant 0 : i32
      %dma_start3A_172 = tpu.memref_slice %arg25[%add3A_14, %dma_start3A_171] : memref<10240x16xf32, #tpu.memory_space<vmem_shared>> -> memref<80x16xf32, #tpu.memory_space<vmem_shared>>
      %dma_start3A_173 = arith.constant 0 : i32
      %dma_start3A_174 = tpu.memref_slice %arg25[%add3A_14, %dma_start3A_173] : memref<10240x16xf32, #tpu.memory_space<vmem_shared>> -> memref<80x16xf32, #tpu.memory_space<vmem_shared>>
      tpu.enqueue_dma source(%arg14 : memref<80x16xf32, #tpu.memory_space<vmem>>) target(%dma_start3A_174 : memref<80x16xf32, #tpu.memory_space<vmem_shared>>) target_semaphore(%run_scoped3A : memref<!tpu.dma_semaphore, #tpu.memory_space<semaphore_mem>>)
      %dma_wait3A_175 = arith.constant 0 : i32
      %dma_wait3A_176 = tpu.memref_slice %arg25[%add3A_14, %dma_wait3A_175] : memref<10240x16xf32, #tpu.memory_space<vmem_shared>> -> memref<80x16xf32, #tpu.memory_space<vmem_shared>>
      %dma_wait3A_177 = arith.constant 0 : i32
      %dma_wait3A_178 = tpu.memref_slice %arg25[%add3A_14, %dma_wait3A_177] : memref<10240x16xf32, #tpu.memory_space<vmem_shared>> -> memref<80x16xf32, #tpu.memory_space<vmem_shared>>
      tpu.wait_dma2 semaphore(%run_scoped3A : memref<!tpu.dma_semaphore, #tpu.memory_space<semaphore_mem>>) src(%arg14 : memref<80x16xf32, #tpu.memory_space<vmem>>) dst(%dma_wait3A_178 : memref<80x16xf32, #tpu.memory_space<vmem_shared>>)
      tpu.yield
    }) : () -> ()
    %add3A_15 = arith.constant 80 : i32
    %add3A_16 = arith.addi %mul3A_10, %add3A_15 : i32
    "tpu.region"() ({
      %run_scoped3A = tpu.sem_alloc : memref<!tpu.dma_semaphore, #tpu.memory_space<semaphore_mem>>
      %dma_start3A_171 = arith.constant 0 : i32
      %dma_start3A_172 = tpu.memref_slice %arg24[%add3A_16, %dma_start3A_171] : memref<10240x128xf32, #tpu.memory_space<vmem_shared>> -> memref<80x128xf32, #tpu.memory_space<vmem_shared>>
      %dma_start3A_173 = arith.constant 0 : i32
      %dma_start3A_174 = tpu.memref_slice %arg24[%add3A_16, %dma_start3A_173] : memref<10240x128xf32, #tpu.memory_space<vmem_shared>> -> memref<80x128xf32, #tpu.memory_space<vmem_shared>>
      tpu.enqueue_dma source(%arg11 : memref<80x128xf32, #tpu.memory_space<vmem>>) target(%dma_start3A_174 : memref<80x128xf32, #tpu.memory_space<vmem_shared>>) target_semaphore(%run_scoped3A : memref<!tpu.dma_semaphore, #tpu.memory_space<semaphore_mem>>)
      %dma_wait3A_175 = arith.constant 0 : i32
      %dma_wait3A_176 = tpu.memref_slice %arg24[%add3A_16, %dma_wait3A_175] : memref<10240x128xf32, #tpu.memory_space<vmem_shared>> -> memref<80x128xf32, #tpu.memory_space<vmem_shared>>
      %dma_wait3A_177 = arith.constant 0 : i32
      %dma_wait3A_178 = tpu.memref_slice %arg24[%add3A_16, %dma_wait3A_177] : memref<10240x128xf32, #tpu.memory_space<vmem_shared>> -> memref<80x128xf32, #tpu.memory_space<vmem_shared>>
      tpu.wait_dma2 semaphore(%run_scoped3A : memref<!tpu.dma_semaphore, #tpu.memory_space<semaphore_mem>>) src(%arg11 : memref<80x128xf32, #tpu.memory_space<vmem>>) dst(%dma_wait3A_178 : memref<80x128xf32, #tpu.memory_space<vmem_shared>>)
      tpu.yield
    }) : () -> ()
    %add3A_17 = arith.constant 80 : i32
    %add3A_18 = arith.addi %mul3A_10, %add3A_17 : i32
    "tpu.region"() ({
      %run_scoped3A = tpu.sem_alloc : memref<!tpu.dma_semaphore, #tpu.memory_space<semaphore_mem>>
      %dma_start3A_171 = arith.constant 0 : i32
      %dma_start3A_172 = tpu.memref_slice %arg25[%add3A_18, %dma_start3A_171] : memref<10240x16xf32, #tpu.memory_space<vmem_shared>> -> memref<80x16xf32, #tpu.memory_space<vmem_shared>>
      %dma_start3A_173 = arith.constant 0 : i32
      %dma_start3A_174 = tpu.memref_slice %arg25[%add3A_18, %dma_start3A_173] : memref<10240x16xf32, #tpu.memory_space<vmem_shared>> -> memref<80x16xf32, #tpu.memory_space<vmem_shared>>
      tpu.enqueue_dma source(%arg14 : memref<80x16xf32, #tpu.memory_space<vmem>>) target(%dma_start3A_174 : memref<80x16xf32, #tpu.memory_space<vmem_shared>>) target_semaphore(%run_scoped3A : memref<!tpu.dma_semaphore, #tpu.memory_space<semaphore_mem>>)
      %dma_wait3A_175 = arith.constant 0 : i32
      %dma_wait3A_176 = tpu.memref_slice %arg25[%add3A_18, %dma_wait3A_175] : memref<10240x16xf32, #tpu.memory_space<vmem_shared>> -> memref<80x16xf32, #tpu.memory_space<vmem_shared>>
      %dma_wait3A_177 = arith.constant 0 : i32
      %dma_wait3A_178 = tpu.memref_slice %arg25[%add3A_18, %dma_wait3A_177] : memref<10240x16xf32, #tpu.memory_space<vmem_shared>> -> memref<80x16xf32, #tpu.memory_space<vmem_shared>>
      tpu.wait_dma2 semaphore(%run_scoped3A : memref<!tpu.dma_semaphore, #tpu.memory_space<semaphore_mem>>) src(%arg14 : memref<80x16xf32, #tpu.memory_space<vmem>>) dst(%dma_wait3A_178 : memref<80x16xf32, #tpu.memory_space<vmem_shared>>)
      tpu.yield
    }) : () -> ()
    %add3A_19 = arith.constant 160 : i32
    %add3A_20 = arith.addi %mul3A_10, %add3A_19 : i32
    "tpu.region"() ({
      %run_scoped3A = tpu.sem_alloc : memref<!tpu.dma_semaphore, #tpu.memory_space<semaphore_mem>>
      %dma_start3A_171 = arith.constant 0 : i32
      %dma_start3A_172 = tpu.memref_slice %arg24[%add3A_20, %dma_start3A_171] : memref<10240x128xf32, #tpu.memory_space<vmem_shared>> -> memref<80x128xf32, #tpu.memory_space<vmem_shared>>
      %dma_start3A_173 = arith.constant 0 : i32
      %dma_start3A_174 = tpu.memref_slice %arg24[%add3A_20, %dma_start3A_173] : memref<10240x128xf32, #tpu.memory_space<vmem_shared>> -> memref<80x128xf32, #tpu.memory_space<vmem_shared>>
      tpu.enqueue_dma source(%arg11 : memref<80x128xf32, #tpu.memory_space<vmem>>) target(%dma_start3A_174 : memref<80x128xf32, #tpu.memory_space<vmem_shared>>) target_semaphore(%run_scoped3A : memref<!tpu.dma_semaphore, #tpu.memory_space<semaphore_mem>>)
      %dma_wait3A_175 = arith.constant 0 : i32
      %dma_wait3A_176 = tpu.memref_slice %arg24[%add3A_20, %dma_wait3A_175] : memref<10240x128xf32, #tpu.memory_space<vmem_shared>> -> memref<80x128xf32, #tpu.memory_space<vmem_shared>>
      %dma_wait3A_177 = arith.constant 0 : i32
      %dma_wait3A_178 = tpu.memref_slice %arg24[%add3A_20, %dma_wait3A_177] : memref<10240x128xf32, #tpu.memory_space<vmem_shared>> -> memref<80x128xf32, #tpu.memory_space<vmem_shared>>
      tpu.wait_dma2 semaphore(%run_scoped3A : memref<!tpu.dma_semaphore, #tpu.memory_space<semaphore_mem>>) src(%arg11 : memref<80x128xf32, #tpu.memory_space<vmem>>) dst(%dma_wait3A_178 : memref<80x128xf32, #tpu.memory_space<vmem_shared>>)
      tpu.yield
    }) : () -> ()
    %add3A_21 = arith.constant 160 : i32
    %add3A_22 = arith.addi %mul3A_10, %add3A_21 : i32
    "tpu.region"() ({
      %run_scoped3A = tpu.sem_alloc : memref<!tpu.dma_semaphore, #tpu.memory_space<semaphore_mem>>
      %dma_start3A_171 = arith.constant 0 : i32
      %dma_start3A_172 = tpu.memref_slice %arg25[%add3A_22, %dma_start3A_171] : memref<10240x16xf32, #tpu.memory_space<vmem_shared>> -> memref<80x16xf32, #tpu.memory_space<vmem_shared>>
      %dma_start3A_173 = arith.constant 0 : i32
      %dma_start3A_174 = tpu.memref_slice %arg25[%add3A_22, %dma_start3A_173] : memref<10240x16xf32, #tpu.memory_space<vmem_shared>> -> memref<80x16xf32, #tpu.memory_space<vmem_shared>>
      tpu.enqueue_dma source(%arg14 : memref<80x16xf32, #tpu.memory_space<vmem>>) target(%dma_start3A_174 : memref<80x16xf32, #tpu.memory_space<vmem_shared>>) target_semaphore(%run_scoped3A : memref<!tpu.dma_semaphore, #tpu.memory_space<semaphore_mem>>)
      %dma_wait3A_175 = arith.constant 0 : i32
      %dma_wait3A_176 = tpu.memref_slice %arg25[%add3A_22, %dma_wait3A_175] : memref<10240x16xf32, #tpu.memory_space<vmem_shared>> -> memref<80x16xf32, #tpu.memory_space<vmem_shared>>
      %dma_wait3A_177 = arith.constant 0 : i32
      %dma_wait3A_178 = tpu.memref_slice %arg25[%add3A_22, %dma_wait3A_177] : memref<10240x16xf32, #tpu.memory_space<vmem_shared>> -> memref<80x16xf32, #tpu.memory_space<vmem_shared>>
      tpu.wait_dma2 semaphore(%run_scoped3A : memref<!tpu.dma_semaphore, #tpu.memory_space<semaphore_mem>>) src(%arg14 : memref<80x16xf32, #tpu.memory_space<vmem>>) dst(%dma_wait3A_178 : memref<80x16xf32, #tpu.memory_space<vmem_shared>>)
      tpu.yield
    }) : () -> ()
    %add3A_23 = arith.constant 240 : i32
    %add3A_24 = arith.addi %mul3A_10, %add3A_23 : i32
    "tpu.region"() ({
      %run_scoped3A = tpu.sem_alloc : memref<!tpu.dma_semaphore, #tpu.memory_space<semaphore_mem>>
      %dma_start3A_171 = arith.constant 0 : i32
      %dma_start3A_172 = tpu.memref_slice %arg24[%add3A_24, %dma_start3A_171] : memref<10240x128xf32, #tpu.memory_space<vmem_shared>> -> memref<80x128xf32, #tpu.memory_space<vmem_shared>>
      %dma_start3A_173 = arith.constant 0 : i32
      %dma_start3A_174 = tpu.memref_slice %arg24[%add3A_24, %dma_start3A_173] : memref<10240x128xf32, #tpu.memory_space<vmem_shared>> -> memref<80x128xf32, #tpu.memory_space<vmem_shared>>
      tpu.enqueue_dma source(%arg11 : memref<80x128xf32, #tpu.memory_space<vmem>>) target(%dma_start3A_174 : memref<80x128xf32, #tpu.memory_space<vmem_shared>>) target_semaphore(%run_scoped3A : memref<!tpu.dma_semaphore, #tpu.memory_space<semaphore_mem>>)
      %dma_wait3A_175 = arith.constant 0 : i32
      %dma_wait3A_176 = tpu.memref_slice %arg24[%add3A_24, %dma_wait3A_175] : memref<10240x128xf32, #tpu.memory_space<vmem_shared>> -> memref<80x128xf32, #tpu.memory_space<vmem_shared>>
      %dma_wait3A_177 = arith.constant 0 : i32
      %dma_wait3A_178 = tpu.memref_slice %arg24[%add3A_24, %dma_wait3A_177] : memref<10240x128xf32, #tpu.memory_space<vmem_shared>> -> memref<80x128xf32, #tpu.memory_space<vmem_shared>>
      tpu.wait_dma2 semaphore(%run_scoped3A : memref<!tpu.dma_semaphore, #tpu.memory_space<semaphore_mem>>) src(%arg11 : memref<80x128xf32, #tpu.memory_space<vmem>>) dst(%dma_wait3A_178 : memref<80x128xf32, #tpu.memory_space<vmem_shared>>)
      tpu.yield
    }) : () -> ()
    %add3A_25 = arith.constant 240 : i32
    %add3A_26 = arith.addi %mul3A_10, %add3A_25 : i32
    "tpu.region"() ({
      %run_scoped3A = tpu.sem_alloc : memref<!tpu.dma_semaphore, #tpu.memory_space<semaphore_mem>>
      %dma_start3A_171 = arith.constant 0 : i32
      %dma_start3A_172 = tpu.memref_slice %arg25[%add3A_26, %dma_start3A_171] : memref<10240x16xf32, #tpu.memory_space<vmem_shared>> -> memref<80x16xf32, #tpu.memory_space<vmem_shared>>
      %dma_start3A_173 = arith.constant 0 : i32
      %dma_start3A_174 = tpu.memref_slice %arg25[%add3A_26, %dma_start3A_173] : memref<10240x16xf32, #tpu.memory_space<vmem_shared>> -> memref<80x16xf32, #tpu.memory_space<vmem_shared>>
      tpu.enqueue_dma source(%arg14 : memref<80x16xf32, #tpu.memory_space<vmem>>) target(%dma_start3A_174 : memref<80x16xf32, #tpu.memory_space<vmem_shared>>) target_semaphore(%run_scoped3A : memref<!tpu.dma_semaphore, #tpu.memory_space<semaphore_mem>>)
      %dma_wait3A_175 = arith.constant 0 : i32
      %dma_wait3A_176 = tpu.memref_slice %arg25[%add3A_26, %dma_wait3A_175] : memref<10240x16xf32, #tpu.memory_space<vmem_shared>> -> memref<80x16xf32, #tpu.memory_space<vmem_shared>>
      %dma_wait3A_177 = arith.constant 0 : i32
      %dma_wait3A_178 = tpu.memref_slice %arg25[%add3A_26, %dma_wait3A_177] : memref<10240x16xf32, #tpu.memory_space<vmem_shared>> -> memref<80x16xf32, #tpu.memory_space<vmem_shared>>
      tpu.wait_dma2 semaphore(%run_scoped3A : memref<!tpu.dma_semaphore, #tpu.memory_space<semaphore_mem>>) src(%arg14 : memref<80x16xf32, #tpu.memory_space<vmem>>) dst(%dma_wait3A_178 : memref<80x16xf32, #tpu.memory_space<vmem_shared>>)
      tpu.yield
    }) : () -> ()
    %add3A_27 = arith.constant 320 : i32
    %add3A_28 = arith.addi %mul3A_10, %add3A_27 : i32
    "tpu.region"() ({
      %run_scoped3A = tpu.sem_alloc : memref<!tpu.dma_semaphore, #tpu.memory_space<semaphore_mem>>
      %dma_start3A_171 = arith.constant 0 : i32
      %dma_start3A_172 = tpu.memref_slice %arg24[%add3A_28, %dma_start3A_171] : memref<10240x128xf32, #tpu.memory_space<vmem_shared>> -> memref<80x128xf32, #tpu.memory_space<vmem_shared>>
      %dma_start3A_173 = arith.constant 0 : i32
      %dma_start3A_174 = tpu.memref_slice %arg24[%add3A_28, %dma_start3A_173] : memref<10240x128xf32, #tpu.memory_space<vmem_shared>> -> memref<80x128xf32, #tpu.memory_space<vmem_shared>>
      tpu.enqueue_dma source(%arg11 : memref<80x128xf32, #tpu.memory_space<vmem>>) target(%dma_start3A_174 : memref<80x128xf32, #tpu.memory_space<vmem_shared>>) target_semaphore(%run_scoped3A : memref<!tpu.dma_semaphore, #tpu.memory_space<semaphore_mem>>)
      %dma_wait3A_175 = arith.constant 0 : i32
      %dma_wait3A_176 = tpu.memref_slice %arg24[%add3A_28, %dma_wait3A_175] : memref<10240x128xf32, #tpu.memory_space<vmem_shared>> -> memref<80x128xf32, #tpu.memory_space<vmem_shared>>
      %dma_wait3A_177 = arith.constant 0 : i32
      %dma_wait3A_178 = tpu.memref_slice %arg24[%add3A_28, %dma_wait3A_177] : memref<10240x128xf32, #tpu.memory_space<vmem_shared>> -> memref<80x128xf32, #tpu.memory_space<vmem_shared>>
      tpu.wait_dma2 semaphore(%run_scoped3A : memref<!tpu.dma_semaphore, #tpu.memory_space<semaphore_mem>>) src(%arg11 : memref<80x128xf32, #tpu.memory_space<vmem>>) dst(%dma_wait3A_178 : memref<80x128xf32, #tpu.memory_space<vmem_shared>>)
      tpu.yield
    }) : () -> ()
    %add3A_29 = arith.constant 320 : i32
    %add3A_30 = arith.addi %mul3A_10, %add3A_29 : i32
    "tpu.region"() ({
      %run_scoped3A = tpu.sem_alloc : memref<!tpu.dma_semaphore, #tpu.memory_space<semaphore_mem>>
      %dma_start3A_171 = arith.constant 0 : i32
      %dma_start3A_172 = tpu.memref_slice %arg25[%add3A_30, %dma_start3A_171] : memref<10240x16xf32, #tpu.memory_space<vmem_shared>> -> memref<80x16xf32, #tpu.memory_space<vmem_shared>>
      %dma_start3A_173 = arith.constant 0 : i32
      %dma_start3A_174 = tpu.memref_slice %arg25[%add3A_30, %dma_start3A_173] : memref<10240x16xf32, #tpu.memory_space<vmem_shared>> -> memref<80x16xf32, #tpu.memory_space<vmem_shared>>
      tpu.enqueue_dma source(%arg14 : memref<80x16xf32, #tpu.memory_space<vmem>>) target(%dma_start3A_174 : memref<80x16xf32, #tpu.memory_space<vmem_shared>>) target_semaphore(%run_scoped3A : memref<!tpu.dma_semaphore, #tpu.memory_space<semaphore_mem>>)
      %dma_wait3A_175 = arith.constant 0 : i32
      %dma_wait3A_176 = tpu.memref_slice %arg25[%add3A_30, %dma_wait3A_175] : memref<10240x16xf32, #tpu.memory_space<vmem_shared>> -> memref<80x16xf32, #tpu.memory_space<vmem_shared>>
      %dma_wait3A_177 = arith.constant 0 : i32
      %dma_wait3A_178 = tpu.memref_slice %arg25[%add3A_30, %dma_wait3A_177] : memref<10240x16xf32, #tpu.memory_space<vmem_shared>> -> memref<80x16xf32, #tpu.memory_space<vmem_shared>>
      tpu.wait_dma2 semaphore(%run_scoped3A : memref<!tpu.dma_semaphore, #tpu.memory_space<semaphore_mem>>) src(%arg14 : memref<80x16xf32, #tpu.memory_space<vmem>>) dst(%dma_wait3A_178 : memref<80x16xf32, #tpu.memory_space<vmem_shared>>)
      tpu.yield
    }) : () -> ()
    %add3A_31 = arith.constant 400 : i32
    %add3A_32 = arith.addi %mul3A_10, %add3A_31 : i32
    "tpu.region"() ({
      %run_scoped3A = tpu.sem_alloc : memref<!tpu.dma_semaphore, #tpu.memory_space<semaphore_mem>>
      %dma_start3A_171 = arith.constant 0 : i32
      %dma_start3A_172 = tpu.memref_slice %arg24[%add3A_32, %dma_start3A_171] : memref<10240x128xf32, #tpu.memory_space<vmem_shared>> -> memref<80x128xf32, #tpu.memory_space<vmem_shared>>
      %dma_start3A_173 = arith.constant 0 : i32
      %dma_start3A_174 = tpu.memref_slice %arg24[%add3A_32, %dma_start3A_173] : memref<10240x128xf32, #tpu.memory_space<vmem_shared>> -> memref<80x128xf32, #tpu.memory_space<vmem_shared>>
      tpu.enqueue_dma source(%arg11 : memref<80x128xf32, #tpu.memory_space<vmem>>) target(%dma_start3A_174 : memref<80x128xf32, #tpu.memory_space<vmem_shared>>) target_semaphore(%run_scoped3A : memref<!tpu.dma_semaphore, #tpu.memory_space<semaphore_mem>>)
      %dma_wait3A_175 = arith.constant 0 : i32
      %dma_wait3A_176 = tpu.memref_slice %arg24[%add3A_32, %dma_wait3A_175] : memref<10240x128xf32, #tpu.memory_space<vmem_shared>> -> memref<80x128xf32, #tpu.memory_space<vmem_shared>>
      %dma_wait3A_177 = arith.constant 0 : i32
      %dma_wait3A_178 = tpu.memref_slice %arg24[%add3A_32, %dma_wait3A_177] : memref<10240x128xf32, #tpu.memory_space<vmem_shared>> -> memref<80x128xf32, #tpu.memory_space<vmem_shared>>
      tpu.wait_dma2 semaphore(%run_scoped3A : memref<!tpu.dma_semaphore, #tpu.memory_space<semaphore_mem>>) src(%arg11 : memref<80x128xf32, #tpu.memory_space<vmem>>) dst(%dma_wait3A_178 : memref<80x128xf32, #tpu.memory_space<vmem_shared>>)
      tpu.yield
    }) : () -> ()
    %add3A_33 = arith.constant 400 : i32
    %add3A_34 = arith.addi %mul3A_10, %add3A_33 : i32
    "tpu.region"() ({
      %run_scoped3A = tpu.sem_alloc : memref<!tpu.dma_semaphore, #tpu.memory_space<semaphore_mem>>
      %dma_start3A_171 = arith.constant 0 : i32
      %dma_start3A_172 = tpu.memref_slice %arg25[%add3A_34, %dma_start3A_171] : memref<10240x16xf32, #tpu.memory_space<vmem_shared>> -> memref<80x16xf32, #tpu.memory_space<vmem_shared>>
      %dma_start3A_173 = arith.constant 0 : i32
      %dma_start3A_174 = tpu.memref_slice %arg25[%add3A_34, %dma_start3A_173] : memref<10240x16xf32, #tpu.memory_space<vmem_shared>> -> memref<80x16xf32, #tpu.memory_space<vmem_shared>>
      tpu.enqueue_dma source(%arg14 : memref<80x16xf32, #tpu.memory_space<vmem>>) target(%dma_start3A_174 : memref<80x16xf32, #tpu.memory_space<vmem_shared>>) target_semaphore(%run_scoped3A : memref<!tpu.dma_semaphore, #tpu.memory_space<semaphore_mem>>)
      %dma_wait3A_175 = arith.constant 0 : i32
      %dma_wait3A_176 = tpu.memref_slice %arg25[%add3A_34, %dma_wait3A_175] : memref<10240x16xf32, #tpu.memory_space<vmem_shared>> -> memref<80x16xf32, #tpu.memory_space<vmem_shared>>
      %dma_wait3A_177 = arith.constant 0 : i32
      %dma_wait3A_178 = tpu.memref_slice %arg25[%add3A_34, %dma_wait3A_177] : memref<10240x16xf32, #tpu.memory_space<vmem_shared>> -> memref<80x16xf32, #tpu.memory_space<vmem_shared>>
      tpu.wait_dma2 semaphore(%run_scoped3A : memref<!tpu.dma_semaphore, #tpu.memory_space<semaphore_mem>>) src(%arg14 : memref<80x16xf32, #tpu.memory_space<vmem>>) dst(%dma_wait3A_178 : memref<80x16xf32, #tpu.memory_space<vmem_shared>>)
      tpu.yield
    }) : () -> ()
    %add3A_35 = arith.constant 480 : i32
    %add3A_36 = arith.addi %mul3A_10, %add3A_35 : i32
    "tpu.region"() ({
      %run_scoped3A = tpu.sem_alloc : memref<!tpu.dma_semaphore, #tpu.memory_space<semaphore_mem>>
      %dma_start3A_171 = arith.constant 0 : i32
      %dma_start3A_172 = tpu.memref_slice %arg24[%add3A_36, %dma_start3A_171] : memref<10240x128xf32, #tpu.memory_space<vmem_shared>> -> memref<80x128xf32, #tpu.memory_space<vmem_shared>>
      %dma_start3A_173 = arith.constant 0 : i32
      %dma_start3A_174 = tpu.memref_slice %arg24[%add3A_36, %dma_start3A_173] : memref<10240x128xf32, #tpu.memory_space<vmem_shared>> -> memref<80x128xf32, #tpu.memory_space<vmem_shared>>
      tpu.enqueue_dma source(%arg11 : memref<80x128xf32, #tpu.memory_space<vmem>>) target(%dma_start3A_174 : memref<80x128xf32, #tpu.memory_space<vmem_shared>>) target_semaphore(%run_scoped3A : memref<!tpu.dma_semaphore, #tpu.memory_space<semaphore_mem>>)
      %dma_wait3A_175 = arith.constant 0 : i32
      %dma_wait3A_176 = tpu.memref_slice %arg24[%add3A_36, %dma_wait3A_175] : memref<10240x128xf32, #tpu.memory_space<vmem_shared>> -> memref<80x128xf32, #tpu.memory_space<vmem_shared>>
      %dma_wait3A_177 = arith.constant 0 : i32
      %dma_wait3A_178 = tpu.memref_slice %arg24[%add3A_36, %dma_wait3A_177] : memref<10240x128xf32, #tpu.memory_space<vmem_shared>> -> memref<80x128xf32, #tpu.memory_space<vmem_shared>>
      tpu.wait_dma2 semaphore(%run_scoped3A : memref<!tpu.dma_semaphore, #tpu.memory_space<semaphore_mem>>) src(%arg11 : memref<80x128xf32, #tpu.memory_space<vmem>>) dst(%dma_wait3A_178 : memref<80x128xf32, #tpu.memory_space<vmem_shared>>)
      tpu.yield
    }) : () -> ()
    %add3A_37 = arith.constant 480 : i32
    %add3A_38 = arith.addi %mul3A_10, %add3A_37 : i32
    "tpu.region"() ({
      %run_scoped3A = tpu.sem_alloc : memref<!tpu.dma_semaphore, #tpu.memory_space<semaphore_mem>>
      %dma_start3A_171 = arith.constant 0 : i32
      %dma_start3A_172 = tpu.memref_slice %arg25[%add3A_38, %dma_start3A_171] : memref<10240x16xf32, #tpu.memory_space<vmem_shared>> -> memref<80x16xf32, #tpu.memory_space<vmem_shared>>
      %dma_start3A_173 = arith.constant 0 : i32
      %dma_start3A_174 = tpu.memref_slice %arg25[%add3A_38, %dma_start3A_173] : memref<10240x16xf32, #tpu.memory_space<vmem_shared>> -> memref<80x16xf32, #tpu.memory_space<vmem_shared>>
      tpu.enqueue_dma source(%arg14 : memref<80x16xf32, #tpu.memory_space<vmem>>) target(%dma_start3A_174 : memref<80x16xf32, #tpu.memory_space<vmem_shared>>) target_semaphore(%run_scoped3A : memref<!tpu.dma_semaphore, #tpu.memory_space<semaphore_mem>>)
      %dma_wait3A_175 = arith.constant 0 : i32
      %dma_wait3A_176 = tpu.memref_slice %arg25[%add3A_38, %dma_wait3A_175] : memref<10240x16xf32, #tpu.memory_space<vmem_shared>> -> memref<80x16xf32, #tpu.memory_space<vmem_shared>>
      %dma_wait3A_177 = arith.constant 0 : i32
      %dma_wait3A_178 = tpu.memref_slice %arg25[%add3A_38, %dma_wait3A_177] : memref<10240x16xf32, #tpu.memory_space<vmem_shared>> -> memref<80x16xf32, #tpu.memory_space<vmem_shared>>
      tpu.wait_dma2 semaphore(%run_scoped3A : memref<!tpu.dma_semaphore, #tpu.memory_space<semaphore_mem>>) src(%arg14 : memref<80x16xf32, #tpu.memory_space<vmem>>) dst(%dma_wait3A_178 : memref<80x16xf32, #tpu.memory_space<vmem_shared>>)
      tpu.yield
    }) : () -> ()
    %add3A_39 = arith.constant 560 : i32
    %add3A_40 = arith.addi %mul3A_10, %add3A_39 : i32
    "tpu.region"() ({
      %run_scoped3A = tpu.sem_alloc : memref<!tpu.dma_semaphore, #tpu.memory_space<semaphore_mem>>
      %dma_start3A_171 = arith.constant 0 : i32
      %dma_start3A_172 = tpu.memref_slice %arg24[%add3A_40, %dma_start3A_171] : memref<10240x128xf32, #tpu.memory_space<vmem_shared>> -> memref<80x128xf32, #tpu.memory_space<vmem_shared>>
      %dma_start3A_173 = arith.constant 0 : i32
      %dma_start3A_174 = tpu.memref_slice %arg24[%add3A_40, %dma_start3A_173] : memref<10240x128xf32, #tpu.memory_space<vmem_shared>> -> memref<80x128xf32, #tpu.memory_space<vmem_shared>>
      tpu.enqueue_dma source(%arg11 : memref<80x128xf32, #tpu.memory_space<vmem>>) target(%dma_start3A_174 : memref<80x128xf32, #tpu.memory_space<vmem_shared>>) target_semaphore(%run_scoped3A : memref<!tpu.dma_semaphore, #tpu.memory_space<semaphore_mem>>)
      %dma_wait3A_175 = arith.constant 0 : i32
      %dma_wait3A_176 = tpu.memref_slice %arg24[%add3A_40, %dma_wait3A_175] : memref<10240x128xf32, #tpu.memory_space<vmem_shared>> -> memref<80x128xf32, #tpu.memory_space<vmem_shared>>
      %dma_wait3A_177 = arith.constant 0 : i32
      %dma_wait3A_178 = tpu.memref_slice %arg24[%add3A_40, %dma_wait3A_177] : memref<10240x128xf32, #tpu.memory_space<vmem_shared>> -> memref<80x128xf32, #tpu.memory_space<vmem_shared>>
      tpu.wait_dma2 semaphore(%run_scoped3A : memref<!tpu.dma_semaphore, #tpu.memory_space<semaphore_mem>>) src(%arg11 : memref<80x128xf32, #tpu.memory_space<vmem>>) dst(%dma_wait3A_178 : memref<80x128xf32, #tpu.memory_space<vmem_shared>>)
      tpu.yield
    }) : () -> ()
    %add3A_41 = arith.constant 560 : i32
    %add3A_42 = arith.addi %mul3A_10, %add3A_41 : i32
    "tpu.region"() ({
      %run_scoped3A = tpu.sem_alloc : memref<!tpu.dma_semaphore, #tpu.memory_space<semaphore_mem>>
      %dma_start3A_171 = arith.constant 0 : i32
      %dma_start3A_172 = tpu.memref_slice %arg25[%add3A_42, %dma_start3A_171] : memref<10240x16xf32, #tpu.memory_space<vmem_shared>> -> memref<80x16xf32, #tpu.memory_space<vmem_shared>>
      %dma_start3A_173 = arith.constant 0 : i32
      %dma_start3A_174 = tpu.memref_slice %arg25[%add3A_42, %dma_start3A_173] : memref<10240x16xf32, #tpu.memory_space<vmem_shared>> -> memref<80x16xf32, #tpu.memory_space<vmem_shared>>
      tpu.enqueue_dma source(%arg14 : memref<80x16xf32, #tpu.memory_space<vmem>>) target(%dma_start3A_174 : memref<80x16xf32, #tpu.memory_space<vmem_shared>>) target_semaphore(%run_scoped3A : memref<!tpu.dma_semaphore, #tpu.memory_space<semaphore_mem>>)
      %dma_wait3A_175 = arith.constant 0 : i32
      %dma_wait3A_176 = tpu.memref_slice %arg25[%add3A_42, %dma_wait3A_175] : memref<10240x16xf32, #tpu.memory_space<vmem_shared>> -> memref<80x16xf32, #tpu.memory_space<vmem_shared>>
      %dma_wait3A_177 = arith.constant 0 : i32
      %dma_wait3A_178 = tpu.memref_slice %arg25[%add3A_42, %dma_wait3A_177] : memref<10240x16xf32, #tpu.memory_space<vmem_shared>> -> memref<80x16xf32, #tpu.memory_space<vmem_shared>>
      tpu.wait_dma2 semaphore(%run_scoped3A : memref<!tpu.dma_semaphore, #tpu.memory_space<semaphore_mem>>) src(%arg14 : memref<80x16xf32, #tpu.memory_space<vmem>>) dst(%dma_wait3A_178 : memref<80x16xf32, #tpu.memory_space<vmem_shared>>)
      tpu.yield
    }) : () -> ()
    %barrier3A = arith.constant 0 : index
    tpu.barrier barrier_id(%barrier3A)
    %iota3A = tpu.iota {dimensions = array<i32: 0>} : vector<16xi32>
    %lt3A = arith.constant 8 : i32
    %lt3A_43 = vector.broadcast %lt3A : i32 to vector<16xi32>
    %lt3A_44 = arith.cmpi slt, %iota3A, %lt3A_43 : vector<16xi32>
    %add3A_45 = arith.constant 0 : i32
    %add3A_46 = arith.addi %mul3A_2, %add3A_45 : i32
    %multiple_of3A = tpu.assume_multiple %add3A_46, 8 : i32
    %dma_start3A = tpu.memref_slice %arg4[%multiple_of3A] : memref<320000xi32, #tpu.memory_space<hbm>> -> memref<80xi32, #tpu.memory_space<hbm>>
    %dma_start3A_47 = tpu.memref_slice %arg4[%multiple_of3A] : memref<320000xi32, #tpu.memory_space<hbm>> -> memref<80xi32, #tpu.memory_space<hbm>>
    tpu.enqueue_dma source(%dma_start3A_47 : memref<80xi32, #tpu.memory_space<hbm>>) target(%arg8 : memref<80xi32, #tpu.memory_space<vmem>>) target_semaphore(%arg26 : memref<!tpu.dma_semaphore, #tpu.memory_space<semaphore_mem>>)
    %add3A_48 = arith.constant 0 : i32
    %add3A_49 = arith.addi %mul3A_2, %add3A_48 : i32
    %multiple_of3A_50 = tpu.assume_multiple %add3A_49, 8 : i32
    %dma_start3A_51 = tpu.memref_slice %arg5[%multiple_of3A_50] : memref<320000xi32, #tpu.memory_space<hbm>> -> memref<80xi32, #tpu.memory_space<hbm>>
    %dma_start3A_52 = tpu.memref_slice %arg5[%multiple_of3A_50] : memref<320000xi32, #tpu.memory_space<hbm>> -> memref<80xi32, #tpu.memory_space<hbm>>
    tpu.enqueue_dma source(%dma_start3A_52 : memref<80xi32, #tpu.memory_space<hbm>>) target(%arg9 : memref<80xi32, #tpu.memory_space<vmem>>) target_semaphore(%arg26 : memref<!tpu.dma_semaphore, #tpu.memory_space<semaphore_mem>>)
    %add3A_53 = arith.constant 0 : i32
    %add3A_54 = arith.addi %mul3A_2, %add3A_53 : i32
    %multiple_of3A_55 = tpu.assume_multiple %add3A_54, 8 : i32
    %dma_wait3A = tpu.memref_slice %arg4[%multiple_of3A_55] : memref<320000xi32, #tpu.memory_space<hbm>> -> memref<80xi32, #tpu.memory_space<hbm>>
    %dma_wait3A_56 = tpu.memref_slice %arg4[%multiple_of3A_55] : memref<320000xi32, #tpu.memory_space<hbm>> -> memref<80xi32, #tpu.memory_space<hbm>>
    tpu.wait_dma2 semaphore(%arg26 : memref<!tpu.dma_semaphore, #tpu.memory_space<semaphore_mem>>) src(%dma_wait3A_56 : memref<80xi32, #tpu.memory_space<hbm>>) dst(%arg8 : memref<80xi32, #tpu.memory_space<vmem>>)
    %add3A_57 = arith.constant 0 : i32
    %add3A_58 = arith.addi %mul3A_2, %add3A_57 : i32
    %multiple_of3A_59 = tpu.assume_multiple %add3A_58, 8 : i32
    %dma_wait3A_60 = tpu.memref_slice %arg5[%multiple_of3A_59] : memref<320000xi32, #tpu.memory_space<hbm>> -> memref<80xi32, #tpu.memory_space<hbm>>
    %dma_wait3A_61 = tpu.memref_slice %arg5[%multiple_of3A_59] : memref<320000xi32, #tpu.memory_space<hbm>> -> memref<80xi32, #tpu.memory_space<hbm>>
    tpu.wait_dma2 semaphore(%arg26 : memref<!tpu.dma_semaphore, #tpu.memory_space<semaphore_mem>>) src(%dma_wait3A_61 : memref<80xi32, #tpu.memory_space<hbm>>) dst(%arg9 : memref<80xi32, #tpu.memory_space<vmem>>)
    %dma_start3A_62 = arith.constant 0 : i32
    %dma_start3A_63 = tpu.memref_slice %arg5[%dma_start3A_62] : memref<320000xi32, #tpu.memory_space<hbm>> -> memref<320000xi32, #tpu.memory_space<hbm>>
    tpu.enqueue_indirect_dma source(%dma_start3A_63 : memref<320000xi32, #tpu.memory_space<hbm>>) target(%arg10 : memref<80xi32, #tpu.memory_space<vmem>>) offsets(%arg8 : memref<80xi32, #tpu.memory_space<vmem>>) semaphore(%arg27 : memref<!tpu.dma_semaphore, #tpu.memory_space<semaphore_mem>>)
    %dma_start3A_64 = arith.constant 0 : i32
    %dma_start3A_65 = arith.constant 0 : i32
    %dma_start3A_66 = tpu.memref_slice %arg2[%dma_start3A_64, %dma_start3A_65] : memref<10000x128xf32, #tpu.memory_space<hbm>> -> memref<10000x128xf32, #tpu.memory_space<hbm>>
    tpu.enqueue_indirect_dma source(%dma_start3A_66 : memref<10000x128xf32, #tpu.memory_space<hbm>>) target(%arg11 : memref<80x128xf32, #tpu.memory_space<vmem>>) offsets(%arg8 : memref<80xi32, #tpu.memory_space<vmem>>) semaphore(%arg28 : memref<!tpu.dma_semaphore, #tpu.memory_space<semaphore_mem>>)
    %dma_start3A_67 = arith.constant 0 : i32
    %dma_start3A_68 = arith.constant 0 : i32
    %dma_start3A_69 = tpu.memref_slice %arg3[%dma_start3A_67, %dma_start3A_68] : memref<10000x16xf32, #tpu.memory_space<hbm>> -> memref<10000x16xf32, #tpu.memory_space<hbm>>
    tpu.enqueue_indirect_dma source(%dma_start3A_69 : memref<10000x16xf32, #tpu.memory_space<hbm>>) target(%arg12 : memref<80x16xf32, #tpu.memory_space<vmem>>) offsets(%arg9 : memref<80xi32, #tpu.memory_space<vmem>>) semaphore(%arg28 : memref<!tpu.dma_semaphore, #tpu.memory_space<semaphore_mem>>)
    %add3A_70 = arith.constant 80 : i32
    %add3A_71 = arith.addi %mul3A_2, %add3A_70 : i32
    %multiple_of3A_72 = tpu.assume_multiple %add3A_71, 8 : i32
    %dma_start3A_73 = tpu.memref_slice %arg4[%multiple_of3A_72] : memref<320000xi32, #tpu.memory_space<hbm>> -> memref<80xi32, #tpu.memory_space<hbm>>
    %dma_start3A_74 = tpu.memref_slice %arg4[%multiple_of3A_72] : memref<320000xi32, #tpu.memory_space<hbm>> -> memref<80xi32, #tpu.memory_space<hbm>>
    tpu.enqueue_dma source(%dma_start3A_74 : memref<80xi32, #tpu.memory_space<hbm>>) target(%arg15 : memref<80xi32, #tpu.memory_space<vmem>>) target_semaphore(%arg26 : memref<!tpu.dma_semaphore, #tpu.memory_space<semaphore_mem>>)
    %add3A_75 = arith.constant 80 : i32
    %add3A_76 = arith.addi %mul3A_2, %add3A_75 : i32
    %multiple_of3A_77 = tpu.assume_multiple %add3A_76, 8 : i32
    %dma_start3A_78 = tpu.memref_slice %arg5[%multiple_of3A_77] : memref<320000xi32, #tpu.memory_space<hbm>> -> memref<80xi32, #tpu.memory_space<hbm>>
    %dma_start3A_79 = tpu.memref_slice %arg5[%multiple_of3A_77] : memref<320000xi32, #tpu.memory_space<hbm>> -> memref<80xi32, #tpu.memory_space<hbm>>
    tpu.enqueue_dma source(%dma_start3A_79 : memref<80xi32, #tpu.memory_space<hbm>>) target(%arg16 : memref<80xi32, #tpu.memory_space<vmem>>) target_semaphore(%arg26 : memref<!tpu.dma_semaphore, #tpu.memory_space<semaphore_mem>>)
    %dma_wait3A_80 = arith.constant 0 : i32
    %dma_wait3A_81 = tpu.memref_slice %arg5[%dma_wait3A_80] : memref<320000xi32, #tpu.memory_space<hbm>> -> memref<320000xi32, #tpu.memory_space<hbm>>
    tpu.wait_indirect_dma semaphore(%arg27 : memref<!tpu.dma_semaphore, #tpu.memory_space<semaphore_mem>>) src(%dma_wait3A_81 : memref<320000xi32, #tpu.memory_space<hbm>>) dst(%arg10 : memref<80xi32, #tpu.memory_space<vmem>>)
    %dma_start3A_82 = arith.constant 0 : i32
    %dma_start3A_83 = arith.constant 0 : i32
    %dma_start3A_84 = tpu.memref_slice %arg3[%dma_start3A_82, %dma_start3A_83] : memref<10000x16xf32, #tpu.memory_space<hbm>> -> memref<10000x16xf32, #tpu.memory_space<hbm>>
    tpu.enqueue_indirect_dma source(%dma_start3A_84 : memref<10000x16xf32, #tpu.memory_space<hbm>>) target(%arg13 : memref<80x16xf32, #tpu.memory_space<vmem>>) offsets(%arg10 : memref<80xi32, #tpu.memory_space<vmem>>) semaphore(%arg28 : memref<!tpu.dma_semaphore, #tpu.memory_space<semaphore_mem>>)
    %scan3A_85 = arith.constant 0 : i32
    %scan3A_86 = arith.constant 0 : i32
    %scan3A_87 = arith.constant 62 : i32
    %scan3A_88 = arith.addi %scan3A_86, %scan3A_87 : i32
    %scan3A_89 = arith.constant 1 : i32
    scf.for %scan3A_171 = %scan3A_86 to %scan3A_88 step %scan3A_89  : i32 {
      %mul3A_172 = arith.constant 2 : i32
      %mul3A_173 = arith.muli %mul3A_172, %scan3A_171 : i32
      %ge3A = arith.constant 1 : i32
      %ge3A_174 = arith.cmpi sge, %mul3A_173, %ge3A : i32
      %add3A_175 = arith.constant 1 : i32
      %add3A_176 = arith.addi %mul3A_173, %add3A_175 : i32
      %le3A = arith.constant 124 : i32
      %le3A_177 = arith.cmpi sle, %add3A_176, %le3A : i32
      %and3A_178 = arith.andi %ge3A_174, %le3A_177 : i1
      %convert_element_type3A_179 = arith.extui %and3A_178 : i1 to i32
      %cond3A_180 = arith.constant 0 : i32
      %cond3A_181 = arith.cmpi ne, %convert_element_type3A_179, %cond3A_180 : i32
      scf.if %cond3A_181 {
        %dma_wait3A_350 = arith.constant 0 : i32
        %dma_wait3A_351 = arith.constant 0 : i32
        %dma_wait3A_352 = tpu.memref_slice %arg24[%dma_wait3A_350, %dma_wait3A_351] : memref<10240x128xf32, #tpu.memory_space<vmem_shared>> -> memref<10240x128xf32, #tpu.memory_space<vmem_shared>>
        tpu.wait_indirect_dma semaphore(%arg31 : memref<!tpu.dma_semaphore, #tpu.memory_space<semaphore_mem>>) src(%arg18 : memref<80x128xf32, #tpu.memory_space<vmem>>) dst(%dma_wait3A_352 : memref<10240x128xf32, #tpu.memory_space<vmem_shared>>)
        %dma_wait3A_353 = arith.constant 0 : i32
        %dma_wait3A_354 = arith.constant 0 : i32
        %dma_wait3A_355 = tpu.memref_slice %arg25[%dma_wait3A_353, %dma_wait3A_354] : memref<10240x16xf32, #tpu.memory_space<vmem_shared>> -> memref<10240x16xf32, #tpu.memory_space<vmem_shared>>
        tpu.wait_indirect_dma semaphore(%arg31 : memref<!tpu.dma_semaphore, #tpu.memory_space<semaphore_mem>>) src(%arg21 : memref<80x16xf32, #tpu.memory_space<vmem>>) dst(%dma_wait3A_355 : memref<10240x16xf32, #tpu.memory_space<vmem_shared>>)
      } else {
      }
      %add3A_182 = arith.constant 1 : i32
      %add3A_183 = arith.addi %mul3A_173, %add3A_182 : i32
      %le3A_184 = arith.constant 124 : i32
      %le3A_185 = arith.cmpi sle, %add3A_183, %le3A_184 : i32
      %convert_element_type3A_186 = arith.extui %le3A_185 : i1 to i32
      %cond3A_187 = arith.constant 0 : i32
      %cond3A_188 = arith.cmpi ne, %convert_element_type3A_186, %cond3A_187 : i32
      scf.if %cond3A_188 {
        %add3A_350 = arith.constant 1 : i32
        %add3A_351 = arith.addi %mul3A_173, %add3A_350 : i32
        %mul3A_352 = arith.constant 80 : i32
        %mul3A_353 = arith.muli %add3A_351, %mul3A_352 : i32
        %add3A_354 = arith.addi %mul3A_2, %mul3A_353 : i32
        %multiple_of3A_355 = tpu.assume_multiple %add3A_354, 8 : i32
        %dma_wait3A_356 = tpu.memref_slice %arg4[%multiple_of3A_355] : memref<320000xi32, #tpu.memory_space<hbm>> -> memref<80xi32, #tpu.memory_space<hbm>>
        %dma_wait3A_357 = tpu.memref_slice %arg4[%multiple_of3A_355] : memref<320000xi32, #tpu.memory_space<hbm>> -> memref<80xi32, #tpu.memory_space<hbm>>
        tpu.wait_dma2 semaphore(%arg26 : memref<!tpu.dma_semaphore, #tpu.memory_space<semaphore_mem>>) src(%dma_wait3A_357 : memref<80xi32, #tpu.memory_space<hbm>>) dst(%arg15 : memref<80xi32, #tpu.memory_space<vmem>>)
        %mul3A_358 = arith.constant 80 : i32
        %mul3A_359 = arith.muli %add3A_351, %mul3A_358 : i32
        %add3A_360 = arith.addi %mul3A_2, %mul3A_359 : i32
        %multiple_of3A_361 = tpu.assume_multiple %add3A_360, 8 : i32
        %dma_wait3A_362 = tpu.memref_slice %arg5[%multiple_of3A_361] : memref<320000xi32, #tpu.memory_space<hbm>> -> memref<80xi32, #tpu.memory_space<hbm>>
        %dma_wait3A_363 = tpu.memref_slice %arg5[%multiple_of3A_361] : memref<320000xi32, #tpu.memory_space<hbm>> -> memref<80xi32, #tpu.memory_space<hbm>>
        tpu.wait_dma2 semaphore(%arg26 : memref<!tpu.dma_semaphore, #tpu.memory_space<semaphore_mem>>) src(%dma_wait3A_363 : memref<80xi32, #tpu.memory_space<hbm>>) dst(%arg16 : memref<80xi32, #tpu.memory_space<vmem>>)
        %dma_start3A_364 = arith.constant 0 : i32
        %dma_start3A_365 = tpu.memref_slice %arg5[%dma_start3A_364] : memref<320000xi32, #tpu.memory_space<hbm>> -> memref<320000xi32, #tpu.memory_space<hbm>>
        tpu.enqueue_indirect_dma source(%dma_start3A_365 : memref<320000xi32, #tpu.memory_space<hbm>>) target(%arg17 : memref<80xi32, #tpu.memory_space<vmem>>) offsets(%arg15 : memref<80xi32, #tpu.memory_space<vmem>>) semaphore(%arg27 : memref<!tpu.dma_semaphore, #tpu.memory_space<semaphore_mem>>)
        %dma_start3A_366 = arith.constant 0 : i32
        %dma_start3A_367 = arith.constant 0 : i32
        %dma_start3A_368 = tpu.memref_slice %arg2[%dma_start3A_366, %dma_start3A_367] : memref<10000x128xf32, #tpu.memory_space<hbm>> -> memref<10000x128xf32, #tpu.memory_space<hbm>>
        tpu.enqueue_indirect_dma source(%dma_start3A_368 : memref<10000x128xf32, #tpu.memory_space<hbm>>) target(%arg18 : memref<80x128xf32, #tpu.memory_space<vmem>>) offsets(%arg15 : memref<80xi32, #tpu.memory_space<vmem>>) semaphore(%arg29 : memref<!tpu.dma_semaphore, #tpu.memory_space<semaphore_mem>>)
        %dma_start3A_369 = arith.constant 0 : i32
        %dma_start3A_370 = arith.constant 0 : i32
        %dma_start3A_371 = tpu.memref_slice %arg3[%dma_start3A_369, %dma_start3A_370] : memref<10000x16xf32, #tpu.memory_space<hbm>> -> memref<10000x16xf32, #tpu.memory_space<hbm>>
        tpu.enqueue_indirect_dma source(%dma_start3A_371 : memref<10000x16xf32, #tpu.memory_space<hbm>>) target(%arg19 : memref<80x16xf32, #tpu.memory_space<vmem>>) offsets(%arg16 : memref<80xi32, #tpu.memory_space<vmem>>) semaphore(%arg29 : memref<!tpu.dma_semaphore, #tpu.memory_space<semaphore_mem>>)
      } else {
      }
      %dma_wait3A_189 = arith.constant 0 : i32
      %dma_wait3A_190 = arith.constant 0 : i32
      %dma_wait3A_191 = tpu.memref_slice %arg2[%dma_wait3A_189, %dma_wait3A_190] : memref<10000x128xf32, #tpu.memory_space<hbm>> -> memref<10000x128xf32, #tpu.memory_space<hbm>>
      tpu.wait_indirect_dma semaphore(%arg28 : memref<!tpu.dma_semaphore, #tpu.memory_space<semaphore_mem>>) src(%dma_wait3A_191 : memref<10000x128xf32, #tpu.memory_space<hbm>>) dst(%arg11 : memref<80x128xf32, #tpu.memory_space<vmem>>)
      %dma_wait3A_192 = arith.constant 0 : i32
      %dma_wait3A_193 = arith.constant 0 : i32
      %dma_wait3A_194 = tpu.memref_slice %arg3[%dma_wait3A_192, %dma_wait3A_193] : memref<10000x16xf32, #tpu.memory_space<hbm>> -> memref<10000x16xf32, #tpu.memory_space<hbm>>
      tpu.wait_indirect_dma semaphore(%arg28 : memref<!tpu.dma_semaphore, #tpu.memory_space<semaphore_mem>>) src(%dma_wait3A_194 : memref<10000x16xf32, #tpu.memory_space<hbm>>) dst(%arg12 : memref<80x16xf32, #tpu.memory_space<vmem>>)
      %dma_wait3A_195 = arith.constant 0 : i32
      %dma_wait3A_196 = arith.constant 0 : i32
      %dma_wait3A_197 = tpu.memref_slice %arg3[%dma_wait3A_195, %dma_wait3A_196] : memref<10000x16xf32, #tpu.memory_space<hbm>> -> memref<10000x16xf32, #tpu.memory_space<hbm>>
      tpu.wait_indirect_dma semaphore(%arg28 : memref<!tpu.dma_semaphore, #tpu.memory_space<semaphore_mem>>) src(%dma_wait3A_197 : memref<10000x16xf32, #tpu.memory_space<hbm>>) dst(%arg13 : memref<80x16xf32, #tpu.memory_space<vmem>>)
      %scan3A_198 = arith.constant 0 : i32
      %scan3A_199 = arith.constant 0 : i32
      %scan3A_200 = arith.constant 20 : i32
      %scan3A_201 = arith.addi %scan3A_199, %scan3A_200 : i32
      %scan3A_202 = arith.constant 1 : i32
      scf.for %scan3A_350 = %scan3A_199 to %scan3A_201 step %scan3A_202  : i32 {
        %mul3A_351 = arith.constant 4 : i32
        %mul3A_352 = arith.muli %mul3A_351, %scan3A_350 : i32
        %add3A_353 = arith.constant 0 : i32
        %add3A_354 = arith.addi %mul3A_352, %add3A_353 : i32
        %mul3A_355 = arith.constant 4 : i32
        %mul3A_356 = arith.muli %mul3A_355, %scan3A_350 : i32
        %add3A_357 = arith.constant 1 : i32
        %add3A_358 = arith.addi %mul3A_356, %add3A_357 : i32
        %mul3A_359 = arith.constant 4 : i32
        %mul3A_360 = arith.muli %mul3A_359, %scan3A_350 : i32
        %add3A_361 = arith.constant 2 : i32
        %add3A_362 = arith.addi %mul3A_360, %add3A_361 : i32
        %mul3A_363 = arith.constant 4 : i32
        %mul3A_364 = arith.muli %mul3A_363, %scan3A_350 : i32
        %add3A_365 = arith.constant 3 : i32
        %add3A_366 = arith.addi %mul3A_364, %add3A_365 : i32
        %get3A_367 = arith.index_cast %add3A_354 : i32 to index
        %get3A_368 = arith.constant 0 : index
        %get3A_369 = tpu.vector_load %arg12[%get3A_367, %get3A_368] {strides = array<i32>} : memref<80x16xf32, #tpu.memory_space<vmem>>, vector<1x16xf32>,
        %get3A_370 = vector.shape_cast %get3A_369 : vector<1x16xf32> to vector<16xf32>
        %get3A_371 = arith.index_cast %add3A_354 : i32 to index
        %get3A_372 = arith.constant 0 : index
        %get3A_373 = tpu.vector_load %arg13[%get3A_371, %get3A_372] {strides = array<i32>} : memref<80x16xf32, #tpu.memory_space<vmem>>, vector<1x16xf32>,
        %get3A_374 = vector.shape_cast %get3A_373 : vector<1x16xf32> to vector<16xf32>
        %add3A_375 = arith.addf %get3A_370, %get3A_374 : vector<16xf32>
        %get3A_376 = arith.index_cast %add3A_358 : i32 to index
        %get3A_377 = arith.constant 0 : index
        %get3A_378 = tpu.vector_load %arg12[%get3A_376, %get3A_377] {strides = array<i32>} : memref<80x16xf32, #tpu.memory_space<vmem>>, vector<1x16xf32>,
        %get3A_379 = vector.shape_cast %get3A_378 : vector<1x16xf32> to vector<16xf32>
        %get3A_380 = arith.index_cast %add3A_358 : i32 to index
        %get3A_381 = arith.constant 0 : index
        %get3A_382 = tpu.vector_load %arg13[%get3A_380, %get3A_381] {strides = array<i32>} : memref<80x16xf32, #tpu.memory_space<vmem>>, vector<1x16xf32>,
        %get3A_383 = vector.shape_cast %get3A_382 : vector<1x16xf32> to vector<16xf32>
        %add3A_384 = arith.addf %get3A_379, %get3A_383 : vector<16xf32>
        %get3A_385 = arith.index_cast %add3A_362 : i32 to index
        %get3A_386 = arith.constant 0 : index
        %get3A_387 = tpu.vector_load %arg12[%get3A_385, %get3A_386] {strides = array<i32>} : memref<80x16xf32, #tpu.memory_space<vmem>>, vector<1x16xf32>,
        %get3A_388 = vector.shape_cast %get3A_387 : vector<1x16xf32> to vector<16xf32>
        %get3A_389 = arith.index_cast %add3A_362 : i32 to index
        %get3A_390 = arith.constant 0 : index
        %get3A_391 = tpu.vector_load %arg13[%get3A_389, %get3A_390] {strides = array<i32>} : memref<80x16xf32, #tpu.memory_space<vmem>>, vector<1x16xf32>,
        %get3A_392 = vector.shape_cast %get3A_391 : vector<1x16xf32> to vector<16xf32>
        %add3A_393 = arith.addf %get3A_388, %get3A_392 : vector<16xf32>
        %get3A_394 = arith.index_cast %add3A_366 : i32 to index
        %get3A_395 = arith.constant 0 : index
        %get3A_396 = tpu.vector_load %arg12[%get3A_394, %get3A_395] {strides = array<i32>} : memref<80x16xf32, #tpu.memory_space<vmem>>, vector<1x16xf32>,
        %get3A_397 = vector.shape_cast %get3A_396 : vector<1x16xf32> to vector<16xf32>
        %get3A_398 = arith.index_cast %add3A_366 : i32 to index
        %get3A_399 = arith.constant 0 : index
        %get3A_400 = tpu.vector_load %arg13[%get3A_398, %get3A_399] {strides = array<i32>} : memref<80x16xf32, #tpu.memory_space<vmem>>, vector<1x16xf32>,
        %get3A_401 = vector.shape_cast %get3A_400 : vector<1x16xf32> to vector<16xf32>
        %add3A_402 = arith.addf %get3A_397, %get3A_401 : vector<16xf32>
        %mul3A_403 = arith.constant 2.000000e-01 : f32
        %mul3A_404 = vector.broadcast %mul3A_403 : f32 to vector<16xf32>
        %mul3A_405 = arith.mulf %mul3A_404, %add3A_375 : vector<16xf32>
        %max3A = arith.maximumf %add3A_375, %mul3A_405 : vector<16xf32>
        %exp3A = math.exp %max3A : vector<16xf32>
        %jit3A = arith.constant 0.000000e+00 : f32
        %broadcast_in_dim3A_406 = vector.broadcast %jit3A : f32 to vector<16xf32>
        %select_n3A = arith.select %lt3A_44, %exp3A, %broadcast_in_dim3A_406 : vector<16xi1>, vector<16xf32>
        %mul3A_407 = arith.constant 2.000000e-01 : f32
        %mul3A_408 = vector.broadcast %mul3A_407 : f32 to vector<16xf32>
        %mul3A_409 = arith.mulf %mul3A_408, %add3A_384 : vector<16xf32>
        %max3A_410 = arith.maximumf %add3A_384, %mul3A_409 : vector<16xf32>
        %exp3A_411 = math.exp %max3A_410 : vector<16xf32>
        %jit3A_412 = arith.constant 0.000000e+00 : f32
        %broadcast_in_dim3A_413 = vector.broadcast %jit3A_412 : f32 to vector<16xf32>
        %select_n3A_414 = arith.select %lt3A_44, %exp3A_411, %broadcast_in_dim3A_413 : vector<16xi1>, vector<16xf32>
        %mul3A_415 = arith.constant 2.000000e-01 : f32
        %mul3A_416 = vector.broadcast %mul3A_415 : f32 to vector<16xf32>
        %mul3A_417 = arith.mulf %mul3A_416, %add3A_393 : vector<16xf32>
        %max3A_418 = arith.maximumf %add3A_393, %mul3A_417 : vector<16xf32>
        %exp3A_419 = math.exp %max3A_418 : vector<16xf32>
        %jit3A_420 = arith.constant 0.000000e+00 : f32
        %broadcast_in_dim3A_421 = vector.broadcast %jit3A_420 : f32 to vector<16xf32>
        %select_n3A_422 = arith.select %lt3A_44, %exp3A_419, %broadcast_in_dim3A_421 : vector<16xi1>, vector<16xf32>
        %mul3A_423 = arith.constant 2.000000e-01 : f32
        %mul3A_424 = vector.broadcast %mul3A_423 : f32 to vector<16xf32>
        %mul3A_425 = arith.mulf %mul3A_424, %add3A_402 : vector<16xf32>
        %max3A_426 = arith.maximumf %add3A_402, %mul3A_425 : vector<16xf32>
        %exp3A_427 = math.exp %max3A_426 : vector<16xf32>
        %jit3A_428 = arith.constant 0.000000e+00 : f32
        %broadcast_in_dim3A_429 = vector.broadcast %jit3A_428 : f32 to vector<16xf32>
        %select_n3A_430 = arith.select %lt3A_44, %exp3A_427, %broadcast_in_dim3A_429 : vector<16xi1>, vector<16xf32>
        %swap3A_431 = arith.index_cast %add3A_354 : i32 to index
        %swap3A_432 = arith.constant 0 : index
        %swap3A_433 = tpu.vector_load %arg14[%swap3A_431, %swap3A_432] {strides = array<i32>} : memref<80x16xf32, #tpu.memory_space<vmem>>, vector<1x16xf32>,
        %swap3A_434 = vector.shape_cast %swap3A_433 : vector<1x16xf32> to vector<16xf32>
        %swap3A_435 = vector.shape_cast %select_n3A : vector<16xf32> to vector<1x16xf32>
        tpu.vector_store %arg14[%swap3A_431, %swap3A_432], %swap3A_435 {strides = array<i32>} : memref<80x16xf32, #tpu.memory_space<vmem>>, vector<1x16xf32>,
        %swap3A_436 = arith.index_cast %add3A_358 : i32 to index
        %swap3A_437 = arith.constant 0 : index
        %swap3A_438 = tpu.vector_load %arg14[%swap3A_436, %swap3A_437] {strides = array<i32>} : memref<80x16xf32, #tpu.memory_space<vmem>>, vector<1x16xf32>,
        %swap3A_439 = vector.shape_cast %swap3A_438 : vector<1x16xf32> to vector<16xf32>
        %swap3A_440 = vector.shape_cast %select_n3A_414 : vector<16xf32> to vector<1x16xf32>
        tpu.vector_store %arg14[%swap3A_436, %swap3A_437], %swap3A_440 {strides = array<i32>} : memref<80x16xf32, #tpu.memory_space<vmem>>, vector<1x16xf32>,
        %swap3A_441 = arith.index_cast %add3A_362 : i32 to index
        %swap3A_442 = arith.constant 0 : index
        %swap3A_443 = tpu.vector_load %arg14[%swap3A_441, %swap3A_442] {strides = array<i32>} : memref<80x16xf32, #tpu.memory_space<vmem>>, vector<1x16xf32>,
        %swap3A_444 = vector.shape_cast %swap3A_443 : vector<1x16xf32> to vector<16xf32>
        %swap3A_445 = vector.shape_cast %select_n3A_422 : vector<16xf32> to vector<1x16xf32>
        tpu.vector_store %arg14[%swap3A_441, %swap3A_442], %swap3A_445 {strides = array<i32>} : memref<80x16xf32, #tpu.memory_space<vmem>>, vector<1x16xf32>,
        %swap3A_446 = arith.index_cast %add3A_366 : i32 to index
        %swap3A_447 = arith.constant 0 : index
        %swap3A_448 = tpu.vector_load %arg14[%swap3A_446, %swap3A_447] {strides = array<i32>} : memref<80x16xf32, #tpu.memory_space<vmem>>, vector<1x16xf32>,
        %swap3A_449 = vector.shape_cast %swap3A_448 : vector<1x16xf32> to vector<16xf32>
        %swap3A_450 = vector.shape_cast %select_n3A_430 : vector<16xf32> to vector<1x16xf32>
        tpu.vector_store %arg14[%swap3A_446, %swap3A_447], %swap3A_450 {strides = array<i32>} : memref<80x16xf32, #tpu.memory_space<vmem>>, vector<1x16xf32>,
        %get3A_451 = arith.index_cast %add3A_354 : i32 to index
        %get3A_452 = arith.constant 0 : index
        %get3A_453 = tpu.vector_load %arg11[%get3A_451, %get3A_452] {strides = array<i32>} : memref<80x128xf32, #tpu.memory_space<vmem>>, vector<1x16xf32>,
        %get3A_454 = vector.shape_cast %get3A_453 : vector<1x16xf32> to vector<16xf32>
        %get3A_455 = arith.index_cast %add3A_354 : i32 to index
        %get3A_456 = arith.constant 16 : index
        %get3A_457 = tpu.vector_load %arg11[%get3A_455, %get3A_456] {strides = array<i32>} : memref<80x128xf32, #tpu.memory_space<vmem>>, vector<1x16xf32>,
        %get3A_458 = vector.shape_cast %get3A_457 : vector<1x16xf32> to vector<16xf32>
        %get3A_459 = arith.index_cast %add3A_354 : i32 to index
        %get3A_460 = arith.constant 32 : index
        %get3A_461 = tpu.vector_load %arg11[%get3A_459, %get3A_460] {strides = array<i32>} : memref<80x128xf32, #tpu.memory_space<vmem>>, vector<1x16xf32>,
        %get3A_462 = vector.shape_cast %get3A_461 : vector<1x16xf32> to vector<16xf32>
        %get3A_463 = arith.index_cast %add3A_354 : i32 to index
        %get3A_464 = arith.constant 48 : index
        %get3A_465 = tpu.vector_load %arg11[%get3A_463, %get3A_464] {strides = array<i32>} : memref<80x128xf32, #tpu.memory_space<vmem>>, vector<1x16xf32>,
        %get3A_466 = vector.shape_cast %get3A_465 : vector<1x16xf32> to vector<16xf32>
        %get3A_467 = arith.index_cast %add3A_354 : i32 to index
        %get3A_468 = arith.constant 64 : index
        %get3A_469 = tpu.vector_load %arg11[%get3A_467, %get3A_468] {strides = array<i32>} : memref<80x128xf32, #tpu.memory_space<vmem>>, vector<1x16xf32>,
        %get3A_470 = vector.shape_cast %get3A_469 : vector<1x16xf32> to vector<16xf32>
        %get3A_471 = arith.index_cast %add3A_354 : i32 to index
        %get3A_472 = arith.constant 80 : index
        %get3A_473 = tpu.vector_load %arg11[%get3A_471, %get3A_472] {strides = array<i32>} : memref<80x128xf32, #tpu.memory_space<vmem>>, vector<1x16xf32>,
        %get3A_474 = vector.shape_cast %get3A_473 : vector<1x16xf32> to vector<16xf32>
        %get3A_475 = arith.index_cast %add3A_354 : i32 to index
        %get3A_476 = arith.constant 96 : index
        %get3A_477 = tpu.vector_load %arg11[%get3A_475, %get3A_476] {strides = array<i32>} : memref<80x128xf32, #tpu.memory_space<vmem>>, vector<1x16xf32>,
        %get3A_478 = vector.shape_cast %get3A_477 : vector<1x16xf32> to vector<16xf32>
        %get3A_479 = arith.index_cast %add3A_354 : i32 to index
        %get3A_480 = arith.constant 112 : index
        %get3A_481 = tpu.vector_load %arg11[%get3A_479, %get3A_480] {strides = array<i32>} : memref<80x128xf32, #tpu.memory_space<vmem>>, vector<1x16xf32>,
        %get3A_482 = vector.shape_cast %get3A_481 : vector<1x16xf32> to vector<16xf32>
        %get3A_483 = arith.index_cast %add3A_358 : i32 to index
        %get3A_484 = arith.constant 0 : index
        %get3A_485 = tpu.vector_load %arg11[%get3A_483, %get3A_484] {strides = array<i32>} : memref<80x128xf32, #tpu.memory_space<vmem>>, vector<1x16xf32>,
        %get3A_486 = vector.shape_cast %get3A_485 : vector<1x16xf32> to vector<16xf32>
        %get3A_487 = arith.index_cast %add3A_358 : i32 to index
        %get3A_488 = arith.constant 16 : index
        %get3A_489 = tpu.vector_load %arg11[%get3A_487, %get3A_488] {strides = array<i32>} : memref<80x128xf32, #tpu.memory_space<vmem>>, vector<1x16xf32>,
        %get3A_490 = vector.shape_cast %get3A_489 : vector<1x16xf32> to vector<16xf32>
        %get3A_491 = arith.index_cast %add3A_358 : i32 to index
        %get3A_492 = arith.constant 32 : index
        %get3A_493 = tpu.vector_load %arg11[%get3A_491, %get3A_492] {strides = array<i32>} : memref<80x128xf32, #tpu.memory_space<vmem>>, vector<1x16xf32>,
        %get3A_494 = vector.shape_cast %get3A_493 : vector<1x16xf32> to vector<16xf32>
        %get3A_495 = arith.index_cast %add3A_358 : i32 to index
        %get3A_496 = arith.constant 48 : index
        %get3A_497 = tpu.vector_load %arg11[%get3A_495, %get3A_496] {strides = array<i32>} : memref<80x128xf32, #tpu.memory_space<vmem>>, vector<1x16xf32>,
        %get3A_498 = vector.shape_cast %get3A_497 : vector<1x16xf32> to vector<16xf32>
        %get3A_499 = arith.index_cast %add3A_358 : i32 to index
        %get3A_500 = arith.constant 64 : index
        %get3A_501 = tpu.vector_load %arg11[%get3A_499, %get3A_500] {strides = array<i32>} : memref<80x128xf32, #tpu.memory_space<vmem>>, vector<1x16xf32>,
        %get3A_502 = vector.shape_cast %get3A_501 : vector<1x16xf32> to vector<16xf32>
        %get3A_503 = arith.index_cast %add3A_358 : i32 to index
        %get3A_504 = arith.constant 80 : index
        %get3A_505 = tpu.vector_load %arg11[%get3A_503, %get3A_504] {strides = array<i32>} : memref<80x128xf32, #tpu.memory_space<vmem>>, vector<1x16xf32>,
        %get3A_506 = vector.shape_cast %get3A_505 : vector<1x16xf32> to vector<16xf32>
        %get3A_507 = arith.index_cast %add3A_358 : i32 to index
        %get3A_508 = arith.constant 96 : index
        %get3A_509 = tpu.vector_load %arg11[%get3A_507, %get3A_508] {strides = array<i32>} : memref<80x128xf32, #tpu.memory_space<vmem>>, vector<1x16xf32>,
        %get3A_510 = vector.shape_cast %get3A_509 : vector<1x16xf32> to vector<16xf32>
        %get3A_511 = arith.index_cast %add3A_358 : i32 to index
        %get3A_512 = arith.constant 112 : index
        %get3A_513 = tpu.vector_load %arg11[%get3A_511, %get3A_512] {strides = array<i32>} : memref<80x128xf32, #tpu.memory_space<vmem>>, vector<1x16xf32>,
        %get3A_514 = vector.shape_cast %get3A_513 : vector<1x16xf32> to vector<16xf32>
        %get3A_515 = arith.index_cast %add3A_362 : i32 to index
        %get3A_516 = arith.constant 0 : index
        %get3A_517 = tpu.vector_load %arg11[%get3A_515, %get3A_516] {strides = array<i32>} : memref<80x128xf32, #tpu.memory_space<vmem>>, vector<1x16xf32>,
        %get3A_518 = vector.shape_cast %get3A_517 : vector<1x16xf32> to vector<16xf32>
        %get3A_519 = arith.index_cast %add3A_362 : i32 to index
        %get3A_520 = arith.constant 16 : index
        %get3A_521 = tpu.vector_load %arg11[%get3A_519, %get3A_520] {strides = array<i32>} : memref<80x128xf32, #tpu.memory_space<vmem>>, vector<1x16xf32>,
        %get3A_522 = vector.shape_cast %get3A_521 : vector<1x16xf32> to vector<16xf32>
        %get3A_523 = arith.index_cast %add3A_362 : i32 to index
        %get3A_524 = arith.constant 32 : index
        %get3A_525 = tpu.vector_load %arg11[%get3A_523, %get3A_524] {strides = array<i32>} : memref<80x128xf32, #tpu.memory_space<vmem>>, vector<1x16xf32>,
        %get3A_526 = vector.shape_cast %get3A_525 : vector<1x16xf32> to vector<16xf32>
        %get3A_527 = arith.index_cast %add3A_362 : i32 to index
        %get3A_528 = arith.constant 48 : index
        %get3A_529 = tpu.vector_load %arg11[%get3A_527, %get3A_528] {strides = array<i32>} : memref<80x128xf32, #tpu.memory_space<vmem>>, vector<1x16xf32>,
        %get3A_530 = vector.shape_cast %get3A_529 : vector<1x16xf32> to vector<16xf32>
        %get3A_531 = arith.index_cast %add3A_362 : i32 to index
        %get3A_532 = arith.constant 64 : index
        %get3A_533 = tpu.vector_load %arg11[%get3A_531, %get3A_532] {strides = array<i32>} : memref<80x128xf32, #tpu.memory_space<vmem>>, vector<1x16xf32>,
        %get3A_534 = vector.shape_cast %get3A_533 : vector<1x16xf32> to vector<16xf32>
        %get3A_535 = arith.index_cast %add3A_362 : i32 to index
        %get3A_536 = arith.constant 80 : index
        %get3A_537 = tpu.vector_load %arg11[%get3A_535, %get3A_536] {strides = array<i32>} : memref<80x128xf32, #tpu.memory_space<vmem>>, vector<1x16xf32>,
        %get3A_538 = vector.shape_cast %get3A_537 : vector<1x16xf32> to vector<16xf32>
        %get3A_539 = arith.index_cast %add3A_362 : i32 to index
        %get3A_540 = arith.constant 96 : index
        %get3A_541 = tpu.vector_load %arg11[%get3A_539, %get3A_540] {strides = array<i32>} : memref<80x128xf32, #tpu.memory_space<vmem>>, vector<1x16xf32>,
        %get3A_542 = vector.shape_cast %get3A_541 : vector<1x16xf32> to vector<16xf32>
        %get3A_543 = arith.index_cast %add3A_362 : i32 to index
        %get3A_544 = arith.constant 112 : index
        %get3A_545 = tpu.vector_load %arg11[%get3A_543, %get3A_544] {strides = array<i32>} : memref<80x128xf32, #tpu.memory_space<vmem>>, vector<1x16xf32>,
        %get3A_546 = vector.shape_cast %get3A_545 : vector<1x16xf32> to vector<16xf32>
        %get3A_547 = arith.index_cast %add3A_366 : i32 to index
        %get3A_548 = arith.constant 0 : index
        %get3A_549 = tpu.vector_load %arg11[%get3A_547, %get3A_548] {strides = array<i32>} : memref<80x128xf32, #tpu.memory_space<vmem>>, vector<1x16xf32>,
        %get3A_550 = vector.shape_cast %get3A_549 : vector<1x16xf32> to vector<16xf32>
        %get3A_551 = arith.index_cast %add3A_366 : i32 to index
        %get3A_552 = arith.constant 16 : index
        %get3A_553 = tpu.vector_load %arg11[%get3A_551, %get3A_552] {strides = array<i32>} : memref<80x128xf32, #tpu.memory_space<vmem>>, vector<1x16xf32>,
        %get3A_554 = vector.shape_cast %get3A_553 : vector<1x16xf32> to vector<16xf32>
        %get3A_555 = arith.index_cast %add3A_366 : i32 to index
        %get3A_556 = arith.constant 32 : index
        %get3A_557 = tpu.vector_load %arg11[%get3A_555, %get3A_556] {strides = array<i32>} : memref<80x128xf32, #tpu.memory_space<vmem>>, vector<1x16xf32>,
        %get3A_558 = vector.shape_cast %get3A_557 : vector<1x16xf32> to vector<16xf32>
        %get3A_559 = arith.index_cast %add3A_366 : i32 to index
        %get3A_560 = arith.constant 48 : index
        %get3A_561 = tpu.vector_load %arg11[%get3A_559, %get3A_560] {strides = array<i32>} : memref<80x128xf32, #tpu.memory_space<vmem>>, vector<1x16xf32>,
        %get3A_562 = vector.shape_cast %get3A_561 : vector<1x16xf32> to vector<16xf32>
        %get3A_563 = arith.index_cast %add3A_366 : i32 to index
        %get3A_564 = arith.constant 64 : index
        %get3A_565 = tpu.vector_load %arg11[%get3A_563, %get3A_564] {strides = array<i32>} : memref<80x128xf32, #tpu.memory_space<vmem>>, vector<1x16xf32>,
        %get3A_566 = vector.shape_cast %get3A_565 : vector<1x16xf32> to vector<16xf32>
        %get3A_567 = arith.index_cast %add3A_366 : i32 to index
        %get3A_568 = arith.constant 80 : index
        %get3A_569 = tpu.vector_load %arg11[%get3A_567, %get3A_568] {strides = array<i32>} : memref<80x128xf32, #tpu.memory_space<vmem>>, vector<1x16xf32>,
        %get3A_570 = vector.shape_cast %get3A_569 : vector<1x16xf32> to vector<16xf32>
        %get3A_571 = arith.index_cast %add3A_366 : i32 to index
        %get3A_572 = arith.constant 96 : index
        %get3A_573 = tpu.vector_load %arg11[%get3A_571, %get3A_572] {strides = array<i32>} : memref<80x128xf32, #tpu.memory_space<vmem>>, vector<1x16xf32>,
        %get3A_574 = vector.shape_cast %get3A_573 : vector<1x16xf32> to vector<16xf32>
        %get3A_575 = arith.index_cast %add3A_366 : i32 to index
        %get3A_576 = arith.constant 112 : index
        %get3A_577 = tpu.vector_load %arg11[%get3A_575, %get3A_576] {strides = array<i32>} : memref<80x128xf32, #tpu.memory_space<vmem>>, vector<1x16xf32>,
        %get3A_578 = vector.shape_cast %get3A_577 : vector<1x16xf32> to vector<16xf32>
        %slice3A = vector.extract_strided_slice %select_n3A {offsets = [0], sizes = [1], strides = [1]} : vector<16xf32> to vector<1xf32>
        %squeeze3A = vector.extract %slice3A[0] : f32 from vector<1xf32>
        %mul3A_579 = vector.broadcast %squeeze3A : f32 to vector<16xf32>
        %mul3A_580 = arith.mulf %get3A_454, %mul3A_579 : vector<16xf32>
        %slice3A_581 = vector.extract_strided_slice %select_n3A {offsets = [1], sizes = [1], strides = [1]} : vector<16xf32> to vector<1xf32>
        %squeeze3A_582 = vector.extract %slice3A_581[0] : f32 from vector<1xf32>
        %mul3A_583 = vector.broadcast %squeeze3A_582 : f32 to vector<16xf32>
        %mul3A_584 = arith.mulf %get3A_458, %mul3A_583 : vector<16xf32>
        %slice3A_585 = vector.extract_strided_slice %select_n3A {offsets = [2], sizes = [1], strides = [1]} : vector<16xf32> to vector<1xf32>
        %squeeze3A_586 = vector.extract %slice3A_585[0] : f32 from vector<1xf32>
        %mul3A_587 = vector.broadcast %squeeze3A_586 : f32 to vector<16xf32>
        %mul3A_588 = arith.mulf %get3A_462, %mul3A_587 : vector<16xf32>
        %slice3A_589 = vector.extract_strided_slice %select_n3A {offsets = [3], sizes = [1], strides = [1]} : vector<16xf32> to vector<1xf32>
        %squeeze3A_590 = vector.extract %slice3A_589[0] : f32 from vector<1xf32>
        %mul3A_591 = vector.broadcast %squeeze3A_590 : f32 to vector<16xf32>
        %mul3A_592 = arith.mulf %get3A_466, %mul3A_591 : vector<16xf32>
        %slice3A_593 = vector.extract_strided_slice %select_n3A {offsets = [4], sizes = [1], strides = [1]} : vector<16xf32> to vector<1xf32>
        %squeeze3A_594 = vector.extract %slice3A_593[0] : f32 from vector<1xf32>
        %mul3A_595 = vector.broadcast %squeeze3A_594 : f32 to vector<16xf32>
        %mul3A_596 = arith.mulf %get3A_470, %mul3A_595 : vector<16xf32>
        %slice3A_597 = vector.extract_strided_slice %select_n3A {offsets = [5], sizes = [1], strides = [1]} : vector<16xf32> to vector<1xf32>
        %squeeze3A_598 = vector.extract %slice3A_597[0] : f32 from vector<1xf32>
        %mul3A_599 = vector.broadcast %squeeze3A_598 : f32 to vector<16xf32>
        %mul3A_600 = arith.mulf %get3A_474, %mul3A_599 : vector<16xf32>
        %slice3A_601 = vector.extract_strided_slice %select_n3A {offsets = [6], sizes = [1], strides = [1]} : vector<16xf32> to vector<1xf32>
        %squeeze3A_602 = vector.extract %slice3A_601[0] : f32 from vector<1xf32>
        %mul3A_603 = vector.broadcast %squeeze3A_602 : f32 to vector<16xf32>
        %mul3A_604 = arith.mulf %get3A_478, %mul3A_603 : vector<16xf32>
        %slice3A_605 = vector.extract_strided_slice %select_n3A {offsets = [7], sizes = [1], strides = [1]} : vector<16xf32> to vector<1xf32>
        %squeeze3A_606 = vector.extract %slice3A_605[0] : f32 from vector<1xf32>
        %mul3A_607 = vector.broadcast %squeeze3A_606 : f32 to vector<16xf32>
        %mul3A_608 = arith.mulf %get3A_482, %mul3A_607 : vector<16xf32>
        %slice3A_609 = vector.extract_strided_slice %select_n3A_414 {offsets = [0], sizes = [1], strides = [1]} : vector<16xf32> to vector<1xf32>
        %squeeze3A_610 = vector.extract %slice3A_609[0] : f32 from vector<1xf32>
        %mul3A_611 = vector.broadcast %squeeze3A_610 : f32 to vector<16xf32>
        %mul3A_612 = arith.mulf %get3A_486, %mul3A_611 : vector<16xf32>
        %slice3A_613 = vector.extract_strided_slice %select_n3A_414 {offsets = [1], sizes = [1], strides = [1]} : vector<16xf32> to vector<1xf32>
        %squeeze3A_614 = vector.extract %slice3A_613[0] : f32 from vector<1xf32>
        %mul3A_615 = vector.broadcast %squeeze3A_614 : f32 to vector<16xf32>
        %mul3A_616 = arith.mulf %get3A_490, %mul3A_615 : vector<16xf32>
        %slice3A_617 = vector.extract_strided_slice %select_n3A_414 {offsets = [2], sizes = [1], strides = [1]} : vector<16xf32> to vector<1xf32>
        %squeeze3A_618 = vector.extract %slice3A_617[0] : f32 from vector<1xf32>
        %mul3A_619 = vector.broadcast %squeeze3A_618 : f32 to vector<16xf32>
        %mul3A_620 = arith.mulf %get3A_494, %mul3A_619 : vector<16xf32>
        %slice3A_621 = vector.extract_strided_slice %select_n3A_414 {offsets = [3], sizes = [1], strides = [1]} : vector<16xf32> to vector<1xf32>
        %squeeze3A_622 = vector.extract %slice3A_621[0] : f32 from vector<1xf32>
        %mul3A_623 = vector.broadcast %squeeze3A_622 : f32 to vector<16xf32>
        %mul3A_624 = arith.mulf %get3A_498, %mul3A_623 : vector<16xf32>
        %slice3A_625 = vector.extract_strided_slice %select_n3A_414 {offsets = [4], sizes = [1], strides = [1]} : vector<16xf32> to vector<1xf32>
        %squeeze3A_626 = vector.extract %slice3A_625[0] : f32 from vector<1xf32>
        %mul3A_627 = vector.broadcast %squeeze3A_626 : f32 to vector<16xf32>
        %mul3A_628 = arith.mulf %get3A_502, %mul3A_627 : vector<16xf32>
        %slice3A_629 = vector.extract_strided_slice %select_n3A_414 {offsets = [5], sizes = [1], strides = [1]} : vector<16xf32> to vector<1xf32>
        %squeeze3A_630 = vector.extract %slice3A_629[0] : f32 from vector<1xf32>
        %mul3A_631 = vector.broadcast %squeeze3A_630 : f32 to vector<16xf32>
        %mul3A_632 = arith.mulf %get3A_506, %mul3A_631 : vector<16xf32>
        %slice3A_633 = vector.extract_strided_slice %select_n3A_414 {offsets = [6], sizes = [1], strides = [1]} : vector<16xf32> to vector<1xf32>
        %squeeze3A_634 = vector.extract %slice3A_633[0] : f32 from vector<1xf32>
        %mul3A_635 = vector.broadcast %squeeze3A_634 : f32 to vector<16xf32>
        %mul3A_636 = arith.mulf %get3A_510, %mul3A_635 : vector<16xf32>
        %slice3A_637 = vector.extract_strided_slice %select_n3A_414 {offsets = [7], sizes = [1], strides = [1]} : vector<16xf32> to vector<1xf32>
        %squeeze3A_638 = vector.extract %slice3A_637[0] : f32 from vector<1xf32>
        %mul3A_639 = vector.broadcast %squeeze3A_638 : f32 to vector<16xf32>
        %mul3A_640 = arith.mulf %get3A_514, %mul3A_639 : vector<16xf32>
        %slice3A_641 = vector.extract_strided_slice %select_n3A_422 {offsets = [0], sizes = [1], strides = [1]} : vector<16xf32> to vector<1xf32>
        %squeeze3A_642 = vector.extract %slice3A_641[0] : f32 from vector<1xf32>
        %mul3A_643 = vector.broadcast %squeeze3A_642 : f32 to vector<16xf32>
        %mul3A_644 = arith.mulf %get3A_518, %mul3A_643 : vector<16xf32>
        %slice3A_645 = vector.extract_strided_slice %select_n3A_422 {offsets = [1], sizes = [1], strides = [1]} : vector<16xf32> to vector<1xf32>
        %squeeze3A_646 = vector.extract %slice3A_645[0] : f32 from vector<1xf32>
        %mul3A_647 = vector.broadcast %squeeze3A_646 : f32 to vector<16xf32>
        %mul3A_648 = arith.mulf %get3A_522, %mul3A_647 : vector<16xf32>
        %slice3A_649 = vector.extract_strided_slice %select_n3A_422 {offsets = [2], sizes = [1], strides = [1]} : vector<16xf32> to vector<1xf32>
        %squeeze3A_650 = vector.extract %slice3A_649[0] : f32 from vector<1xf32>
        %mul3A_651 = vector.broadcast %squeeze3A_650 : f32 to vector<16xf32>
        %mul3A_652 = arith.mulf %get3A_526, %mul3A_651 : vector<16xf32>
        %slice3A_653 = vector.extract_strided_slice %select_n3A_422 {offsets = [3], sizes = [1], strides = [1]} : vector<16xf32> to vector<1xf32>
        %squeeze3A_654 = vector.extract %slice3A_653[0] : f32 from vector<1xf32>
        %mul3A_655 = vector.broadcast %squeeze3A_654 : f32 to vector<16xf32>
        %mul3A_656 = arith.mulf %get3A_530, %mul3A_655 : vector<16xf32>
        %slice3A_657 = vector.extract_strided_slice %select_n3A_422 {offsets = [4], sizes = [1], strides = [1]} : vector<16xf32> to vector<1xf32>
        %squeeze3A_658 = vector.extract %slice3A_657[0] : f32 from vector<1xf32>
        %mul3A_659 = vector.broadcast %squeeze3A_658 : f32 to vector<16xf32>
        %mul3A_660 = arith.mulf %get3A_534, %mul3A_659 : vector<16xf32>
        %slice3A_661 = vector.extract_strided_slice %select_n3A_422 {offsets = [5], sizes = [1], strides = [1]} : vector<16xf32> to vector<1xf32>
        %squeeze3A_662 = vector.extract %slice3A_661[0] : f32 from vector<1xf32>
        %mul3A_663 = vector.broadcast %squeeze3A_662 : f32 to vector<16xf32>
        %mul3A_664 = arith.mulf %get3A_538, %mul3A_663 : vector<16xf32>
        %slice3A_665 = vector.extract_strided_slice %select_n3A_422 {offsets = [6], sizes = [1], strides = [1]} : vector<16xf32> to vector<1xf32>
        %squeeze3A_666 = vector.extract %slice3A_665[0] : f32 from vector<1xf32>
        %mul3A_667 = vector.broadcast %squeeze3A_666 : f32 to vector<16xf32>
        %mul3A_668 = arith.mulf %get3A_542, %mul3A_667 : vector<16xf32>
        %slice3A_669 = vector.extract_strided_slice %select_n3A_422 {offsets = [7], sizes = [1], strides = [1]} : vector<16xf32> to vector<1xf32>
        %squeeze3A_670 = vector.extract %slice3A_669[0] : f32 from vector<1xf32>
        %mul3A_671 = vector.broadcast %squeeze3A_670 : f32 to vector<16xf32>
        %mul3A_672 = arith.mulf %get3A_546, %mul3A_671 : vector<16xf32>
        %slice3A_673 = vector.extract_strided_slice %select_n3A_430 {offsets = [0], sizes = [1], strides = [1]} : vector<16xf32> to vector<1xf32>
        %squeeze3A_674 = vector.extract %slice3A_673[0] : f32 from vector<1xf32>
        %mul3A_675 = vector.broadcast %squeeze3A_674 : f32 to vector<16xf32>
        %mul3A_676 = arith.mulf %get3A_550, %mul3A_675 : vector<16xf32>
        %slice3A_677 = vector.extract_strided_slice %select_n3A_430 {offsets = [1], sizes = [1], strides = [1]} : vector<16xf32> to vector<1xf32>
        %squeeze3A_678 = vector.extract %slice3A_677[0] : f32 from vector<1xf32>
        %mul3A_679 = vector.broadcast %squeeze3A_678 : f32 to vector<16xf32>
        %mul3A_680 = arith.mulf %get3A_554, %mul3A_679 : vector<16xf32>
        %slice3A_681 = vector.extract_strided_slice %select_n3A_430 {offsets = [2], sizes = [1], strides = [1]} : vector<16xf32> to vector<1xf32>
        %squeeze3A_682 = vector.extract %slice3A_681[0] : f32 from vector<1xf32>
        %mul3A_683 = vector.broadcast %squeeze3A_682 : f32 to vector<16xf32>
        %mul3A_684 = arith.mulf %get3A_558, %mul3A_683 : vector<16xf32>
        %slice3A_685 = vector.extract_strided_slice %select_n3A_430 {offsets = [3], sizes = [1], strides = [1]} : vector<16xf32> to vector<1xf32>
        %squeeze3A_686 = vector.extract %slice3A_685[0] : f32 from vector<1xf32>
        %mul3A_687 = vector.broadcast %squeeze3A_686 : f32 to vector<16xf32>
        %mul3A_688 = arith.mulf %get3A_562, %mul3A_687 : vector<16xf32>
        %slice3A_689 = vector.extract_strided_slice %select_n3A_430 {offsets = [4], sizes = [1], strides = [1]} : vector<16xf32> to vector<1xf32>
        %squeeze3A_690 = vector.extract %slice3A_689[0] : f32 from vector<1xf32>
        %mul3A_691 = vector.broadcast %squeeze3A_690 : f32 to vector<16xf32>
        %mul3A_692 = arith.mulf %get3A_566, %mul3A_691 : vector<16xf32>
        %slice3A_693 = vector.extract_strided_slice %select_n3A_430 {offsets = [5], sizes = [1], strides = [1]} : vector<16xf32> to vector<1xf32>
        %squeeze3A_694 = vector.extract %slice3A_693[0] : f32 from vector<1xf32>
        %mul3A_695 = vector.broadcast %squeeze3A_694 : f32 to vector<16xf32>
        %mul3A_696 = arith.mulf %get3A_570, %mul3A_695 : vector<16xf32>
        %slice3A_697 = vector.extract_strided_slice %select_n3A_430 {offsets = [6], sizes = [1], strides = [1]} : vector<16xf32> to vector<1xf32>
        %squeeze3A_698 = vector.extract %slice3A_697[0] : f32 from vector<1xf32>
        %mul3A_699 = vector.broadcast %squeeze3A_698 : f32 to vector<16xf32>
        %mul3A_700 = arith.mulf %get3A_574, %mul3A_699 : vector<16xf32>
        %slice3A_701 = vector.extract_strided_slice %select_n3A_430 {offsets = [7], sizes = [1], strides = [1]} : vector<16xf32> to vector<1xf32>
        %squeeze3A_702 = vector.extract %slice3A_701[0] : f32 from vector<1xf32>
        %mul3A_703 = vector.broadcast %squeeze3A_702 : f32 to vector<16xf32>
        %mul3A_704 = arith.mulf %get3A_578, %mul3A_703 : vector<16xf32>
        %swap3A_705 = arith.index_cast %add3A_354 : i32 to index
        %swap3A_706 = arith.constant 0 : index
        %swap3A_707 = tpu.vector_load %arg11[%swap3A_705, %swap3A_706] {strides = array<i32>} : memref<80x128xf32, #tpu.memory_space<vmem>>, vector<1x16xf32>,
        %swap3A_708 = vector.shape_cast %swap3A_707 : vector<1x16xf32> to vector<16xf32>
        %swap3A_709 = vector.shape_cast %mul3A_580 : vector<16xf32> to vector<1x16xf32>
        tpu.vector_store %arg11[%swap3A_705, %swap3A_706], %swap3A_709 {strides = array<i32>} : memref<80x128xf32, #tpu.memory_space<vmem>>, vector<1x16xf32>,
        %swap3A_710 = arith.index_cast %add3A_354 : i32 to index
        %swap3A_711 = arith.constant 16 : index
        %swap3A_712 = tpu.vector_load %arg11[%swap3A_710, %swap3A_711] {strides = array<i32>} : memref<80x128xf32, #tpu.memory_space<vmem>>, vector<1x16xf32>,
        %swap3A_713 = vector.shape_cast %swap3A_712 : vector<1x16xf32> to vector<16xf32>
        %swap3A_714 = vector.shape_cast %mul3A_584 : vector<16xf32> to vector<1x16xf32>
        tpu.vector_store %arg11[%swap3A_710, %swap3A_711], %swap3A_714 {strides = array<i32>} : memref<80x128xf32, #tpu.memory_space<vmem>>, vector<1x16xf32>,
        %swap3A_715 = arith.index_cast %add3A_354 : i32 to index
        %swap3A_716 = arith.constant 32 : index
        %swap3A_717 = tpu.vector_load %arg11[%swap3A_715, %swap3A_716] {strides = array<i32>} : memref<80x128xf32, #tpu.memory_space<vmem>>, vector<1x16xf32>,
        %swap3A_718 = vector.shape_cast %swap3A_717 : vector<1x16xf32> to vector<16xf32>
        %swap3A_719 = vector.shape_cast %mul3A_588 : vector<16xf32> to vector<1x16xf32>
        tpu.vector_store %arg11[%swap3A_715, %swap3A_716], %swap3A_719 {strides = array<i32>} : memref<80x128xf32, #tpu.memory_space<vmem>>, vector<1x16xf32>,
        %swap3A_720 = arith.index_cast %add3A_354 : i32 to index
        %swap3A_721 = arith.constant 48 : index
        %swap3A_722 = tpu.vector_load %arg11[%swap3A_720, %swap3A_721] {strides = array<i32>} : memref<80x128xf32, #tpu.memory_space<vmem>>, vector<1x16xf32>,
        %swap3A_723 = vector.shape_cast %swap3A_722 : vector<1x16xf32> to vector<16xf32>
        %swap3A_724 = vector.shape_cast %mul3A_592 : vector<16xf32> to vector<1x16xf32>
        tpu.vector_store %arg11[%swap3A_720, %swap3A_721], %swap3A_724 {strides = array<i32>} : memref<80x128xf32, #tpu.memory_space<vmem>>, vector<1x16xf32>,
        %swap3A_725 = arith.index_cast %add3A_354 : i32 to index
        %swap3A_726 = arith.constant 64 : index
        %swap3A_727 = tpu.vector_load %arg11[%swap3A_725, %swap3A_726] {strides = array<i32>} : memref<80x128xf32, #tpu.memory_space<vmem>>, vector<1x16xf32>,
        %swap3A_728 = vector.shape_cast %swap3A_727 : vector<1x16xf32> to vector<16xf32>
        %swap3A_729 = vector.shape_cast %mul3A_596 : vector<16xf32> to vector<1x16xf32>
        tpu.vector_store %arg11[%swap3A_725, %swap3A_726], %swap3A_729 {strides = array<i32>} : memref<80x128xf32, #tpu.memory_space<vmem>>, vector<1x16xf32>,
        %swap3A_730 = arith.index_cast %add3A_354 : i32 to index
        %swap3A_731 = arith.constant 80 : index
        %swap3A_732 = tpu.vector_load %arg11[%swap3A_730, %swap3A_731] {strides = array<i32>} : memref<80x128xf32, #tpu.memory_space<vmem>>, vector<1x16xf32>,
        %swap3A_733 = vector.shape_cast %swap3A_732 : vector<1x16xf32> to vector<16xf32>
        %swap3A_734 = vector.shape_cast %mul3A_600 : vector<16xf32> to vector<1x16xf32>
        tpu.vector_store %arg11[%swap3A_730, %swap3A_731], %swap3A_734 {strides = array<i32>} : memref<80x128xf32, #tpu.memory_space<vmem>>, vector<1x16xf32>,
        %swap3A_735 = arith.index_cast %add3A_354 : i32 to index
        %swap3A_736 = arith.constant 96 : index
        %swap3A_737 = tpu.vector_load %arg11[%swap3A_735, %swap3A_736] {strides = array<i32>} : memref<80x128xf32, #tpu.memory_space<vmem>>, vector<1x16xf32>,
        %swap3A_738 = vector.shape_cast %swap3A_737 : vector<1x16xf32> to vector<16xf32>
        %swap3A_739 = vector.shape_cast %mul3A_604 : vector<16xf32> to vector<1x16xf32>
        tpu.vector_store %arg11[%swap3A_735, %swap3A_736], %swap3A_739 {strides = array<i32>} : memref<80x128xf32, #tpu.memory_space<vmem>>, vector<1x16xf32>,
        %swap3A_740 = arith.index_cast %add3A_354 : i32 to index
        %swap3A_741 = arith.constant 112 : index
        %swap3A_742 = tpu.vector_load %arg11[%swap3A_740, %swap3A_741] {strides = array<i32>} : memref<80x128xf32, #tpu.memory_space<vmem>>, vector<1x16xf32>,
        %swap3A_743 = vector.shape_cast %swap3A_742 : vector<1x16xf32> to vector<16xf32>
        %swap3A_744 = vector.shape_cast %mul3A_608 : vector<16xf32> to vector<1x16xf32>
        tpu.vector_store %arg11[%swap3A_740, %swap3A_741], %swap3A_744 {strides = array<i32>} : memref<80x128xf32, #tpu.memory_space<vmem>>, vector<1x16xf32>,
        %swap3A_745 = arith.index_cast %add3A_358 : i32 to index
        %swap3A_746 = arith.constant 0 : index
        %swap3A_747 = tpu.vector_load %arg11[%swap3A_745, %swap3A_746] {strides = array<i32>} : memref<80x128xf32, #tpu.memory_space<vmem>>, vector<1x16xf32>,
        %swap3A_748 = vector.shape_cast %swap3A_747 : vector<1x16xf32> to vector<16xf32>
        %swap3A_749 = vector.shape_cast %mul3A_612 : vector<16xf32> to vector<1x16xf32>
        tpu.vector_store %arg11[%swap3A_745, %swap3A_746], %swap3A_749 {strides = array<i32>} : memref<80x128xf32, #tpu.memory_space<vmem>>, vector<1x16xf32>,
        %swap3A_750 = arith.index_cast %add3A_358 : i32 to index
        %swap3A_751 = arith.constant 16 : index
        %swap3A_752 = tpu.vector_load %arg11[%swap3A_750, %swap3A_751] {strides = array<i32>} : memref<80x128xf32, #tpu.memory_space<vmem>>, vector<1x16xf32>,
        %swap3A_753 = vector.shape_cast %swap3A_752 : vector<1x16xf32> to vector<16xf32>
        %swap3A_754 = vector.shape_cast %mul3A_616 : vector<16xf32> to vector<1x16xf32>
        tpu.vector_store %arg11[%swap3A_750, %swap3A_751], %swap3A_754 {strides = array<i32>} : memref<80x128xf32, #tpu.memory_space<vmem>>, vector<1x16xf32>,
        %swap3A_755 = arith.index_cast %add3A_358 : i32 to index
        %swap3A_756 = arith.constant 32 : index
        %swap3A_757 = tpu.vector_load %arg11[%swap3A_755, %swap3A_756] {strides = array<i32>} : memref<80x128xf32, #tpu.memory_space<vmem>>, vector<1x16xf32>,
        %swap3A_758 = vector.shape_cast %swap3A_757 : vector<1x16xf32> to vector<16xf32>
        %swap3A_759 = vector.shape_cast %mul3A_620 : vector<16xf32> to vector<1x16xf32>
        tpu.vector_store %arg11[%swap3A_755, %swap3A_756], %swap3A_759 {strides = array<i32>} : memref<80x128xf32, #tpu.memory_space<vmem>>, vector<1x16xf32>,
        %swap3A_760 = arith.index_cast %add3A_358 : i32 to index
        %swap3A_761 = arith.constant 48 : index
        %swap3A_762 = tpu.vector_load %arg11[%swap3A_760, %swap3A_761] {strides = array<i32>} : memref<80x128xf32, #tpu.memory_space<vmem>>, vector<1x16xf32>,
        %swap3A_763 = vector.shape_cast %swap3A_762 : vector<1x16xf32> to vector<16xf32>
        %swap3A_764 = vector.shape_cast %mul3A_624 : vector<16xf32> to vector<1x16xf32>
        tpu.vector_store %arg11[%swap3A_760, %swap3A_761], %swap3A_764 {strides = array<i32>} : memref<80x128xf32, #tpu.memory_space<vmem>>, vector<1x16xf32>,
        %swap3A_765 = arith.index_cast %add3A_358 : i32 to index
        %swap3A_766 = arith.constant 64 : index
        %swap3A_767 = tpu.vector_load %arg11[%swap3A_765, %swap3A_766] {strides = array<i32>} : memref<80x128xf32, #tpu.memory_space<vmem>>, vector<1x16xf32>,
        %swap3A_768 = vector.shape_cast %swap3A_767 : vector<1x16xf32> to vector<16xf32>
        %swap3A_769 = vector.shape_cast %mul3A_628 : vector<16xf32> to vector<1x16xf32>
        tpu.vector_store %arg11[%swap3A_765, %swap3A_766], %swap3A_769 {strides = array<i32>} : memref<80x128xf32, #tpu.memory_space<vmem>>, vector<1x16xf32>,
        %swap3A_770 = arith.index_cast %add3A_358 : i32 to index
        %swap3A_771 = arith.constant 80 : index
        %swap3A_772 = tpu.vector_load %arg11[%swap3A_770, %swap3A_771] {strides = array<i32>} : memref<80x128xf32, #tpu.memory_space<vmem>>, vector<1x16xf32>,
        %swap3A_773 = vector.shape_cast %swap3A_772 : vector<1x16xf32> to vector<16xf32>
        %swap3A_774 = vector.shape_cast %mul3A_632 : vector<16xf32> to vector<1x16xf32>
        tpu.vector_store %arg11[%swap3A_770, %swap3A_771], %swap3A_774 {strides = array<i32>} : memref<80x128xf32, #tpu.memory_space<vmem>>, vector<1x16xf32>,
        %swap3A_775 = arith.index_cast %add3A_358 : i32 to index
        %swap3A_776 = arith.constant 96 : index
        %swap3A_777 = tpu.vector_load %arg11[%swap3A_775, %swap3A_776] {strides = array<i32>} : memref<80x128xf32, #tpu.memory_space<vmem>>, vector<1x16xf32>,
        %swap3A_778 = vector.shape_cast %swap3A_777 : vector<1x16xf32> to vector<16xf32>
        %swap3A_779 = vector.shape_cast %mul3A_636 : vector<16xf32> to vector<1x16xf32>
        tpu.vector_store %arg11[%swap3A_775, %swap3A_776], %swap3A_779 {strides = array<i32>} : memref<80x128xf32, #tpu.memory_space<vmem>>, vector<1x16xf32>,
        %swap3A_780 = arith.index_cast %add3A_358 : i32 to index
        %swap3A_781 = arith.constant 112 : index
        %swap3A_782 = tpu.vector_load %arg11[%swap3A_780, %swap3A_781] {strides = array<i32>} : memref<80x128xf32, #tpu.memory_space<vmem>>, vector<1x16xf32>,
        %swap3A_783 = vector.shape_cast %swap3A_782 : vector<1x16xf32> to vector<16xf32>
        %swap3A_784 = vector.shape_cast %mul3A_640 : vector<16xf32> to vector<1x16xf32>
        tpu.vector_store %arg11[%swap3A_780, %swap3A_781], %swap3A_784 {strides = array<i32>} : memref<80x128xf32, #tpu.memory_space<vmem>>, vector<1x16xf32>,
        %swap3A_785 = arith.index_cast %add3A_362 : i32 to index
        %swap3A_786 = arith.constant 0 : index
        %swap3A_787 = tpu.vector_load %arg11[%swap3A_785, %swap3A_786] {strides = array<i32>} : memref<80x128xf32, #tpu.memory_space<vmem>>, vector<1x16xf32>,
        %swap3A_788 = vector.shape_cast %swap3A_787 : vector<1x16xf32> to vector<16xf32>
        %swap3A_789 = vector.shape_cast %mul3A_644 : vector<16xf32> to vector<1x16xf32>
        tpu.vector_store %arg11[%swap3A_785, %swap3A_786], %swap3A_789 {strides = array<i32>} : memref<80x128xf32, #tpu.memory_space<vmem>>, vector<1x16xf32>,
        %swap3A_790 = arith.index_cast %add3A_362 : i32 to index
        %swap3A_791 = arith.constant 16 : index
        %swap3A_792 = tpu.vector_load %arg11[%swap3A_790, %swap3A_791] {strides = array<i32>} : memref<80x128xf32, #tpu.memory_space<vmem>>, vector<1x16xf32>,
        %swap3A_793 = vector.shape_cast %swap3A_792 : vector<1x16xf32> to vector<16xf32>
        %swap3A_794 = vector.shape_cast %mul3A_648 : vector<16xf32> to vector<1x16xf32>
        tpu.vector_store %arg11[%swap3A_790, %swap3A_791], %swap3A_794 {strides = array<i32>} : memref<80x128xf32, #tpu.memory_space<vmem>>, vector<1x16xf32>,
        %swap3A_795 = arith.index_cast %add3A_362 : i32 to index
        %swap3A_796 = arith.constant 32 : index
        %swap3A_797 = tpu.vector_load %arg11[%swap3A_795, %swap3A_796] {strides = array<i32>} : memref<80x128xf32, #tpu.memory_space<vmem>>, vector<1x16xf32>,
        %swap3A_798 = vector.shape_cast %swap3A_797 : vector<1x16xf32> to vector<16xf32>
        %swap3A_799 = vector.shape_cast %mul3A_652 : vector<16xf32> to vector<1x16xf32>
        tpu.vector_store %arg11[%swap3A_795, %swap3A_796], %swap3A_799 {strides = array<i32>} : memref<80x128xf32, #tpu.memory_space<vmem>>, vector<1x16xf32>,
        %swap3A_800 = arith.index_cast %add3A_362 : i32 to index
        %swap3A_801 = arith.constant 48 : index
        %swap3A_802 = tpu.vector_load %arg11[%swap3A_800, %swap3A_801] {strides = array<i32>} : memref<80x128xf32, #tpu.memory_space<vmem>>, vector<1x16xf32>,
        %swap3A_803 = vector.shape_cast %swap3A_802 : vector<1x16xf32> to vector<16xf32>
        %swap3A_804 = vector.shape_cast %mul3A_656 : vector<16xf32> to vector<1x16xf32>
        tpu.vector_store %arg11[%swap3A_800, %swap3A_801], %swap3A_804 {strides = array<i32>} : memref<80x128xf32, #tpu.memory_space<vmem>>, vector<1x16xf32>,
        %swap3A_805 = arith.index_cast %add3A_362 : i32 to index
        %swap3A_806 = arith.constant 64 : index
        %swap3A_807 = tpu.vector_load %arg11[%swap3A_805, %swap3A_806] {strides = array<i32>} : memref<80x128xf32, #tpu.memory_space<vmem>>, vector<1x16xf32>,
        %swap3A_808 = vector.shape_cast %swap3A_807 : vector<1x16xf32> to vector<16xf32>
        %swap3A_809 = vector.shape_cast %mul3A_660 : vector<16xf32> to vector<1x16xf32>
        tpu.vector_store %arg11[%swap3A_805, %swap3A_806], %swap3A_809 {strides = array<i32>} : memref<80x128xf32, #tpu.memory_space<vmem>>, vector<1x16xf32>,
        %swap3A_810 = arith.index_cast %add3A_362 : i32 to index
        %swap3A_811 = arith.constant 80 : index
        %swap3A_812 = tpu.vector_load %arg11[%swap3A_810, %swap3A_811] {strides = array<i32>} : memref<80x128xf32, #tpu.memory_space<vmem>>, vector<1x16xf32>,
        %swap3A_813 = vector.shape_cast %swap3A_812 : vector<1x16xf32> to vector<16xf32>
        %swap3A_814 = vector.shape_cast %mul3A_664 : vector<16xf32> to vector<1x16xf32>
        tpu.vector_store %arg11[%swap3A_810, %swap3A_811], %swap3A_814 {strides = array<i32>} : memref<80x128xf32, #tpu.memory_space<vmem>>, vector<1x16xf32>,
        %swap3A_815 = arith.index_cast %add3A_362 : i32 to index
        %swap3A_816 = arith.constant 96 : index
        %swap3A_817 = tpu.vector_load %arg11[%swap3A_815, %swap3A_816] {strides = array<i32>} : memref<80x128xf32, #tpu.memory_space<vmem>>, vector<1x16xf32>,
        %swap3A_818 = vector.shape_cast %swap3A_817 : vector<1x16xf32> to vector<16xf32>
        %swap3A_819 = vector.shape_cast %mul3A_668 : vector<16xf32> to vector<1x16xf32>
        tpu.vector_store %arg11[%swap3A_815, %swap3A_816], %swap3A_819 {strides = array<i32>} : memref<80x128xf32, #tpu.memory_space<vmem>>, vector<1x16xf32>,
        %swap3A_820 = arith.index_cast %add3A_362 : i32 to index
        %swap3A_821 = arith.constant 112 : index
        %swap3A_822 = tpu.vector_load %arg11[%swap3A_820, %swap3A_821] {strides = array<i32>} : memref<80x128xf32, #tpu.memory_space<vmem>>, vector<1x16xf32>,
        %swap3A_823 = vector.shape_cast %swap3A_822 : vector<1x16xf32> to vector<16xf32>
        %swap3A_824 = vector.shape_cast %mul3A_672 : vector<16xf32> to vector<1x16xf32>
        tpu.vector_store %arg11[%swap3A_820, %swap3A_821], %swap3A_824 {strides = array<i32>} : memref<80x128xf32, #tpu.memory_space<vmem>>, vector<1x16xf32>,
        %swap3A_825 = arith.index_cast %add3A_366 : i32 to index
        %swap3A_826 = arith.constant 0 : index
        %swap3A_827 = tpu.vector_load %arg11[%swap3A_825, %swap3A_826] {strides = array<i32>} : memref<80x128xf32, #tpu.memory_space<vmem>>, vector<1x16xf32>,
        %swap3A_828 = vector.shape_cast %swap3A_827 : vector<1x16xf32> to vector<16xf32>
        %swap3A_829 = vector.shape_cast %mul3A_676 : vector<16xf32> to vector<1x16xf32>
        tpu.vector_store %arg11[%swap3A_825, %swap3A_826], %swap3A_829 {strides = array<i32>} : memref<80x128xf32, #tpu.memory_space<vmem>>, vector<1x16xf32>,
        %swap3A_830 = arith.index_cast %add3A_366 : i32 to index
        %swap3A_831 = arith.constant 16 : index
        %swap3A_832 = tpu.vector_load %arg11[%swap3A_830, %swap3A_831] {strides = array<i32>} : memref<80x128xf32, #tpu.memory_space<vmem>>, vector<1x16xf32>,
        %swap3A_833 = vector.shape_cast %swap3A_832 : vector<1x16xf32> to vector<16xf32>
        %swap3A_834 = vector.shape_cast %mul3A_680 : vector<16xf32> to vector<1x16xf32>
        tpu.vector_store %arg11[%swap3A_830, %swap3A_831], %swap3A_834 {strides = array<i32>} : memref<80x128xf32, #tpu.memory_space<vmem>>, vector<1x16xf32>,
        %swap3A_835 = arith.index_cast %add3A_366 : i32 to index
        %swap3A_836 = arith.constant 32 : index
        %swap3A_837 = tpu.vector_load %arg11[%swap3A_835, %swap3A_836] {strides = array<i32>} : memref<80x128xf32, #tpu.memory_space<vmem>>, vector<1x16xf32>,
        %swap3A_838 = vector.shape_cast %swap3A_837 : vector<1x16xf32> to vector<16xf32>
        %swap3A_839 = vector.shape_cast %mul3A_684 : vector<16xf32> to vector<1x16xf32>
        tpu.vector_store %arg11[%swap3A_835, %swap3A_836], %swap3A_839 {strides = array<i32>} : memref<80x128xf32, #tpu.memory_space<vmem>>, vector<1x16xf32>,
        %swap3A_840 = arith.index_cast %add3A_366 : i32 to index
        %swap3A_841 = arith.constant 48 : index
        %swap3A_842 = tpu.vector_load %arg11[%swap3A_840, %swap3A_841] {strides = array<i32>} : memref<80x128xf32, #tpu.memory_space<vmem>>, vector<1x16xf32>,
        %swap3A_843 = vector.shape_cast %swap3A_842 : vector<1x16xf32> to vector<16xf32>
        %swap3A_844 = vector.shape_cast %mul3A_688 : vector<16xf32> to vector<1x16xf32>
        tpu.vector_store %arg11[%swap3A_840, %swap3A_841], %swap3A_844 {strides = array<i32>} : memref<80x128xf32, #tpu.memory_space<vmem>>, vector<1x16xf32>,
        %swap3A_845 = arith.index_cast %add3A_366 : i32 to index
        %swap3A_846 = arith.constant 64 : index
        %swap3A_847 = tpu.vector_load %arg11[%swap3A_845, %swap3A_846] {strides = array<i32>} : memref<80x128xf32, #tpu.memory_space<vmem>>, vector<1x16xf32>,
        %swap3A_848 = vector.shape_cast %swap3A_847 : vector<1x16xf32> to vector<16xf32>
        %swap3A_849 = vector.shape_cast %mul3A_692 : vector<16xf32> to vector<1x16xf32>
        tpu.vector_store %arg11[%swap3A_845, %swap3A_846], %swap3A_849 {strides = array<i32>} : memref<80x128xf32, #tpu.memory_space<vmem>>, vector<1x16xf32>,
        %swap3A_850 = arith.index_cast %add3A_366 : i32 to index
        %swap3A_851 = arith.constant 80 : index
        %swap3A_852 = tpu.vector_load %arg11[%swap3A_850, %swap3A_851] {strides = array<i32>} : memref<80x128xf32, #tpu.memory_space<vmem>>, vector<1x16xf32>,
        %swap3A_853 = vector.shape_cast %swap3A_852 : vector<1x16xf32> to vector<16xf32>
        %swap3A_854 = vector.shape_cast %mul3A_696 : vector<16xf32> to vector<1x16xf32>
        tpu.vector_store %arg11[%swap3A_850, %swap3A_851], %swap3A_854 {strides = array<i32>} : memref<80x128xf32, #tpu.memory_space<vmem>>, vector<1x16xf32>,
        %swap3A_855 = arith.index_cast %add3A_366 : i32 to index
        %swap3A_856 = arith.constant 96 : index
        %swap3A_857 = tpu.vector_load %arg11[%swap3A_855, %swap3A_856] {strides = array<i32>} : memref<80x128xf32, #tpu.memory_space<vmem>>, vector<1x16xf32>,
        %swap3A_858 = vector.shape_cast %swap3A_857 : vector<1x16xf32> to vector<16xf32>
        %swap3A_859 = vector.shape_cast %mul3A_700 : vector<16xf32> to vector<1x16xf32>
        tpu.vector_store %arg11[%swap3A_855, %swap3A_856], %swap3A_859 {strides = array<i32>} : memref<80x128xf32, #tpu.memory_space<vmem>>, vector<1x16xf32>,
        %swap3A_860 = arith.index_cast %add3A_366 : i32 to index
        %swap3A_861 = arith.constant 112 : index
        %swap3A_862 = tpu.vector_load %arg11[%swap3A_860, %swap3A_861] {strides = array<i32>} : memref<80x128xf32, #tpu.memory_space<vmem>>, vector<1x16xf32>,
        %swap3A_863 = vector.shape_cast %swap3A_862 : vector<1x16xf32> to vector<16xf32>
        %swap3A_864 = vector.shape_cast %mul3A_704 : vector<16xf32> to vector<1x16xf32>
        tpu.vector_store %arg11[%swap3A_860, %swap3A_861], %swap3A_864 {strides = array<i32>} : memref<80x128xf32, #tpu.memory_space<vmem>>, vector<1x16xf32>,
      }
      %scan3A_203 = arith.constant 20 : i32
      %get3A_204 = arith.constant 0 : index
      %get3A_205 = tpu.vector_load %arg9[%get3A_204] {strides = array<i32>} : memref<80xi32, #tpu.memory_space<vmem>>, vector<16xi32>,
      %get3A_206 = vector.shape_cast %get3A_205 : vector<16xi32> to vector<16xi32>
      %swap3A_207 = arith.constant 0 : index
      %swap3A_208 = tpu.vector_load %arg22[%swap3A_207] {strides = array<i32>} : memref<80xi32, #tpu.memory_space<vmem>>, vector<16xi32>,
      %swap3A_209 = vector.shape_cast %swap3A_208 : vector<16xi32> to vector<16xi32>
      %swap3A_210 = vector.shape_cast %get3A_206 : vector<16xi32> to vector<16xi32>
      tpu.vector_store %arg22[%swap3A_207], %swap3A_210 {strides = array<i32>} : memref<80xi32, #tpu.memory_space<vmem>>, vector<16xi32>,
      %get3A_211 = arith.constant 16 : index
      %get3A_212 = tpu.vector_load %arg9[%get3A_211] {strides = array<i32>} : memref<80xi32, #tpu.memory_space<vmem>>, vector<16xi32>,
      %get3A_213 = vector.shape_cast %get3A_212 : vector<16xi32> to vector<16xi32>
      %swap3A_214 = arith.constant 16 : index
      %swap3A_215 = tpu.vector_load %arg22[%swap3A_214] {strides = array<i32>} : memref<80xi32, #tpu.memory_space<vmem>>, vector<16xi32>,
      %swap3A_216 = vector.shape_cast %swap3A_215 : vector<16xi32> to vector<16xi32>
      %swap3A_217 = vector.shape_cast %get3A_213 : vector<16xi32> to vector<16xi32>
      tpu.vector_store %arg22[%swap3A_214], %swap3A_217 {strides = array<i32>} : memref<80xi32, #tpu.memory_space<vmem>>, vector<16xi32>,
      %get3A_218 = arith.constant 32 : index
      %get3A_219 = tpu.vector_load %arg9[%get3A_218] {strides = array<i32>} : memref<80xi32, #tpu.memory_space<vmem>>, vector<16xi32>,
      %get3A_220 = vector.shape_cast %get3A_219 : vector<16xi32> to vector<16xi32>
      %swap3A_221 = arith.constant 32 : index
      %swap3A_222 = tpu.vector_load %arg22[%swap3A_221] {strides = array<i32>} : memref<80xi32, #tpu.memory_space<vmem>>, vector<16xi32>,
      %swap3A_223 = vector.shape_cast %swap3A_222 : vector<16xi32> to vector<16xi32>
      %swap3A_224 = vector.shape_cast %get3A_220 : vector<16xi32> to vector<16xi32>
      tpu.vector_store %arg22[%swap3A_221], %swap3A_224 {strides = array<i32>} : memref<80xi32, #tpu.memory_space<vmem>>, vector<16xi32>,
      %get3A_225 = arith.constant 48 : index
      %get3A_226 = tpu.vector_load %arg9[%get3A_225] {strides = array<i32>} : memref<80xi32, #tpu.memory_space<vmem>>, vector<16xi32>,
      %get3A_227 = vector.shape_cast %get3A_226 : vector<16xi32> to vector<16xi32>
      %swap3A_228 = arith.constant 48 : index
      %swap3A_229 = tpu.vector_load %arg22[%swap3A_228] {strides = array<i32>} : memref<80xi32, #tpu.memory_space<vmem>>, vector<16xi32>,
      %swap3A_230 = vector.shape_cast %swap3A_229 : vector<16xi32> to vector<16xi32>
      %swap3A_231 = vector.shape_cast %get3A_227 : vector<16xi32> to vector<16xi32>
      tpu.vector_store %arg22[%swap3A_228], %swap3A_231 {strides = array<i32>} : memref<80xi32, #tpu.memory_space<vmem>>, vector<16xi32>,
      %get3A_232 = arith.constant 64 : index
      %get3A_233 = tpu.vector_load %arg9[%get3A_232] {strides = array<i32>} : memref<80xi32, #tpu.memory_space<vmem>>, vector<16xi32>,
      %get3A_234 = vector.shape_cast %get3A_233 : vector<16xi32> to vector<16xi32>
      %swap3A_235 = arith.constant 64 : index
      %swap3A_236 = tpu.vector_load %arg22[%swap3A_235] {strides = array<i32>} : memref<80xi32, #tpu.memory_space<vmem>>, vector<16xi32>,
      %swap3A_237 = vector.shape_cast %swap3A_236 : vector<16xi32> to vector<16xi32>
      %swap3A_238 = vector.shape_cast %get3A_234 : vector<16xi32> to vector<16xi32>
      tpu.vector_store %arg22[%swap3A_235], %swap3A_238 {strides = array<i32>} : memref<80xi32, #tpu.memory_space<vmem>>, vector<16xi32>,
      %dma_start3A_239 = arith.constant 0 : i32
      %dma_start3A_240 = arith.constant 0 : i32
      %dma_start3A_241 = tpu.memref_slice %arg24[%dma_start3A_239, %dma_start3A_240] : memref<10240x128xf32, #tpu.memory_space<vmem_shared>> -> memref<10240x128xf32, #tpu.memory_space<vmem_shared>>
      tpu.enqueue_indirect_dma source(%arg11 : memref<80x128xf32, #tpu.memory_space<vmem>>) target(%dma_start3A_241 : memref<10240x128xf32, #tpu.memory_space<vmem_shared>>) offsets(%arg22 : memref<80xi32, #tpu.memory_space<vmem>>) semaphore(%arg30 : memref<!tpu.dma_semaphore, #tpu.memory_space<semaphore_mem>>) {add = true}
      %dma_start3A_242 = arith.constant 0 : i32
      %dma_start3A_243 = arith.constant 0 : i32
      %dma_start3A_244 = tpu.memref_slice %arg25[%dma_start3A_242, %dma_start3A_243] : memref<10240x16xf32, #tpu.memory_space<vmem_shared>> -> memref<10240x16xf32, #tpu.memory_space<vmem_shared>>
      tpu.enqueue_indirect_dma source(%arg14 : memref<80x16xf32, #tpu.memory_space<vmem>>) target(%dma_start3A_244 : memref<10240x16xf32, #tpu.memory_space<vmem_shared>>) offsets(%arg22 : memref<80xi32, #tpu.memory_space<vmem>>) semaphore(%arg30 : memref<!tpu.dma_semaphore, #tpu.memory_space<semaphore_mem>>) {add = true}
      %add3A_245 = arith.constant 2 : i32
      %add3A_246 = arith.addi %mul3A_173, %add3A_245 : i32
      %le3A_247 = arith.constant 124 : i32
      %le3A_248 = arith.cmpi sle, %add3A_246, %le3A_247 : i32
      %convert_element_type3A_249 = arith.extui %le3A_248 : i1 to i32
      %cond3A_250 = arith.constant 0 : i32
      %cond3A_251 = arith.cmpi ne, %convert_element_type3A_249, %cond3A_250 : i32
      scf.if %cond3A_251 {
        %add3A_350 = arith.constant 2 : i32
        %add3A_351 = arith.addi %mul3A_173, %add3A_350 : i32
        %mul3A_352 = arith.constant 80 : i32
        %mul3A_353 = arith.muli %add3A_351, %mul3A_352 : i32
        %add3A_354 = arith.addi %mul3A_2, %mul3A_353 : i32
        %multiple_of3A_355 = tpu.assume_multiple %add3A_354, 8 : i32
        %dma_start3A_356 = tpu.memref_slice %arg4[%multiple_of3A_355] : memref<320000xi32, #tpu.memory_space<hbm>> -> memref<80xi32, #tpu.memory_space<hbm>>
        %dma_start3A_357 = tpu.memref_slice %arg4[%multiple_of3A_355] : memref<320000xi32, #tpu.memory_space<hbm>> -> memref<80xi32, #tpu.memory_space<hbm>>
        tpu.enqueue_dma source(%dma_start3A_357 : memref<80xi32, #tpu.memory_space<hbm>>) target(%arg8 : memref<80xi32, #tpu.memory_space<vmem>>) target_semaphore(%arg26 : memref<!tpu.dma_semaphore, #tpu.memory_space<semaphore_mem>>)
        %mul3A_358 = arith.constant 80 : i32
        %mul3A_359 = arith.muli %add3A_351, %mul3A_358 : i32
        %add3A_360 = arith.addi %mul3A_2, %mul3A_359 : i32
        %multiple_of3A_361 = tpu.assume_multiple %add3A_360, 8 : i32
        %dma_start3A_362 = tpu.memref_slice %arg5[%multiple_of3A_361] : memref<320000xi32, #tpu.memory_space<hbm>> -> memref<80xi32, #tpu.memory_space<hbm>>
        %dma_start3A_363 = tpu.memref_slice %arg5[%multiple_of3A_361] : memref<320000xi32, #tpu.memory_space<hbm>> -> memref<80xi32, #tpu.memory_space<hbm>>
        tpu.enqueue_dma source(%dma_start3A_363 : memref<80xi32, #tpu.memory_space<hbm>>) target(%arg9 : memref<80xi32, #tpu.memory_space<vmem>>) target_semaphore(%arg26 : memref<!tpu.dma_semaphore, #tpu.memory_space<semaphore_mem>>)
      } else {
      }
      %add3A_252 = arith.constant 1 : i32
      %add3A_253 = arith.addi %mul3A_173, %add3A_252 : i32
      %le3A_254 = arith.constant 124 : i32
      %le3A_255 = arith.cmpi sle, %add3A_253, %le3A_254 : i32
      %convert_element_type3A_256 = arith.extui %le3A_255 : i1 to i32
      %cond3A_257 = arith.constant 0 : i32
      %cond3A_258 = arith.cmpi ne, %convert_element_type3A_256, %cond3A_257 : i32
      scf.if %cond3A_258 {
        %dma_wait3A_350 = arith.constant 0 : i32
        %dma_wait3A_351 = tpu.memref_slice %arg5[%dma_wait3A_350] : memref<320000xi32, #tpu.memory_space<hbm>> -> memref<320000xi32, #tpu.memory_space<hbm>>
        tpu.wait_indirect_dma semaphore(%arg27 : memref<!tpu.dma_semaphore, #tpu.memory_space<semaphore_mem>>) src(%dma_wait3A_351 : memref<320000xi32, #tpu.memory_space<hbm>>) dst(%arg17 : memref<80xi32, #tpu.memory_space<vmem>>)
        %dma_start3A_352 = arith.constant 0 : i32
        %dma_start3A_353 = arith.constant 0 : i32
        %dma_start3A_354 = tpu.memref_slice %arg3[%dma_start3A_352, %dma_start3A_353] : memref<10000x16xf32, #tpu.memory_space<hbm>> -> memref<10000x16xf32, #tpu.memory_space<hbm>>
        tpu.enqueue_indirect_dma source(%dma_start3A_354 : memref<10000x16xf32, #tpu.memory_space<hbm>>) target(%arg20 : memref<80x16xf32, #tpu.memory_space<vmem>>) offsets(%arg17 : memref<80xi32, #tpu.memory_space<vmem>>) semaphore(%arg29 : memref<!tpu.dma_semaphore, #tpu.memory_space<semaphore_mem>>)
      } else {
      }
      %mul3A_259 = arith.constant 2 : i32
      %mul3A_260 = arith.muli %mul3A_259, %scan3A_171 : i32
      %add3A_261 = arith.constant 1 : i32
      %add3A_262 = arith.addi %mul3A_260, %add3A_261 : i32
      %ge3A_263 = arith.constant 1 : i32
      %ge3A_264 = arith.cmpi sge, %add3A_262, %ge3A_263 : i32
      %add3A_265 = arith.constant 1 : i32
      %add3A_266 = arith.addi %add3A_262, %add3A_265 : i32
      %le3A_267 = arith.constant 124 : i32
      %le3A_268 = arith.cmpi sle, %add3A_266, %le3A_267 : i32
      %and3A_269 = arith.andi %ge3A_264, %le3A_268 : i1
      %convert_element_type3A_270 = arith.extui %and3A_269 : i1 to i32
      %cond3A_271 = arith.constant 0 : i32
      %cond3A_272 = arith.cmpi ne, %convert_element_type3A_270, %cond3A_271 : i32
      scf.if %cond3A_272 {
        %dma_wait3A_350 = arith.constant 0 : i32
        %dma_wait3A_351 = arith.constant 0 : i32
        %dma_wait3A_352 = tpu.memref_slice %arg24[%dma_wait3A_350, %dma_wait3A_351] : memref<10240x128xf32, #tpu.memory_space<vmem_shared>> -> memref<10240x128xf32, #tpu.memory_space<vmem_shared>>
        tpu.wait_indirect_dma semaphore(%arg30 : memref<!tpu.dma_semaphore, #tpu.memory_space<semaphore_mem>>) src(%arg11 : memref<80x128xf32, #tpu.memory_space<vmem>>) dst(%dma_wait3A_352 : memref<10240x128xf32, #tpu.memory_space<vmem_shared>>)
        %dma_wait3A_353 = arith.constant 0 : i32
        %dma_wait3A_354 = arith.constant 0 : i32
        %dma_wait3A_355 = tpu.memref_slice %arg25[%dma_wait3A_353, %dma_wait3A_354] : memref<10240x16xf32, #tpu.memory_space<vmem_shared>> -> memref<10240x16xf32, #tpu.memory_space<vmem_shared>>
        tpu.wait_indirect_dma semaphore(%arg30 : memref<!tpu.dma_semaphore, #tpu.memory_space<semaphore_mem>>) src(%arg14 : memref<80x16xf32, #tpu.memory_space<vmem>>) dst(%dma_wait3A_355 : memref<10240x16xf32, #tpu.memory_space<vmem_shared>>)
      } else {
      }
      %add3A_273 = arith.constant 1 : i32
      %add3A_274 = arith.addi %add3A_262, %add3A_273 : i32
      %le3A_275 = arith.constant 124 : i32
      %le3A_276 = arith.cmpi sle, %add3A_274, %le3A_275 : i32
      %convert_element_type3A_277 = arith.extui %le3A_276 : i1 to i32
      %cond3A_278 = arith.constant 0 : i32
      %cond3A_279 = arith.cmpi ne, %convert_element_type3A_277, %cond3A_278 : i32
      scf.if %cond3A_279 {
        %add3A_350 = arith.constant 1 : i32
        %add3A_351 = arith.addi %add3A_262, %add3A_350 : i32
        %mul3A_352 = arith.constant 80 : i32
        %mul3A_353 = arith.muli %add3A_351, %mul3A_352 : i32
        %add3A_354 = arith.addi %mul3A_2, %mul3A_353 : i32
        %multiple_of3A_355 = tpu.assume_multiple %add3A_354, 8 : i32
        %dma_wait3A_356 = tpu.memref_slice %arg4[%multiple_of3A_355] : memref<320000xi32, #tpu.memory_space<hbm>> -> memref<80xi32, #tpu.memory_space<hbm>>
        %dma_wait3A_357 = tpu.memref_slice %arg4[%multiple_of3A_355] : memref<320000xi32, #tpu.memory_space<hbm>> -> memref<80xi32, #tpu.memory_space<hbm>>
        tpu.wait_dma2 semaphore(%arg26 : memref<!tpu.dma_semaphore, #tpu.memory_space<semaphore_mem>>) src(%dma_wait3A_357 : memref<80xi32, #tpu.memory_space<hbm>>) dst(%arg8 : memref<80xi32, #tpu.memory_space<vmem>>)
        %mul3A_358 = arith.constant 80 : i32
        %mul3A_359 = arith.muli %add3A_351, %mul3A_358 : i32
        %add3A_360 = arith.addi %mul3A_2, %mul3A_359 : i32
        %multiple_of3A_361 = tpu.assume_multiple %add3A_360, 8 : i32
        %dma_wait3A_362 = tpu.memref_slice %arg5[%multiple_of3A_361] : memref<320000xi32, #tpu.memory_space<hbm>> -> memref<80xi32, #tpu.memory_space<hbm>>
        %dma_wait3A_363 = tpu.memref_slice %arg5[%multiple_of3A_361] : memref<320000xi32, #tpu.memory_space<hbm>> -> memref<80xi32, #tpu.memory_space<hbm>>
        tpu.wait_dma2 semaphore(%arg26 : memref<!tpu.dma_semaphore, #tpu.memory_space<semaphore_mem>>) src(%dma_wait3A_363 : memref<80xi32, #tpu.memory_space<hbm>>) dst(%arg9 : memref<80xi32, #tpu.memory_space<vmem>>)
        %dma_start3A_364 = arith.constant 0 : i32
        %dma_start3A_365 = tpu.memref_slice %arg5[%dma_start3A_364] : memref<320000xi32, #tpu.memory_space<hbm>> -> memref<320000xi32, #tpu.memory_space<hbm>>
        tpu.enqueue_indirect_dma source(%dma_start3A_365 : memref<320000xi32, #tpu.memory_space<hbm>>) target(%arg10 : memref<80xi32, #tpu.memory_space<vmem>>) offsets(%arg8 : memref<80xi32, #tpu.memory_space<vmem>>) semaphore(%arg27 : memref<!tpu.dma_semaphore, #tpu.memory_space<semaphore_mem>>)
        %dma_start3A_366 = arith.constant 0 : i32
        %dma_start3A_367 = arith.constant 0 : i32
        %dma_start3A_368 = tpu.memref_slice %arg2[%dma_start3A_366, %dma_start3A_367] : memref<10000x128xf32, #tpu.memory_space<hbm>> -> memref<10000x128xf32, #tpu.memory_space<hbm>>
        tpu.enqueue_indirect_dma source(%dma_start3A_368 : memref<10000x128xf32, #tpu.memory_space<hbm>>) target(%arg11 : memref<80x128xf32, #tpu.memory_space<vmem>>) offsets(%arg8 : memref<80xi32, #tpu.memory_space<vmem>>) semaphore(%arg28 : memref<!tpu.dma_semaphore, #tpu.memory_space<semaphore_mem>>)
        %dma_start3A_369 = arith.constant 0 : i32
        %dma_start3A_370 = arith.constant 0 : i32
        %dma_start3A_371 = tpu.memref_slice %arg3[%dma_start3A_369, %dma_start3A_370] : memref<10000x16xf32, #tpu.memory_space<hbm>> -> memref<10000x16xf32, #tpu.memory_space<hbm>>
        tpu.enqueue_indirect_dma source(%dma_start3A_371 : memref<10000x16xf32, #tpu.memory_space<hbm>>) target(%arg12 : memref<80x16xf32, #tpu.memory_space<vmem>>) offsets(%arg9 : memref<80xi32, #tpu.memory_space<vmem>>) semaphore(%arg28 : memref<!tpu.dma_semaphore, #tpu.memory_space<semaphore_mem>>)
      } else {
      }
      %dma_wait3A_280 = arith.constant 0 : i32
      %dma_wait3A_281 = arith.constant 0 : i32
      %dma_wait3A_282 = tpu.memref_slice %arg2[%dma_wait3A_280, %dma_wait3A_281] : memref<10000x128xf32, #tpu.memory_space<hbm>> -> memref<10000x128xf32, #tpu.memory_space<hbm>>
      tpu.wait_indirect_dma semaphore(%arg29 : memref<!tpu.dma_semaphore, #tpu.memory_space<semaphore_mem>>) src(%dma_wait3A_282 : memref<10000x128xf32, #tpu.memory_space<hbm>>) dst(%arg18 : memref<80x128xf32, #tpu.memory_space<vmem>>)
      %dma_wait3A_283 = arith.constant 0 : i32
      %dma_wait3A_284 = arith.constant 0 : i32
      %dma_wait3A_285 = tpu.memref_slice %arg3[%dma_wait3A_283, %dma_wait3A_284] : memref<10000x16xf32, #tpu.memory_space<hbm>> -> memref<10000x16xf32, #tpu.memory_space<hbm>>
      tpu.wait_indirect_dma semaphore(%arg29 : memref<!tpu.dma_semaphore, #tpu.memory_space<semaphore_mem>>) src(%dma_wait3A_285 : memref<10000x16xf32, #tpu.memory_space<hbm>>) dst(%arg19 : memref<80x16xf32, #tpu.memory_space<vmem>>)
      %dma_wait3A_286 = arith.constant 0 : i32
      %dma_wait3A_287 = arith.constant 0 : i32
      %dma_wait3A_288 = tpu.memref_slice %arg3[%dma_wait3A_286, %dma_wait3A_287] : memref<10000x16xf32, #tpu.memory_space<hbm>> -> memref<10000x16xf32, #tpu.memory_space<hbm>>
      tpu.wait_indirect_dma semaphore(%arg29 : memref<!tpu.dma_semaphore, #tpu.memory_space<semaphore_mem>>) src(%dma_wait3A_288 : memref<10000x16xf32, #tpu.memory_space<hbm>>) dst(%arg20 : memref<80x16xf32, #tpu.memory_space<vmem>>)
      %scan3A_289 = arith.constant 0 : i32
      %scan3A_290 = arith.constant 0 : i32
      %scan3A_291 = arith.constant 20 : i32
      %scan3A_292 = arith.addi %scan3A_290, %scan3A_291 : i32
      %scan3A_293 = arith.constant 1 : i32
      scf.for %scan3A_350 = %scan3A_290 to %scan3A_292 step %scan3A_293  : i32 {
        %mul3A_351 = arith.constant 4 : i32
        %mul3A_352 = arith.muli %mul3A_351, %scan3A_350 : i32
        %add3A_353 = arith.constant 0 : i32
        %add3A_354 = arith.addi %mul3A_352, %add3A_353 : i32
        %mul3A_355 = arith.constant 4 : i32
        %mul3A_356 = arith.muli %mul3A_355, %scan3A_350 : i32
        %add3A_357 = arith.constant 1 : i32
        %add3A_358 = arith.addi %mul3A_356, %add3A_357 : i32
        %mul3A_359 = arith.constant 4 : i32
        %mul3A_360 = arith.muli %mul3A_359, %scan3A_350 : i32
        %add3A_361 = arith.constant 2 : i32
        %add3A_362 = arith.addi %mul3A_360, %add3A_361 : i32
        %mul3A_363 = arith.constant 4 : i32
        %mul3A_364 = arith.muli %mul3A_363, %scan3A_350 : i32
        %add3A_365 = arith.constant 3 : i32
        %add3A_366 = arith.addi %mul3A_364, %add3A_365 : i32
        %get3A_367 = arith.index_cast %add3A_354 : i32 to index
        %get3A_368 = arith.constant 0 : index
        %get3A_369 = tpu.vector_load %arg19[%get3A_367, %get3A_368] {strides = array<i32>} : memref<80x16xf32, #tpu.memory_space<vmem>>, vector<1x16xf32>,
        %get3A_370 = vector.shape_cast %get3A_369 : vector<1x16xf32> to vector<16xf32>
        %get3A_371 = arith.index_cast %add3A_354 : i32 to index
        %get3A_372 = arith.constant 0 : index
        %get3A_373 = tpu.vector_load %arg20[%get3A_371, %get3A_372] {strides = array<i32>} : memref<80x16xf32, #tpu.memory_space<vmem>>, vector<1x16xf32>,
        %get3A_374 = vector.shape_cast %get3A_373 : vector<1x16xf32> to vector<16xf32>
        %add3A_375 = arith.addf %get3A_370, %get3A_374 : vector<16xf32>
        %get3A_376 = arith.index_cast %add3A_358 : i32 to index
        %get3A_377 = arith.constant 0 : index
        %get3A_378 = tpu.vector_load %arg19[%get3A_376, %get3A_377] {strides = array<i32>} : memref<80x16xf32, #tpu.memory_space<vmem>>, vector<1x16xf32>,
        %get3A_379 = vector.shape_cast %get3A_378 : vector<1x16xf32> to vector<16xf32>
        %get3A_380 = arith.index_cast %add3A_358 : i32 to index
        %get3A_381 = arith.constant 0 : index
        %get3A_382 = tpu.vector_load %arg20[%get3A_380, %get3A_381] {strides = array<i32>} : memref<80x16xf32, #tpu.memory_space<vmem>>, vector<1x16xf32>,
        %get3A_383 = vector.shape_cast %get3A_382 : vector<1x16xf32> to vector<16xf32>
        %add3A_384 = arith.addf %get3A_379, %get3A_383 : vector<16xf32>
        %get3A_385 = arith.index_cast %add3A_362 : i32 to index
        %get3A_386 = arith.constant 0 : index
        %get3A_387 = tpu.vector_load %arg19[%get3A_385, %get3A_386] {strides = array<i32>} : memref<80x16xf32, #tpu.memory_space<vmem>>, vector<1x16xf32>,
        %get3A_388 = vector.shape_cast %get3A_387 : vector<1x16xf32> to vector<16xf32>
        %get3A_389 = arith.index_cast %add3A_362 : i32 to index
        %get3A_390 = arith.constant 0 : index
        %get3A_391 = tpu.vector_load %arg20[%get3A_389, %get3A_390] {strides = array<i32>} : memref<80x16xf32, #tpu.memory_space<vmem>>, vector<1x16xf32>,
        %get3A_392 = vector.shape_cast %get3A_391 : vector<1x16xf32> to vector<16xf32>
        %add3A_393 = arith.addf %get3A_388, %get3A_392 : vector<16xf32>
        %get3A_394 = arith.index_cast %add3A_366 : i32 to index
        %get3A_395 = arith.constant 0 : index
        %get3A_396 = tpu.vector_load %arg19[%get3A_394, %get3A_395] {strides = array<i32>} : memref<80x16xf32, #tpu.memory_space<vmem>>, vector<1x16xf32>,
        %get3A_397 = vector.shape_cast %get3A_396 : vector<1x16xf32> to vector<16xf32>
        %get3A_398 = arith.index_cast %add3A_366 : i32 to index
        %get3A_399 = arith.constant 0 : index
        %get3A_400 = tpu.vector_load %arg20[%get3A_398, %get3A_399] {strides = array<i32>} : memref<80x16xf32, #tpu.memory_space<vmem>>, vector<1x16xf32>,
        %get3A_401 = vector.shape_cast %get3A_400 : vector<1x16xf32> to vector<16xf32>
        %add3A_402 = arith.addf %get3A_397, %get3A_401 : vector<16xf32>
        %mul3A_403 = arith.constant 2.000000e-01 : f32
        %mul3A_404 = vector.broadcast %mul3A_403 : f32 to vector<16xf32>
        %mul3A_405 = arith.mulf %mul3A_404, %add3A_375 : vector<16xf32>
        %max3A = arith.maximumf %add3A_375, %mul3A_405 : vector<16xf32>
        %exp3A = math.exp %max3A : vector<16xf32>
        %jit3A = arith.constant 0.000000e+00 : f32
        %broadcast_in_dim3A_406 = vector.broadcast %jit3A : f32 to vector<16xf32>
        %select_n3A = arith.select %lt3A_44, %exp3A, %broadcast_in_dim3A_406 : vector<16xi1>, vector<16xf32>
        %mul3A_407 = arith.constant 2.000000e-01 : f32
        %mul3A_408 = vector.broadcast %mul3A_407 : f32 to vector<16xf32>
        %mul3A_409 = arith.mulf %mul3A_408, %add3A_384 : vector<16xf32>
        %max3A_410 = arith.maximumf %add3A_384, %mul3A_409 : vector<16xf32>
        %exp3A_411 = math.exp %max3A_410 : vector<16xf32>
        %jit3A_412 = arith.constant 0.000000e+00 : f32
        %broadcast_in_dim3A_413 = vector.broadcast %jit3A_412 : f32 to vector<16xf32>
        %select_n3A_414 = arith.select %lt3A_44, %exp3A_411, %broadcast_in_dim3A_413 : vector<16xi1>, vector<16xf32>
        %mul3A_415 = arith.constant 2.000000e-01 : f32
        %mul3A_416 = vector.broadcast %mul3A_415 : f32 to vector<16xf32>
        %mul3A_417 = arith.mulf %mul3A_416, %add3A_393 : vector<16xf32>
        %max3A_418 = arith.maximumf %add3A_393, %mul3A_417 : vector<16xf32>
        %exp3A_419 = math.exp %max3A_418 : vector<16xf32>
        %jit3A_420 = arith.constant 0.000000e+00 : f32
        %broadcast_in_dim3A_421 = vector.broadcast %jit3A_420 : f32 to vector<16xf32>
        %select_n3A_422 = arith.select %lt3A_44, %exp3A_419, %broadcast_in_dim3A_421 : vector<16xi1>, vector<16xf32>
        %mul3A_423 = arith.constant 2.000000e-01 : f32
        %mul3A_424 = vector.broadcast %mul3A_423 : f32 to vector<16xf32>
        %mul3A_425 = arith.mulf %mul3A_424, %add3A_402 : vector<16xf32>
        %max3A_426 = arith.maximumf %add3A_402, %mul3A_425 : vector<16xf32>
        %exp3A_427 = math.exp %max3A_426 : vector<16xf32>
        %jit3A_428 = arith.constant 0.000000e+00 : f32
        %broadcast_in_dim3A_429 = vector.broadcast %jit3A_428 : f32 to vector<16xf32>
        %select_n3A_430 = arith.select %lt3A_44, %exp3A_427, %broadcast_in_dim3A_429 : vector<16xi1>, vector<16xf32>
        %swap3A_431 = arith.index_cast %add3A_354 : i32 to index
        %swap3A_432 = arith.constant 0 : index
        %swap3A_433 = tpu.vector_load %arg21[%swap3A_431, %swap3A_432] {strides = array<i32>} : memref<80x16xf32, #tpu.memory_space<vmem>>, vector<1x16xf32>,
        %swap3A_434 = vector.shape_cast %swap3A_433 : vector<1x16xf32> to vector<16xf32>
        %swap3A_435 = vector.shape_cast %select_n3A : vector<16xf32> to vector<1x16xf32>
        tpu.vector_store %arg21[%swap3A_431, %swap3A_432], %swap3A_435 {strides = array<i32>} : memref<80x16xf32, #tpu.memory_space<vmem>>, vector<1x16xf32>,
        %swap3A_436 = arith.index_cast %add3A_358 : i32 to index
        %swap3A_437 = arith.constant 0 : index
        %swap3A_438 = tpu.vector_load %arg21[%swap3A_436, %swap3A_437] {strides = array<i32>} : memref<80x16xf32, #tpu.memory_space<vmem>>, vector<1x16xf32>,
        %swap3A_439 = vector.shape_cast %swap3A_438 : vector<1x16xf32> to vector<16xf32>
        %swap3A_440 = vector.shape_cast %select_n3A_414 : vector<16xf32> to vector<1x16xf32>
        tpu.vector_store %arg21[%swap3A_436, %swap3A_437], %swap3A_440 {strides = array<i32>} : memref<80x16xf32, #tpu.memory_space<vmem>>, vector<1x16xf32>,
        %swap3A_441 = arith.index_cast %add3A_362 : i32 to index
        %swap3A_442 = arith.constant 0 : index
        %swap3A_443 = tpu.vector_load %arg21[%swap3A_441, %swap3A_442] {strides = array<i32>} : memref<80x16xf32, #tpu.memory_space<vmem>>, vector<1x16xf32>,
        %swap3A_444 = vector.shape_cast %swap3A_443 : vector<1x16xf32> to vector<16xf32>
        %swap3A_445 = vector.shape_cast %select_n3A_422 : vector<16xf32> to vector<1x16xf32>
        tpu.vector_store %arg21[%swap3A_441, %swap3A_442], %swap3A_445 {strides = array<i32>} : memref<80x16xf32, #tpu.memory_space<vmem>>, vector<1x16xf32>,
        %swap3A_446 = arith.index_cast %add3A_366 : i32 to index
        %swap3A_447 = arith.constant 0 : index
        %swap3A_448 = tpu.vector_load %arg21[%swap3A_446, %swap3A_447] {strides = array<i32>} : memref<80x16xf32, #tpu.memory_space<vmem>>, vector<1x16xf32>,
        %swap3A_449 = vector.shape_cast %swap3A_448 : vector<1x16xf32> to vector<16xf32>
        %swap3A_450 = vector.shape_cast %select_n3A_430 : vector<16xf32> to vector<1x16xf32>
        tpu.vector_store %arg21[%swap3A_446, %swap3A_447], %swap3A_450 {strides = array<i32>} : memref<80x16xf32, #tpu.memory_space<vmem>>, vector<1x16xf32>,
        %get3A_451 = arith.index_cast %add3A_354 : i32 to index
        %get3A_452 = arith.constant 0 : index
        %get3A_453 = tpu.vector_load %arg18[%get3A_451, %get3A_452] {strides = array<i32>} : memref<80x128xf32, #tpu.memory_space<vmem>>, vector<1x16xf32>,
        %get3A_454 = vector.shape_cast %get3A_453 : vector<1x16xf32> to vector<16xf32>
        %get3A_455 = arith.index_cast %add3A_354 : i32 to index
        %get3A_456 = arith.constant 16 : index
        %get3A_457 = tpu.vector_load %arg18[%get3A_455, %get3A_456] {strides = array<i32>} : memref<80x128xf32, #tpu.memory_space<vmem>>, vector<1x16xf32>,
        %get3A_458 = vector.shape_cast %get3A_457 : vector<1x16xf32> to vector<16xf32>
        %get3A_459 = arith.index_cast %add3A_354 : i32 to index
        %get3A_460 = arith.constant 32 : index
        %get3A_461 = tpu.vector_load %arg18[%get3A_459, %get3A_460] {strides = array<i32>} : memref<80x128xf32, #tpu.memory_space<vmem>>, vector<1x16xf32>,
        %get3A_462 = vector.shape_cast %get3A_461 : vector<1x16xf32> to vector<16xf32>
        %get3A_463 = arith.index_cast %add3A_354 : i32 to index
        %get3A_464 = arith.constant 48 : index
        %get3A_465 = tpu.vector_load %arg18[%get3A_463, %get3A_464] {strides = array<i32>} : memref<80x128xf32, #tpu.memory_space<vmem>>, vector<1x16xf32>,
        %get3A_466 = vector.shape_cast %get3A_465 : vector<1x16xf32> to vector<16xf32>
        %get3A_467 = arith.index_cast %add3A_354 : i32 to index
        %get3A_468 = arith.constant 64 : index
        %get3A_469 = tpu.vector_load %arg18[%get3A_467, %get3A_468] {strides = array<i32>} : memref<80x128xf32, #tpu.memory_space<vmem>>, vector<1x16xf32>,
        %get3A_470 = vector.shape_cast %get3A_469 : vector<1x16xf32> to vector<16xf32>
        %get3A_471 = arith.index_cast %add3A_354 : i32 to index
        %get3A_472 = arith.constant 80 : index
        %get3A_473 = tpu.vector_load %arg18[%get3A_471, %get3A_472] {strides = array<i32>} : memref<80x128xf32, #tpu.memory_space<vmem>>, vector<1x16xf32>,
        %get3A_474 = vector.shape_cast %get3A_473 : vector<1x16xf32> to vector<16xf32>
        %get3A_475 = arith.index_cast %add3A_354 : i32 to index
        %get3A_476 = arith.constant 96 : index
        %get3A_477 = tpu.vector_load %arg18[%get3A_475, %get3A_476] {strides = array<i32>} : memref<80x128xf32, #tpu.memory_space<vmem>>, vector<1x16xf32>,
        %get3A_478 = vector.shape_cast %get3A_477 : vector<1x16xf32> to vector<16xf32>
        %get3A_479 = arith.index_cast %add3A_354 : i32 to index
        %get3A_480 = arith.constant 112 : index
        %get3A_481 = tpu.vector_load %arg18[%get3A_479, %get3A_480] {strides = array<i32>} : memref<80x128xf32, #tpu.memory_space<vmem>>, vector<1x16xf32>,
        %get3A_482 = vector.shape_cast %get3A_481 : vector<1x16xf32> to vector<16xf32>
        %get3A_483 = arith.index_cast %add3A_358 : i32 to index
        %get3A_484 = arith.constant 0 : index
        %get3A_485 = tpu.vector_load %arg18[%get3A_483, %get3A_484] {strides = array<i32>} : memref<80x128xf32, #tpu.memory_space<vmem>>, vector<1x16xf32>,
        %get3A_486 = vector.shape_cast %get3A_485 : vector<1x16xf32> to vector<16xf32>
        %get3A_487 = arith.index_cast %add3A_358 : i32 to index
        %get3A_488 = arith.constant 16 : index
        %get3A_489 = tpu.vector_load %arg18[%get3A_487, %get3A_488] {strides = array<i32>} : memref<80x128xf32, #tpu.memory_space<vmem>>, vector<1x16xf32>,
        %get3A_490 = vector.shape_cast %get3A_489 : vector<1x16xf32> to vector<16xf32>
        %get3A_491 = arith.index_cast %add3A_358 : i32 to index
        %get3A_492 = arith.constant 32 : index
        %get3A_493 = tpu.vector_load %arg18[%get3A_491, %get3A_492] {strides = array<i32>} : memref<80x128xf32, #tpu.memory_space<vmem>>, vector<1x16xf32>,
        %get3A_494 = vector.shape_cast %get3A_493 : vector<1x16xf32> to vector<16xf32>
        %get3A_495 = arith.index_cast %add3A_358 : i32 to index
        %get3A_496 = arith.constant 48 : index
        %get3A_497 = tpu.vector_load %arg18[%get3A_495, %get3A_496] {strides = array<i32>} : memref<80x128xf32, #tpu.memory_space<vmem>>, vector<1x16xf32>,
        %get3A_498 = vector.shape_cast %get3A_497 : vector<1x16xf32> to vector<16xf32>
        %get3A_499 = arith.index_cast %add3A_358 : i32 to index
        %get3A_500 = arith.constant 64 : index
        %get3A_501 = tpu.vector_load %arg18[%get3A_499, %get3A_500] {strides = array<i32>} : memref<80x128xf32, #tpu.memory_space<vmem>>, vector<1x16xf32>,
        %get3A_502 = vector.shape_cast %get3A_501 : vector<1x16xf32> to vector<16xf32>
        %get3A_503 = arith.index_cast %add3A_358 : i32 to index
        %get3A_504 = arith.constant 80 : index
        %get3A_505 = tpu.vector_load %arg18[%get3A_503, %get3A_504] {strides = array<i32>} : memref<80x128xf32, #tpu.memory_space<vmem>>, vector<1x16xf32>,
        %get3A_506 = vector.shape_cast %get3A_505 : vector<1x16xf32> to vector<16xf32>
        %get3A_507 = arith.index_cast %add3A_358 : i32 to index
        %get3A_508 = arith.constant 96 : index
        %get3A_509 = tpu.vector_load %arg18[%get3A_507, %get3A_508] {strides = array<i32>} : memref<80x128xf32, #tpu.memory_space<vmem>>, vector<1x16xf32>,
        %get3A_510 = vector.shape_cast %get3A_509 : vector<1x16xf32> to vector<16xf32>
        %get3A_511 = arith.index_cast %add3A_358 : i32 to index
        %get3A_512 = arith.constant 112 : index
        %get3A_513 = tpu.vector_load %arg18[%get3A_511, %get3A_512] {strides = array<i32>} : memref<80x128xf32, #tpu.memory_space<vmem>>, vector<1x16xf32>,
        %get3A_514 = vector.shape_cast %get3A_513 : vector<1x16xf32> to vector<16xf32>
        %get3A_515 = arith.index_cast %add3A_362 : i32 to index
        %get3A_516 = arith.constant 0 : index
        %get3A_517 = tpu.vector_load %arg18[%get3A_515, %get3A_516] {strides = array<i32>} : memref<80x128xf32, #tpu.memory_space<vmem>>, vector<1x16xf32>,
        %get3A_518 = vector.shape_cast %get3A_517 : vector<1x16xf32> to vector<16xf32>
        %get3A_519 = arith.index_cast %add3A_362 : i32 to index
        %get3A_520 = arith.constant 16 : index
        %get3A_521 = tpu.vector_load %arg18[%get3A_519, %get3A_520] {strides = array<i32>} : memref<80x128xf32, #tpu.memory_space<vmem>>, vector<1x16xf32>,
        %get3A_522 = vector.shape_cast %get3A_521 : vector<1x16xf32> to vector<16xf32>
        %get3A_523 = arith.index_cast %add3A_362 : i32 to index
        %get3A_524 = arith.constant 32 : index
        %get3A_525 = tpu.vector_load %arg18[%get3A_523, %get3A_524] {strides = array<i32>} : memref<80x128xf32, #tpu.memory_space<vmem>>, vector<1x16xf32>,
        %get3A_526 = vector.shape_cast %get3A_525 : vector<1x16xf32> to vector<16xf32>
        %get3A_527 = arith.index_cast %add3A_362 : i32 to index
        %get3A_528 = arith.constant 48 : index
        %get3A_529 = tpu.vector_load %arg18[%get3A_527, %get3A_528] {strides = array<i32>} : memref<80x128xf32, #tpu.memory_space<vmem>>, vector<1x16xf32>,
        %get3A_530 = vector.shape_cast %get3A_529 : vector<1x16xf32> to vector<16xf32>
        %get3A_531 = arith.index_cast %add3A_362 : i32 to index
        %get3A_532 = arith.constant 64 : index
        %get3A_533 = tpu.vector_load %arg18[%get3A_531, %get3A_532] {strides = array<i32>} : memref<80x128xf32, #tpu.memory_space<vmem>>, vector<1x16xf32>,
        %get3A_534 = vector.shape_cast %get3A_533 : vector<1x16xf32> to vector<16xf32>
        %get3A_535 = arith.index_cast %add3A_362 : i32 to index
        %get3A_536 = arith.constant 80 : index
        %get3A_537 = tpu.vector_load %arg18[%get3A_535, %get3A_536] {strides = array<i32>} : memref<80x128xf32, #tpu.memory_space<vmem>>, vector<1x16xf32>,
        %get3A_538 = vector.shape_cast %get3A_537 : vector<1x16xf32> to vector<16xf32>
        %get3A_539 = arith.index_cast %add3A_362 : i32 to index
        %get3A_540 = arith.constant 96 : index
        %get3A_541 = tpu.vector_load %arg18[%get3A_539, %get3A_540] {strides = array<i32>} : memref<80x128xf32, #tpu.memory_space<vmem>>, vector<1x16xf32>,
        %get3A_542 = vector.shape_cast %get3A_541 : vector<1x16xf32> to vector<16xf32>
        %get3A_543 = arith.index_cast %add3A_362 : i32 to index
        %get3A_544 = arith.constant 112 : index
        %get3A_545 = tpu.vector_load %arg18[%get3A_543, %get3A_544] {strides = array<i32>} : memref<80x128xf32, #tpu.memory_space<vmem>>, vector<1x16xf32>,
        %get3A_546 = vector.shape_cast %get3A_545 : vector<1x16xf32> to vector<16xf32>
        %get3A_547 = arith.index_cast %add3A_366 : i32 to index
        %get3A_548 = arith.constant 0 : index
        %get3A_549 = tpu.vector_load %arg18[%get3A_547, %get3A_548] {strides = array<i32>} : memref<80x128xf32, #tpu.memory_space<vmem>>, vector<1x16xf32>,
        %get3A_550 = vector.shape_cast %get3A_549 : vector<1x16xf32> to vector<16xf32>
        %get3A_551 = arith.index_cast %add3A_366 : i32 to index
        %get3A_552 = arith.constant 16 : index
        %get3A_553 = tpu.vector_load %arg18[%get3A_551, %get3A_552] {strides = array<i32>} : memref<80x128xf32, #tpu.memory_space<vmem>>, vector<1x16xf32>,
        %get3A_554 = vector.shape_cast %get3A_553 : vector<1x16xf32> to vector<16xf32>
        %get3A_555 = arith.index_cast %add3A_366 : i32 to index
        %get3A_556 = arith.constant 32 : index
        %get3A_557 = tpu.vector_load %arg18[%get3A_555, %get3A_556] {strides = array<i32>} : memref<80x128xf32, #tpu.memory_space<vmem>>, vector<1x16xf32>,
        %get3A_558 = vector.shape_cast %get3A_557 : vector<1x16xf32> to vector<16xf32>
        %get3A_559 = arith.index_cast %add3A_366 : i32 to index
        %get3A_560 = arith.constant 48 : index
        %get3A_561 = tpu.vector_load %arg18[%get3A_559, %get3A_560] {strides = array<i32>} : memref<80x128xf32, #tpu.memory_space<vmem>>, vector<1x16xf32>,
        %get3A_562 = vector.shape_cast %get3A_561 : vector<1x16xf32> to vector<16xf32>
        %get3A_563 = arith.index_cast %add3A_366 : i32 to index
        %get3A_564 = arith.constant 64 : index
        %get3A_565 = tpu.vector_load %arg18[%get3A_563, %get3A_564] {strides = array<i32>} : memref<80x128xf32, #tpu.memory_space<vmem>>, vector<1x16xf32>,
        %get3A_566 = vector.shape_cast %get3A_565 : vector<1x16xf32> to vector<16xf32>
        %get3A_567 = arith.index_cast %add3A_366 : i32 to index
        %get3A_568 = arith.constant 80 : index
        %get3A_569 = tpu.vector_load %arg18[%get3A_567, %get3A_568] {strides = array<i32>} : memref<80x128xf32, #tpu.memory_space<vmem>>, vector<1x16xf32>,
        %get3A_570 = vector.shape_cast %get3A_569 : vector<1x16xf32> to vector<16xf32>
        %get3A_571 = arith.index_cast %add3A_366 : i32 to index
        %get3A_572 = arith.constant 96 : index
        %get3A_573 = tpu.vector_load %arg18[%get3A_571, %get3A_572] {strides = array<i32>} : memref<80x128xf32, #tpu.memory_space<vmem>>, vector<1x16xf32>,
        %get3A_574 = vector.shape_cast %get3A_573 : vector<1x16xf32> to vector<16xf32>
        %get3A_575 = arith.index_cast %add3A_366 : i32 to index
        %get3A_576 = arith.constant 112 : index
        %get3A_577 = tpu.vector_load %arg18[%get3A_575, %get3A_576] {strides = array<i32>} : memref<80x128xf32, #tpu.memory_space<vmem>>, vector<1x16xf32>,
        %get3A_578 = vector.shape_cast %get3A_577 : vector<1x16xf32> to vector<16xf32>
        %slice3A = vector.extract_strided_slice %select_n3A {offsets = [0], sizes = [1], strides = [1]} : vector<16xf32> to vector<1xf32>
        %squeeze3A = vector.extract %slice3A[0] : f32 from vector<1xf32>
        %mul3A_579 = vector.broadcast %squeeze3A : f32 to vector<16xf32>
        %mul3A_580 = arith.mulf %get3A_454, %mul3A_579 : vector<16xf32>
        %slice3A_581 = vector.extract_strided_slice %select_n3A {offsets = [1], sizes = [1], strides = [1]} : vector<16xf32> to vector<1xf32>
        %squeeze3A_582 = vector.extract %slice3A_581[0] : f32 from vector<1xf32>
        %mul3A_583 = vector.broadcast %squeeze3A_582 : f32 to vector<16xf32>
        %mul3A_584 = arith.mulf %get3A_458, %mul3A_583 : vector<16xf32>
        %slice3A_585 = vector.extract_strided_slice %select_n3A {offsets = [2], sizes = [1], strides = [1]} : vector<16xf32> to vector<1xf32>
        %squeeze3A_586 = vector.extract %slice3A_585[0] : f32 from vector<1xf32>
        %mul3A_587 = vector.broadcast %squeeze3A_586 : f32 to vector<16xf32>
        %mul3A_588 = arith.mulf %get3A_462, %mul3A_587 : vector<16xf32>
        %slice3A_589 = vector.extract_strided_slice %select_n3A {offsets = [3], sizes = [1], strides = [1]} : vector<16xf32> to vector<1xf32>
        %squeeze3A_590 = vector.extract %slice3A_589[0] : f32 from vector<1xf32>
        %mul3A_591 = vector.broadcast %squeeze3A_590 : f32 to vector<16xf32>
        %mul3A_592 = arith.mulf %get3A_466, %mul3A_591 : vector<16xf32>
        %slice3A_593 = vector.extract_strided_slice %select_n3A {offsets = [4], sizes = [1], strides = [1]} : vector<16xf32> to vector<1xf32>
        %squeeze3A_594 = vector.extract %slice3A_593[0] : f32 from vector<1xf32>
        %mul3A_595 = vector.broadcast %squeeze3A_594 : f32 to vector<16xf32>
        %mul3A_596 = arith.mulf %get3A_470, %mul3A_595 : vector<16xf32>
        %slice3A_597 = vector.extract_strided_slice %select_n3A {offsets = [5], sizes = [1], strides = [1]} : vector<16xf32> to vector<1xf32>
        %squeeze3A_598 = vector.extract %slice3A_597[0] : f32 from vector<1xf32>
        %mul3A_599 = vector.broadcast %squeeze3A_598 : f32 to vector<16xf32>
        %mul3A_600 = arith.mulf %get3A_474, %mul3A_599 : vector<16xf32>
        %slice3A_601 = vector.extract_strided_slice %select_n3A {offsets = [6], sizes = [1], strides = [1]} : vector<16xf32> to vector<1xf32>
        %squeeze3A_602 = vector.extract %slice3A_601[0] : f32 from vector<1xf32>
        %mul3A_603 = vector.broadcast %squeeze3A_602 : f32 to vector<16xf32>
        %mul3A_604 = arith.mulf %get3A_478, %mul3A_603 : vector<16xf32>
        %slice3A_605 = vector.extract_strided_slice %select_n3A {offsets = [7], sizes = [1], strides = [1]} : vector<16xf32> to vector<1xf32>
        %squeeze3A_606 = vector.extract %slice3A_605[0] : f32 from vector<1xf32>
        %mul3A_607 = vector.broadcast %squeeze3A_606 : f32 to vector<16xf32>
        %mul3A_608 = arith.mulf %get3A_482, %mul3A_607 : vector<16xf32>
        %slice3A_609 = vector.extract_strided_slice %select_n3A_414 {offsets = [0], sizes = [1], strides = [1]} : vector<16xf32> to vector<1xf32>
        %squeeze3A_610 = vector.extract %slice3A_609[0] : f32 from vector<1xf32>
        %mul3A_611 = vector.broadcast %squeeze3A_610 : f32 to vector<16xf32>
        %mul3A_612 = arith.mulf %get3A_486, %mul3A_611 : vector<16xf32>
        %slice3A_613 = vector.extract_strided_slice %select_n3A_414 {offsets = [1], sizes = [1], strides = [1]} : vector<16xf32> to vector<1xf32>
        %squeeze3A_614 = vector.extract %slice3A_613[0] : f32 from vector<1xf32>
        %mul3A_615 = vector.broadcast %squeeze3A_614 : f32 to vector<16xf32>
        %mul3A_616 = arith.mulf %get3A_490, %mul3A_615 : vector<16xf32>
        %slice3A_617 = vector.extract_strided_slice %select_n3A_414 {offsets = [2], sizes = [1], strides = [1]} : vector<16xf32> to vector<1xf32>
        %squeeze3A_618 = vector.extract %slice3A_617[0] : f32 from vector<1xf32>
        %mul3A_619 = vector.broadcast %squeeze3A_618 : f32 to vector<16xf32>
        %mul3A_620 = arith.mulf %get3A_494, %mul3A_619 : vector<16xf32>
        %slice3A_621 = vector.extract_strided_slice %select_n3A_414 {offsets = [3], sizes = [1], strides = [1]} : vector<16xf32> to vector<1xf32>
        %squeeze3A_622 = vector.extract %slice3A_621[0] : f32 from vector<1xf32>
        %mul3A_623 = vector.broadcast %squeeze3A_622 : f32 to vector<16xf32>
        %mul3A_624 = arith.mulf %get3A_498, %mul3A_623 : vector<16xf32>
        %slice3A_625 = vector.extract_strided_slice %select_n3A_414 {offsets = [4], sizes = [1], strides = [1]} : vector<16xf32> to vector<1xf32>
        %squeeze3A_626 = vector.extract %slice3A_625[0] : f32 from vector<1xf32>
        %mul3A_627 = vector.broadcast %squeeze3A_626 : f32 to vector<16xf32>
        %mul3A_628 = arith.mulf %get3A_502, %mul3A_627 : vector<16xf32>
        %slice3A_629 = vector.extract_strided_slice %select_n3A_414 {offsets = [5], sizes = [1], strides = [1]} : vector<16xf32> to vector<1xf32>
        %squeeze3A_630 = vector.extract %slice3A_629[0] : f32 from vector<1xf32>
        %mul3A_631 = vector.broadcast %squeeze3A_630 : f32 to vector<16xf32>
        %mul3A_632 = arith.mulf %get3A_506, %mul3A_631 : vector<16xf32>
        %slice3A_633 = vector.extract_strided_slice %select_n3A_414 {offsets = [6], sizes = [1], strides = [1]} : vector<16xf32> to vector<1xf32>
        %squeeze3A_634 = vector.extract %slice3A_633[0] : f32 from vector<1xf32>
        %mul3A_635 = vector.broadcast %squeeze3A_634 : f32 to vector<16xf32>
        %mul3A_636 = arith.mulf %get3A_510, %mul3A_635 : vector<16xf32>
        %slice3A_637 = vector.extract_strided_slice %select_n3A_414 {offsets = [7], sizes = [1], strides = [1]} : vector<16xf32> to vector<1xf32>
        %squeeze3A_638 = vector.extract %slice3A_637[0] : f32 from vector<1xf32>
        %mul3A_639 = vector.broadcast %squeeze3A_638 : f32 to vector<16xf32>
        %mul3A_640 = arith.mulf %get3A_514, %mul3A_639 : vector<16xf32>
        %slice3A_641 = vector.extract_strided_slice %select_n3A_422 {offsets = [0], sizes = [1], strides = [1]} : vector<16xf32> to vector<1xf32>
        %squeeze3A_642 = vector.extract %slice3A_641[0] : f32 from vector<1xf32>
        %mul3A_643 = vector.broadcast %squeeze3A_642 : f32 to vector<16xf32>
        %mul3A_644 = arith.mulf %get3A_518, %mul3A_643 : vector<16xf32>
        %slice3A_645 = vector.extract_strided_slice %select_n3A_422 {offsets = [1], sizes = [1], strides = [1]} : vector<16xf32> to vector<1xf32>
        %squeeze3A_646 = vector.extract %slice3A_645[0] : f32 from vector<1xf32>
        %mul3A_647 = vector.broadcast %squeeze3A_646 : f32 to vector<16xf32>
        %mul3A_648 = arith.mulf %get3A_522, %mul3A_647 : vector<16xf32>
        %slice3A_649 = vector.extract_strided_slice %select_n3A_422 {offsets = [2], sizes = [1], strides = [1]} : vector<16xf32> to vector<1xf32>
        %squeeze3A_650 = vector.extract %slice3A_649[0] : f32 from vector<1xf32>
        %mul3A_651 = vector.broadcast %squeeze3A_650 : f32 to vector<16xf32>
        %mul3A_652 = arith.mulf %get3A_526, %mul3A_651 : vector<16xf32>
        %slice3A_653 = vector.extract_strided_slice %select_n3A_422 {offsets = [3], sizes = [1], strides = [1]} : vector<16xf32> to vector<1xf32>
        %squeeze3A_654 = vector.extract %slice3A_653[0] : f32 from vector<1xf32>
        %mul3A_655 = vector.broadcast %squeeze3A_654 : f32 to vector<16xf32>
        %mul3A_656 = arith.mulf %get3A_530, %mul3A_655 : vector<16xf32>
        %slice3A_657 = vector.extract_strided_slice %select_n3A_422 {offsets = [4], sizes = [1], strides = [1]} : vector<16xf32> to vector<1xf32>
        %squeeze3A_658 = vector.extract %slice3A_657[0] : f32 from vector<1xf32>
        %mul3A_659 = vector.broadcast %squeeze3A_658 : f32 to vector<16xf32>
        %mul3A_660 = arith.mulf %get3A_534, %mul3A_659 : vector<16xf32>
        %slice3A_661 = vector.extract_strided_slice %select_n3A_422 {offsets = [5], sizes = [1], strides = [1]} : vector<16xf32> to vector<1xf32>
        %squeeze3A_662 = vector.extract %slice3A_661[0] : f32 from vector<1xf32>
        %mul3A_663 = vector.broadcast %squeeze3A_662 : f32 to vector<16xf32>
        %mul3A_664 = arith.mulf %get3A_538, %mul3A_663 : vector<16xf32>
        %slice3A_665 = vector.extract_strided_slice %select_n3A_422 {offsets = [6], sizes = [1], strides = [1]} : vector<16xf32> to vector<1xf32>
        %squeeze3A_666 = vector.extract %slice3A_665[0] : f32 from vector<1xf32>
        %mul3A_667 = vector.broadcast %squeeze3A_666 : f32 to vector<16xf32>
        %mul3A_668 = arith.mulf %get3A_542, %mul3A_667 : vector<16xf32>
        %slice3A_669 = vector.extract_strided_slice %select_n3A_422 {offsets = [7], sizes = [1], strides = [1]} : vector<16xf32> to vector<1xf32>
        %squeeze3A_670 = vector.extract %slice3A_669[0] : f32 from vector<1xf32>
        %mul3A_671 = vector.broadcast %squeeze3A_670 : f32 to vector<16xf32>
        %mul3A_672 = arith.mulf %get3A_546, %mul3A_671 : vector<16xf32>
        %slice3A_673 = vector.extract_strided_slice %select_n3A_430 {offsets = [0], sizes = [1], strides = [1]} : vector<16xf32> to vector<1xf32>
        %squeeze3A_674 = vector.extract %slice3A_673[0] : f32 from vector<1xf32>
        %mul3A_675 = vector.broadcast %squeeze3A_674 : f32 to vector<16xf32>
        %mul3A_676 = arith.mulf %get3A_550, %mul3A_675 : vector<16xf32>
        %slice3A_677 = vector.extract_strided_slice %select_n3A_430 {offsets = [1], sizes = [1], strides = [1]} : vector<16xf32> to vector<1xf32>
        %squeeze3A_678 = vector.extract %slice3A_677[0] : f32 from vector<1xf32>
        %mul3A_679 = vector.broadcast %squeeze3A_678 : f32 to vector<16xf32>
        %mul3A_680 = arith.mulf %get3A_554, %mul3A_679 : vector<16xf32>
        %slice3A_681 = vector.extract_strided_slice %select_n3A_430 {offsets = [2], sizes = [1], strides = [1]} : vector<16xf32> to vector<1xf32>
        %squeeze3A_682 = vector.extract %slice3A_681[0] : f32 from vector<1xf32>
        %mul3A_683 = vector.broadcast %squeeze3A_682 : f32 to vector<16xf32>
        %mul3A_684 = arith.mulf %get3A_558, %mul3A_683 : vector<16xf32>
        %slice3A_685 = vector.extract_strided_slice %select_n3A_430 {offsets = [3], sizes = [1], strides = [1]} : vector<16xf32> to vector<1xf32>
        %squeeze3A_686 = vector.extract %slice3A_685[0] : f32 from vector<1xf32>
        %mul3A_687 = vector.broadcast %squeeze3A_686 : f32 to vector<16xf32>
        %mul3A_688 = arith.mulf %get3A_562, %mul3A_687 : vector<16xf32>
        %slice3A_689 = vector.extract_strided_slice %select_n3A_430 {offsets = [4], sizes = [1], strides = [1]} : vector<16xf32> to vector<1xf32>
        %squeeze3A_690 = vector.extract %slice3A_689[0] : f32 from vector<1xf32>
        %mul3A_691 = vector.broadcast %squeeze3A_690 : f32 to vector<16xf32>
        %mul3A_692 = arith.mulf %get3A_566, %mul3A_691 : vector<16xf32>
        %slice3A_693 = vector.extract_strided_slice %select_n3A_430 {offsets = [5], sizes = [1], strides = [1]} : vector<16xf32> to vector<1xf32>
        %squeeze3A_694 = vector.extract %slice3A_693[0] : f32 from vector<1xf32>
        %mul3A_695 = vector.broadcast %squeeze3A_694 : f32 to vector<16xf32>
        %mul3A_696 = arith.mulf %get3A_570, %mul3A_695 : vector<16xf32>
        %slice3A_697 = vector.extract_strided_slice %select_n3A_430 {offsets = [6], sizes = [1], strides = [1]} : vector<16xf32> to vector<1xf32>
        %squeeze3A_698 = vector.extract %slice3A_697[0] : f32 from vector<1xf32>
        %mul3A_699 = vector.broadcast %squeeze3A_698 : f32 to vector<16xf32>
        %mul3A_700 = arith.mulf %get3A_574, %mul3A_699 : vector<16xf32>
        %slice3A_701 = vector.extract_strided_slice %select_n3A_430 {offsets = [7], sizes = [1], strides = [1]} : vector<16xf32> to vector<1xf32>
        %squeeze3A_702 = vector.extract %slice3A_701[0] : f32 from vector<1xf32>
        %mul3A_703 = vector.broadcast %squeeze3A_702 : f32 to vector<16xf32>
        %mul3A_704 = arith.mulf %get3A_578, %mul3A_703 : vector<16xf32>
        %swap3A_705 = arith.index_cast %add3A_354 : i32 to index
        %swap3A_706 = arith.constant 0 : index
        %swap3A_707 = tpu.vector_load %arg18[%swap3A_705, %swap3A_706] {strides = array<i32>} : memref<80x128xf32, #tpu.memory_space<vmem>>, vector<1x16xf32>,
        %swap3A_708 = vector.shape_cast %swap3A_707 : vector<1x16xf32> to vector<16xf32>
        %swap3A_709 = vector.shape_cast %mul3A_580 : vector<16xf32> to vector<1x16xf32>
        tpu.vector_store %arg18[%swap3A_705, %swap3A_706], %swap3A_709 {strides = array<i32>} : memref<80x128xf32, #tpu.memory_space<vmem>>, vector<1x16xf32>,
        %swap3A_710 = arith.index_cast %add3A_354 : i32 to index
        %swap3A_711 = arith.constant 16 : index
        %swap3A_712 = tpu.vector_load %arg18[%swap3A_710, %swap3A_711] {strides = array<i32>} : memref<80x128xf32, #tpu.memory_space<vmem>>, vector<1x16xf32>,
        %swap3A_713 = vector.shape_cast %swap3A_712 : vector<1x16xf32> to vector<16xf32>
        %swap3A_714 = vector.shape_cast %mul3A_584 : vector<16xf32> to vector<1x16xf32>
        tpu.vector_store %arg18[%swap3A_710, %swap3A_711], %swap3A_714 {strides = array<i32>} : memref<80x128xf32, #tpu.memory_space<vmem>>, vector<1x16xf32>,
        %swap3A_715 = arith.index_cast %add3A_354 : i32 to index
        %swap3A_716 = arith.constant 32 : index
        %swap3A_717 = tpu.vector_load %arg18[%swap3A_715, %swap3A_716] {strides = array<i32>} : memref<80x128xf32, #tpu.memory_space<vmem>>, vector<1x16xf32>,
        %swap3A_718 = vector.shape_cast %swap3A_717 : vector<1x16xf32> to vector<16xf32>
        %swap3A_719 = vector.shape_cast %mul3A_588 : vector<16xf32> to vector<1x16xf32>
        tpu.vector_store %arg18[%swap3A_715, %swap3A_716], %swap3A_719 {strides = array<i32>} : memref<80x128xf32, #tpu.memory_space<vmem>>, vector<1x16xf32>,
        %swap3A_720 = arith.index_cast %add3A_354 : i32 to index
        %swap3A_721 = arith.constant 48 : index
        %swap3A_722 = tpu.vector_load %arg18[%swap3A_720, %swap3A_721] {strides = array<i32>} : memref<80x128xf32, #tpu.memory_space<vmem>>, vector<1x16xf32>,
        %swap3A_723 = vector.shape_cast %swap3A_722 : vector<1x16xf32> to vector<16xf32>
        %swap3A_724 = vector.shape_cast %mul3A_592 : vector<16xf32> to vector<1x16xf32>
        tpu.vector_store %arg18[%swap3A_720, %swap3A_721], %swap3A_724 {strides = array<i32>} : memref<80x128xf32, #tpu.memory_space<vmem>>, vector<1x16xf32>,
        %swap3A_725 = arith.index_cast %add3A_354 : i32 to index
        %swap3A_726 = arith.constant 64 : index
        %swap3A_727 = tpu.vector_load %arg18[%swap3A_725, %swap3A_726] {strides = array<i32>} : memref<80x128xf32, #tpu.memory_space<vmem>>, vector<1x16xf32>,
        %swap3A_728 = vector.shape_cast %swap3A_727 : vector<1x16xf32> to vector<16xf32>
        %swap3A_729 = vector.shape_cast %mul3A_596 : vector<16xf32> to vector<1x16xf32>
        tpu.vector_store %arg18[%swap3A_725, %swap3A_726], %swap3A_729 {strides = array<i32>} : memref<80x128xf32, #tpu.memory_space<vmem>>, vector<1x16xf32>,
        %swap3A_730 = arith.index_cast %add3A_354 : i32 to index
        %swap3A_731 = arith.constant 80 : index
        %swap3A_732 = tpu.vector_load %arg18[%swap3A_730, %swap3A_731] {strides = array<i32>} : memref<80x128xf32, #tpu.memory_space<vmem>>, vector<1x16xf32>,
        %swap3A_733 = vector.shape_cast %swap3A_732 : vector<1x16xf32> to vector<16xf32>
        %swap3A_734 = vector.shape_cast %mul3A_600 : vector<16xf32> to vector<1x16xf32>
        tpu.vector_store %arg18[%swap3A_730, %swap3A_731], %swap3A_734 {strides = array<i32>} : memref<80x128xf32, #tpu.memory_space<vmem>>, vector<1x16xf32>,
        %swap3A_735 = arith.index_cast %add3A_354 : i32 to index
        %swap3A_736 = arith.constant 96 : index
        %swap3A_737 = tpu.vector_load %arg18[%swap3A_735, %swap3A_736] {strides = array<i32>} : memref<80x128xf32, #tpu.memory_space<vmem>>, vector<1x16xf32>,
        %swap3A_738 = vector.shape_cast %swap3A_737 : vector<1x16xf32> to vector<16xf32>
        %swap3A_739 = vector.shape_cast %mul3A_604 : vector<16xf32> to vector<1x16xf32>
        tpu.vector_store %arg18[%swap3A_735, %swap3A_736], %swap3A_739 {strides = array<i32>} : memref<80x128xf32, #tpu.memory_space<vmem>>, vector<1x16xf32>,
        %swap3A_740 = arith.index_cast %add3A_354 : i32 to index
        %swap3A_741 = arith.constant 112 : index
        %swap3A_742 = tpu.vector_load %arg18[%swap3A_740, %swap3A_741] {strides = array<i32>} : memref<80x128xf32, #tpu.memory_space<vmem>>, vector<1x16xf32>,
        %swap3A_743 = vector.shape_cast %swap3A_742 : vector<1x16xf32> to vector<16xf32>
        %swap3A_744 = vector.shape_cast %mul3A_608 : vector<16xf32> to vector<1x16xf32>
        tpu.vector_store %arg18[%swap3A_740, %swap3A_741], %swap3A_744 {strides = array<i32>} : memref<80x128xf32, #tpu.memory_space<vmem>>, vector<1x16xf32>,
        %swap3A_745 = arith.index_cast %add3A_358 : i32 to index
        %swap3A_746 = arith.constant 0 : index
        %swap3A_747 = tpu.vector_load %arg18[%swap3A_745, %swap3A_746] {strides = array<i32>} : memref<80x128xf32, #tpu.memory_space<vmem>>, vector<1x16xf32>,
        %swap3A_748 = vector.shape_cast %swap3A_747 : vector<1x16xf32> to vector<16xf32>
        %swap3A_749 = vector.shape_cast %mul3A_612 : vector<16xf32> to vector<1x16xf32>
        tpu.vector_store %arg18[%swap3A_745, %swap3A_746], %swap3A_749 {strides = array<i32>} : memref<80x128xf32, #tpu.memory_space<vmem>>, vector<1x16xf32>,
        %swap3A_750 = arith.index_cast %add3A_358 : i32 to index
        %swap3A_751 = arith.constant 16 : index
        %swap3A_752 = tpu.vector_load %arg18[%swap3A_750, %swap3A_751] {strides = array<i32>} : memref<80x128xf32, #tpu.memory_space<vmem>>, vector<1x16xf32>,
        %swap3A_753 = vector.shape_cast %swap3A_752 : vector<1x16xf32> to vector<16xf32>
        %swap3A_754 = vector.shape_cast %mul3A_616 : vector<16xf32> to vector<1x16xf32>
        tpu.vector_store %arg18[%swap3A_750, %swap3A_751], %swap3A_754 {strides = array<i32>} : memref<80x128xf32, #tpu.memory_space<vmem>>, vector<1x16xf32>,
        %swap3A_755 = arith.index_cast %add3A_358 : i32 to index
        %swap3A_756 = arith.constant 32 : index
        %swap3A_757 = tpu.vector_load %arg18[%swap3A_755, %swap3A_756] {strides = array<i32>} : memref<80x128xf32, #tpu.memory_space<vmem>>, vector<1x16xf32>,
        %swap3A_758 = vector.shape_cast %swap3A_757 : vector<1x16xf32> to vector<16xf32>
        %swap3A_759 = vector.shape_cast %mul3A_620 : vector<16xf32> to vector<1x16xf32>
        tpu.vector_store %arg18[%swap3A_755, %swap3A_756], %swap3A_759 {strides = array<i32>} : memref<80x128xf32, #tpu.memory_space<vmem>>, vector<1x16xf32>,
        %swap3A_760 = arith.index_cast %add3A_358 : i32 to index
        %swap3A_761 = arith.constant 48 : index
        %swap3A_762 = tpu.vector_load %arg18[%swap3A_760, %swap3A_761] {strides = array<i32>} : memref<80x128xf32, #tpu.memory_space<vmem>>, vector<1x16xf32>,
        %swap3A_763 = vector.shape_cast %swap3A_762 : vector<1x16xf32> to vector<16xf32>
        %swap3A_764 = vector.shape_cast %mul3A_624 : vector<16xf32> to vector<1x16xf32>
        tpu.vector_store %arg18[%swap3A_760, %swap3A_761], %swap3A_764 {strides = array<i32>} : memref<80x128xf32, #tpu.memory_space<vmem>>, vector<1x16xf32>,
        %swap3A_765 = arith.index_cast %add3A_358 : i32 to index
        %swap3A_766 = arith.constant 64 : index
        %swap3A_767 = tpu.vector_load %arg18[%swap3A_765, %swap3A_766] {strides = array<i32>} : memref<80x128xf32, #tpu.memory_space<vmem>>, vector<1x16xf32>,
        %swap3A_768 = vector.shape_cast %swap3A_767 : vector<1x16xf32> to vector<16xf32>
        %swap3A_769 = vector.shape_cast %mul3A_628 : vector<16xf32> to vector<1x16xf32>
        tpu.vector_store %arg18[%swap3A_765, %swap3A_766], %swap3A_769 {strides = array<i32>} : memref<80x128xf32, #tpu.memory_space<vmem>>, vector<1x16xf32>,
        %swap3A_770 = arith.index_cast %add3A_358 : i32 to index
        %swap3A_771 = arith.constant 80 : index
        %swap3A_772 = tpu.vector_load %arg18[%swap3A_770, %swap3A_771] {strides = array<i32>} : memref<80x128xf32, #tpu.memory_space<vmem>>, vector<1x16xf32>,
        %swap3A_773 = vector.shape_cast %swap3A_772 : vector<1x16xf32> to vector<16xf32>
        %swap3A_774 = vector.shape_cast %mul3A_632 : vector<16xf32> to vector<1x16xf32>
        tpu.vector_store %arg18[%swap3A_770, %swap3A_771], %swap3A_774 {strides = array<i32>} : memref<80x128xf32, #tpu.memory_space<vmem>>, vector<1x16xf32>,
        %swap3A_775 = arith.index_cast %add3A_358 : i32 to index
        %swap3A_776 = arith.constant 96 : index
        %swap3A_777 = tpu.vector_load %arg18[%swap3A_775, %swap3A_776] {strides = array<i32>} : memref<80x128xf32, #tpu.memory_space<vmem>>, vector<1x16xf32>,
        %swap3A_778 = vector.shape_cast %swap3A_777 : vector<1x16xf32> to vector<16xf32>
        %swap3A_779 = vector.shape_cast %mul3A_636 : vector<16xf32> to vector<1x16xf32>
        tpu.vector_store %arg18[%swap3A_775, %swap3A_776], %swap3A_779 {strides = array<i32>} : memref<80x128xf32, #tpu.memory_space<vmem>>, vector<1x16xf32>,
        %swap3A_780 = arith.index_cast %add3A_358 : i32 to index
        %swap3A_781 = arith.constant 112 : index
        %swap3A_782 = tpu.vector_load %arg18[%swap3A_780, %swap3A_781] {strides = array<i32>} : memref<80x128xf32, #tpu.memory_space<vmem>>, vector<1x16xf32>,
        %swap3A_783 = vector.shape_cast %swap3A_782 : vector<1x16xf32> to vector<16xf32>
        %swap3A_784 = vector.shape_cast %mul3A_640 : vector<16xf32> to vector<1x16xf32>
        tpu.vector_store %arg18[%swap3A_780, %swap3A_781], %swap3A_784 {strides = array<i32>} : memref<80x128xf32, #tpu.memory_space<vmem>>, vector<1x16xf32>,
        %swap3A_785 = arith.index_cast %add3A_362 : i32 to index
        %swap3A_786 = arith.constant 0 : index
        %swap3A_787 = tpu.vector_load %arg18[%swap3A_785, %swap3A_786] {strides = array<i32>} : memref<80x128xf32, #tpu.memory_space<vmem>>, vector<1x16xf32>,
        %swap3A_788 = vector.shape_cast %swap3A_787 : vector<1x16xf32> to vector<16xf32>
        %swap3A_789 = vector.shape_cast %mul3A_644 : vector<16xf32> to vector<1x16xf32>
        tpu.vector_store %arg18[%swap3A_785, %swap3A_786], %swap3A_789 {strides = array<i32>} : memref<80x128xf32, #tpu.memory_space<vmem>>, vector<1x16xf32>,
        %swap3A_790 = arith.index_cast %add3A_362 : i32 to index
        %swap3A_791 = arith.constant 16 : index
        %swap3A_792 = tpu.vector_load %arg18[%swap3A_790, %swap3A_791] {strides = array<i32>} : memref<80x128xf32, #tpu.memory_space<vmem>>, vector<1x16xf32>,
        %swap3A_793 = vector.shape_cast %swap3A_792 : vector<1x16xf32> to vector<16xf32>
        %swap3A_794 = vector.shape_cast %mul3A_648 : vector<16xf32> to vector<1x16xf32>
        tpu.vector_store %arg18[%swap3A_790, %swap3A_791], %swap3A_794 {strides = array<i32>} : memref<80x128xf32, #tpu.memory_space<vmem>>, vector<1x16xf32>,
        %swap3A_795 = arith.index_cast %add3A_362 : i32 to index
        %swap3A_796 = arith.constant 32 : index
        %swap3A_797 = tpu.vector_load %arg18[%swap3A_795, %swap3A_796] {strides = array<i32>} : memref<80x128xf32, #tpu.memory_space<vmem>>, vector<1x16xf32>,
        %swap3A_798 = vector.shape_cast %swap3A_797 : vector<1x16xf32> to vector<16xf32>
        %swap3A_799 = vector.shape_cast %mul3A_652 : vector<16xf32> to vector<1x16xf32>
        tpu.vector_store %arg18[%swap3A_795, %swap3A_796], %swap3A_799 {strides = array<i32>} : memref<80x128xf32, #tpu.memory_space<vmem>>, vector<1x16xf32>,
        %swap3A_800 = arith.index_cast %add3A_362 : i32 to index
        %swap3A_801 = arith.constant 48 : index
        %swap3A_802 = tpu.vector_load %arg18[%swap3A_800, %swap3A_801] {strides = array<i32>} : memref<80x128xf32, #tpu.memory_space<vmem>>, vector<1x16xf32>,
        %swap3A_803 = vector.shape_cast %swap3A_802 : vector<1x16xf32> to vector<16xf32>
        %swap3A_804 = vector.shape_cast %mul3A_656 : vector<16xf32> to vector<1x16xf32>
        tpu.vector_store %arg18[%swap3A_800, %swap3A_801], %swap3A_804 {strides = array<i32>} : memref<80x128xf32, #tpu.memory_space<vmem>>, vector<1x16xf32>,
        %swap3A_805 = arith.index_cast %add3A_362 : i32 to index
        %swap3A_806 = arith.constant 64 : index
        %swap3A_807 = tpu.vector_load %arg18[%swap3A_805, %swap3A_806] {strides = array<i32>} : memref<80x128xf32, #tpu.memory_space<vmem>>, vector<1x16xf32>,
        %swap3A_808 = vector.shape_cast %swap3A_807 : vector<1x16xf32> to vector<16xf32>
        %swap3A_809 = vector.shape_cast %mul3A_660 : vector<16xf32> to vector<1x16xf32>
        tpu.vector_store %arg18[%swap3A_805, %swap3A_806], %swap3A_809 {strides = array<i32>} : memref<80x128xf32, #tpu.memory_space<vmem>>, vector<1x16xf32>,
        %swap3A_810 = arith.index_cast %add3A_362 : i32 to index
        %swap3A_811 = arith.constant 80 : index
        %swap3A_812 = tpu.vector_load %arg18[%swap3A_810, %swap3A_811] {strides = array<i32>} : memref<80x128xf32, #tpu.memory_space<vmem>>, vector<1x16xf32>,
        %swap3A_813 = vector.shape_cast %swap3A_812 : vector<1x16xf32> to vector<16xf32>
        %swap3A_814 = vector.shape_cast %mul3A_664 : vector<16xf32> to vector<1x16xf32>
        tpu.vector_store %arg18[%swap3A_810, %swap3A_811], %swap3A_814 {strides = array<i32>} : memref<80x128xf32, #tpu.memory_space<vmem>>, vector<1x16xf32>,
        %swap3A_815 = arith.index_cast %add3A_362 : i32 to index
        %swap3A_816 = arith.constant 96 : index
        %swap3A_817 = tpu.vector_load %arg18[%swap3A_815, %swap3A_816] {strides = array<i32>} : memref<80x128xf32, #tpu.memory_space<vmem>>, vector<1x16xf32>,
        %swap3A_818 = vector.shape_cast %swap3A_817 : vector<1x16xf32> to vector<16xf32>
        %swap3A_819 = vector.shape_cast %mul3A_668 : vector<16xf32> to vector<1x16xf32>
        tpu.vector_store %arg18[%swap3A_815, %swap3A_816], %swap3A_819 {strides = array<i32>} : memref<80x128xf32, #tpu.memory_space<vmem>>, vector<1x16xf32>,
        %swap3A_820 = arith.index_cast %add3A_362 : i32 to index
        %swap3A_821 = arith.constant 112 : index
        %swap3A_822 = tpu.vector_load %arg18[%swap3A_820, %swap3A_821] {strides = array<i32>} : memref<80x128xf32, #tpu.memory_space<vmem>>, vector<1x16xf32>,
        %swap3A_823 = vector.shape_cast %swap3A_822 : vector<1x16xf32> to vector<16xf32>
        %swap3A_824 = vector.shape_cast %mul3A_672 : vector<16xf32> to vector<1x16xf32>
        tpu.vector_store %arg18[%swap3A_820, %swap3A_821], %swap3A_824 {strides = array<i32>} : memref<80x128xf32, #tpu.memory_space<vmem>>, vector<1x16xf32>,
        %swap3A_825 = arith.index_cast %add3A_366 : i32 to index
        %swap3A_826 = arith.constant 0 : index
        %swap3A_827 = tpu.vector_load %arg18[%swap3A_825, %swap3A_826] {strides = array<i32>} : memref<80x128xf32, #tpu.memory_space<vmem>>, vector<1x16xf32>,
        %swap3A_828 = vector.shape_cast %swap3A_827 : vector<1x16xf32> to vector<16xf32>
        %swap3A_829 = vector.shape_cast %mul3A_676 : vector<16xf32> to vector<1x16xf32>
        tpu.vector_store %arg18[%swap3A_825, %swap3A_826], %swap3A_829 {strides = array<i32>} : memref<80x128xf32, #tpu.memory_space<vmem>>, vector<1x16xf32>,
        %swap3A_830 = arith.index_cast %add3A_366 : i32 to index
        %swap3A_831 = arith.constant 16 : index
        %swap3A_832 = tpu.vector_load %arg18[%swap3A_830, %swap3A_831] {strides = array<i32>} : memref<80x128xf32, #tpu.memory_space<vmem>>, vector<1x16xf32>,
        %swap3A_833 = vector.shape_cast %swap3A_832 : vector<1x16xf32> to vector<16xf32>
        %swap3A_834 = vector.shape_cast %mul3A_680 : vector<16xf32> to vector<1x16xf32>
        tpu.vector_store %arg18[%swap3A_830, %swap3A_831], %swap3A_834 {strides = array<i32>} : memref<80x128xf32, #tpu.memory_space<vmem>>, vector<1x16xf32>,
        %swap3A_835 = arith.index_cast %add3A_366 : i32 to index
        %swap3A_836 = arith.constant 32 : index
        %swap3A_837 = tpu.vector_load %arg18[%swap3A_835, %swap3A_836] {strides = array<i32>} : memref<80x128xf32, #tpu.memory_space<vmem>>, vector<1x16xf32>,
        %swap3A_838 = vector.shape_cast %swap3A_837 : vector<1x16xf32> to vector<16xf32>
        %swap3A_839 = vector.shape_cast %mul3A_684 : vector<16xf32> to vector<1x16xf32>
        tpu.vector_store %arg18[%swap3A_835, %swap3A_836], %swap3A_839 {strides = array<i32>} : memref<80x128xf32, #tpu.memory_space<vmem>>, vector<1x16xf32>,
        %swap3A_840 = arith.index_cast %add3A_366 : i32 to index
        %swap3A_841 = arith.constant 48 : index
        %swap3A_842 = tpu.vector_load %arg18[%swap3A_840, %swap3A_841] {strides = array<i32>} : memref<80x128xf32, #tpu.memory_space<vmem>>, vector<1x16xf32>,
        %swap3A_843 = vector.shape_cast %swap3A_842 : vector<1x16xf32> to vector<16xf32>
        %swap3A_844 = vector.shape_cast %mul3A_688 : vector<16xf32> to vector<1x16xf32>
        tpu.vector_store %arg18[%swap3A_840, %swap3A_841], %swap3A_844 {strides = array<i32>} : memref<80x128xf32, #tpu.memory_space<vmem>>, vector<1x16xf32>,
        %swap3A_845 = arith.index_cast %add3A_366 : i32 to index
        %swap3A_846 = arith.constant 64 : index
        %swap3A_847 = tpu.vector_load %arg18[%swap3A_845, %swap3A_846] {strides = array<i32>} : memref<80x128xf32, #tpu.memory_space<vmem>>, vector<1x16xf32>,
        %swap3A_848 = vector.shape_cast %swap3A_847 : vector<1x16xf32> to vector<16xf32>
        %swap3A_849 = vector.shape_cast %mul3A_692 : vector<16xf32> to vector<1x16xf32>
        tpu.vector_store %arg18[%swap3A_845, %swap3A_846], %swap3A_849 {strides = array<i32>} : memref<80x128xf32, #tpu.memory_space<vmem>>, vector<1x16xf32>,
        %swap3A_850 = arith.index_cast %add3A_366 : i32 to index
        %swap3A_851 = arith.constant 80 : index
        %swap3A_852 = tpu.vector_load %arg18[%swap3A_850, %swap3A_851] {strides = array<i32>} : memref<80x128xf32, #tpu.memory_space<vmem>>, vector<1x16xf32>,
        %swap3A_853 = vector.shape_cast %swap3A_852 : vector<1x16xf32> to vector<16xf32>
        %swap3A_854 = vector.shape_cast %mul3A_696 : vector<16xf32> to vector<1x16xf32>
        tpu.vector_store %arg18[%swap3A_850, %swap3A_851], %swap3A_854 {strides = array<i32>} : memref<80x128xf32, #tpu.memory_space<vmem>>, vector<1x16xf32>,
        %swap3A_855 = arith.index_cast %add3A_366 : i32 to index
        %swap3A_856 = arith.constant 96 : index
        %swap3A_857 = tpu.vector_load %arg18[%swap3A_855, %swap3A_856] {strides = array<i32>} : memref<80x128xf32, #tpu.memory_space<vmem>>, vector<1x16xf32>,
        %swap3A_858 = vector.shape_cast %swap3A_857 : vector<1x16xf32> to vector<16xf32>
        %swap3A_859 = vector.shape_cast %mul3A_700 : vector<16xf32> to vector<1x16xf32>
        tpu.vector_store %arg18[%swap3A_855, %swap3A_856], %swap3A_859 {strides = array<i32>} : memref<80x128xf32, #tpu.memory_space<vmem>>, vector<1x16xf32>,
        %swap3A_860 = arith.index_cast %add3A_366 : i32 to index
        %swap3A_861 = arith.constant 112 : index
        %swap3A_862 = tpu.vector_load %arg18[%swap3A_860, %swap3A_861] {strides = array<i32>} : memref<80x128xf32, #tpu.memory_space<vmem>>, vector<1x16xf32>,
        %swap3A_863 = vector.shape_cast %swap3A_862 : vector<1x16xf32> to vector<16xf32>
        %swap3A_864 = vector.shape_cast %mul3A_704 : vector<16xf32> to vector<1x16xf32>
        tpu.vector_store %arg18[%swap3A_860, %swap3A_861], %swap3A_864 {strides = array<i32>} : memref<80x128xf32, #tpu.memory_space<vmem>>, vector<1x16xf32>,
      }
      %scan3A_294 = arith.constant 20 : i32
      %get3A_295 = arith.constant 0 : index
      %get3A_296 = tpu.vector_load %arg16[%get3A_295] {strides = array<i32>} : memref<80xi32, #tpu.memory_space<vmem>>, vector<16xi32>,
      %get3A_297 = vector.shape_cast %get3A_296 : vector<16xi32> to vector<16xi32>
      %swap3A_298 = arith.constant 0 : index
      %swap3A_299 = tpu.vector_load %arg23[%swap3A_298] {strides = array<i32>} : memref<80xi32, #tpu.memory_space<vmem>>, vector<16xi32>,
      %swap3A_300 = vector.shape_cast %swap3A_299 : vector<16xi32> to vector<16xi32>
      %swap3A_301 = vector.shape_cast %get3A_297 : vector<16xi32> to vector<16xi32>
      tpu.vector_store %arg23[%swap3A_298], %swap3A_301 {strides = array<i32>} : memref<80xi32, #tpu.memory_space<vmem>>, vector<16xi32>,
      %get3A_302 = arith.constant 16 : index
      %get3A_303 = tpu.vector_load %arg16[%get3A_302] {strides = array<i32>} : memref<80xi32, #tpu.memory_space<vmem>>, vector<16xi32>,
      %get3A_304 = vector.shape_cast %get3A_303 : vector<16xi32> to vector<16xi32>
      %swap3A_305 = arith.constant 16 : index
      %swap3A_306 = tpu.vector_load %arg23[%swap3A_305] {strides = array<i32>} : memref<80xi32, #tpu.memory_space<vmem>>, vector<16xi32>,
      %swap3A_307 = vector.shape_cast %swap3A_306 : vector<16xi32> to vector<16xi32>
      %swap3A_308 = vector.shape_cast %get3A_304 : vector<16xi32> to vector<16xi32>
      tpu.vector_store %arg23[%swap3A_305], %swap3A_308 {strides = array<i32>} : memref<80xi32, #tpu.memory_space<vmem>>, vector<16xi32>,
      %get3A_309 = arith.constant 32 : index
      %get3A_310 = tpu.vector_load %arg16[%get3A_309] {strides = array<i32>} : memref<80xi32, #tpu.memory_space<vmem>>, vector<16xi32>,
      %get3A_311 = vector.shape_cast %get3A_310 : vector<16xi32> to vector<16xi32>
      %swap3A_312 = arith.constant 32 : index
      %swap3A_313 = tpu.vector_load %arg23[%swap3A_312] {strides = array<i32>} : memref<80xi32, #tpu.memory_space<vmem>>, vector<16xi32>,
      %swap3A_314 = vector.shape_cast %swap3A_313 : vector<16xi32> to vector<16xi32>
      %swap3A_315 = vector.shape_cast %get3A_311 : vector<16xi32> to vector<16xi32>
      tpu.vector_store %arg23[%swap3A_312], %swap3A_315 {strides = array<i32>} : memref<80xi32, #tpu.memory_space<vmem>>, vector<16xi32>,
      %get3A_316 = arith.constant 48 : index
      %get3A_317 = tpu.vector_load %arg16[%get3A_316] {strides = array<i32>} : memref<80xi32, #tpu.memory_space<vmem>>, vector<16xi32>,
      %get3A_318 = vector.shape_cast %get3A_317 : vector<16xi32> to vector<16xi32>
      %swap3A_319 = arith.constant 48 : index
      %swap3A_320 = tpu.vector_load %arg23[%swap3A_319] {strides = array<i32>} : memref<80xi32, #tpu.memory_space<vmem>>, vector<16xi32>,
      %swap3A_321 = vector.shape_cast %swap3A_320 : vector<16xi32> to vector<16xi32>
      %swap3A_322 = vector.shape_cast %get3A_318 : vector<16xi32> to vector<16xi32>
      tpu.vector_store %arg23[%swap3A_319], %swap3A_322 {strides = array<i32>} : memref<80xi32, #tpu.memory_space<vmem>>, vector<16xi32>,
      %get3A_323 = arith.constant 64 : index
      %get3A_324 = tpu.vector_load %arg16[%get3A_323] {strides = array<i32>} : memref<80xi32, #tpu.memory_space<vmem>>, vector<16xi32>,
      %get3A_325 = vector.shape_cast %get3A_324 : vector<16xi32> to vector<16xi32>
      %swap3A_326 = arith.constant 64 : index
      %swap3A_327 = tpu.vector_load %arg23[%swap3A_326] {strides = array<i32>} : memref<80xi32, #tpu.memory_space<vmem>>, vector<16xi32>,
      %swap3A_328 = vector.shape_cast %swap3A_327 : vector<16xi32> to vector<16xi32>
      %swap3A_329 = vector.shape_cast %get3A_325 : vector<16xi32> to vector<16xi32>
      tpu.vector_store %arg23[%swap3A_326], %swap3A_329 {strides = array<i32>} : memref<80xi32, #tpu.memory_space<vmem>>, vector<16xi32>,
      %dma_start3A_330 = arith.constant 0 : i32
      %dma_start3A_331 = arith.constant 0 : i32
      %dma_start3A_332 = tpu.memref_slice %arg24[%dma_start3A_330, %dma_start3A_331] : memref<10240x128xf32, #tpu.memory_space<vmem_shared>> -> memref<10240x128xf32, #tpu.memory_space<vmem_shared>>
      tpu.enqueue_indirect_dma source(%arg18 : memref<80x128xf32, #tpu.memory_space<vmem>>) target(%dma_start3A_332 : memref<10240x128xf32, #tpu.memory_space<vmem_shared>>) offsets(%arg23 : memref<80xi32, #tpu.memory_space<vmem>>) semaphore(%arg31 : memref<!tpu.dma_semaphore, #tpu.memory_space<semaphore_mem>>) {add = true}
      %dma_start3A_333 = arith.constant 0 : i32
      %dma_start3A_334 = arith.constant 0 : i32
      %dma_start3A_335 = tpu.memref_slice %arg25[%dma_start3A_333, %dma_start3A_334] : memref<10240x16xf32, #tpu.memory_space<vmem_shared>> -> memref<10240x16xf32, #tpu.memory_space<vmem_shared>>
      tpu.enqueue_indirect_dma source(%arg21 : memref<80x16xf32, #tpu.memory_space<vmem>>) target(%dma_start3A_335 : memref<10240x16xf32, #tpu.memory_space<vmem_shared>>) offsets(%arg23 : memref<80xi32, #tpu.memory_space<vmem>>) semaphore(%arg31 : memref<!tpu.dma_semaphore, #tpu.memory_space<semaphore_mem>>) {add = true}
      %add3A_336 = arith.constant 2 : i32
      %add3A_337 = arith.addi %add3A_262, %add3A_336 : i32
      %le3A_338 = arith.constant 124 : i32
      %le3A_339 = arith.cmpi sle, %add3A_337, %le3A_338 : i32
      %convert_element_type3A_340 = arith.extui %le3A_339 : i1 to i32
      %cond3A_341 = arith.constant 0 : i32
      %cond3A_342 = arith.cmpi ne, %convert_element_type3A_340, %cond3A_341 : i32
      scf.if %cond3A_342 {
        %add3A_350 = arith.constant 2 : i32
        %add3A_351 = arith.addi %add3A_262, %add3A_350 : i32
        %mul3A_352 = arith.constant 80 : i32
        %mul3A_353 = arith.muli %add3A_351, %mul3A_352 : i32
        %add3A_354 = arith.addi %mul3A_2, %mul3A_353 : i32
        %multiple_of3A_355 = tpu.assume_multiple %add3A_354, 8 : i32
        %dma_start3A_356 = tpu.memref_slice %arg4[%multiple_of3A_355] : memref<320000xi32, #tpu.memory_space<hbm>> -> memref<80xi32, #tpu.memory_space<hbm>>
        %dma_start3A_357 = tpu.memref_slice %arg4[%multiple_of3A_355] : memref<320000xi32, #tpu.memory_space<hbm>> -> memref<80xi32, #tpu.memory_space<hbm>>
        tpu.enqueue_dma source(%dma_start3A_357 : memref<80xi32, #tpu.memory_space<hbm>>) target(%arg15 : memref<80xi32, #tpu.memory_space<vmem>>) target_semaphore(%arg26 : memref<!tpu.dma_semaphore, #tpu.memory_space<semaphore_mem>>)
        %mul3A_358 = arith.constant 80 : i32
        %mul3A_359 = arith.muli %add3A_351, %mul3A_358 : i32
        %add3A_360 = arith.addi %mul3A_2, %mul3A_359 : i32
        %multiple_of3A_361 = tpu.assume_multiple %add3A_360, 8 : i32
        %dma_start3A_362 = tpu.memref_slice %arg5[%multiple_of3A_361] : memref<320000xi32, #tpu.memory_space<hbm>> -> memref<80xi32, #tpu.memory_space<hbm>>
        %dma_start3A_363 = tpu.memref_slice %arg5[%multiple_of3A_361] : memref<320000xi32, #tpu.memory_space<hbm>> -> memref<80xi32, #tpu.memory_space<hbm>>
        tpu.enqueue_dma source(%dma_start3A_363 : memref<80xi32, #tpu.memory_space<hbm>>) target(%arg16 : memref<80xi32, #tpu.memory_space<vmem>>) target_semaphore(%arg26 : memref<!tpu.dma_semaphore, #tpu.memory_space<semaphore_mem>>)
      } else {
      }
      %add3A_343 = arith.constant 1 : i32
      %add3A_344 = arith.addi %add3A_262, %add3A_343 : i32
      %le3A_345 = arith.constant 124 : i32
      %le3A_346 = arith.cmpi sle, %add3A_344, %le3A_345 : i32
      %convert_element_type3A_347 = arith.extui %le3A_346 : i1 to i32
      %cond3A_348 = arith.constant 0 : i32
      %cond3A_349 = arith.cmpi ne, %convert_element_type3A_347, %cond3A_348 : i32
      scf.if %cond3A_349 {
        %dma_wait3A_350 = arith.constant 0 : i32
        %dma_wait3A_351 = tpu.memref_slice %arg5[%dma_wait3A_350] : memref<320000xi32, #tpu.memory_space<hbm>> -> memref<320000xi32, #tpu.memory_space<hbm>>
        tpu.wait_indirect_dma semaphore(%arg27 : memref<!tpu.dma_semaphore, #tpu.memory_space<semaphore_mem>>) src(%dma_wait3A_351 : memref<320000xi32, #tpu.memory_space<hbm>>) dst(%arg10 : memref<80xi32, #tpu.memory_space<vmem>>)
        %dma_start3A_352 = arith.constant 0 : i32
        %dma_start3A_353 = arith.constant 0 : i32
        %dma_start3A_354 = tpu.memref_slice %arg3[%dma_start3A_352, %dma_start3A_353] : memref<10000x16xf32, #tpu.memory_space<hbm>> -> memref<10000x16xf32, #tpu.memory_space<hbm>>
        tpu.enqueue_indirect_dma source(%dma_start3A_354 : memref<10000x16xf32, #tpu.memory_space<hbm>>) target(%arg13 : memref<80x16xf32, #tpu.memory_space<vmem>>) offsets(%arg10 : memref<80xi32, #tpu.memory_space<vmem>>) semaphore(%arg28 : memref<!tpu.dma_semaphore, #tpu.memory_space<semaphore_mem>>)
      } else {
      }
    }
    %scan3A_90 = arith.constant 62 : i32
    %and3A = arith.constant true
    %and3A_91 = arith.constant false
    %and3A_92 = arith.andi %and3A, %and3A_91 : i1
    %convert_element_type3A = arith.extui %and3A_92 : i1 to i32
    %cond3A = arith.constant 0 : i32
    %cond3A_93 = arith.cmpi ne, %convert_element_type3A, %cond3A : i32
    scf.if %cond3A_93 {
      %dma_wait3A_171 = arith.constant 0 : i32
      %dma_wait3A_172 = arith.constant 0 : i32
      %dma_wait3A_173 = tpu.memref_slice %arg24[%dma_wait3A_171, %dma_wait3A_172] : memref<10240x128xf32, #tpu.memory_space<vmem_shared>> -> memref<10240x128xf32, #tpu.memory_space<vmem_shared>>
      tpu.wait_indirect_dma semaphore(%arg31 : memref<!tpu.dma_semaphore, #tpu.memory_space<semaphore_mem>>) src(%arg18 : memref<80x128xf32, #tpu.memory_space<vmem>>) dst(%dma_wait3A_173 : memref<10240x128xf32, #tpu.memory_space<vmem_shared>>)
      %dma_wait3A_174 = arith.constant 0 : i32
      %dma_wait3A_175 = arith.constant 0 : i32
      %dma_wait3A_176 = tpu.memref_slice %arg25[%dma_wait3A_174, %dma_wait3A_175] : memref<10240x16xf32, #tpu.memory_space<vmem_shared>> -> memref<10240x16xf32, #tpu.memory_space<vmem_shared>>
      tpu.wait_indirect_dma semaphore(%arg31 : memref<!tpu.dma_semaphore, #tpu.memory_space<semaphore_mem>>) src(%arg21 : memref<80x16xf32, #tpu.memory_space<vmem>>) dst(%dma_wait3A_176 : memref<10240x16xf32, #tpu.memory_space<vmem_shared>>)
    } else {
    }
    %dma_wait3A_94 = arith.constant 0 : i32
    %dma_wait3A_95 = arith.constant 0 : i32
    %dma_wait3A_96 = tpu.memref_slice %arg2[%dma_wait3A_94, %dma_wait3A_95] : memref<10000x128xf32, #tpu.memory_space<hbm>> -> memref<10000x128xf32, #tpu.memory_space<hbm>>
    tpu.wait_indirect_dma semaphore(%arg28 : memref<!tpu.dma_semaphore, #tpu.memory_space<semaphore_mem>>) src(%dma_wait3A_96 : memref<10000x128xf32, #tpu.memory_space<hbm>>) dst(%arg11 : memref<80x128xf32, #tpu.memory_space<vmem>>)
    %dma_wait3A_97 = arith.constant 0 : i32
    %dma_wait3A_98 = arith.constant 0 : i32
    %dma_wait3A_99 = tpu.memref_slice %arg3[%dma_wait3A_97, %dma_wait3A_98] : memref<10000x16xf32, #tpu.memory_space<hbm>> -> memref<10000x16xf32, #tpu.memory_space<hbm>>
    tpu.wait_indirect_dma semaphore(%arg28 : memref<!tpu.dma_semaphore, #tpu.memory_space<semaphore_mem>>) src(%dma_wait3A_99 : memref<10000x16xf32, #tpu.memory_space<hbm>>) dst(%arg12 : memref<80x16xf32, #tpu.memory_space<vmem>>)
    %dma_wait3A_100 = arith.constant 0 : i32
    %dma_wait3A_101 = arith.constant 0 : i32
    %dma_wait3A_102 = tpu.memref_slice %arg3[%dma_wait3A_100, %dma_wait3A_101] : memref<10000x16xf32, #tpu.memory_space<hbm>> -> memref<10000x16xf32, #tpu.memory_space<hbm>>
    tpu.wait_indirect_dma semaphore(%arg28 : memref<!tpu.dma_semaphore, #tpu.memory_space<semaphore_mem>>) src(%dma_wait3A_102 : memref<10000x16xf32, #tpu.memory_space<hbm>>) dst(%arg13 : memref<80x16xf32, #tpu.memory_space<vmem>>)
    %scan3A_103 = arith.constant 0 : i32
    %scan3A_104 = arith.constant 0 : i32
    %scan3A_105 = arith.constant 20 : i32
    %scan3A_106 = arith.addi %scan3A_104, %scan3A_105 : i32
    %scan3A_107 = arith.constant 1 : i32
    scf.for %scan3A_171 = %scan3A_104 to %scan3A_106 step %scan3A_107  : i32 {
      %mul3A_172 = arith.constant 4 : i32
      %mul3A_173 = arith.muli %mul3A_172, %scan3A_171 : i32
      %add3A_174 = arith.constant 0 : i32
      %add3A_175 = arith.addi %mul3A_173, %add3A_174 : i32
      %mul3A_176 = arith.constant 4 : i32
      %mul3A_177 = arith.muli %mul3A_176, %scan3A_171 : i32
      %add3A_178 = arith.constant 1 : i32
      %add3A_179 = arith.addi %mul3A_177, %add3A_178 : i32
      %mul3A_180 = arith.constant 4 : i32
      %mul3A_181 = arith.muli %mul3A_180, %scan3A_171 : i32
      %add3A_182 = arith.constant 2 : i32
      %add3A_183 = arith.addi %mul3A_181, %add3A_182 : i32
      %mul3A_184 = arith.constant 4 : i32
      %mul3A_185 = arith.muli %mul3A_184, %scan3A_171 : i32
      %add3A_186 = arith.constant 3 : i32
      %add3A_187 = arith.addi %mul3A_185, %add3A_186 : i32
      %get3A_188 = arith.index_cast %add3A_175 : i32 to index
      %get3A_189 = arith.constant 0 : index
      %get3A_190 = tpu.vector_load %arg12[%get3A_188, %get3A_189] {strides = array<i32>} : memref<80x16xf32, #tpu.memory_space<vmem>>, vector<1x16xf32>,
      %get3A_191 = vector.shape_cast %get3A_190 : vector<1x16xf32> to vector<16xf32>
      %get3A_192 = arith.index_cast %add3A_175 : i32 to index
      %get3A_193 = arith.constant 0 : index
      %get3A_194 = tpu.vector_load %arg13[%get3A_192, %get3A_193] {strides = array<i32>} : memref<80x16xf32, #tpu.memory_space<vmem>>, vector<1x16xf32>,
      %get3A_195 = vector.shape_cast %get3A_194 : vector<1x16xf32> to vector<16xf32>
      %add3A_196 = arith.addf %get3A_191, %get3A_195 : vector<16xf32>
      %get3A_197 = arith.index_cast %add3A_179 : i32 to index
      %get3A_198 = arith.constant 0 : index
      %get3A_199 = tpu.vector_load %arg12[%get3A_197, %get3A_198] {strides = array<i32>} : memref<80x16xf32, #tpu.memory_space<vmem>>, vector<1x16xf32>,
      %get3A_200 = vector.shape_cast %get3A_199 : vector<1x16xf32> to vector<16xf32>
      %get3A_201 = arith.index_cast %add3A_179 : i32 to index
      %get3A_202 = arith.constant 0 : index
      %get3A_203 = tpu.vector_load %arg13[%get3A_201, %get3A_202] {strides = array<i32>} : memref<80x16xf32, #tpu.memory_space<vmem>>, vector<1x16xf32>,
      %get3A_204 = vector.shape_cast %get3A_203 : vector<1x16xf32> to vector<16xf32>
      %add3A_205 = arith.addf %get3A_200, %get3A_204 : vector<16xf32>
      %get3A_206 = arith.index_cast %add3A_183 : i32 to index
      %get3A_207 = arith.constant 0 : index
      %get3A_208 = tpu.vector_load %arg12[%get3A_206, %get3A_207] {strides = array<i32>} : memref<80x16xf32, #tpu.memory_space<vmem>>, vector<1x16xf32>,
      %get3A_209 = vector.shape_cast %get3A_208 : vector<1x16xf32> to vector<16xf32>
      %get3A_210 = arith.index_cast %add3A_183 : i32 to index
      %get3A_211 = arith.constant 0 : index
      %get3A_212 = tpu.vector_load %arg13[%get3A_210, %get3A_211] {strides = array<i32>} : memref<80x16xf32, #tpu.memory_space<vmem>>, vector<1x16xf32>,
      %get3A_213 = vector.shape_cast %get3A_212 : vector<1x16xf32> to vector<16xf32>
      %add3A_214 = arith.addf %get3A_209, %get3A_213 : vector<16xf32>
      %get3A_215 = arith.index_cast %add3A_187 : i32 to index
      %get3A_216 = arith.constant 0 : index
      %get3A_217 = tpu.vector_load %arg12[%get3A_215, %get3A_216] {strides = array<i32>} : memref<80x16xf32, #tpu.memory_space<vmem>>, vector<1x16xf32>,
      %get3A_218 = vector.shape_cast %get3A_217 : vector<1x16xf32> to vector<16xf32>
      %get3A_219 = arith.index_cast %add3A_187 : i32 to index
      %get3A_220 = arith.constant 0 : index
      %get3A_221 = tpu.vector_load %arg13[%get3A_219, %get3A_220] {strides = array<i32>} : memref<80x16xf32, #tpu.memory_space<vmem>>, vector<1x16xf32>,
      %get3A_222 = vector.shape_cast %get3A_221 : vector<1x16xf32> to vector<16xf32>
      %add3A_223 = arith.addf %get3A_218, %get3A_222 : vector<16xf32>
      %mul3A_224 = arith.constant 2.000000e-01 : f32
      %mul3A_225 = vector.broadcast %mul3A_224 : f32 to vector<16xf32>
      %mul3A_226 = arith.mulf %mul3A_225, %add3A_196 : vector<16xf32>
      %max3A = arith.maximumf %add3A_196, %mul3A_226 : vector<16xf32>
      %exp3A = math.exp %max3A : vector<16xf32>
      %jit3A = arith.constant 0.000000e+00 : f32
      %broadcast_in_dim3A_227 = vector.broadcast %jit3A : f32 to vector<16xf32>
      %select_n3A = arith.select %lt3A_44, %exp3A, %broadcast_in_dim3A_227 : vector<16xi1>, vector<16xf32>
      %mul3A_228 = arith.constant 2.000000e-01 : f32
      %mul3A_229 = vector.broadcast %mul3A_228 : f32 to vector<16xf32>
      %mul3A_230 = arith.mulf %mul3A_229, %add3A_205 : vector<16xf32>
      %max3A_231 = arith.maximumf %add3A_205, %mul3A_230 : vector<16xf32>
      %exp3A_232 = math.exp %max3A_231 : vector<16xf32>
      %jit3A_233 = arith.constant 0.000000e+00 : f32
      %broadcast_in_dim3A_234 = vector.broadcast %jit3A_233 : f32 to vector<16xf32>
      %select_n3A_235 = arith.select %lt3A_44, %exp3A_232, %broadcast_in_dim3A_234 : vector<16xi1>, vector<16xf32>
      %mul3A_236 = arith.constant 2.000000e-01 : f32
      %mul3A_237 = vector.broadcast %mul3A_236 : f32 to vector<16xf32>
      %mul3A_238 = arith.mulf %mul3A_237, %add3A_214 : vector<16xf32>
      %max3A_239 = arith.maximumf %add3A_214, %mul3A_238 : vector<16xf32>
      %exp3A_240 = math.exp %max3A_239 : vector<16xf32>
      %jit3A_241 = arith.constant 0.000000e+00 : f32
      %broadcast_in_dim3A_242 = vector.broadcast %jit3A_241 : f32 to vector<16xf32>
      %select_n3A_243 = arith.select %lt3A_44, %exp3A_240, %broadcast_in_dim3A_242 : vector<16xi1>, vector<16xf32>
      %mul3A_244 = arith.constant 2.000000e-01 : f32
      %mul3A_245 = vector.broadcast %mul3A_244 : f32 to vector<16xf32>
      %mul3A_246 = arith.mulf %mul3A_245, %add3A_223 : vector<16xf32>
      %max3A_247 = arith.maximumf %add3A_223, %mul3A_246 : vector<16xf32>
      %exp3A_248 = math.exp %max3A_247 : vector<16xf32>
      %jit3A_249 = arith.constant 0.000000e+00 : f32
      %broadcast_in_dim3A_250 = vector.broadcast %jit3A_249 : f32 to vector<16xf32>
      %select_n3A_251 = arith.select %lt3A_44, %exp3A_248, %broadcast_in_dim3A_250 : vector<16xi1>, vector<16xf32>
      %swap3A_252 = arith.index_cast %add3A_175 : i32 to index
      %swap3A_253 = arith.constant 0 : index
      %swap3A_254 = tpu.vector_load %arg14[%swap3A_252, %swap3A_253] {strides = array<i32>} : memref<80x16xf32, #tpu.memory_space<vmem>>, vector<1x16xf32>,
      %swap3A_255 = vector.shape_cast %swap3A_254 : vector<1x16xf32> to vector<16xf32>
      %swap3A_256 = vector.shape_cast %select_n3A : vector<16xf32> to vector<1x16xf32>
      tpu.vector_store %arg14[%swap3A_252, %swap3A_253], %swap3A_256 {strides = array<i32>} : memref<80x16xf32, #tpu.memory_space<vmem>>, vector<1x16xf32>,
      %swap3A_257 = arith.index_cast %add3A_179 : i32 to index
      %swap3A_258 = arith.constant 0 : index
      %swap3A_259 = tpu.vector_load %arg14[%swap3A_257, %swap3A_258] {strides = array<i32>} : memref<80x16xf32, #tpu.memory_space<vmem>>, vector<1x16xf32>,
      %swap3A_260 = vector.shape_cast %swap3A_259 : vector<1x16xf32> to vector<16xf32>
      %swap3A_261 = vector.shape_cast %select_n3A_235 : vector<16xf32> to vector<1x16xf32>
      tpu.vector_store %arg14[%swap3A_257, %swap3A_258], %swap3A_261 {strides = array<i32>} : memref<80x16xf32, #tpu.memory_space<vmem>>, vector<1x16xf32>,
      %swap3A_262 = arith.index_cast %add3A_183 : i32 to index
      %swap3A_263 = arith.constant 0 : index
      %swap3A_264 = tpu.vector_load %arg14[%swap3A_262, %swap3A_263] {strides = array<i32>} : memref<80x16xf32, #tpu.memory_space<vmem>>, vector<1x16xf32>,
      %swap3A_265 = vector.shape_cast %swap3A_264 : vector<1x16xf32> to vector<16xf32>
      %swap3A_266 = vector.shape_cast %select_n3A_243 : vector<16xf32> to vector<1x16xf32>
      tpu.vector_store %arg14[%swap3A_262, %swap3A_263], %swap3A_266 {strides = array<i32>} : memref<80x16xf32, #tpu.memory_space<vmem>>, vector<1x16xf32>,
      %swap3A_267 = arith.index_cast %add3A_187 : i32 to index
      %swap3A_268 = arith.constant 0 : index
      %swap3A_269 = tpu.vector_load %arg14[%swap3A_267, %swap3A_268] {strides = array<i32>} : memref<80x16xf32, #tpu.memory_space<vmem>>, vector<1x16xf32>,
      %swap3A_270 = vector.shape_cast %swap3A_269 : vector<1x16xf32> to vector<16xf32>
      %swap3A_271 = vector.shape_cast %select_n3A_251 : vector<16xf32> to vector<1x16xf32>
      tpu.vector_store %arg14[%swap3A_267, %swap3A_268], %swap3A_271 {strides = array<i32>} : memref<80x16xf32, #tpu.memory_space<vmem>>, vector<1x16xf32>,
      %get3A_272 = arith.index_cast %add3A_175 : i32 to index
      %get3A_273 = arith.constant 0 : index
      %get3A_274 = tpu.vector_load %arg11[%get3A_272, %get3A_273] {strides = array<i32>} : memref<80x128xf32, #tpu.memory_space<vmem>>, vector<1x16xf32>,
      %get3A_275 = vector.shape_cast %get3A_274 : vector<1x16xf32> to vector<16xf32>
      %get3A_276 = arith.index_cast %add3A_175 : i32 to index
      %get3A_277 = arith.constant 16 : index
      %get3A_278 = tpu.vector_load %arg11[%get3A_276, %get3A_277] {strides = array<i32>} : memref<80x128xf32, #tpu.memory_space<vmem>>, vector<1x16xf32>,
      %get3A_279 = vector.shape_cast %get3A_278 : vector<1x16xf32> to vector<16xf32>
      %get3A_280 = arith.index_cast %add3A_175 : i32 to index
      %get3A_281 = arith.constant 32 : index
      %get3A_282 = tpu.vector_load %arg11[%get3A_280, %get3A_281] {strides = array<i32>} : memref<80x128xf32, #tpu.memory_space<vmem>>, vector<1x16xf32>,
      %get3A_283 = vector.shape_cast %get3A_282 : vector<1x16xf32> to vector<16xf32>
      %get3A_284 = arith.index_cast %add3A_175 : i32 to index
      %get3A_285 = arith.constant 48 : index
      %get3A_286 = tpu.vector_load %arg11[%get3A_284, %get3A_285] {strides = array<i32>} : memref<80x128xf32, #tpu.memory_space<vmem>>, vector<1x16xf32>,
      %get3A_287 = vector.shape_cast %get3A_286 : vector<1x16xf32> to vector<16xf32>
      %get3A_288 = arith.index_cast %add3A_175 : i32 to index
      %get3A_289 = arith.constant 64 : index
      %get3A_290 = tpu.vector_load %arg11[%get3A_288, %get3A_289] {strides = array<i32>} : memref<80x128xf32, #tpu.memory_space<vmem>>, vector<1x16xf32>,
      %get3A_291 = vector.shape_cast %get3A_290 : vector<1x16xf32> to vector<16xf32>
      %get3A_292 = arith.index_cast %add3A_175 : i32 to index
      %get3A_293 = arith.constant 80 : index
      %get3A_294 = tpu.vector_load %arg11[%get3A_292, %get3A_293] {strides = array<i32>} : memref<80x128xf32, #tpu.memory_space<vmem>>, vector<1x16xf32>,
      %get3A_295 = vector.shape_cast %get3A_294 : vector<1x16xf32> to vector<16xf32>
      %get3A_296 = arith.index_cast %add3A_175 : i32 to index
      %get3A_297 = arith.constant 96 : index
      %get3A_298 = tpu.vector_load %arg11[%get3A_296, %get3A_297] {strides = array<i32>} : memref<80x128xf32, #tpu.memory_space<vmem>>, vector<1x16xf32>,
      %get3A_299 = vector.shape_cast %get3A_298 : vector<1x16xf32> to vector<16xf32>
      %get3A_300 = arith.index_cast %add3A_175 : i32 to index
      %get3A_301 = arith.constant 112 : index
      %get3A_302 = tpu.vector_load %arg11[%get3A_300, %get3A_301] {strides = array<i32>} : memref<80x128xf32, #tpu.memory_space<vmem>>, vector<1x16xf32>,
      %get3A_303 = vector.shape_cast %get3A_302 : vector<1x16xf32> to vector<16xf32>
      %get3A_304 = arith.index_cast %add3A_179 : i32 to index
      %get3A_305 = arith.constant 0 : index
      %get3A_306 = tpu.vector_load %arg11[%get3A_304, %get3A_305] {strides = array<i32>} : memref<80x128xf32, #tpu.memory_space<vmem>>, vector<1x16xf32>,
      %get3A_307 = vector.shape_cast %get3A_306 : vector<1x16xf32> to vector<16xf32>
      %get3A_308 = arith.index_cast %add3A_179 : i32 to index
      %get3A_309 = arith.constant 16 : index
      %get3A_310 = tpu.vector_load %arg11[%get3A_308, %get3A_309] {strides = array<i32>} : memref<80x128xf32, #tpu.memory_space<vmem>>, vector<1x16xf32>,
      %get3A_311 = vector.shape_cast %get3A_310 : vector<1x16xf32> to vector<16xf32>
      %get3A_312 = arith.index_cast %add3A_179 : i32 to index
      %get3A_313 = arith.constant 32 : index
      %get3A_314 = tpu.vector_load %arg11[%get3A_312, %get3A_313] {strides = array<i32>} : memref<80x128xf32, #tpu.memory_space<vmem>>, vector<1x16xf32>,
      %get3A_315 = vector.shape_cast %get3A_314 : vector<1x16xf32> to vector<16xf32>
      %get3A_316 = arith.index_cast %add3A_179 : i32 to index
      %get3A_317 = arith.constant 48 : index
      %get3A_318 = tpu.vector_load %arg11[%get3A_316, %get3A_317] {strides = array<i32>} : memref<80x128xf32, #tpu.memory_space<vmem>>, vector<1x16xf32>,
      %get3A_319 = vector.shape_cast %get3A_318 : vector<1x16xf32> to vector<16xf32>
      %get3A_320 = arith.index_cast %add3A_179 : i32 to index
      %get3A_321 = arith.constant 64 : index
      %get3A_322 = tpu.vector_load %arg11[%get3A_320, %get3A_321] {strides = array<i32>} : memref<80x128xf32, #tpu.memory_space<vmem>>, vector<1x16xf32>,
      %get3A_323 = vector.shape_cast %get3A_322 : vector<1x16xf32> to vector<16xf32>
      %get3A_324 = arith.index_cast %add3A_179 : i32 to index
      %get3A_325 = arith.constant 80 : index
      %get3A_326 = tpu.vector_load %arg11[%get3A_324, %get3A_325] {strides = array<i32>} : memref<80x128xf32, #tpu.memory_space<vmem>>, vector<1x16xf32>,
      %get3A_327 = vector.shape_cast %get3A_326 : vector<1x16xf32> to vector<16xf32>
      %get3A_328 = arith.index_cast %add3A_179 : i32 to index
      %get3A_329 = arith.constant 96 : index
      %get3A_330 = tpu.vector_load %arg11[%get3A_328, %get3A_329] {strides = array<i32>} : memref<80x128xf32, #tpu.memory_space<vmem>>, vector<1x16xf32>,
      %get3A_331 = vector.shape_cast %get3A_330 : vector<1x16xf32> to vector<16xf32>
      %get3A_332 = arith.index_cast %add3A_179 : i32 to index
      %get3A_333 = arith.constant 112 : index
      %get3A_334 = tpu.vector_load %arg11[%get3A_332, %get3A_333] {strides = array<i32>} : memref<80x128xf32, #tpu.memory_space<vmem>>, vector<1x16xf32>,
      %get3A_335 = vector.shape_cast %get3A_334 : vector<1x16xf32> to vector<16xf32>
      %get3A_336 = arith.index_cast %add3A_183 : i32 to index
      %get3A_337 = arith.constant 0 : index
      %get3A_338 = tpu.vector_load %arg11[%get3A_336, %get3A_337] {strides = array<i32>} : memref<80x128xf32, #tpu.memory_space<vmem>>, vector<1x16xf32>,
      %get3A_339 = vector.shape_cast %get3A_338 : vector<1x16xf32> to vector<16xf32>
      %get3A_340 = arith.index_cast %add3A_183 : i32 to index
      %get3A_341 = arith.constant 16 : index
      %get3A_342 = tpu.vector_load %arg11[%get3A_340, %get3A_341] {strides = array<i32>} : memref<80x128xf32, #tpu.memory_space<vmem>>, vector<1x16xf32>,
      %get3A_343 = vector.shape_cast %get3A_342 : vector<1x16xf32> to vector<16xf32>
      %get3A_344 = arith.index_cast %add3A_183 : i32 to index
      %get3A_345 = arith.constant 32 : index
      %get3A_346 = tpu.vector_load %arg11[%get3A_344, %get3A_345] {strides = array<i32>} : memref<80x128xf32, #tpu.memory_space<vmem>>, vector<1x16xf32>,
      %get3A_347 = vector.shape_cast %get3A_346 : vector<1x16xf32> to vector<16xf32>
      %get3A_348 = arith.index_cast %add3A_183 : i32 to index
      %get3A_349 = arith.constant 48 : index
      %get3A_350 = tpu.vector_load %arg11[%get3A_348, %get3A_349] {strides = array<i32>} : memref<80x128xf32, #tpu.memory_space<vmem>>, vector<1x16xf32>,
      %get3A_351 = vector.shape_cast %get3A_350 : vector<1x16xf32> to vector<16xf32>
      %get3A_352 = arith.index_cast %add3A_183 : i32 to index
      %get3A_353 = arith.constant 64 : index
      %get3A_354 = tpu.vector_load %arg11[%get3A_352, %get3A_353] {strides = array<i32>} : memref<80x128xf32, #tpu.memory_space<vmem>>, vector<1x16xf32>,
      %get3A_355 = vector.shape_cast %get3A_354 : vector<1x16xf32> to vector<16xf32>
      %get3A_356 = arith.index_cast %add3A_183 : i32 to index
      %get3A_357 = arith.constant 80 : index
      %get3A_358 = tpu.vector_load %arg11[%get3A_356, %get3A_357] {strides = array<i32>} : memref<80x128xf32, #tpu.memory_space<vmem>>, vector<1x16xf32>,
      %get3A_359 = vector.shape_cast %get3A_358 : vector<1x16xf32> to vector<16xf32>
      %get3A_360 = arith.index_cast %add3A_183 : i32 to index
      %get3A_361 = arith.constant 96 : index
      %get3A_362 = tpu.vector_load %arg11[%get3A_360, %get3A_361] {strides = array<i32>} : memref<80x128xf32, #tpu.memory_space<vmem>>, vector<1x16xf32>,
      %get3A_363 = vector.shape_cast %get3A_362 : vector<1x16xf32> to vector<16xf32>
      %get3A_364 = arith.index_cast %add3A_183 : i32 to index
      %get3A_365 = arith.constant 112 : index
      %get3A_366 = tpu.vector_load %arg11[%get3A_364, %get3A_365] {strides = array<i32>} : memref<80x128xf32, #tpu.memory_space<vmem>>, vector<1x16xf32>,
      %get3A_367 = vector.shape_cast %get3A_366 : vector<1x16xf32> to vector<16xf32>
      %get3A_368 = arith.index_cast %add3A_187 : i32 to index
      %get3A_369 = arith.constant 0 : index
      %get3A_370 = tpu.vector_load %arg11[%get3A_368, %get3A_369] {strides = array<i32>} : memref<80x128xf32, #tpu.memory_space<vmem>>, vector<1x16xf32>,
      %get3A_371 = vector.shape_cast %get3A_370 : vector<1x16xf32> to vector<16xf32>
      %get3A_372 = arith.index_cast %add3A_187 : i32 to index
      %get3A_373 = arith.constant 16 : index
      %get3A_374 = tpu.vector_load %arg11[%get3A_372, %get3A_373] {strides = array<i32>} : memref<80x128xf32, #tpu.memory_space<vmem>>, vector<1x16xf32>,
      %get3A_375 = vector.shape_cast %get3A_374 : vector<1x16xf32> to vector<16xf32>
      %get3A_376 = arith.index_cast %add3A_187 : i32 to index
      %get3A_377 = arith.constant 32 : index
      %get3A_378 = tpu.vector_load %arg11[%get3A_376, %get3A_377] {strides = array<i32>} : memref<80x128xf32, #tpu.memory_space<vmem>>, vector<1x16xf32>,
      %get3A_379 = vector.shape_cast %get3A_378 : vector<1x16xf32> to vector<16xf32>
      %get3A_380 = arith.index_cast %add3A_187 : i32 to index
      %get3A_381 = arith.constant 48 : index
      %get3A_382 = tpu.vector_load %arg11[%get3A_380, %get3A_381] {strides = array<i32>} : memref<80x128xf32, #tpu.memory_space<vmem>>, vector<1x16xf32>,
      %get3A_383 = vector.shape_cast %get3A_382 : vector<1x16xf32> to vector<16xf32>
      %get3A_384 = arith.index_cast %add3A_187 : i32 to index
      %get3A_385 = arith.constant 64 : index
      %get3A_386 = tpu.vector_load %arg11[%get3A_384, %get3A_385] {strides = array<i32>} : memref<80x128xf32, #tpu.memory_space<vmem>>, vector<1x16xf32>,
      %get3A_387 = vector.shape_cast %get3A_386 : vector<1x16xf32> to vector<16xf32>
      %get3A_388 = arith.index_cast %add3A_187 : i32 to index
      %get3A_389 = arith.constant 80 : index
      %get3A_390 = tpu.vector_load %arg11[%get3A_388, %get3A_389] {strides = array<i32>} : memref<80x128xf32, #tpu.memory_space<vmem>>, vector<1x16xf32>,
      %get3A_391 = vector.shape_cast %get3A_390 : vector<1x16xf32> to vector<16xf32>
      %get3A_392 = arith.index_cast %add3A_187 : i32 to index
      %get3A_393 = arith.constant 96 : index
      %get3A_394 = tpu.vector_load %arg11[%get3A_392, %get3A_393] {strides = array<i32>} : memref<80x128xf32, #tpu.memory_space<vmem>>, vector<1x16xf32>,
      %get3A_395 = vector.shape_cast %get3A_394 : vector<1x16xf32> to vector<16xf32>
      %get3A_396 = arith.index_cast %add3A_187 : i32 to index
      %get3A_397 = arith.constant 112 : index
      %get3A_398 = tpu.vector_load %arg11[%get3A_396, %get3A_397] {strides = array<i32>} : memref<80x128xf32, #tpu.memory_space<vmem>>, vector<1x16xf32>,
      %get3A_399 = vector.shape_cast %get3A_398 : vector<1x16xf32> to vector<16xf32>
      %slice3A = vector.extract_strided_slice %select_n3A {offsets = [0], sizes = [1], strides = [1]} : vector<16xf32> to vector<1xf32>
      %squeeze3A = vector.extract %slice3A[0] : f32 from vector<1xf32>
      %mul3A_400 = vector.broadcast %squeeze3A : f32 to vector<16xf32>
      %mul3A_401 = arith.mulf %get3A_275, %mul3A_400 : vector<16xf32>
      %slice3A_402 = vector.extract_strided_slice %select_n3A {offsets = [1], sizes = [1], strides = [1]} : vector<16xf32> to vector<1xf32>
      %squeeze3A_403 = vector.extract %slice3A_402[0] : f32 from vector<1xf32>
      %mul3A_404 = vector.broadcast %squeeze3A_403 : f32 to vector<16xf32>
      %mul3A_405 = arith.mulf %get3A_279, %mul3A_404 : vector<16xf32>
      %slice3A_406 = vector.extract_strided_slice %select_n3A {offsets = [2], sizes = [1], strides = [1]} : vector<16xf32> to vector<1xf32>
      %squeeze3A_407 = vector.extract %slice3A_406[0] : f32 from vector<1xf32>
      %mul3A_408 = vector.broadcast %squeeze3A_407 : f32 to vector<16xf32>
      %mul3A_409 = arith.mulf %get3A_283, %mul3A_408 : vector<16xf32>
      %slice3A_410 = vector.extract_strided_slice %select_n3A {offsets = [3], sizes = [1], strides = [1]} : vector<16xf32> to vector<1xf32>
      %squeeze3A_411 = vector.extract %slice3A_410[0] : f32 from vector<1xf32>
      %mul3A_412 = vector.broadcast %squeeze3A_411 : f32 to vector<16xf32>
      %mul3A_413 = arith.mulf %get3A_287, %mul3A_412 : vector<16xf32>
      %slice3A_414 = vector.extract_strided_slice %select_n3A {offsets = [4], sizes = [1], strides = [1]} : vector<16xf32> to vector<1xf32>
      %squeeze3A_415 = vector.extract %slice3A_414[0] : f32 from vector<1xf32>
      %mul3A_416 = vector.broadcast %squeeze3A_415 : f32 to vector<16xf32>
      %mul3A_417 = arith.mulf %get3A_291, %mul3A_416 : vector<16xf32>
      %slice3A_418 = vector.extract_strided_slice %select_n3A {offsets = [5], sizes = [1], strides = [1]} : vector<16xf32> to vector<1xf32>
      %squeeze3A_419 = vector.extract %slice3A_418[0] : f32 from vector<1xf32>
      %mul3A_420 = vector.broadcast %squeeze3A_419 : f32 to vector<16xf32>
      %mul3A_421 = arith.mulf %get3A_295, %mul3A_420 : vector<16xf32>
      %slice3A_422 = vector.extract_strided_slice %select_n3A {offsets = [6], sizes = [1], strides = [1]} : vector<16xf32> to vector<1xf32>
      %squeeze3A_423 = vector.extract %slice3A_422[0] : f32 from vector<1xf32>
      %mul3A_424 = vector.broadcast %squeeze3A_423 : f32 to vector<16xf32>
      %mul3A_425 = arith.mulf %get3A_299, %mul3A_424 : vector<16xf32>
      %slice3A_426 = vector.extract_strided_slice %select_n3A {offsets = [7], sizes = [1], strides = [1]} : vector<16xf32> to vector<1xf32>
      %squeeze3A_427 = vector.extract %slice3A_426[0] : f32 from vector<1xf32>
      %mul3A_428 = vector.broadcast %squeeze3A_427 : f32 to vector<16xf32>
      %mul3A_429 = arith.mulf %get3A_303, %mul3A_428 : vector<16xf32>
      %slice3A_430 = vector.extract_strided_slice %select_n3A_235 {offsets = [0], sizes = [1], strides = [1]} : vector<16xf32> to vector<1xf32>
      %squeeze3A_431 = vector.extract %slice3A_430[0] : f32 from vector<1xf32>
      %mul3A_432 = vector.broadcast %squeeze3A_431 : f32 to vector<16xf32>
      %mul3A_433 = arith.mulf %get3A_307, %mul3A_432 : vector<16xf32>
      %slice3A_434 = vector.extract_strided_slice %select_n3A_235 {offsets = [1], sizes = [1], strides = [1]} : vector<16xf32> to vector<1xf32>
      %squeeze3A_435 = vector.extract %slice3A_434[0] : f32 from vector<1xf32>
      %mul3A_436 = vector.broadcast %squeeze3A_435 : f32 to vector<16xf32>
      %mul3A_437 = arith.mulf %get3A_311, %mul3A_436 : vector<16xf32>
      %slice3A_438 = vector.extract_strided_slice %select_n3A_235 {offsets = [2], sizes = [1], strides = [1]} : vector<16xf32> to vector<1xf32>
      %squeeze3A_439 = vector.extract %slice3A_438[0] : f32 from vector<1xf32>
      %mul3A_440 = vector.broadcast %squeeze3A_439 : f32 to vector<16xf32>
      %mul3A_441 = arith.mulf %get3A_315, %mul3A_440 : vector<16xf32>
      %slice3A_442 = vector.extract_strided_slice %select_n3A_235 {offsets = [3], sizes = [1], strides = [1]} : vector<16xf32> to vector<1xf32>
      %squeeze3A_443 = vector.extract %slice3A_442[0] : f32 from vector<1xf32>
      %mul3A_444 = vector.broadcast %squeeze3A_443 : f32 to vector<16xf32>
      %mul3A_445 = arith.mulf %get3A_319, %mul3A_444 : vector<16xf32>
      %slice3A_446 = vector.extract_strided_slice %select_n3A_235 {offsets = [4], sizes = [1], strides = [1]} : vector<16xf32> to vector<1xf32>
      %squeeze3A_447 = vector.extract %slice3A_446[0] : f32 from vector<1xf32>
      %mul3A_448 = vector.broadcast %squeeze3A_447 : f32 to vector<16xf32>
      %mul3A_449 = arith.mulf %get3A_323, %mul3A_448 : vector<16xf32>
      %slice3A_450 = vector.extract_strided_slice %select_n3A_235 {offsets = [5], sizes = [1], strides = [1]} : vector<16xf32> to vector<1xf32>
      %squeeze3A_451 = vector.extract %slice3A_450[0] : f32 from vector<1xf32>
      %mul3A_452 = vector.broadcast %squeeze3A_451 : f32 to vector<16xf32>
      %mul3A_453 = arith.mulf %get3A_327, %mul3A_452 : vector<16xf32>
      %slice3A_454 = vector.extract_strided_slice %select_n3A_235 {offsets = [6], sizes = [1], strides = [1]} : vector<16xf32> to vector<1xf32>
      %squeeze3A_455 = vector.extract %slice3A_454[0] : f32 from vector<1xf32>
      %mul3A_456 = vector.broadcast %squeeze3A_455 : f32 to vector<16xf32>
      %mul3A_457 = arith.mulf %get3A_331, %mul3A_456 : vector<16xf32>
      %slice3A_458 = vector.extract_strided_slice %select_n3A_235 {offsets = [7], sizes = [1], strides = [1]} : vector<16xf32> to vector<1xf32>
      %squeeze3A_459 = vector.extract %slice3A_458[0] : f32 from vector<1xf32>
      %mul3A_460 = vector.broadcast %squeeze3A_459 : f32 to vector<16xf32>
      %mul3A_461 = arith.mulf %get3A_335, %mul3A_460 : vector<16xf32>
      %slice3A_462 = vector.extract_strided_slice %select_n3A_243 {offsets = [0], sizes = [1], strides = [1]} : vector<16xf32> to vector<1xf32>
      %squeeze3A_463 = vector.extract %slice3A_462[0] : f32 from vector<1xf32>
      %mul3A_464 = vector.broadcast %squeeze3A_463 : f32 to vector<16xf32>
      %mul3A_465 = arith.mulf %get3A_339, %mul3A_464 : vector<16xf32>
      %slice3A_466 = vector.extract_strided_slice %select_n3A_243 {offsets = [1], sizes = [1], strides = [1]} : vector<16xf32> to vector<1xf32>
      %squeeze3A_467 = vector.extract %slice3A_466[0] : f32 from vector<1xf32>
      %mul3A_468 = vector.broadcast %squeeze3A_467 : f32 to vector<16xf32>
      %mul3A_469 = arith.mulf %get3A_343, %mul3A_468 : vector<16xf32>
      %slice3A_470 = vector.extract_strided_slice %select_n3A_243 {offsets = [2], sizes = [1], strides = [1]} : vector<16xf32> to vector<1xf32>
      %squeeze3A_471 = vector.extract %slice3A_470[0] : f32 from vector<1xf32>
      %mul3A_472 = vector.broadcast %squeeze3A_471 : f32 to vector<16xf32>
      %mul3A_473 = arith.mulf %get3A_347, %mul3A_472 : vector<16xf32>
      %slice3A_474 = vector.extract_strided_slice %select_n3A_243 {offsets = [3], sizes = [1], strides = [1]} : vector<16xf32> to vector<1xf32>
      %squeeze3A_475 = vector.extract %slice3A_474[0] : f32 from vector<1xf32>
      %mul3A_476 = vector.broadcast %squeeze3A_475 : f32 to vector<16xf32>
      %mul3A_477 = arith.mulf %get3A_351, %mul3A_476 : vector<16xf32>
      %slice3A_478 = vector.extract_strided_slice %select_n3A_243 {offsets = [4], sizes = [1], strides = [1]} : vector<16xf32> to vector<1xf32>
      %squeeze3A_479 = vector.extract %slice3A_478[0] : f32 from vector<1xf32>
      %mul3A_480 = vector.broadcast %squeeze3A_479 : f32 to vector<16xf32>
      %mul3A_481 = arith.mulf %get3A_355, %mul3A_480 : vector<16xf32>
      %slice3A_482 = vector.extract_strided_slice %select_n3A_243 {offsets = [5], sizes = [1], strides = [1]} : vector<16xf32> to vector<1xf32>
      %squeeze3A_483 = vector.extract %slice3A_482[0] : f32 from vector<1xf32>
      %mul3A_484 = vector.broadcast %squeeze3A_483 : f32 to vector<16xf32>
      %mul3A_485 = arith.mulf %get3A_359, %mul3A_484 : vector<16xf32>
      %slice3A_486 = vector.extract_strided_slice %select_n3A_243 {offsets = [6], sizes = [1], strides = [1]} : vector<16xf32> to vector<1xf32>
      %squeeze3A_487 = vector.extract %slice3A_486[0] : f32 from vector<1xf32>
      %mul3A_488 = vector.broadcast %squeeze3A_487 : f32 to vector<16xf32>
      %mul3A_489 = arith.mulf %get3A_363, %mul3A_488 : vector<16xf32>
      %slice3A_490 = vector.extract_strided_slice %select_n3A_243 {offsets = [7], sizes = [1], strides = [1]} : vector<16xf32> to vector<1xf32>
      %squeeze3A_491 = vector.extract %slice3A_490[0] : f32 from vector<1xf32>
      %mul3A_492 = vector.broadcast %squeeze3A_491 : f32 to vector<16xf32>
      %mul3A_493 = arith.mulf %get3A_367, %mul3A_492 : vector<16xf32>
      %slice3A_494 = vector.extract_strided_slice %select_n3A_251 {offsets = [0], sizes = [1], strides = [1]} : vector<16xf32> to vector<1xf32>
      %squeeze3A_495 = vector.extract %slice3A_494[0] : f32 from vector<1xf32>
      %mul3A_496 = vector.broadcast %squeeze3A_495 : f32 to vector<16xf32>
      %mul3A_497 = arith.mulf %get3A_371, %mul3A_496 : vector<16xf32>
      %slice3A_498 = vector.extract_strided_slice %select_n3A_251 {offsets = [1], sizes = [1], strides = [1]} : vector<16xf32> to vector<1xf32>
      %squeeze3A_499 = vector.extract %slice3A_498[0] : f32 from vector<1xf32>
      %mul3A_500 = vector.broadcast %squeeze3A_499 : f32 to vector<16xf32>
      %mul3A_501 = arith.mulf %get3A_375, %mul3A_500 : vector<16xf32>
      %slice3A_502 = vector.extract_strided_slice %select_n3A_251 {offsets = [2], sizes = [1], strides = [1]} : vector<16xf32> to vector<1xf32>
      %squeeze3A_503 = vector.extract %slice3A_502[0] : f32 from vector<1xf32>
      %mul3A_504 = vector.broadcast %squeeze3A_503 : f32 to vector<16xf32>
      %mul3A_505 = arith.mulf %get3A_379, %mul3A_504 : vector<16xf32>
      %slice3A_506 = vector.extract_strided_slice %select_n3A_251 {offsets = [3], sizes = [1], strides = [1]} : vector<16xf32> to vector<1xf32>
      %squeeze3A_507 = vector.extract %slice3A_506[0] : f32 from vector<1xf32>
      %mul3A_508 = vector.broadcast %squeeze3A_507 : f32 to vector<16xf32>
      %mul3A_509 = arith.mulf %get3A_383, %mul3A_508 : vector<16xf32>
      %slice3A_510 = vector.extract_strided_slice %select_n3A_251 {offsets = [4], sizes = [1], strides = [1]} : vector<16xf32> to vector<1xf32>
      %squeeze3A_511 = vector.extract %slice3A_510[0] : f32 from vector<1xf32>
      %mul3A_512 = vector.broadcast %squeeze3A_511 : f32 to vector<16xf32>
      %mul3A_513 = arith.mulf %get3A_387, %mul3A_512 : vector<16xf32>
      %slice3A_514 = vector.extract_strided_slice %select_n3A_251 {offsets = [5], sizes = [1], strides = [1]} : vector<16xf32> to vector<1xf32>
      %squeeze3A_515 = vector.extract %slice3A_514[0] : f32 from vector<1xf32>
      %mul3A_516 = vector.broadcast %squeeze3A_515 : f32 to vector<16xf32>
      %mul3A_517 = arith.mulf %get3A_391, %mul3A_516 : vector<16xf32>
      %slice3A_518 = vector.extract_strided_slice %select_n3A_251 {offsets = [6], sizes = [1], strides = [1]} : vector<16xf32> to vector<1xf32>
      %squeeze3A_519 = vector.extract %slice3A_518[0] : f32 from vector<1xf32>
      %mul3A_520 = vector.broadcast %squeeze3A_519 : f32 to vector<16xf32>
      %mul3A_521 = arith.mulf %get3A_395, %mul3A_520 : vector<16xf32>
      %slice3A_522 = vector.extract_strided_slice %select_n3A_251 {offsets = [7], sizes = [1], strides = [1]} : vector<16xf32> to vector<1xf32>
      %squeeze3A_523 = vector.extract %slice3A_522[0] : f32 from vector<1xf32>
      %mul3A_524 = vector.broadcast %squeeze3A_523 : f32 to vector<16xf32>
      %mul3A_525 = arith.mulf %get3A_399, %mul3A_524 : vector<16xf32>
      %swap3A_526 = arith.index_cast %add3A_175 : i32 to index
      %swap3A_527 = arith.constant 0 : index
      %swap3A_528 = tpu.vector_load %arg11[%swap3A_526, %swap3A_527] {strides = array<i32>} : memref<80x128xf32, #tpu.memory_space<vmem>>, vector<1x16xf32>,
      %swap3A_529 = vector.shape_cast %swap3A_528 : vector<1x16xf32> to vector<16xf32>
      %swap3A_530 = vector.shape_cast %mul3A_401 : vector<16xf32> to vector<1x16xf32>
      tpu.vector_store %arg11[%swap3A_526, %swap3A_527], %swap3A_530 {strides = array<i32>} : memref<80x128xf32, #tpu.memory_space<vmem>>, vector<1x16xf32>,
      %swap3A_531 = arith.index_cast %add3A_175 : i32 to index
      %swap3A_532 = arith.constant 16 : index
      %swap3A_533 = tpu.vector_load %arg11[%swap3A_531, %swap3A_532] {strides = array<i32>} : memref<80x128xf32, #tpu.memory_space<vmem>>, vector<1x16xf32>,
      %swap3A_534 = vector.shape_cast %swap3A_533 : vector<1x16xf32> to vector<16xf32>
      %swap3A_535 = vector.shape_cast %mul3A_405 : vector<16xf32> to vector<1x16xf32>
      tpu.vector_store %arg11[%swap3A_531, %swap3A_532], %swap3A_535 {strides = array<i32>} : memref<80x128xf32, #tpu.memory_space<vmem>>, vector<1x16xf32>,
      %swap3A_536 = arith.index_cast %add3A_175 : i32 to index
      %swap3A_537 = arith.constant 32 : index
      %swap3A_538 = tpu.vector_load %arg11[%swap3A_536, %swap3A_537] {strides = array<i32>} : memref<80x128xf32, #tpu.memory_space<vmem>>, vector<1x16xf32>,
      %swap3A_539 = vector.shape_cast %swap3A_538 : vector<1x16xf32> to vector<16xf32>
      %swap3A_540 = vector.shape_cast %mul3A_409 : vector<16xf32> to vector<1x16xf32>
      tpu.vector_store %arg11[%swap3A_536, %swap3A_537], %swap3A_540 {strides = array<i32>} : memref<80x128xf32, #tpu.memory_space<vmem>>, vector<1x16xf32>,
      %swap3A_541 = arith.index_cast %add3A_175 : i32 to index
      %swap3A_542 = arith.constant 48 : index
      %swap3A_543 = tpu.vector_load %arg11[%swap3A_541, %swap3A_542] {strides = array<i32>} : memref<80x128xf32, #tpu.memory_space<vmem>>, vector<1x16xf32>,
      %swap3A_544 = vector.shape_cast %swap3A_543 : vector<1x16xf32> to vector<16xf32>
      %swap3A_545 = vector.shape_cast %mul3A_413 : vector<16xf32> to vector<1x16xf32>
      tpu.vector_store %arg11[%swap3A_541, %swap3A_542], %swap3A_545 {strides = array<i32>} : memref<80x128xf32, #tpu.memory_space<vmem>>, vector<1x16xf32>,
      %swap3A_546 = arith.index_cast %add3A_175 : i32 to index
      %swap3A_547 = arith.constant 64 : index
      %swap3A_548 = tpu.vector_load %arg11[%swap3A_546, %swap3A_547] {strides = array<i32>} : memref<80x128xf32, #tpu.memory_space<vmem>>, vector<1x16xf32>,
      %swap3A_549 = vector.shape_cast %swap3A_548 : vector<1x16xf32> to vector<16xf32>
      %swap3A_550 = vector.shape_cast %mul3A_417 : vector<16xf32> to vector<1x16xf32>
      tpu.vector_store %arg11[%swap3A_546, %swap3A_547], %swap3A_550 {strides = array<i32>} : memref<80x128xf32, #tpu.memory_space<vmem>>, vector<1x16xf32>,
      %swap3A_551 = arith.index_cast %add3A_175 : i32 to index
      %swap3A_552 = arith.constant 80 : index
      %swap3A_553 = tpu.vector_load %arg11[%swap3A_551, %swap3A_552] {strides = array<i32>} : memref<80x128xf32, #tpu.memory_space<vmem>>, vector<1x16xf32>,
      %swap3A_554 = vector.shape_cast %swap3A_553 : vector<1x16xf32> to vector<16xf32>
      %swap3A_555 = vector.shape_cast %mul3A_421 : vector<16xf32> to vector<1x16xf32>
      tpu.vector_store %arg11[%swap3A_551, %swap3A_552], %swap3A_555 {strides = array<i32>} : memref<80x128xf32, #tpu.memory_space<vmem>>, vector<1x16xf32>,
      %swap3A_556 = arith.index_cast %add3A_175 : i32 to index
      %swap3A_557 = arith.constant 96 : index
      %swap3A_558 = tpu.vector_load %arg11[%swap3A_556, %swap3A_557] {strides = array<i32>} : memref<80x128xf32, #tpu.memory_space<vmem>>, vector<1x16xf32>,
      %swap3A_559 = vector.shape_cast %swap3A_558 : vector<1x16xf32> to vector<16xf32>
      %swap3A_560 = vector.shape_cast %mul3A_425 : vector<16xf32> to vector<1x16xf32>
      tpu.vector_store %arg11[%swap3A_556, %swap3A_557], %swap3A_560 {strides = array<i32>} : memref<80x128xf32, #tpu.memory_space<vmem>>, vector<1x16xf32>,
      %swap3A_561 = arith.index_cast %add3A_175 : i32 to index
      %swap3A_562 = arith.constant 112 : index
      %swap3A_563 = tpu.vector_load %arg11[%swap3A_561, %swap3A_562] {strides = array<i32>} : memref<80x128xf32, #tpu.memory_space<vmem>>, vector<1x16xf32>,
      %swap3A_564 = vector.shape_cast %swap3A_563 : vector<1x16xf32> to vector<16xf32>
      %swap3A_565 = vector.shape_cast %mul3A_429 : vector<16xf32> to vector<1x16xf32>
      tpu.vector_store %arg11[%swap3A_561, %swap3A_562], %swap3A_565 {strides = array<i32>} : memref<80x128xf32, #tpu.memory_space<vmem>>, vector<1x16xf32>,
      %swap3A_566 = arith.index_cast %add3A_179 : i32 to index
      %swap3A_567 = arith.constant 0 : index
      %swap3A_568 = tpu.vector_load %arg11[%swap3A_566, %swap3A_567] {strides = array<i32>} : memref<80x128xf32, #tpu.memory_space<vmem>>, vector<1x16xf32>,
      %swap3A_569 = vector.shape_cast %swap3A_568 : vector<1x16xf32> to vector<16xf32>
      %swap3A_570 = vector.shape_cast %mul3A_433 : vector<16xf32> to vector<1x16xf32>
      tpu.vector_store %arg11[%swap3A_566, %swap3A_567], %swap3A_570 {strides = array<i32>} : memref<80x128xf32, #tpu.memory_space<vmem>>, vector<1x16xf32>,
      %swap3A_571 = arith.index_cast %add3A_179 : i32 to index
      %swap3A_572 = arith.constant 16 : index
      %swap3A_573 = tpu.vector_load %arg11[%swap3A_571, %swap3A_572] {strides = array<i32>} : memref<80x128xf32, #tpu.memory_space<vmem>>, vector<1x16xf32>,
      %swap3A_574 = vector.shape_cast %swap3A_573 : vector<1x16xf32> to vector<16xf32>
      %swap3A_575 = vector.shape_cast %mul3A_437 : vector<16xf32> to vector<1x16xf32>
      tpu.vector_store %arg11[%swap3A_571, %swap3A_572], %swap3A_575 {strides = array<i32>} : memref<80x128xf32, #tpu.memory_space<vmem>>, vector<1x16xf32>,
      %swap3A_576 = arith.index_cast %add3A_179 : i32 to index
      %swap3A_577 = arith.constant 32 : index
      %swap3A_578 = tpu.vector_load %arg11[%swap3A_576, %swap3A_577] {strides = array<i32>} : memref<80x128xf32, #tpu.memory_space<vmem>>, vector<1x16xf32>,
      %swap3A_579 = vector.shape_cast %swap3A_578 : vector<1x16xf32> to vector<16xf32>
      %swap3A_580 = vector.shape_cast %mul3A_441 : vector<16xf32> to vector<1x16xf32>
      tpu.vector_store %arg11[%swap3A_576, %swap3A_577], %swap3A_580 {strides = array<i32>} : memref<80x128xf32, #tpu.memory_space<vmem>>, vector<1x16xf32>,
      %swap3A_581 = arith.index_cast %add3A_179 : i32 to index
      %swap3A_582 = arith.constant 48 : index
      %swap3A_583 = tpu.vector_load %arg11[%swap3A_581, %swap3A_582] {strides = array<i32>} : memref<80x128xf32, #tpu.memory_space<vmem>>, vector<1x16xf32>,
      %swap3A_584 = vector.shape_cast %swap3A_583 : vector<1x16xf32> to vector<16xf32>
      %swap3A_585 = vector.shape_cast %mul3A_445 : vector<16xf32> to vector<1x16xf32>
      tpu.vector_store %arg11[%swap3A_581, %swap3A_582], %swap3A_585 {strides = array<i32>} : memref<80x128xf32, #tpu.memory_space<vmem>>, vector<1x16xf32>,
      %swap3A_586 = arith.index_cast %add3A_179 : i32 to index
      %swap3A_587 = arith.constant 64 : index
      %swap3A_588 = tpu.vector_load %arg11[%swap3A_586, %swap3A_587] {strides = array<i32>} : memref<80x128xf32, #tpu.memory_space<vmem>>, vector<1x16xf32>,
      %swap3A_589 = vector.shape_cast %swap3A_588 : vector<1x16xf32> to vector<16xf32>
      %swap3A_590 = vector.shape_cast %mul3A_449 : vector<16xf32> to vector<1x16xf32>
      tpu.vector_store %arg11[%swap3A_586, %swap3A_587], %swap3A_590 {strides = array<i32>} : memref<80x128xf32, #tpu.memory_space<vmem>>, vector<1x16xf32>,
      %swap3A_591 = arith.index_cast %add3A_179 : i32 to index
      %swap3A_592 = arith.constant 80 : index
      %swap3A_593 = tpu.vector_load %arg11[%swap3A_591, %swap3A_592] {strides = array<i32>} : memref<80x128xf32, #tpu.memory_space<vmem>>, vector<1x16xf32>,
      %swap3A_594 = vector.shape_cast %swap3A_593 : vector<1x16xf32> to vector<16xf32>
      %swap3A_595 = vector.shape_cast %mul3A_453 : vector<16xf32> to vector<1x16xf32>
      tpu.vector_store %arg11[%swap3A_591, %swap3A_592], %swap3A_595 {strides = array<i32>} : memref<80x128xf32, #tpu.memory_space<vmem>>, vector<1x16xf32>,
      %swap3A_596 = arith.index_cast %add3A_179 : i32 to index
      %swap3A_597 = arith.constant 96 : index
      %swap3A_598 = tpu.vector_load %arg11[%swap3A_596, %swap3A_597] {strides = array<i32>} : memref<80x128xf32, #tpu.memory_space<vmem>>, vector<1x16xf32>,
      %swap3A_599 = vector.shape_cast %swap3A_598 : vector<1x16xf32> to vector<16xf32>
      %swap3A_600 = vector.shape_cast %mul3A_457 : vector<16xf32> to vector<1x16xf32>
      tpu.vector_store %arg11[%swap3A_596, %swap3A_597], %swap3A_600 {strides = array<i32>} : memref<80x128xf32, #tpu.memory_space<vmem>>, vector<1x16xf32>,
      %swap3A_601 = arith.index_cast %add3A_179 : i32 to index
      %swap3A_602 = arith.constant 112 : index
      %swap3A_603 = tpu.vector_load %arg11[%swap3A_601, %swap3A_602] {strides = array<i32>} : memref<80x128xf32, #tpu.memory_space<vmem>>, vector<1x16xf32>,
      %swap3A_604 = vector.shape_cast %swap3A_603 : vector<1x16xf32> to vector<16xf32>
      %swap3A_605 = vector.shape_cast %mul3A_461 : vector<16xf32> to vector<1x16xf32>
      tpu.vector_store %arg11[%swap3A_601, %swap3A_602], %swap3A_605 {strides = array<i32>} : memref<80x128xf32, #tpu.memory_space<vmem>>, vector<1x16xf32>,
      %swap3A_606 = arith.index_cast %add3A_183 : i32 to index
      %swap3A_607 = arith.constant 0 : index
      %swap3A_608 = tpu.vector_load %arg11[%swap3A_606, %swap3A_607] {strides = array<i32>} : memref<80x128xf32, #tpu.memory_space<vmem>>, vector<1x16xf32>,
      %swap3A_609 = vector.shape_cast %swap3A_608 : vector<1x16xf32> to vector<16xf32>
      %swap3A_610 = vector.shape_cast %mul3A_465 : vector<16xf32> to vector<1x16xf32>
      tpu.vector_store %arg11[%swap3A_606, %swap3A_607], %swap3A_610 {strides = array<i32>} : memref<80x128xf32, #tpu.memory_space<vmem>>, vector<1x16xf32>,
      %swap3A_611 = arith.index_cast %add3A_183 : i32 to index
      %swap3A_612 = arith.constant 16 : index
      %swap3A_613 = tpu.vector_load %arg11[%swap3A_611, %swap3A_612] {strides = array<i32>} : memref<80x128xf32, #tpu.memory_space<vmem>>, vector<1x16xf32>,
      %swap3A_614 = vector.shape_cast %swap3A_613 : vector<1x16xf32> to vector<16xf32>
      %swap3A_615 = vector.shape_cast %mul3A_469 : vector<16xf32> to vector<1x16xf32>
      tpu.vector_store %arg11[%swap3A_611, %swap3A_612], %swap3A_615 {strides = array<i32>} : memref<80x128xf32, #tpu.memory_space<vmem>>, vector<1x16xf32>,
      %swap3A_616 = arith.index_cast %add3A_183 : i32 to index
      %swap3A_617 = arith.constant 32 : index
      %swap3A_618 = tpu.vector_load %arg11[%swap3A_616, %swap3A_617] {strides = array<i32>} : memref<80x128xf32, #tpu.memory_space<vmem>>, vector<1x16xf32>,
      %swap3A_619 = vector.shape_cast %swap3A_618 : vector<1x16xf32> to vector<16xf32>
      %swap3A_620 = vector.shape_cast %mul3A_473 : vector<16xf32> to vector<1x16xf32>
      tpu.vector_store %arg11[%swap3A_616, %swap3A_617], %swap3A_620 {strides = array<i32>} : memref<80x128xf32, #tpu.memory_space<vmem>>, vector<1x16xf32>,
      %swap3A_621 = arith.index_cast %add3A_183 : i32 to index
      %swap3A_622 = arith.constant 48 : index
      %swap3A_623 = tpu.vector_load %arg11[%swap3A_621, %swap3A_622] {strides = array<i32>} : memref<80x128xf32, #tpu.memory_space<vmem>>, vector<1x16xf32>,
      %swap3A_624 = vector.shape_cast %swap3A_623 : vector<1x16xf32> to vector<16xf32>
      %swap3A_625 = vector.shape_cast %mul3A_477 : vector<16xf32> to vector<1x16xf32>
      tpu.vector_store %arg11[%swap3A_621, %swap3A_622], %swap3A_625 {strides = array<i32>} : memref<80x128xf32, #tpu.memory_space<vmem>>, vector<1x16xf32>,
      %swap3A_626 = arith.index_cast %add3A_183 : i32 to index
      %swap3A_627 = arith.constant 64 : index
      %swap3A_628 = tpu.vector_load %arg11[%swap3A_626, %swap3A_627] {strides = array<i32>} : memref<80x128xf32, #tpu.memory_space<vmem>>, vector<1x16xf32>,
      %swap3A_629 = vector.shape_cast %swap3A_628 : vector<1x16xf32> to vector<16xf32>
      %swap3A_630 = vector.shape_cast %mul3A_481 : vector<16xf32> to vector<1x16xf32>
      tpu.vector_store %arg11[%swap3A_626, %swap3A_627], %swap3A_630 {strides = array<i32>} : memref<80x128xf32, #tpu.memory_space<vmem>>, vector<1x16xf32>,
      %swap3A_631 = arith.index_cast %add3A_183 : i32 to index
      %swap3A_632 = arith.constant 80 : index
      %swap3A_633 = tpu.vector_load %arg11[%swap3A_631, %swap3A_632] {strides = array<i32>} : memref<80x128xf32, #tpu.memory_space<vmem>>, vector<1x16xf32>,
      %swap3A_634 = vector.shape_cast %swap3A_633 : vector<1x16xf32> to vector<16xf32>
      %swap3A_635 = vector.shape_cast %mul3A_485 : vector<16xf32> to vector<1x16xf32>
      tpu.vector_store %arg11[%swap3A_631, %swap3A_632], %swap3A_635 {strides = array<i32>} : memref<80x128xf32, #tpu.memory_space<vmem>>, vector<1x16xf32>,
      %swap3A_636 = arith.index_cast %add3A_183 : i32 to index
      %swap3A_637 = arith.constant 96 : index
      %swap3A_638 = tpu.vector_load %arg11[%swap3A_636, %swap3A_637] {strides = array<i32>} : memref<80x128xf32, #tpu.memory_space<vmem>>, vector<1x16xf32>,
      %swap3A_639 = vector.shape_cast %swap3A_638 : vector<1x16xf32> to vector<16xf32>
      %swap3A_640 = vector.shape_cast %mul3A_489 : vector<16xf32> to vector<1x16xf32>
      tpu.vector_store %arg11[%swap3A_636, %swap3A_637], %swap3A_640 {strides = array<i32>} : memref<80x128xf32, #tpu.memory_space<vmem>>, vector<1x16xf32>,
      %swap3A_641 = arith.index_cast %add3A_183 : i32 to index
      %swap3A_642 = arith.constant 112 : index
      %swap3A_643 = tpu.vector_load %arg11[%swap3A_641, %swap3A_642] {strides = array<i32>} : memref<80x128xf32, #tpu.memory_space<vmem>>, vector<1x16xf32>,
      %swap3A_644 = vector.shape_cast %swap3A_643 : vector<1x16xf32> to vector<16xf32>
      %swap3A_645 = vector.shape_cast %mul3A_493 : vector<16xf32> to vector<1x16xf32>
      tpu.vector_store %arg11[%swap3A_641, %swap3A_642], %swap3A_645 {strides = array<i32>} : memref<80x128xf32, #tpu.memory_space<vmem>>, vector<1x16xf32>,
      %swap3A_646 = arith.index_cast %add3A_187 : i32 to index
      %swap3A_647 = arith.constant 0 : index
      %swap3A_648 = tpu.vector_load %arg11[%swap3A_646, %swap3A_647] {strides = array<i32>} : memref<80x128xf32, #tpu.memory_space<vmem>>, vector<1x16xf32>,
      %swap3A_649 = vector.shape_cast %swap3A_648 : vector<1x16xf32> to vector<16xf32>
      %swap3A_650 = vector.shape_cast %mul3A_497 : vector<16xf32> to vector<1x16xf32>
      tpu.vector_store %arg11[%swap3A_646, %swap3A_647], %swap3A_650 {strides = array<i32>} : memref<80x128xf32, #tpu.memory_space<vmem>>, vector<1x16xf32>,
      %swap3A_651 = arith.index_cast %add3A_187 : i32 to index
      %swap3A_652 = arith.constant 16 : index
      %swap3A_653 = tpu.vector_load %arg11[%swap3A_651, %swap3A_652] {strides = array<i32>} : memref<80x128xf32, #tpu.memory_space<vmem>>, vector<1x16xf32>,
      %swap3A_654 = vector.shape_cast %swap3A_653 : vector<1x16xf32> to vector<16xf32>
      %swap3A_655 = vector.shape_cast %mul3A_501 : vector<16xf32> to vector<1x16xf32>
      tpu.vector_store %arg11[%swap3A_651, %swap3A_652], %swap3A_655 {strides = array<i32>} : memref<80x128xf32, #tpu.memory_space<vmem>>, vector<1x16xf32>,
      %swap3A_656 = arith.index_cast %add3A_187 : i32 to index
      %swap3A_657 = arith.constant 32 : index
      %swap3A_658 = tpu.vector_load %arg11[%swap3A_656, %swap3A_657] {strides = array<i32>} : memref<80x128xf32, #tpu.memory_space<vmem>>, vector<1x16xf32>,
      %swap3A_659 = vector.shape_cast %swap3A_658 : vector<1x16xf32> to vector<16xf32>
      %swap3A_660 = vector.shape_cast %mul3A_505 : vector<16xf32> to vector<1x16xf32>
      tpu.vector_store %arg11[%swap3A_656, %swap3A_657], %swap3A_660 {strides = array<i32>} : memref<80x128xf32, #tpu.memory_space<vmem>>, vector<1x16xf32>,
      %swap3A_661 = arith.index_cast %add3A_187 : i32 to index
      %swap3A_662 = arith.constant 48 : index
      %swap3A_663 = tpu.vector_load %arg11[%swap3A_661, %swap3A_662] {strides = array<i32>} : memref<80x128xf32, #tpu.memory_space<vmem>>, vector<1x16xf32>,
      %swap3A_664 = vector.shape_cast %swap3A_663 : vector<1x16xf32> to vector<16xf32>
      %swap3A_665 = vector.shape_cast %mul3A_509 : vector<16xf32> to vector<1x16xf32>
      tpu.vector_store %arg11[%swap3A_661, %swap3A_662], %swap3A_665 {strides = array<i32>} : memref<80x128xf32, #tpu.memory_space<vmem>>, vector<1x16xf32>,
      %swap3A_666 = arith.index_cast %add3A_187 : i32 to index
      %swap3A_667 = arith.constant 64 : index
      %swap3A_668 = tpu.vector_load %arg11[%swap3A_666, %swap3A_667] {strides = array<i32>} : memref<80x128xf32, #tpu.memory_space<vmem>>, vector<1x16xf32>,
      %swap3A_669 = vector.shape_cast %swap3A_668 : vector<1x16xf32> to vector<16xf32>
      %swap3A_670 = vector.shape_cast %mul3A_513 : vector<16xf32> to vector<1x16xf32>
      tpu.vector_store %arg11[%swap3A_666, %swap3A_667], %swap3A_670 {strides = array<i32>} : memref<80x128xf32, #tpu.memory_space<vmem>>, vector<1x16xf32>,
      %swap3A_671 = arith.index_cast %add3A_187 : i32 to index
      %swap3A_672 = arith.constant 80 : index
      %swap3A_673 = tpu.vector_load %arg11[%swap3A_671, %swap3A_672] {strides = array<i32>} : memref<80x128xf32, #tpu.memory_space<vmem>>, vector<1x16xf32>,
      %swap3A_674 = vector.shape_cast %swap3A_673 : vector<1x16xf32> to vector<16xf32>
      %swap3A_675 = vector.shape_cast %mul3A_517 : vector<16xf32> to vector<1x16xf32>
      tpu.vector_store %arg11[%swap3A_671, %swap3A_672], %swap3A_675 {strides = array<i32>} : memref<80x128xf32, #tpu.memory_space<vmem>>, vector<1x16xf32>,
      %swap3A_676 = arith.index_cast %add3A_187 : i32 to index
      %swap3A_677 = arith.constant 96 : index
      %swap3A_678 = tpu.vector_load %arg11[%swap3A_676, %swap3A_677] {strides = array<i32>} : memref<80x128xf32, #tpu.memory_space<vmem>>, vector<1x16xf32>,
      %swap3A_679 = vector.shape_cast %swap3A_678 : vector<1x16xf32> to vector<16xf32>
      %swap3A_680 = vector.shape_cast %mul3A_521 : vector<16xf32> to vector<1x16xf32>
      tpu.vector_store %arg11[%swap3A_676, %swap3A_677], %swap3A_680 {strides = array<i32>} : memref<80x128xf32, #tpu.memory_space<vmem>>, vector<1x16xf32>,
      %swap3A_681 = arith.index_cast %add3A_187 : i32 to index
      %swap3A_682 = arith.constant 112 : index
      %swap3A_683 = tpu.vector_load %arg11[%swap3A_681, %swap3A_682] {strides = array<i32>} : memref<80x128xf32, #tpu.memory_space<vmem>>, vector<1x16xf32>,
      %swap3A_684 = vector.shape_cast %swap3A_683 : vector<1x16xf32> to vector<16xf32>
      %swap3A_685 = vector.shape_cast %mul3A_525 : vector<16xf32> to vector<1x16xf32>
      tpu.vector_store %arg11[%swap3A_681, %swap3A_682], %swap3A_685 {strides = array<i32>} : memref<80x128xf32, #tpu.memory_space<vmem>>, vector<1x16xf32>,
    }
    %scan3A_108 = arith.constant 20 : i32
    %get3A = arith.constant 0 : index
    %get3A_109 = tpu.vector_load %arg9[%get3A] {strides = array<i32>} : memref<80xi32, #tpu.memory_space<vmem>>, vector<16xi32>,
    %get3A_110 = vector.shape_cast %get3A_109 : vector<16xi32> to vector<16xi32>
    %swap3A = arith.constant 0 : index
    %swap3A_111 = tpu.vector_load %arg22[%swap3A] {strides = array<i32>} : memref<80xi32, #tpu.memory_space<vmem>>, vector<16xi32>,
    %swap3A_112 = vector.shape_cast %swap3A_111 : vector<16xi32> to vector<16xi32>
    %swap3A_113 = vector.shape_cast %get3A_110 : vector<16xi32> to vector<16xi32>
    tpu.vector_store %arg22[%swap3A], %swap3A_113 {strides = array<i32>} : memref<80xi32, #tpu.memory_space<vmem>>, vector<16xi32>,
    %get3A_114 = arith.constant 16 : index
    %get3A_115 = tpu.vector_load %arg9[%get3A_114] {strides = array<i32>} : memref<80xi32, #tpu.memory_space<vmem>>, vector<16xi32>,
    %get3A_116 = vector.shape_cast %get3A_115 : vector<16xi32> to vector<16xi32>
    %swap3A_117 = arith.constant 16 : index
    %swap3A_118 = tpu.vector_load %arg22[%swap3A_117] {strides = array<i32>} : memref<80xi32, #tpu.memory_space<vmem>>, vector<16xi32>,
    %swap3A_119 = vector.shape_cast %swap3A_118 : vector<16xi32> to vector<16xi32>
    %swap3A_120 = vector.shape_cast %get3A_116 : vector<16xi32> to vector<16xi32>
    tpu.vector_store %arg22[%swap3A_117], %swap3A_120 {strides = array<i32>} : memref<80xi32, #tpu.memory_space<vmem>>, vector<16xi32>,
    %get3A_121 = arith.constant 32 : index
    %get3A_122 = tpu.vector_load %arg9[%get3A_121] {strides = array<i32>} : memref<80xi32, #tpu.memory_space<vmem>>, vector<16xi32>,
    %get3A_123 = vector.shape_cast %get3A_122 : vector<16xi32> to vector<16xi32>
    %swap3A_124 = arith.constant 32 : index
    %swap3A_125 = tpu.vector_load %arg22[%swap3A_124] {strides = array<i32>} : memref<80xi32, #tpu.memory_space<vmem>>, vector<16xi32>,
    %swap3A_126 = vector.shape_cast %swap3A_125 : vector<16xi32> to vector<16xi32>
    %swap3A_127 = vector.shape_cast %get3A_123 : vector<16xi32> to vector<16xi32>
    tpu.vector_store %arg22[%swap3A_124], %swap3A_127 {strides = array<i32>} : memref<80xi32, #tpu.memory_space<vmem>>, vector<16xi32>,
    %get3A_128 = arith.constant 48 : index
    %get3A_129 = tpu.vector_load %arg9[%get3A_128] {strides = array<i32>} : memref<80xi32, #tpu.memory_space<vmem>>, vector<16xi32>,
    %get3A_130 = vector.shape_cast %get3A_129 : vector<16xi32> to vector<16xi32>
    %swap3A_131 = arith.constant 48 : index
    %swap3A_132 = tpu.vector_load %arg22[%swap3A_131] {strides = array<i32>} : memref<80xi32, #tpu.memory_space<vmem>>, vector<16xi32>,
    %swap3A_133 = vector.shape_cast %swap3A_132 : vector<16xi32> to vector<16xi32>
    %swap3A_134 = vector.shape_cast %get3A_130 : vector<16xi32> to vector<16xi32>
    tpu.vector_store %arg22[%swap3A_131], %swap3A_134 {strides = array<i32>} : memref<80xi32, #tpu.memory_space<vmem>>, vector<16xi32>,
    %get3A_135 = arith.constant 64 : index
    %get3A_136 = tpu.vector_load %arg9[%get3A_135] {strides = array<i32>} : memref<80xi32, #tpu.memory_space<vmem>>, vector<16xi32>,
    %get3A_137 = vector.shape_cast %get3A_136 : vector<16xi32> to vector<16xi32>
    %swap3A_138 = arith.constant 64 : index
    %swap3A_139 = tpu.vector_load %arg22[%swap3A_138] {strides = array<i32>} : memref<80xi32, #tpu.memory_space<vmem>>, vector<16xi32>,
    %swap3A_140 = vector.shape_cast %swap3A_139 : vector<16xi32> to vector<16xi32>
    %swap3A_141 = vector.shape_cast %get3A_137 : vector<16xi32> to vector<16xi32>
    tpu.vector_store %arg22[%swap3A_138], %swap3A_141 {strides = array<i32>} : memref<80xi32, #tpu.memory_space<vmem>>, vector<16xi32>,
    %dma_start3A_142 = arith.constant 0 : i32
    %dma_start3A_143 = arith.constant 0 : i32
    %dma_start3A_144 = tpu.memref_slice %arg24[%dma_start3A_142, %dma_start3A_143] : memref<10240x128xf32, #tpu.memory_space<vmem_shared>> -> memref<10240x128xf32, #tpu.memory_space<vmem_shared>>
    tpu.enqueue_indirect_dma source(%arg11 : memref<80x128xf32, #tpu.memory_space<vmem>>) target(%dma_start3A_144 : memref<10240x128xf32, #tpu.memory_space<vmem_shared>>) offsets(%arg22 : memref<80xi32, #tpu.memory_space<vmem>>) semaphore(%arg30 : memref<!tpu.dma_semaphore, #tpu.memory_space<semaphore_mem>>) {add = true}
    %dma_start3A_145 = arith.constant 0 : i32
    %dma_start3A_146 = arith.constant 0 : i32
    %dma_start3A_147 = tpu.memref_slice %arg25[%dma_start3A_145, %dma_start3A_146] : memref<10240x16xf32, #tpu.memory_space<vmem_shared>> -> memref<10240x16xf32, #tpu.memory_space<vmem_shared>>
    tpu.enqueue_indirect_dma source(%arg14 : memref<80x16xf32, #tpu.memory_space<vmem>>) target(%dma_start3A_147 : memref<10240x16xf32, #tpu.memory_space<vmem_shared>>) offsets(%arg22 : memref<80xi32, #tpu.memory_space<vmem>>) semaphore(%arg30 : memref<!tpu.dma_semaphore, #tpu.memory_space<semaphore_mem>>) {add = true}
    %dma_wait3A_148 = arith.constant 0 : i32
    %dma_wait3A_149 = arith.constant 0 : i32
    %dma_wait3A_150 = tpu.memref_slice %arg24[%dma_wait3A_148, %dma_wait3A_149] : memref<10240x128xf32, #tpu.memory_space<vmem_shared>> -> memref<10240x128xf32, #tpu.memory_space<vmem_shared>>
    tpu.wait_indirect_dma semaphore(%arg31 : memref<!tpu.dma_semaphore, #tpu.memory_space<semaphore_mem>>) src(%arg18 : memref<80x128xf32, #tpu.memory_space<vmem>>) dst(%dma_wait3A_150 : memref<10240x128xf32, #tpu.memory_space<vmem_shared>>)
    %dma_wait3A_151 = arith.constant 0 : i32
    %dma_wait3A_152 = arith.constant 0 : i32
    %dma_wait3A_153 = tpu.memref_slice %arg25[%dma_wait3A_151, %dma_wait3A_152] : memref<10240x16xf32, #tpu.memory_space<vmem_shared>> -> memref<10240x16xf32, #tpu.memory_space<vmem_shared>>
    tpu.wait_indirect_dma semaphore(%arg31 : memref<!tpu.dma_semaphore, #tpu.memory_space<semaphore_mem>>) src(%arg21 : memref<80x16xf32, #tpu.memory_space<vmem>>) dst(%dma_wait3A_153 : memref<10240x16xf32, #tpu.memory_space<vmem_shared>>)
    %dma_wait3A_154 = arith.constant 0 : i32
    %dma_wait3A_155 = arith.constant 0 : i32
    %dma_wait3A_156 = tpu.memref_slice %arg24[%dma_wait3A_154, %dma_wait3A_155] : memref<10240x128xf32, #tpu.memory_space<vmem_shared>> -> memref<10240x128xf32, #tpu.memory_space<vmem_shared>>
    tpu.wait_indirect_dma semaphore(%arg30 : memref<!tpu.dma_semaphore, #tpu.memory_space<semaphore_mem>>) src(%arg11 : memref<80x128xf32, #tpu.memory_space<vmem>>) dst(%dma_wait3A_156 : memref<10240x128xf32, #tpu.memory_space<vmem_shared>>)
    %dma_wait3A_157 = arith.constant 0 : i32
    %dma_wait3A_158 = arith.constant 0 : i32
    %dma_wait3A_159 = tpu.memref_slice %arg25[%dma_wait3A_157, %dma_wait3A_158] : memref<10240x16xf32, #tpu.memory_space<vmem_shared>> -> memref<10240x16xf32, #tpu.memory_space<vmem_shared>>
    tpu.wait_indirect_dma semaphore(%arg30 : memref<!tpu.dma_semaphore, #tpu.memory_space<semaphore_mem>>) src(%arg14 : memref<80x16xf32, #tpu.memory_space<vmem>>) dst(%dma_wait3A_159 : memref<10240x16xf32, #tpu.memory_space<vmem_shared>>)
    %barrier3A_160 = arith.constant 0 : index
    tpu.barrier barrier_id(%barrier3A_160)
    %add3A_161 = arith.constant 0 : i32
    %add3A_162 = arith.addi %mul3A_10, %add3A_161 : i32
    "tpu.region"() ({
      %run_scoped3A = tpu.sem_alloc : memref<!tpu.dma_semaphore, #tpu.memory_space<semaphore_mem>>
      %dma_start3A_171 = arith.constant 0 : i32
      %dma_start3A_172 = tpu.memref_slice %arg6[%arg0, %add3A_162, %dma_start3A_171] : memref<2x10240x128xf32, #tpu.memory_space<hbm>> -> memref<1x128x128xf32, #tpu.memory_space<hbm>>
      %dma_start3A_173 = tpu.memref_squeeze %dma_start3A_172 : memref<1x128x128xf32, #tpu.memory_space<hbm>> -> memref<128x128xf32, #tpu.memory_space<hbm>>
      %dma_start3A_174 = arith.constant 0 : i32
      %dma_start3A_175 = tpu.memref_slice %arg24[%add3A_162, %dma_start3A_174] : memref<10240x128xf32, #tpu.memory_space<vmem_shared>> -> memref<128x128xf32, #tpu.memory_space<vmem_shared>>
      tpu.enqueue_dma source(%dma_start3A_175 : memref<128x128xf32, #tpu.memory_space<vmem_shared>>) target(%dma_start3A_173 : memref<128x128xf32, #tpu.memory_space<hbm>>) target_semaphore(%run_scoped3A : memref<!tpu.dma_semaphore, #tpu.memory_space<semaphore_mem>>)
      %dma_wait3A_176 = arith.constant 0 : i32
      %dma_wait3A_177 = tpu.memref_slice %arg6[%arg0, %add3A_162, %dma_wait3A_176] : memref<2x10240x128xf32, #tpu.memory_space<hbm>> -> memref<1x128x128xf32, #tpu.memory_space<hbm>>
      %dma_wait3A_178 = tpu.memref_squeeze %dma_wait3A_177 : memref<1x128x128xf32, #tpu.memory_space<hbm>> -> memref<128x128xf32, #tpu.memory_space<hbm>>
      %dma_wait3A_179 = arith.constant 0 : i32
      %dma_wait3A_180 = tpu.memref_slice %arg24[%add3A_162, %dma_wait3A_179] : memref<10240x128xf32, #tpu.memory_space<vmem_shared>> -> memref<128x128xf32, #tpu.memory_space<vmem_shared>>
      tpu.wait_dma2 semaphore(%run_scoped3A : memref<!tpu.dma_semaphore, #tpu.memory_space<semaphore_mem>>) src(%dma_wait3A_180 : memref<128x128xf32, #tpu.memory_space<vmem_shared>>) dst(%dma_wait3A_178 : memref<128x128xf32, #tpu.memory_space<hbm>>)
      tpu.yield
    }) : () -> ()
    "tpu.region"() ({
      %run_scoped3A = tpu.sem_alloc : memref<!tpu.dma_semaphore, #tpu.memory_space<semaphore_mem>>
      %dma_start3A_171 = arith.constant 0 : i32
      %dma_start3A_172 = tpu.memref_slice %arg7[%arg0, %add3A_162, %dma_start3A_171] : memref<2x10240x16xf32, #tpu.memory_space<hbm>> -> memref<1x128x16xf32, #tpu.memory_space<hbm>>
      %dma_start3A_173 = tpu.memref_squeeze %dma_start3A_172 : memref<1x128x16xf32, #tpu.memory_space<hbm>> -> memref<128x16xf32, #tpu.memory_space<hbm>>
      %dma_start3A_174 = arith.constant 0 : i32
      %dma_start3A_175 = tpu.memref_slice %arg25[%add3A_162, %dma_start3A_174] : memref<10240x16xf32, #tpu.memory_space<vmem_shared>> -> memref<128x16xf32, #tpu.memory_space<vmem_shared>>
      tpu.enqueue_dma source(%dma_start3A_175 : memref<128x16xf32, #tpu.memory_space<vmem_shared>>) target(%dma_start3A_173 : memref<128x16xf32, #tpu.memory_space<hbm>>) target_semaphore(%run_scoped3A : memref<!tpu.dma_semaphore, #tpu.memory_space<semaphore_mem>>)
      %dma_wait3A_176 = arith.constant 0 : i32
      %dma_wait3A_177 = tpu.memref_slice %arg7[%arg0, %add3A_162, %dma_wait3A_176] : memref<2x10240x16xf32, #tpu.memory_space<hbm>> -> memref<1x128x16xf32, #tpu.memory_space<hbm>>
      %dma_wait3A_178 = tpu.memref_squeeze %dma_wait3A_177 : memref<1x128x16xf32, #tpu.memory_space<hbm>> -> memref<128x16xf32, #tpu.memory_space<hbm>>
      %dma_wait3A_179 = arith.constant 0 : i32
      %dma_wait3A_180 = tpu.memref_slice %arg25[%add3A_162, %dma_wait3A_179] : memref<10240x16xf32, #tpu.memory_space<vmem_shared>> -> memref<128x16xf32, #tpu.memory_space<vmem_shared>>
      tpu.wait_dma2 semaphore(%run_scoped3A : memref<!tpu.dma_semaphore, #tpu.memory_space<semaphore_mem>>) src(%dma_wait3A_180 : memref<128x16xf32, #tpu.memory_space<vmem_shared>>) dst(%dma_wait3A_178 : memref<128x16xf32, #tpu.memory_space<hbm>>)
      tpu.yield
    }) : () -> ()
    %add3A_163 = arith.constant 128 : i32
    %add3A_164 = arith.addi %mul3A_10, %add3A_163 : i32
    "tpu.region"() ({
      %run_scoped3A = tpu.sem_alloc : memref<!tpu.dma_semaphore, #tpu.memory_space<semaphore_mem>>
      %dma_start3A_171 = arith.constant 0 : i32
      %dma_start3A_172 = tpu.memref_slice %arg6[%arg0, %add3A_164, %dma_start3A_171] : memref<2x10240x128xf32, #tpu.memory_space<hbm>> -> memref<1x128x128xf32, #tpu.memory_space<hbm>>
      %dma_start3A_173 = tpu.memref_squeeze %dma_start3A_172 : memref<1x128x128xf32, #tpu.memory_space<hbm>> -> memref<128x128xf32, #tpu.memory_space<hbm>>
      %dma_start3A_174 = arith.constant 0 : i32
      %dma_start3A_175 = tpu.memref_slice %arg24[%add3A_164, %dma_start3A_174] : memref<10240x128xf32, #tpu.memory_space<vmem_shared>> -> memref<128x128xf32, #tpu.memory_space<vmem_shared>>
      tpu.enqueue_dma source(%dma_start3A_175 : memref<128x128xf32, #tpu.memory_space<vmem_shared>>) target(%dma_start3A_173 : memref<128x128xf32, #tpu.memory_space<hbm>>) target_semaphore(%run_scoped3A : memref<!tpu.dma_semaphore, #tpu.memory_space<semaphore_mem>>)
      %dma_wait3A_176 = arith.constant 0 : i32
      %dma_wait3A_177 = tpu.memref_slice %arg6[%arg0, %add3A_164, %dma_wait3A_176] : memref<2x10240x128xf32, #tpu.memory_space<hbm>> -> memref<1x128x128xf32, #tpu.memory_space<hbm>>
      %dma_wait3A_178 = tpu.memref_squeeze %dma_wait3A_177 : memref<1x128x128xf32, #tpu.memory_space<hbm>> -> memref<128x128xf32, #tpu.memory_space<hbm>>
      %dma_wait3A_179 = arith.constant 0 : i32
      %dma_wait3A_180 = tpu.memref_slice %arg24[%add3A_164, %dma_wait3A_179] : memref<10240x128xf32, #tpu.memory_space<vmem_shared>> -> memref<128x128xf32, #tpu.memory_space<vmem_shared>>
      tpu.wait_dma2 semaphore(%run_scoped3A : memref<!tpu.dma_semaphore, #tpu.memory_space<semaphore_mem>>) src(%dma_wait3A_180 : memref<128x128xf32, #tpu.memory_space<vmem_shared>>) dst(%dma_wait3A_178 : memref<128x128xf32, #tpu.memory_space<hbm>>)
      tpu.yield
    }) : () -> ()
    "tpu.region"() ({
      %run_scoped3A = tpu.sem_alloc : memref<!tpu.dma_semaphore, #tpu.memory_space<semaphore_mem>>
      %dma_start3A_171 = arith.constant 0 : i32
      %dma_start3A_172 = tpu.memref_slice %arg7[%arg0, %add3A_164, %dma_start3A_171] : memref<2x10240x16xf32, #tpu.memory_space<hbm>> -> memref<1x128x16xf32, #tpu.memory_space<hbm>>
      %dma_start3A_173 = tpu.memref_squeeze %dma_start3A_172 : memref<1x128x16xf32, #tpu.memory_space<hbm>> -> memref<128x16xf32, #tpu.memory_space<hbm>>
      %dma_start3A_174 = arith.constant 0 : i32
      %dma_start3A_175 = tpu.memref_slice %arg25[%add3A_164, %dma_start3A_174] : memref<10240x16xf32, #tpu.memory_space<vmem_shared>> -> memref<128x16xf32, #tpu.memory_space<vmem_shared>>
      tpu.enqueue_dma source(%dma_start3A_175 : memref<128x16xf32, #tpu.memory_space<vmem_shared>>) target(%dma_start3A_173 : memref<128x16xf32, #tpu.memory_space<hbm>>) target_semaphore(%run_scoped3A : memref<!tpu.dma_semaphore, #tpu.memory_space<semaphore_mem>>)
      %dma_wait3A_176 = arith.constant 0 : i32
      %dma_wait3A_177 = tpu.memref_slice %arg7[%arg0, %add3A_164, %dma_wait3A_176] : memref<2x10240x16xf32, #tpu.memory_space<hbm>> -> memref<1x128x16xf32, #tpu.memory_space<hbm>>
      %dma_wait3A_178 = tpu.memref_squeeze %dma_wait3A_177 : memref<1x128x16xf32, #tpu.memory_space<hbm>> -> memref<128x16xf32, #tpu.memory_space<hbm>>
      %dma_wait3A_179 = arith.constant 0 : i32
      %dma_wait3A_180 = tpu.memref_slice %arg25[%add3A_164, %dma_wait3A_179] : memref<10240x16xf32, #tpu.memory_space<vmem_shared>> -> memref<128x16xf32, #tpu.memory_space<vmem_shared>>
      tpu.wait_dma2 semaphore(%run_scoped3A : memref<!tpu.dma_semaphore, #tpu.memory_space<semaphore_mem>>) src(%dma_wait3A_180 : memref<128x16xf32, #tpu.memory_space<vmem_shared>>) dst(%dma_wait3A_178 : memref<128x16xf32, #tpu.memory_space<hbm>>)
      tpu.yield
    }) : () -> ()
    %add3A_165 = arith.constant 256 : i32
    %add3A_166 = arith.addi %mul3A_10, %add3A_165 : i32
    "tpu.region"() ({
      %run_scoped3A = tpu.sem_alloc : memref<!tpu.dma_semaphore, #tpu.memory_space<semaphore_mem>>
      %dma_start3A_171 = arith.constant 0 : i32
      %dma_start3A_172 = tpu.memref_slice %arg6[%arg0, %add3A_166, %dma_start3A_171] : memref<2x10240x128xf32, #tpu.memory_space<hbm>> -> memref<1x128x128xf32, #tpu.memory_space<hbm>>
      %dma_start3A_173 = tpu.memref_squeeze %dma_start3A_172 : memref<1x128x128xf32, #tpu.memory_space<hbm>> -> memref<128x128xf32, #tpu.memory_space<hbm>>
      %dma_start3A_174 = arith.constant 0 : i32
      %dma_start3A_175 = tpu.memref_slice %arg24[%add3A_166, %dma_start3A_174] : memref<10240x128xf32, #tpu.memory_space<vmem_shared>> -> memref<128x128xf32, #tpu.memory_space<vmem_shared>>
      tpu.enqueue_dma source(%dma_start3A_175 : memref<128x128xf32, #tpu.memory_space<vmem_shared>>) target(%dma_start3A_173 : memref<128x128xf32, #tpu.memory_space<hbm>>) target_semaphore(%run_scoped3A : memref<!tpu.dma_semaphore, #tpu.memory_space<semaphore_mem>>)
      %dma_wait3A_176 = arith.constant 0 : i32
      %dma_wait3A_177 = tpu.memref_slice %arg6[%arg0, %add3A_166, %dma_wait3A_176] : memref<2x10240x128xf32, #tpu.memory_space<hbm>> -> memref<1x128x128xf32, #tpu.memory_space<hbm>>
      %dma_wait3A_178 = tpu.memref_squeeze %dma_wait3A_177 : memref<1x128x128xf32, #tpu.memory_space<hbm>> -> memref<128x128xf32, #tpu.memory_space<hbm>>
      %dma_wait3A_179 = arith.constant 0 : i32
      %dma_wait3A_180 = tpu.memref_slice %arg24[%add3A_166, %dma_wait3A_179] : memref<10240x128xf32, #tpu.memory_space<vmem_shared>> -> memref<128x128xf32, #tpu.memory_space<vmem_shared>>
      tpu.wait_dma2 semaphore(%run_scoped3A : memref<!tpu.dma_semaphore, #tpu.memory_space<semaphore_mem>>) src(%dma_wait3A_180 : memref<128x128xf32, #tpu.memory_space<vmem_shared>>) dst(%dma_wait3A_178 : memref<128x128xf32, #tpu.memory_space<hbm>>)
      tpu.yield
    }) : () -> ()
    "tpu.region"() ({
      %run_scoped3A = tpu.sem_alloc : memref<!tpu.dma_semaphore, #tpu.memory_space<semaphore_mem>>
      %dma_start3A_171 = arith.constant 0 : i32
      %dma_start3A_172 = tpu.memref_slice %arg7[%arg0, %add3A_166, %dma_start3A_171] : memref<2x10240x16xf32, #tpu.memory_space<hbm>> -> memref<1x128x16xf32, #tpu.memory_space<hbm>>
      %dma_start3A_173 = tpu.memref_squeeze %dma_start3A_172 : memref<1x128x16xf32, #tpu.memory_space<hbm>> -> memref<128x16xf32, #tpu.memory_space<hbm>>
      %dma_start3A_174 = arith.constant 0 : i32
      %dma_start3A_175 = tpu.memref_slice %arg25[%add3A_166, %dma_start3A_174] : memref<10240x16xf32, #tpu.memory_space<vmem_shared>> -> memref<128x16xf32, #tpu.memory_space<vmem_shared>>
      tpu.enqueue_dma source(%dma_start3A_175 : memref<128x16xf32, #tpu.memory_space<vmem_shared>>) target(%dma_start3A_173 : memref<128x16xf32, #tpu.memory_space<hbm>>) target_semaphore(%run_scoped3A : memref<!tpu.dma_semaphore, #tpu.memory_space<semaphore_mem>>)
      %dma_wait3A_176 = arith.constant 0 : i32
      %dma_wait3A_177 = tpu.memref_slice %arg7[%arg0, %add3A_166, %dma_wait3A_176] : memref<2x10240x16xf32, #tpu.memory_space<hbm>> -> memref<1x128x16xf32, #tpu.memory_space<hbm>>
      %dma_wait3A_178 = tpu.memref_squeeze %dma_wait3A_177 : memref<1x128x16xf32, #tpu.memory_space<hbm>> -> memref<128x16xf32, #tpu.memory_space<hbm>>
      %dma_wait3A_179 = arith.constant 0 : i32
      %dma_wait3A_180 = tpu.memref_slice %arg25[%add3A_166, %dma_wait3A_179] : memref<10240x16xf32, #tpu.memory_space<vmem_shared>> -> memref<128x16xf32, #tpu.memory_space<vmem_shared>>
      tpu.wait_dma2 semaphore(%run_scoped3A : memref<!tpu.dma_semaphore, #tpu.memory_space<semaphore_mem>>) src(%dma_wait3A_180 : memref<128x16xf32, #tpu.memory_space<vmem_shared>>) dst(%dma_wait3A_178 : memref<128x16xf32, #tpu.memory_space<hbm>>)
      tpu.yield
    }) : () -> ()
    %add3A_167 = arith.constant 384 : i32
    %add3A_168 = arith.addi %mul3A_10, %add3A_167 : i32
    "tpu.region"() ({
      %run_scoped3A = tpu.sem_alloc : memref<!tpu.dma_semaphore, #tpu.memory_space<semaphore_mem>>
      %dma_start3A_171 = arith.constant 0 : i32
      %dma_start3A_172 = tpu.memref_slice %arg6[%arg0, %add3A_168, %dma_start3A_171] : memref<2x10240x128xf32, #tpu.memory_space<hbm>> -> memref<1x128x128xf32, #tpu.memory_space<hbm>>
      %dma_start3A_173 = tpu.memref_squeeze %dma_start3A_172 : memref<1x128x128xf32, #tpu.memory_space<hbm>> -> memref<128x128xf32, #tpu.memory_space<hbm>>
      %dma_start3A_174 = arith.constant 0 : i32
      %dma_start3A_175 = tpu.memref_slice %arg24[%add3A_168, %dma_start3A_174] : memref<10240x128xf32, #tpu.memory_space<vmem_shared>> -> memref<128x128xf32, #tpu.memory_space<vmem_shared>>
      tpu.enqueue_dma source(%dma_start3A_175 : memref<128x128xf32, #tpu.memory_space<vmem_shared>>) target(%dma_start3A_173 : memref<128x128xf32, #tpu.memory_space<hbm>>) target_semaphore(%run_scoped3A : memref<!tpu.dma_semaphore, #tpu.memory_space<semaphore_mem>>)
      %dma_wait3A_176 = arith.constant 0 : i32
      %dma_wait3A_177 = tpu.memref_slice %arg6[%arg0, %add3A_168, %dma_wait3A_176] : memref<2x10240x128xf32, #tpu.memory_space<hbm>> -> memref<1x128x128xf32, #tpu.memory_space<hbm>>
      %dma_wait3A_178 = tpu.memref_squeeze %dma_wait3A_177 : memref<1x128x128xf32, #tpu.memory_space<hbm>> -> memref<128x128xf32, #tpu.memory_space<hbm>>
      %dma_wait3A_179 = arith.constant 0 : i32
      %dma_wait3A_180 = tpu.memref_slice %arg24[%add3A_168, %dma_wait3A_179] : memref<10240x128xf32, #tpu.memory_space<vmem_shared>> -> memref<128x128xf32, #tpu.memory_space<vmem_shared>>
      tpu.wait_dma2 semaphore(%run_scoped3A : memref<!tpu.dma_semaphore, #tpu.memory_space<semaphore_mem>>) src(%dma_wait3A_180 : memref<128x128xf32, #tpu.memory_space<vmem_shared>>) dst(%dma_wait3A_178 : memref<128x128xf32, #tpu.memory_space<hbm>>)
      tpu.yield
    }) : () -> ()
    "tpu.region"() ({
      %run_scoped3A = tpu.sem_alloc : memref<!tpu.dma_semaphore, #tpu.memory_space<semaphore_mem>>
      %dma_start3A_171 = arith.constant 0 : i32
      %dma_start3A_172 = tpu.memref_slice %arg7[%arg0, %add3A_168, %dma_start3A_171] : memref<2x10240x16xf32, #tpu.memory_space<hbm>> -> memref<1x128x16xf32, #tpu.memory_space<hbm>>
      %dma_start3A_173 = tpu.memref_squeeze %dma_start3A_172 : memref<1x128x16xf32, #tpu.memory_space<hbm>> -> memref<128x16xf32, #tpu.memory_space<hbm>>
      %dma_start3A_174 = arith.constant 0 : i32
      %dma_start3A_175 = tpu.memref_slice %arg25[%add3A_168, %dma_start3A_174] : memref<10240x16xf32, #tpu.memory_space<vmem_shared>> -> memref<128x16xf32, #tpu.memory_space<vmem_shared>>
      tpu.enqueue_dma source(%dma_start3A_175 : memref<128x16xf32, #tpu.memory_space<vmem_shared>>) target(%dma_start3A_173 : memref<128x16xf32, #tpu.memory_space<hbm>>) target_semaphore(%run_scoped3A : memref<!tpu.dma_semaphore, #tpu.memory_space<semaphore_mem>>)
      %dma_wait3A_176 = arith.constant 0 : i32
      %dma_wait3A_177 = tpu.memref_slice %arg7[%arg0, %add3A_168, %dma_wait3A_176] : memref<2x10240x16xf32, #tpu.memory_space<hbm>> -> memref<1x128x16xf32, #tpu.memory_space<hbm>>
      %dma_wait3A_178 = tpu.memref_squeeze %dma_wait3A_177 : memref<1x128x16xf32, #tpu.memory_space<hbm>> -> memref<128x16xf32, #tpu.memory_space<hbm>>
      %dma_wait3A_179 = arith.constant 0 : i32
      %dma_wait3A_180 = tpu.memref_slice %arg25[%add3A_168, %dma_wait3A_179] : memref<10240x16xf32, #tpu.memory_space<vmem_shared>> -> memref<128x16xf32, #tpu.memory_space<vmem_shared>>
      tpu.wait_dma2 semaphore(%run_scoped3A : memref<!tpu.dma_semaphore, #tpu.memory_space<semaphore_mem>>) src(%dma_wait3A_180 : memref<128x16xf32, #tpu.memory_space<vmem_shared>>) dst(%dma_wait3A_178 : memref<128x16xf32, #tpu.memory_space<hbm>>)
      tpu.yield
    }) : () -> ()
    %add3A_169 = arith.constant 512 : i32
    %add3A_170 = arith.addi %mul3A_10, %add3A_169 : i32
    "tpu.region"() ({
      %run_scoped3A = tpu.sem_alloc : memref<!tpu.dma_semaphore, #tpu.memory_space<semaphore_mem>>
      %dma_start3A_171 = arith.constant 0 : i32
      %dma_start3A_172 = tpu.memref_slice %arg6[%arg0, %add3A_170, %dma_start3A_171] : memref<2x10240x128xf32, #tpu.memory_space<hbm>> -> memref<1x128x128xf32, #tpu.memory_space<hbm>>
      %dma_start3A_173 = tpu.memref_squeeze %dma_start3A_172 : memref<1x128x128xf32, #tpu.memory_space<hbm>> -> memref<128x128xf32, #tpu.memory_space<hbm>>
      %dma_start3A_174 = arith.constant 0 : i32
      %dma_start3A_175 = tpu.memref_slice %arg24[%add3A_170, %dma_start3A_174] : memref<10240x128xf32, #tpu.memory_space<vmem_shared>> -> memref<128x128xf32, #tpu.memory_space<vmem_shared>>
      tpu.enqueue_dma source(%dma_start3A_175 : memref<128x128xf32, #tpu.memory_space<vmem_shared>>) target(%dma_start3A_173 : memref<128x128xf32, #tpu.memory_space<hbm>>) target_semaphore(%run_scoped3A : memref<!tpu.dma_semaphore, #tpu.memory_space<semaphore_mem>>)
      %dma_wait3A_176 = arith.constant 0 : i32
      %dma_wait3A_177 = tpu.memref_slice %arg6[%arg0, %add3A_170, %dma_wait3A_176] : memref<2x10240x128xf32, #tpu.memory_space<hbm>> -> memref<1x128x128xf32, #tpu.memory_space<hbm>>
      %dma_wait3A_178 = tpu.memref_squeeze %dma_wait3A_177 : memref<1x128x128xf32, #tpu.memory_space<hbm>> -> memref<128x128xf32, #tpu.memory_space<hbm>>
      %dma_wait3A_179 = arith.constant 0 : i32
      %dma_wait3A_180 = tpu.memref_slice %arg24[%add3A_170, %dma_wait3A_179] : memref<10240x128xf32, #tpu.memory_space<vmem_shared>> -> memref<128x128xf32, #tpu.memory_space<vmem_shared>>
      tpu.wait_dma2 semaphore(%run_scoped3A : memref<!tpu.dma_semaphore, #tpu.memory_space<semaphore_mem>>) src(%dma_wait3A_180 : memref<128x128xf32, #tpu.memory_space<vmem_shared>>) dst(%dma_wait3A_178 : memref<128x128xf32, #tpu.memory_space<hbm>>)
      tpu.yield
    }) : () -> ()
    "tpu.region"() ({
      %run_scoped3A = tpu.sem_alloc : memref<!tpu.dma_semaphore, #tpu.memory_space<semaphore_mem>>
      %dma_start3A_171 = arith.constant 0 : i32
      %dma_start3A_172 = tpu.memref_slice %arg7[%arg0, %add3A_170, %dma_start3A_171] : memref<2x10240x16xf32, #tpu.memory_space<hbm>> -> memref<1x128x16xf32, #tpu.memory_space<hbm>>
      %dma_start3A_173 = tpu.memref_squeeze %dma_start3A_172 : memref<1x128x16xf32, #tpu.memory_space<hbm>> -> memref<128x16xf32, #tpu.memory_space<hbm>>
      %dma_start3A_174 = arith.constant 0 : i32
      %dma_start3A_175 = tpu.memref_slice %arg25[%add3A_170, %dma_start3A_174] : memref<10240x16xf32, #tpu.memory_space<vmem_shared>> -> memref<128x16xf32, #tpu.memory_space<vmem_shared>>
      tpu.enqueue_dma source(%dma_start3A_175 : memref<128x16xf32, #tpu.memory_space<vmem_shared>>) target(%dma_start3A_173 : memref<128x16xf32, #tpu.memory_space<hbm>>) target_semaphore(%run_scoped3A : memref<!tpu.dma_semaphore, #tpu.memory_space<semaphore_mem>>)
      %dma_wait3A_176 = arith.constant 0 : i32
      %dma_wait3A_177 = tpu.memref_slice %arg7[%arg0, %add3A_170, %dma_wait3A_176] : memref<2x10240x16xf32, #tpu.memory_space<hbm>> -> memref<1x128x16xf32, #tpu.memory_space<hbm>>
      %dma_wait3A_178 = tpu.memref_squeeze %dma_wait3A_177 : memref<1x128x16xf32, #tpu.memory_space<hbm>> -> memref<128x16xf32, #tpu.memory_space<hbm>>
      %dma_wait3A_179 = arith.constant 0 : i32
      %dma_wait3A_180 = tpu.memref_slice %arg25[%add3A_170, %dma_wait3A_179] : memref<10240x16xf32, #tpu.memory_space<vmem_shared>> -> memref<128x16xf32, #tpu.memory_space<vmem_shared>>
      tpu.wait_dma2 semaphore(%run_scoped3A : memref<!tpu.dma_semaphore, #tpu.memory_space<semaphore_mem>>) src(%dma_wait3A_180 : memref<128x16xf32, #tpu.memory_space<vmem_shared>>) dst(%dma_wait3A_178 : memref<128x16xf32, #tpu.memory_space<hbm>>)
      tpu.yield
    }) : () -> ()
    return
  }
}

module attributes {stable_mosaic.version = 14 : i64} {
  func.func @_proj_body(%arg0: i32, %arg1: memref<1000x128xf32, #tpu.memory_space<vmem>>, %arg2: memref<128x128xf32, #tpu.memory_space<vmem>>, %arg3: memref<128x16xf32, #tpu.memory_space<vmem>>, %arg4: memref<1000x128xf32, #tpu.memory_space<vmem>>, %arg5: memref<1000x16xf32, #tpu.memory_space<vmem>>) attributes {dimension_semantics = [#tpu.dimension_semantics<arbitrary>], iteration_bounds = array<i64: 10>, scalar_prefetch = 0 : i64, scratch_operands = 0 : i64, tpu.core_type = #tpu.core_type<tc>, window_params = [{transform_indices = @transform_0, window_bounds = array<i64: 1000, 128>}, {pipeline_mode = #tpu.pipeline_mode<synchronous>, transform_indices = @transform_1, window_bounds = array<i64: 128, 128>}, {pipeline_mode = #tpu.pipeline_mode<synchronous>, transform_indices = @transform_2, window_bounds = array<i64: 128, 16>}, {transform_indices = @transform_3, window_bounds = array<i64: 1000, 128>}, {transform_indices = @transform_4, window_bounds = array<i64: 1000, 16>}]} {
    %get3A = arith.constant 0 : index
    %get3A_0 = arith.constant 0 : index
    %get3A_1 = vector.load %arg1[%get3A, %get3A_0] : memref<1000x128xf32, #tpu.memory_space<vmem>>, vector<1000x128xf32>
    %get3A_2 = arith.constant 0 : index
    %get3A_3 = arith.constant 0 : index
    %get3A_4 = vector.load %arg2[%get3A_2, %get3A_3] : memref<128x128xf32, #tpu.memory_space<vmem>>, vector<128x128xf32>
    %dot_general3A = arith.constant dense<0.000000e+00> : vector<1000x128xf32>
    %dot_general3A_5 = tpu.matmul %get3A_1, %get3A_4, %dot_general3A {dimension_numbers = #tpu.dot_dimension_numbers<[1], [0], [0], [1], [0, 0, 1, 1], [], []>, transpose_lhs_hint = false} : vector<1000x128xf32>, vector<128x128xf32>, vector<1000x128xf32> -> vector<1000x128xf32>
    %swap3A = arith.constant 0 : index
    %swap3A_6 = arith.constant 0 : index
    %swap3A_7 = vector.load %arg4[%swap3A, %swap3A_6] : memref<1000x128xf32, #tpu.memory_space<vmem>>, vector<1000x128xf32>
    tpu.vector_store %arg4[%swap3A, %swap3A_6], %dot_general3A_5 {strides = array<i32>} : memref<1000x128xf32, #tpu.memory_space<vmem>>, vector<1000x128xf32>,
    %get3A_8 = arith.constant 0 : index
    %get3A_9 = arith.constant 0 : index
    %get3A_10 = vector.load %arg3[%get3A_8, %get3A_9] : memref<128x16xf32, #tpu.memory_space<vmem>>, vector<128x16xf32>
    %dot_general3A_11 = arith.constant dense<0.000000e+00> : vector<1000x16xf32>
    %dot_general3A_12 = tpu.matmul %dot_general3A_5, %get3A_10, %dot_general3A_11 {dimension_numbers = #tpu.dot_dimension_numbers<[1], [0], [0], [1], [0, 0, 1, 1], [], []>, transpose_lhs_hint = false} : vector<1000x128xf32>, vector<128x16xf32>, vector<1000x16xf32> -> vector<1000x16xf32>
    %swap3A_13 = arith.constant 0 : index
    %swap3A_14 = arith.constant 0 : index
    %swap3A_15 = vector.load %arg5[%swap3A_13, %swap3A_14] : memref<1000x16xf32, #tpu.memory_space<vmem>>, vector<1000x16xf32>
    tpu.vector_store %arg5[%swap3A_13, %swap3A_14], %dot_general3A_12 {strides = array<i32>} : memref<1000x16xf32, #tpu.memory_space<vmem>>, vector<1000x16xf32>,
    return
  }
  func.func @transform_0(%arg0: i32) -> (i32, i32) {
    %c0_i32 = arith.constant 0 : i32
    %c0_i32_0 = arith.constant 0 : i32
    return %arg0, %c0_i32 : i32, i32
  }
  func.func @transform_1(%arg0: i32) -> (i32, i32) {
    %c0_i32 = arith.constant 0 : i32
    %c0_i32_0 = arith.constant 0 : i32
    %c0_i32_1 = arith.constant 0 : i32
    return %c0_i32, %c0_i32_0 : i32, i32
  }
  func.func @transform_2(%arg0: i32) -> (i32, i32) {
    %c0_i32 = arith.constant 0 : i32
    %c0_i32_0 = arith.constant 0 : i32
    %c0_i32_1 = arith.constant 0 : i32
    return %c0_i32, %c0_i32_0 : i32, i32
  }
  func.func @transform_3(%arg0: i32) -> (i32, i32) {
    %c0_i32 = arith.constant 0 : i32
    %c0_i32_0 = arith.constant 0 : i32
    return %arg0, %c0_i32 : i32, i32
  }
  func.func @transform_4(%arg0: i32) -> (i32, i32) {
    %c0_i32 = arith.constant 0 : i32
    %c0_i32_0 = arith.constant 0 : i32
    return %arg0, %c0_i32 : i32, i32
  }
}

module attributes {stable_mosaic.version = 14 : i64} {
  func.func @_final_body(%arg0: i32, %arg1: memref<2x1000x128xf32, #tpu.memory_space<vmem>>, %arg2: memref<2x1000x16xf32, #tpu.memory_space<vmem>>, %arg3: memref<16x128xf32, #tpu.memory_space<vmem>>, %arg4: memref<1x128xf32, #tpu.memory_space<vmem>>, %arg5: memref<1000x128xf32, #tpu.memory_space<vmem>>) attributes {dimension_semantics = [#tpu.dimension_semantics<arbitrary>], iteration_bounds = array<i64: 10>, scalar_prefetch = 0 : i64, scratch_operands = 0 : i64, tpu.core_type = #tpu.core_type<tc>, window_params = [{transform_indices = @transform_0, window_bounds = array<i64: 2, 1000, 128>}, {transform_indices = @transform_1, window_bounds = array<i64: 2, 1000, 16>}, {pipeline_mode = #tpu.pipeline_mode<synchronous>, transform_indices = @transform_2, window_bounds = array<i64: 16, 128>}, {pipeline_mode = #tpu.pipeline_mode<synchronous>, transform_indices = @transform_3, window_bounds = array<i64: 1, 128>}, {transform_indices = @transform_4, window_bounds = array<i64: 1000, 128>}]} {
    %get3A = arith.constant 0 : index
    %get3A_0 = arith.constant 0 : index
    %get3A_1 = arith.constant 0 : index
    %get3A_2 = vector.load %arg1[%get3A, %get3A_0, %get3A_1] : memref<2x1000x128xf32, #tpu.memory_space<vmem>>, vector<1x1000x128xf32>
    %get3A_3 = vector.shape_cast %get3A_2 : vector<1x1000x128xf32> to vector<1000x128xf32>
    %get3A_4 = arith.constant 1 : index
    %get3A_5 = arith.constant 0 : index
    %get3A_6 = arith.constant 0 : index
    %get3A_7 = vector.load %arg1[%get3A_4, %get3A_5, %get3A_6] : memref<2x1000x128xf32, #tpu.memory_space<vmem>>, vector<1x1000x128xf32>
    %get3A_8 = vector.shape_cast %get3A_7 : vector<1x1000x128xf32> to vector<1000x128xf32>
    %add3A = arith.addf %get3A_3, %get3A_8 : vector<1000x128xf32>
    %get3A_9 = arith.constant 0 : index
    %get3A_10 = arith.constant 0 : index
    %get3A_11 = arith.constant 0 : index
    %get3A_12 = vector.load %arg2[%get3A_9, %get3A_10, %get3A_11] : memref<2x1000x16xf32, #tpu.memory_space<vmem>>, vector<1x1000x16xf32>
    %get3A_13 = vector.shape_cast %get3A_12 : vector<1x1000x16xf32> to vector<1000x16xf32>
    %get3A_14 = arith.constant 1 : index
    %get3A_15 = arith.constant 0 : index
    %get3A_16 = arith.constant 0 : index
    %get3A_17 = vector.load %arg2[%get3A_14, %get3A_15, %get3A_16] : memref<2x1000x16xf32, #tpu.memory_space<vmem>>, vector<1x1000x16xf32>
    %get3A_18 = vector.shape_cast %get3A_17 : vector<1x1000x16xf32> to vector<1000x16xf32>
    %add3A_19 = arith.addf %get3A_13, %get3A_18 : vector<1000x16xf32>
    %get3A_20 = arith.constant 0 : index
    %get3A_21 = arith.constant 0 : index
    %get3A_22 = vector.load %arg3[%get3A_20, %get3A_21] : memref<16x128xf32, #tpu.memory_space<vmem>>, vector<16x128xf32>
    %dot_general3A = arith.constant dense<0.000000e+00> : vector<1000x128xf32>
    %dot_general3A_23 = tpu.matmul %add3A_19, %get3A_22, %dot_general3A {dimension_numbers = #tpu.dot_dimension_numbers<[1], [0], [0], [1], [0, 0, 1, 1], [], []>, transpose_lhs_hint = false} : vector<1000x16xf32>, vector<16x128xf32>, vector<1000x128xf32> -> vector<1000x128xf32>
    %add3A_24 = arith.constant 1.000000e-07 : f32
    %add3A_25 = vector.broadcast %add3A_24 : f32 to vector<1000x128xf32>
    %add3A_26 = arith.addf %dot_general3A_23, %add3A_25 : vector<1000x128xf32>
    %div3A = arith.divf %add3A, %add3A_26 : vector<1000x128xf32>
    %get3A_27 = arith.constant 0 : index
    %get3A_28 = arith.constant 0 : index
    %get3A_29 = vector.load %arg4[%get3A_27, %get3A_28] : memref<1x128xf32, #tpu.memory_space<vmem>>, vector<1x128xf32>
    %add3A_30 = vector.broadcast %get3A_29 : vector<1x128xf32> to vector<1000x128xf32>
    %add3A_31 = arith.addf %div3A, %add3A_30 : vector<1000x128xf32>
    %gt3A = arith.constant 0.000000e+00 : f32
    %gt3A_32 = vector.broadcast %gt3A : f32 to vector<1000x128xf32>
    %gt3A_33 = arith.cmpf ogt, %add3A_31, %gt3A_32 : vector<1000x128xf32>
    %min3A = arith.constant 0.000000e+00 : f32
    %min3A_34 = vector.broadcast %min3A : f32 to vector<1000x128xf32>
    %min3A_35 = arith.minimumf %add3A_31, %min3A_34 : vector<1000x128xf32>
    %exp3A = math.exp %min3A_35 : vector<1000x128xf32>
    %sub3A = arith.constant 1.000000e+00 : f32
    %sub3A_36 = vector.broadcast %sub3A : f32 to vector<1000x128xf32>
    %sub3A_37 = arith.subf %exp3A, %sub3A_36 : vector<1000x128xf32>
    %select_n3A = arith.select %gt3A_33, %add3A_31, %sub3A_37 : vector<1000x128xi1>, vector<1000x128xf32>
    %swap3A = arith.constant 0 : index
    %swap3A_38 = arith.constant 0 : index
    %swap3A_39 = vector.load %arg5[%swap3A, %swap3A_38] : memref<1000x128xf32, #tpu.memory_space<vmem>>, vector<1000x128xf32>
    tpu.vector_store %arg5[%swap3A, %swap3A_38], %select_n3A {strides = array<i32>} : memref<1000x128xf32, #tpu.memory_space<vmem>>, vector<1000x128xf32>,
    return
  }
  func.func @transform_0(%arg0: i32) -> (i32, i32, i32) {
    %c0_i32 = arith.constant 0 : i32
    %c0_i32_0 = arith.constant 0 : i32
    %c0_i32_1 = arith.constant 0 : i32
    return %c0_i32, %arg0, %c0_i32_0 : i32, i32, i32
  }
  func.func @transform_1(%arg0: i32) -> (i32, i32, i32) {
    %c0_i32 = arith.constant 0 : i32
    %c0_i32_0 = arith.constant 0 : i32
    %c0_i32_1 = arith.constant 0 : i32
    return %c0_i32, %arg0, %c0_i32_0 : i32, i32, i32
  }
  func.func @transform_2(%arg0: i32) -> (i32, i32) {
    %c0_i32 = arith.constant 0 : i32
    %c0_i32_0 = arith.constant 0 : i32
    %c0_i32_1 = arith.constant 0 : i32
    return %c0_i32, %c0_i32_0 : i32, i32
  }
  func.func @transform_3(%arg0: i32) -> (i32, i32) {
    %c0_i32 = arith.constant 0 : i32
    %c0_i32_0 = arith.constant 0 : i32
    %c0_i32_1 = arith.constant 0 : i32
    return %c0_i32, %c0_i32_0 : i32, i32
  }
  func.func @transform_4(%arg0: i32) -> (i32, i32) {
    %c0_i32 = arith.constant 0 : i32
    %c0_i32_0 = arith.constant 0 : i32
    return %arg0, %c0_i32 : i32, i32
  }
}

</mosaic_0001>

<sc_bundles>
// kernel: kernel.6.cloned.1.call-start
scs
__scs_entry_jumppad:
0x0: {  	(pc) =	sbr.rel $0x88, $3  }
0x1: {  	(tag) =	ssettag $0x0;
	lr =	simm.s32 $0x1  }
0x2: {  	[smem:$0x3F9C] =	sst lr;
	_ =	strace $0xD0000000  }
0x3: {  	_ = 	snop  }
0x4: {  	_ = 	snop  }
0x5: {  	_ = 	snop  }
0x6: {  	_ = 	snop  }
0x7: {  	_ = 	snop  }
__scs_overlays_trampoline_lowered:
0x8: {  	[smem:$0x3FAB] =	sst s0  }
0x9: {  	[smem:$0x3FAC] =	sst s1  }
0xa: {  	[smem:$0x3FAD] =	sst s2  }
0xb: {  	[smem:$0x3FAE] =	sst s3  }
0xc: {  	[smem:$0x3FAF] =	sst s4  }
0xd: {  	[smem:$0x3FB0] =	sst s5  }
0xe: {  	[smem:$0x3FB1] =	sst s6  }
0xf: {  	[smem:$0x3FB2] =	sst s7  }
0x10: {  	[smem:$0x3FB3] =	sst s8  }
0x11: {  	[smem:$0x3FB4] =	sst s9;
	s0 =	simm.s32 @!p0 $0x0  }
0x12: {  	s1 =	sld [smem:$0x3F9A];
	s0 =	simm.s32 @p0 $0x1  }
0x13: {  	[smem:$0x3FB5] =	sst s0;
	s0 =	simm.s32 @!p1 $0x0  }
0x14: {  	s2 =	sld [smem:$0x3F99];
	s0 =	simm.s32 @p1 $0x1  }
0x15: {  	[smem:$0x3FB6] =	sst s0;
	s0 =	simm.s32 @!p2 $0x0  }
0x16: {  	s3 =	sld [smem:$0x3FDB];
	s0 =	simm.s32 @p2 $0x1  }
0x17: {  	s4 =	simm.s32 $0x1BF5;
	[smem:$0x3FB8] =	sst s0  }
0x18: {  	s0 =	sld [smem:$0x3F9B];
	_ =	swait.ge [sflag:s4], $0x0  }
0x19: {  	s7 =	sld [smem:$0x3F9C]  }
0x1a: {  	s8 =	sadd.s32 $0xFFFFE003, lr  }
0x1b: {  	s9 =	sadd.s32 $0xFFFFFEF7, lr;
	s5 =	simm.s32 $0xFFFFFFFF;
	p2 =	slt.u32 s8, $0xFFFFF086  }
0x1c: {  	p1 =	slt.u32 s9, $0xF7A;
	s5 =	simm.s32 @!p2 $0x0  }
0x1d: {  	s5 =	simm.s32 @p1 $0x1;
	p0 =	seq.s32 s7, s2  }
0x1e: {  	s7 =	smul.u32 @!p0 $0xF7A, s2;
	p2 =	seq.s32 @!p0 s5, $0x0  }
0x1f: {  	s9 =	smul.u32 $0xF7A, s1;
	s8 =	simm.s32 @!p0 $0x1BF5;
	p2 =	por !p2, p0  }
0x20: {  	[sflag:s8] =	ssyncset.s32 @!p0 $0xFFFFF086;
	s6 =	sadd.s32 @!p0 s3, s7;
	s7 =	simm.s32 @!p0 $0x108  }
0x21: {  	s3 =	sadd.s32 s3, s9;
	s6 =	sadd.s32 @!p0 $0x88, s6;
	s7 =	simm.s32 @p2 $0x1082  }
0x22: {  	[simem:s7], [sflag:s8] =	dma.local @!p0 [hbm:s6], $0xF7A  }
0x23: {  	s9 =	sor.u32 $0xD0000000, s2;
	s6 =	simm.s32 $0x108;
	_ =	swait.ge @!p0 [sflag:s8], $0x0  }
0x24: {  	s3 =	sadd.s32 $0x88, s3;
	s6 =	simm.s32 @!p1 $0x1082;
	[sflag:s4] =	ssyncset.s32 $0xFFFFF086  }
0x25: {  	[simem:s6], [sflag:s4] =	dma.local [hbm:s3], $0xF7A  }
0x26: {  	[smem:$0x3F9C] =	sst s1;
	(tag) =	ssettag s2;
	_ =	strace s9  }
0x27: {  	s1 =	sld [smem:$0x3FAC]  }
0x28: {  	s2 =	sld [smem:$0x3FAD]  }
0x29: {  	s4 =	sld [smem:$0x3FAF]  }
0x2a: {  	p0 =	seq.s32 s5, $0x0;
	s5 =	sld [smem:$0x3FB0]  }
0x2b: {  	s6 =	sld [smem:$0x3FB1]  }
0x2c: {  	s7 =	sld [smem:$0x3FB2]  }
0x2d: {  	s3 =	simm.s32 $0x108;
	s8 =	sld [smem:$0x3FB3]  }
0x2e: {  	s3 =	simm.s32 @!p0 $0x1082;
	s9 =	sld [smem:$0x3FB4]  }
0x2f: {  	lr =	sadd.s32 s0, s3;
	s0 =	sld [smem:$0x3FAB]  }
0x30: {  	s3 =	sld [smem:$0x3FAE]  }
0x31: {  	[smem:$0x3FB7] =	sst s10  }
0x32: {  	s10 =	sld [smem:$0x3FB5];
	_ =	sdelay $0x3  }
0x33: {  	p0 =	seq.s32 s10, $0x1;
	s10 =	sld [smem:$0x3FB7];
	_ =	sdelay $0x3  }
0x34: {  	[smem:$0x3FB7] =	sst s10  }
0x35: {  	s10 =	sld [smem:$0x3FB6];
	_ =	sdelay $0x3  }
0x36: {  	p1 =	seq.s32 s10, $0x1;
	s10 =	sld [smem:$0x3FB7];
	_ =	sdelay $0x3  }
0x37: {  	[smem:$0x3FB7] =	sst s10  }
0x38: {  	s10 =	sld [smem:$0x3FB8]  }
0x39: {  	_ = 	snop;
	(pc) =	sbr.ind lr, $3  }
0x3a: {  	_ = 	snop  }
0x3b: {  	_ = 	snop  }
0x3c: {  	p2 =	seq.s32 s10, $0x1;
	s10 =	sld [smem:$0x3FB7]  }
0x3d: {  	_ =	shalt  }
0x3e: {  	_ =	shalt  }
0x3f: {  	_ =	shalt  }
0x40: {  	_ =	shalt  }
0x41: {  	_ =	shalt  }
0x42: {  	_ =	shalt  }
0x43: {  	_ =	shalt  }
0x44: {  	_ =	shalt  }
0x45: {  	_ =	shalt  }
0x46: {  	_ =	shalt  }
0x47: {  	_ =	shalt  }
0x48: {  	_ =	shalt  }
0x49: {  	_ =	shalt  }
0x4a: {  	_ =	shalt  }
0x4b: {  	_ =	shalt  }
0x4c: {  	_ =	shalt  }
0x4d: {  	_ =	shalt  }
0x4e: {  	_ =	shalt  }
0x4f: {  	_ =	shalt  }
0x50: {  	_ =	shalt  }
0x51: {  	_ =	shalt  }
0x52: {  	_ =	shalt  }
0x53: {  	_ =	shalt  }
0x54: {  	_ =	shalt  }
0x55: {  	_ =	shalt  }
0x56: {  	_ =	shalt  }
0x57: {  	_ =	shalt  }
0x58: {  	_ =	shalt  }
0x59: {  	_ =	shalt  }
0x5a: {  	_ =	shalt  }
0x5b: {  	_ =	shalt  }
0x5c: {  	_ =	shalt  }
0x5d: {  	_ =	shalt  }
0x5e: {  	_ =	shalt  }
0x5f: {  	_ =	shalt  }
0x60: {  	_ =	shalt  }
0x61: {  	_ =	shalt  }
0x62: {  	_ =	shalt  }
0x63: {  	_ =	shalt  }
0x64: {  	_ =	shalt  }
0x65: {  	_ =	shalt  }
0x66: {  	_ =	shalt  }
0x67: {  	_ =	shalt  }
0x68: {  	_ =	shalt  }
0x69: {  	_ =	shalt  }
0x6a: {  	_ =	shalt  }
0x6b: {  	_ =	shalt  }
0x6c: {  	_ =	shalt  }
0x6d: {  	_ =	shalt  }
0x6e: {  	_ =	shalt  }
0x6f: {  	_ =	shalt  }
0x70: {  	_ =	shalt  }
0x71: {  	_ =	shalt  }
0x72: {  	_ =	shalt  }
0x73: {  	_ =	shalt  }
0x74: {  	_ =	shalt  }
0x75: {  	_ =	shalt  }
0x76: {  	_ =	shalt  }
0x77: {  	_ =	shalt  }
0x78: {  	_ =	shalt  }
0x79: {  	_ =	shalt  }
0x7a: {  	_ =	shalt  }
0x7b: {  	_ =	shalt  }
0x7c: {  	_ =	shalt  }
0x7d: {  	_ =	shalt  }
0x7e: {  	_ =	shalt  }
0x7f: {  	_ =	shalt  }
0x80: {  	_ =	shalt  }
0x81: {  	_ =	shalt  }
0x82: {  	_ =	shalt  }
0x83: {  	_ =	shalt  }
0x84: {  	_ =	shalt  }
0x85: {  	_ =	shalt  }
0x86: {  	_ =	shalt  }
0x87: {  	_ =	shalt  }
.Lfunc_end0:
.L_simem_size_0:
called_computation_lowered:
.L_overlay_start_0:
0x88: {  	s2 =	sld [smem:$0x3FD9]  }
0x89: {  	s3 =	sld [smem:$0x3FFE];
	_ =	sdelay $0x1  }
0x8a: {  	s1 =	srdreg.scid  }
0x8b: {  	s0 =	sand.u32 $0x1, s1  }
0x8c: {  	s17 =	sshll.u32 s0, $0xA;
	s2 =	sadd.s32 s3, s2  }
0x8d: {  	s2 =	sadd.s32 s2, s17  }
0x8e: {  	[smem:$0x3FC3] =	sst s2  }
0x8f: {  	_ = 	snop  }
0x90: {  	s2 =	sld [smem:$0x3FD0];
	(tm) =	ssettm $0x1  }
0x91: {  	s18 =	sld [smem:$0x3FFB];
	_ =	sdelay $0x3  }
0x92: {  	_ =	strace s18  }
0x93: {  	s3 =	sld [smem:$0x3FFC];
	_ =	sdelay $0x3  }
0x94: {  	_ =	strace s3  }
0x95: {  	s3 =	sld [smem:$0x3FFD];
	_ =	sdelay $0x3  }
0x96: {  	_ =	strace s3  }
0x97: {  	_ =	strace $0x8FFFFFFF  }
0x98: {  	s19 =	sld [smem:$0x3FDB];
	_ =	sdelay $0x1  }
0x99: {  	s4 =	simm.s32 $_scs_section_size  }
0x9a: {  	s5 =	simm.s32 $_size__tile_overlayer_lowered;
	s6 =	simm.s32 $_tile_overlayer_lowered  }
0x9b: {  	s22 =	simm.s32 $0x1BFF;
	s21 =	sshll.u32 s6, $0x1;
	s3 =	sadd.s32 s4, s19  }
0x9c: {  	s7 =	simm.s32 $0x0;
	s20 =	sshll.u32 s5, $0x1;
	s5 =	sadd.s32 s21, s3  }
0x9d: {  	[timem:s7], [sflag:s22] =	dma.local [hbm:s5], s20  }
0x9e: {  	_ =	swait.ge [sflag:s22], s20  }
0x9f: {  	s4 =	ssub.s32 $0x0, s20;
	[sflag:s22] =	ssyncset.done $0x0  }
0xa0: {  	[sflag:s22] =	ssyncadd.s32 s4;
	_ =	sdelay $0x1  }
0xa1: {  	s23 =	simm.s32 $0x1B8B  }
0xa2: {  	_ =	swait.ge [sflag:s23], $0x1  }
0xa3: {  	[sflag:s23] =	ssyncset.done $0x0  }
0xa4: {  	s25 =	simm.s32 $0x1B8E;
	s24 =	sld [smem:$0x3FFE];
	[sflag:s23] =	ssyncadd.s32 $0xFFFFFFFF  }
0xa5: {  	s26 =	simm.s32 $execute0_lowered;
	[smem:$0x3FD2] =	sst s25  }
0xa6: {  	s5 =	sshll.u32 s26, $0x1;
	_ =	strace $0x80000046;
	[dreg:$0x1] =	wrdreg $0xFFFFFFFF  }
0xa7: {  	s28 =	simm.s32 $_size_execute0_lowered;
	s3 =	sadd.s32 s3, s5;
	[dreg:$0x0] =	wrdreg $0x0  }
0xa8: {  	s5 =	sshll.u32 s28, $0x1;
	[dreg:$0x2] =	wrdreg s3  }
0xa9: {  	[dreg:$0x3] =	wrdreg s5  }
0xaa: {  	[dreg:$0x4] =	wrdreg $0xC0  }
0xab: {  	_ =	task [dreg:s7], $0x5FFFF  }
0xac: {  	[dreg:$0x1] =	wrdreg $0xFFFFFFFF  }
0xad: {  	[dreg:$0x0] =	wrdreg $0x60  }
0xae: {  	[dreg:$0x2] =	wrdreg s2  }
0xaf: {  	[dreg:$0x3] =	wrdreg s24  }
0xb0: {  	[dreg:$0x4] =	wrdreg $0x70800  }
0xb1: {  	[dreg:$0x5] =	wrdreg $0x1B0800  }
0xb2: {  	[dreg:$0x6] =	wrdreg $0x9  }
0xb3: {  	_ =	task.clear_ibuf [dreg:s7], $0x7FFFF;
	_ =	strace $0x90000046  }
0xb4: {  	s29 =	simm.s32 $0x9;
	_ =	strace $0x80000048  }
0xb5: {  	_ =	swait.ge [sflag:s29], $0x1  }
0xb6: {  	[sflag:s29] =	ssyncadd.s32 $0xFFFFFFFF  }
0xb7: {  	_ =	strace $0x90000048  }
0xb8: {  	_ =	sfence  }
0xb9: {  	s30 =	sld [smem:$0x0];
	_ =	sdelay $0x2  }
0xba: {  	s31 =	sshll.u32 s1, $0xD;
	s1 =	sshrl.u32 s1, $0x2  }
0xbb: {  	s3 =	sand.u32 $0x4000, s31;
	s1 =	sadd.s32 s1, s30  }
0xbc: {  	s0 =	sor.u32 s3, s0;
	s1 =	sshll.u32 s1, $0x11  }
0xbd: {  	s0 =	sor.u32 s1, s0  }
0xbe: {  	s0 =	sadd.s32 $0x8F2B, s0  }
0xbf: {  	[sflag:s0] =	ssyncadd.remote.s32 $0x1  }
0xc0: {  	_ =	sfence.sel $0xFFFF  }
0xc1: {  	[dreg:$0x0] =	wrdreg $0xFFFFFFFF;
	(pc) =	sbr.abs _section_cstart, $3  }
0xc2: {  	[dreg:$0x1] =	wrdreg $0xFFFFFFFF  }
0xc3: {  	_ =	task.clear_ibuf [dreg:s7], $0x2FFFF;
	_ =	strace $0x9FFFFFFF  }
0xc4: {  	(tm) =	ssettm $0x7FFFFFFF  }
0xc5: {  	_ =	shalt  }
tec
execute0_lowered:
.L_overlay_start_1:
0x0: {  	(tag) =	ssettag $0x1  }
0x1: {  	s8 =	rddreg [dreg:$0x1]  }
0x2: {  	s22 =	stileid.u32;
	s0 =	srdreg.scid;
	s1 =	simm.s32 $0x0  }
0x3: {  	s29 =	simm.s32 $0xF0;
	s30 =	simm.s32 $0x7;
	s2 =	smul.u32 $0x280, s22  }
0x4: {  	s31 =	simm.s32 $0x32F0;
	s28 =	simm.s32 $0x7030;
	s9 =	smul.u32 $0x14000, s22  }
0x5: {  	s16 =	sand.u32 $0x1, s0;
	[smem:$0x7FF] =	sst s1;
	s19 =	smul.u32 $0x2800, s22  }
0x6: {  	s10 =	sadd.s32 $0x23800, s8;
	s17 =	sadd.s32 $0x19800, s8;
	s11 =	smul.u32 $0x140000, s16  }
0x7: {  	s0 =	ssub.s32 $0x2, s16;
	s13 =	smul.u32 $0x28000, s16;
	s16 =	sshll.u32 s16, $0x4  }
0x8: {  	s3 =	sshrl.u32 s0, $0x1;
	s21 =	sadd.s32 $0x80, s2;
	s12 =	sadd.s32 $0x100, s2  }
0x9: {  	s18 =	sadd.s32 $0x180, s2;
	s4 =	sadd.s32 s9, s11;
	s0 =	ssub.s32 s0, s3  }
0xa: {  	s5 =	sadd.s32 s19, s13;
	s7 =	sshll.u32 s18, $0x7;
	s20 =	sshrl.u32 s4, $0x3  }
0xb: {  	s14 =	sshrl.u32 s5, $0x3;
	s4 =	sshll.u32 s21, $0x4;
	s3 =	sadd.s32 s10, s20  }
0xc: {  	s25 =	sadd.s32 s11, s7;
	[dreg:$0x5] =	wrdreg s3;
	s3 =	sshll.u32 s21, $0x7  }
0xd: {  	s0 =	smax.u32 s0, $0x1;
	s6 =	sadd.s32 s13, s4;
	s23 =	sadd.s32 s11, s3  }
0xe: {  	s20 =	sadd.s32 $0x200, s2;
	s15 =	sshrl.u32 s6, $0x3;
	s5 =	sshrl.u32 s23, $0x3  }
0xf: {  	s6 =	sshll.u32 s20, $0x7;
	s23 =	sadd.s32 s17, s15;
	s5 =	sadd.s32 s10, s5  }
0x10: {  	s15 =	sshll.u32 s20, $0x4;
	[dreg:$0x6] =	wrdreg s5;
	s5 =	sshll.u32 s12, $0x7  }
0x11: {  	[dreg:$0xb] =	wrdreg s23;
	s20 =	sadd.s32 s13, s15;
	s24 =	sadd.s32 s11, s5  }
0x12: {  	s23 =	sadd.s32 $0xA0, s2;
	s12 =	sshll.u32 s12, $0x4;
	s21 =	sshrl.u32 s24, $0x3  }
0x13: {  	s11 =	sadd.s32 s11, s6;
	s26 =	sadd.s32 s13, s12;
	s21 =	sadd.s32 s10, s21  }
0x14: {  	s11 =	sshrl.u32 s11, $0x3;
	s24 =	sshrl.u32 s20, $0x3;
	[dreg:$0x7] =	wrdreg s21  }
0x15: {  	s21 =	sshrl.u32 s25, $0x3;
	s25 =	sor.u32 s22, s16;
	s16 =	sadd.s32 $0x14800, s8  }
0x16: {  	s21 =	sadd.s32 s10, s21;
	s10 =	sadd.s32 s10, s11;
	s11 =	rddreg [dreg:$0x2]  }
0x17: {  	s20 =	smul.u32 $0x2710, s25;
	s25 =	sshll.u32 s23, $0x7;
	[dreg:$0x8] =	wrdreg s21  }
0x18: {  	[dreg:$0x9] =	wrdreg s10;
	s21 =	sadd.s32 s17, s14;
	s10 =	sshrl.u32 s26, $0x3  }
0x19: {  	s14 =	sshll.u32 s18, $0x4;
	s26 =	sor.u32 $0x50, s2;
	[dreg:$0xa] =	wrdreg s21  }
0x1a: {  	s10 =	sadd.s32 s17, s10;
	s18 =	sadd.s32 s13, s14;
	s13 =	rddreg [dreg:$0x3]  }
0x1b: {  	s7 =	sadd.s32 s7, s11;
	[dreg:$0xc] =	wrdreg s10;
	s18 =	sshrl.u32 s18, $0x3  }
0x1c: {  	s22 =	sshll.u32 s26, $0x7;
	s10 =	rddreg [dreg:$0x0];
	s18 =	sadd.s32 s17, s18  }
0x1d: {  	s21 =	sadd.s32 s19, s13;
	s17 =	sadd.s32 s17, s24;
	[dreg:$0xd] =	wrdreg s18  }
0x1e: {  	s24 =	sadd.s32 s9, s11;
	s9 =	sadd.s32 s22, s11;
	[dreg:$0xe] =	wrdreg s17  }
0x1f: {  	s17 =	sadd.s32 $0xAA00, s8;
	_ =	strace $0x80000047;
	[dreg:$0x10] =	wrdreg s21  }
0x20: {  	s18 =	sadd.s32 $0xC00, s8;
	s8 =	sshll.u32 s26, $0x4;
	[dreg:$0x11] =	wrdreg s9  }
0x21: {  	s6 =	sadd.s32 s6, s11;
	s8 =	sadd.s32 s8, s13;
	[smem:$0x7F5] =	sst s0  }
0x22: {  	s9 =	sshll.u32 s23, $0x4;
	s21 =	sadd.s32 $0x140, s2;
	[dreg:$0xf] =	wrdreg s24  }
0x23: {  	s0 =	simm.s32 $0x1;
	[dreg:$0x12] =	wrdreg s8;
	s8 =	sadd.s32 s25, s11  }
0x24: {  	s26 =	sadd.s32 s9, s13;
	s9 =	sadd.s32 $0xF0, s2;
	s22 =	sshll.u32 s21, $0x7  }
0x25: {  	s23 =	sshll.u32 s21, $0x4;
	s25 =	sadd.s32 $0x190, s2;
	s21 =	sadd.s32 $0x1E0, s2  }
0x26: {  	s2 =	sadd.s32 $0x230, s2;
	[dreg:$0x13] =	wrdreg s8;
	s19 =	sshll.u32 s9, $0x7  }
0x27: {  	[dreg:$0x14] =	wrdreg s26;
	s8 =	sshll.u32 s9, $0x4;
	s9 =	sadd.s32 s19, s11  }
0x28: {  	s26 =	sshll.u32 s25, $0x7;
	s8 =	sadd.s32 s8, s13;
	[dreg:$0x15] =	wrdreg s9  }
0x29: {  	[dreg:$0x16] =	wrdreg s8;
	s8 =	sadd.s32 s22, s11;
	s9 =	sshll.u32 s25, $0x4  }
0x2a: {  	s22 =	sshll.u32 s21, $0x7;
	[dreg:$0x17] =	wrdreg s8;
	s8 =	sadd.s32 s23, s13  }
0x2b: {  	s25 =	sshrl.u32 s20, $0x3;
	s19 =	sadd.s32 s9, s13;
	[dreg:$0x18] =	wrdreg s8  }
0x2c: {  	s9 =	sadd.s32 s22, s11;
	s23 =	sshll.u32 s2, $0x7;
	[dreg:$0x1a] =	wrdreg s19  }
0x2d: {  	s2 =	sshll.u32 s2, $0x4;
	s8 =	sadd.s32 s26, s11;
	[dreg:$0x1b] =	wrdreg s9  }
0x2e: {  	s22 =	sadd.s32 s5, s11;
	s2 =	sadd.s32 s2, s13;
	[dreg:$0x19] =	wrdreg s8  }
0x2f: {  	s5 =	simm.s32 $0x3840;
	s26 =	sadd.s32 s17, s25;
	[dreg:$0x1e] =	wrdreg s2  }
0x30: {  	s9 =	sadd.s32 $0xA, s25;
	s8 =	sshll.u32 s21, $0x4;
	[dreg:$0x1f] =	wrdreg s26  }
0x31: {  	s19 =	sadd.s32 s17, s9;
	s2 =	sadd.s32 s18, s9;
	s9 =	sadd.s32 $0xF0, s20  }
0x32: {  	s21 =	sadd.s32 s4, s13;
	s26 =	sadd.s32 s15, s13;
	[smem:$0x7F3] =	sst s19  }
0x33: {  	s4 =	simm.s32 $0x37F0;
	s8 =	sadd.s32 s8, s13;
	[smem:$0x7F4] =	sst s2  }
0x34: {  	s19 =	sshrl.u32 s21, $0x3;
	s26 =	sshrl.u32 s26, $0x3;
	[dreg:$0x1c] =	wrdreg s8  }
0x35: {  	s2 =	simm.s32 $0xA0;
	s8 =	sadd.s32 s23, s11;
	[smem:$0x7F7] =	sst s19  }
0x36: {  	s23 =	sadd.s32 s12, s13;
	[smem:$0x7FD] =	sst s26;
	s12 =	simm.s32 $0x50  }
0x37: {  	s26 =	simm.s32 $0x4;
	s19 =	simm.s32 $0x0;
	[dreg:$0x1d] =	wrdreg s8  }
0x38: {  	s8 =	sadd.s32 s18, s25;
	s25 =	sadd.s32 s14, s13;
	s21 =	sshrl.u32 s23, $0x3  }
0x39: {  	s14 =	simm.s32 $0x3890;
	[smem:$0x7F2] =	sst s8;
	s8 =	sadd.s32 $0xA0, s20  }
0x3a: {  	s20 =	sadd.s32 s3, s11;
	[smem:$0x7F9] =	sst s21;
	s23 =	sshrl.u32 s25, $0x3  }
0x3b: {  	s25 =	sshrl.u32 s6, $0x3;
	s6 =	simm.s32 $0x2;
	[smem:$0x7FB] =	sst s23  }
0x3c: {  	s15 =	sshrl.u32 s20, $0x3;
	s20 =	sshrl.u32 s22, $0x3;
	[smem:$0x7FC] =	sst s25  }
0x3d: {  	s22 =	sshrl.u32 s7, $0x3;
	s7 =	simm.s32 $0x2DF0;
	[smem:$0x7F6] =	sst s15  }
0x3e: {  	s23 =	simm.s32 $0x6FE0;
	s25 =	simm.s32 $0x5;
	[smem:$0x7F8] =	sst s20  }
0x3f: {  	v0 =	vimm.f32 $0.0e+00;
	vm0 =	vmmov $0xff;
	[smem:$0x7FA] =	sst s22;
	s15 =	simm.s32 $0x38E0;
	s22 =	simm.s32 $0x3  }
.LBB2_1:
0x40: {  	[smem:$0x7F1] =	sst s19;
	s19 =	simm.s32 $0x130  }
0x41: {  	[tilespmem:s19+$0xFFFFFFD0] =	vst v0  }
0x42: {  	[tilespmem:s19+$0xFFFFFFE0] =	vst v0  }
0x43: {  	[tilespmem:s19+$0xFFFFFFF0] =	vst v0  }
0x44: {  	[tilespmem:s19+$0x0] =	vst v0  }
0x45: {  	[tilespmem:s19+$0x10] =	vst v0  }
0x46: {  	[tilespmem:s19+$0x20] =	vst v0  }
0x47: {  	[tilespmem:s19+$0x30] =	vst v0  }
0x48: {  	s21 =	simm.s32 $0x0;
	s20 =	simm.s32 $0x40;
	[tilespmem:s19+$0xFFFFFFC0] =	vst v0  }
.LBB2_2:
0x49: {  	p0 =	sne.s32 s20, $0x13C0;
	[tilespmem:s21+$0x32F0] =	vst v0;
	s19 =	sadd.s32 $0x80, s19  }
0x4a: {  	[tilespmem:s19+$0xFFFFFFD0] =	vst v0  }
0x4b: {  	[tilespmem:s19+$0xFFFFFFE0] =	vst v0  }
0x4c: {  	[tilespmem:s19+$0xFFFFFFF0] =	vst v0  }
.Ltmp0:
0x4d: {  	[tilespmem:s19+$0x0] =	vst v0;
	(pc) =	sbr.rel @p0 .LBB2_2-.Ltmp0, $4  }
0x4e: {  	[tilespmem:s19+$0x10] =	vst v0  }
0x4f: {  	[tilespmem:s19+$0x20] =	vst v0  }
0x50: {  	[tilespmem:s19+$0x30] =	vst v0  }
0x51: {  	s21 =	sshra.s32 s20, $0x2;
	s20 =	sadd.s32 $0x40, s20;
	[tilespmem:s19+$0xFFFFFFC0] =	vst v0  }
0x52: {  	[tilespmem:s21+$0x32F0] =	vst v0  }
0x53: {  	[spmem:s24] =	stream.linear.scatter [tilespmem:s29], [sflag:$0x7], $0x2800, $0x38;
	[tilespmem:$0x1D880] =	vst v63  }
0x54: {  	_ =	swait.ge [sflag:s30], $0x2800  }
0x55: {  	[sflag:s30] =	ssyncset.done $0x0  }
0x56: {  	s3 =	rddreg [dreg:$0x10];
	[sflag:s30] =	ssyncadd.s32 $0xFFFFD800  }
0x57: {  	[spmem:s3] =	stream.linear.scatter [tilespmem:s31], [sflag:$0x7], $0x500, $0x38;
	[tilespmem:$0x1D880] =	vst v63  }
0x58: {  	_ =	swait.ge [sflag:s30], $0x500  }
0x59: {  	[sflag:s30] =	ssyncset.done $0x0  }
0x5a: {  	s19 =	rddreg [dreg:$0x11];
	[sflag:s30] =	ssyncadd.s32 $0xFFFFFB00  }
0x5b: {  	[spmem:s19] =	stream.linear.scatter [tilespmem:s29], [sflag:$0x7], $0x2800, $0x38;
	[tilespmem:$0x1D880] =	vst v63  }
0x5c: {  	_ =	swait.ge [sflag:s30], $0x2800  }
0x5d: {  	[sflag:s30] =	ssyncset.done $0x0  }
0x5e: {  	s20 =	rddreg [dreg:$0x12];
	[sflag:s30] =	ssyncadd.s32 $0xFFFFD800  }
0x5f: {  	[spmem:s20] =	stream.linear.scatter [tilespmem:s31], [sflag:$0x7], $0x500, $0x38;
	[tilespmem:$0x1D880] =	vst v63  }
0x60: {  	_ =	swait.ge [sflag:s30], $0x500  }
0x61: {  	[sflag:s30] =	ssyncset.done $0x0  }
0x62: {  	s21 =	rddreg [dreg:$0x13];
	[sflag:s30] =	ssyncadd.s32 $0xFFFFFB00  }
0x63: {  	[spmem:s21] =	stream.linear.scatter [tilespmem:s29], [sflag:$0x7], $0x2800, $0x38;
	[tilespmem:$0x1D880] =	vst v63  }
0x64: {  	_ =	swait.ge [sflag:s30], $0x2800  }
0x65: {  	[sflag:s30] =	ssyncset.done $0x0  }
0x66: {  	s24 =	rddreg [dreg:$0x14];
	[sflag:s30] =	ssyncadd.s32 $0xFFFFD800  }
0x67: {  	[spmem:s24] =	stream.linear.scatter [tilespmem:s31], [sflag:$0x7], $0x500, $0x38;
	[tilespmem:$0x1D880] =	vst v63  }
0x68: {  	_ =	swait.ge [sflag:s30], $0x500  }
0x69: {  	[sflag:s30] =	ssyncset.done $0x0  }
0x6a: {  	s19 =	rddreg [dreg:$0x15];
	[sflag:s30] =	ssyncadd.s32 $0xFFFFFB00  }
0x6b: {  	[spmem:s19] =	stream.linear.scatter [tilespmem:s29], [sflag:$0x7], $0x2800, $0x38;
	[tilespmem:$0x1D880] =	vst v63  }
0x6c: {  	_ =	swait.ge [sflag:s30], $0x2800  }
0x6d: {  	[sflag:s30] =	ssyncset.done $0x0  }
0x6e: {  	s20 =	rddreg [dreg:$0x16];
	[sflag:s30] =	ssyncadd.s32 $0xFFFFD800  }
0x6f: {  	[spmem:s20] =	stream.linear.scatter [tilespmem:s31], [sflag:$0x7], $0x500, $0x38;
	[tilespmem:$0x1D880] =	vst v63  }
0x70: {  	_ =	swait.ge [sflag:s30], $0x500  }
0x71: {  	[sflag:s30] =	ssyncset.done $0x0  }
0x72: {  	s21 =	rddreg [dreg:$0x17];
	[sflag:s30] =	ssyncadd.s32 $0xFFFFFB00  }
0x73: {  	[spmem:s21] =	stream.linear.scatter [tilespmem:s29], [sflag:$0x7], $0x2800, $0x38;
	[tilespmem:$0x1D880] =	vst v63  }
0x74: {  	_ =	swait.ge [sflag:s30], $0x2800  }
0x75: {  	[sflag:s30] =	ssyncset.done $0x0  }
0x76: {  	s24 =	rddreg [dreg:$0x18];
	[sflag:s30] =	ssyncadd.s32 $0xFFFFD800  }
0x77: {  	[spmem:s24] =	stream.linear.scatter [tilespmem:s31], [sflag:$0x7], $0x500, $0x38;
	[tilespmem:$0x1D880] =	vst v63  }
0x78: {  	_ =	swait.ge [sflag:s30], $0x500  }
0x79: {  	[sflag:s30] =	ssyncset.done $0x0  }
0x7a: {  	s19 =	rddreg [dreg:$0x19];
	[sflag:s30] =	ssyncadd.s32 $0xFFFFFB00  }
0x7b: {  	[spmem:s19] =	stream.linear.scatter [tilespmem:s29], [sflag:$0x7], $0x2800, $0x38;
	[tilespmem:$0x1D880] =	vst v63  }
0x7c: {  	_ =	swait.ge [sflag:s30], $0x2800  }
0x7d: {  	[sflag:s30] =	ssyncset.done $0x0  }
0x7e: {  	s20 =	rddreg [dreg:$0x1a];
	[sflag:s30] =	ssyncadd.s32 $0xFFFFD800  }
0x7f: {  	[spmem:s20] =	stream.linear.scatter [tilespmem:s31], [sflag:$0x7], $0x500, $0x38;
	[tilespmem:$0x1D880] =	vst v63  }
0x80: {  	_ =	swait.ge [sflag:s30], $0x500  }
0x81: {  	[sflag:s30] =	ssyncset.done $0x0  }
0x82: {  	s21 =	rddreg [dreg:$0x1b];
	[sflag:s30] =	ssyncadd.s32 $0xFFFFFB00  }
0x83: {  	[spmem:s21] =	stream.linear.scatter [tilespmem:s29], [sflag:$0x7], $0x2800, $0x38;
	[tilespmem:$0x1D880] =	vst v63  }
0x84: {  	_ =	swait.ge [sflag:s30], $0x2800  }
0x85: {  	[sflag:s30] =	ssyncset.done $0x0  }
0x86: {  	s24 =	rddreg [dreg:$0x1c];
	[sflag:s30] =	ssyncadd.s32 $0xFFFFD800  }
0x87: {  	[spmem:s24] =	stream.linear.scatter [tilespmem:s31], [sflag:$0x7], $0x500, $0x38;
	[tilespmem:$0x1D880] =	vst v63  }
0x88: {  	_ =	swait.ge [sflag:s30], $0x500  }
0x89: {  	[sflag:s30] =	ssyncset.done $0x0  }
0x8a: {  	s19 =	rddreg [dreg:$0x1d];
	[sflag:s30] =	ssyncadd.s32 $0xFFFFFB00  }
0x8b: {  	[spmem:s19] =	stream.linear.scatter [tilespmem:s29], [sflag:$0x7], $0x2800, $0x38;
	[tilespmem:$0x1D880] =	vst v63  }
0x8c: {  	_ =	swait.ge [sflag:s30], $0x2800  }
0x8d: {  	[sflag:s30] =	ssyncset.done $0x0  }
0x8e: {  	s20 =	rddreg [dreg:$0x1e];
	[sflag:s30] =	ssyncadd.s32 $0xFFFFD800  }
0x8f: {  	[spmem:s20] =	stream.linear.scatter [tilespmem:s31], [sflag:$0x7], $0x500, $0x38;
	[tilespmem:$0x1D880] =	vst v63  }
0x90: {  	_ =	swait.ge [sflag:s30], $0x500  }
0x91: {  	[sflag:s30] =	ssyncset.done $0x0  }
0x92: {  	[sflag:s30] =	ssyncadd.s32 $0xFFFFFB00  }
0x93: {  	[bflag:$0x0] =	sbarrier.arrive $0xFFFF  }
0x94: {  	s21 =	rddreg [dreg:$0x1f]  }
0x95: {  	s20 =	simm.s32 $0x0;
	s24 =	sld [smem:$0x7F2]  }
0x96: {  	[tilespmem:s20], [sflag:$0x1] =	stream.linear.gather [hbm4b:s21+s20], $0x50, $0x38;
	[tilespmem:$0x1D880] =	vst v63  }
0x97: {  	_ = 	snop  }
0x98: {  	[tilespmem:s12], [sflag:$0x1] =	stream.linear.gather [hbm4b:s24+s20], $0x50, $0x38;
	[tilespmem:$0x1D880] =	vst v63  }
0x99: {  	_ =	swait.ge [sflag:s0], $0x50  }
0x9a: {  	[sflag:s0] =	ssyncset.done $0x0  }
0x9b: {  	[sflag:s0] =	ssyncadd.s32 $0xFFFFFFB0  }
0x9c: {  	_ =	swait.ge [sflag:s0], $0x50  }
0x9d: {  	[sflag:s0] =	ssyncset.done $0x0  }
0x9e: {  	[sflag:s0] =	ssyncadd.s32 $0xFFFFFFB0  }
0x9f: {  	[tilespmem:s2], [sflag:$0x2] =	stream.indirect.gather [hbm4b:s18+s12], $0x1, s20, s12, $0xb8;
	[tilespmem:$0x1D880] =	vst v63  }
0xa0: {  	_ = 	snop  }
0xa1: {  	[tilespmem:s29], [sflag:$0x3] =	stream.indirect.gather [hbm4b:s10+s12], $0x80, s20, s12, $0xb8;
	[tilespmem:$0x1D880] =	vst v63  }
0xa2: {  	s19 =	simm.s32 $0x28F0;
	s21 =	sld [smem:$0x7F3]  }
0xa3: {  	[tilespmem:s19], [sflag:$0x3] =	stream.indirect.gather [hbm4b:s16+s12], $0x10, s12, s12, $0xb8;
	[tilespmem:$0x1D880] =	vst v63  }
0xa4: {  	s24 =	sld [smem:$0x7F4]  }
0xa5: {  	[tilespmem:s4], [sflag:$0x1] =	stream.linear.gather [hbm4b:s21+s20], $0x50, $0x38;
	[tilespmem:$0x1D880] =	vst v63  }
0xa6: {  	_ = 	snop  }
0xa7: {  	[tilespmem:s5], [sflag:$0x1] =	stream.linear.gather [hbm4b:s24+s20], $0x50, $0x38;
	[tilespmem:$0x1D880] =	vst v63  }
0xa8: {  	_ =	swait.ge [sflag:s6], $0x50  }
0xa9: {  	[sflag:s6] =	ssyncset.done $0x0  }
0xaa: {  	[sflag:s6] =	ssyncadd.s32 $0xFFFFFFB0  }
0xab: {  	[tilespmem:s7], [sflag:$0x3] =	stream.indirect.gather [hbm4b:s16+s12], $0x10, s2, s12, $0xb8;
	[tilespmem:$0x1D880] =	vst v63  }
.LBB2_4:
0xac: {  	p0 =	seq.s32 s20, $0x0  }
0xad: {  	s19 =	simm.s32 @!p0 $0x6  }
0xae: {  	_ =	swait.ge @!p0 [sflag:s19], $0x2800  }
0xaf: {  	[sflag:s19] =	ssyncset.done @!p0 $0x0  }
0xb0: {  	[sflag:s19] =	ssyncadd.s32 @!p0 $0xFFFFD800  }
0xb1: {  	_ =	swait.ge @!p0 [sflag:s19], $0x500  }
0xb2: {  	[sflag:s19] =	ssyncset.done @!p0 $0x0  }
0xb3: {  	[sflag:s19] =	ssyncadd.s32 @!p0 $0xFFFFFB00  }
0xb4: {  	_ =	swait.ge [sflag:s0], $0x50  }
0xb5: {  	[sflag:s0] =	ssyncset.done $0x0  }
0xb6: {  	[sflag:s0] =	ssyncadd.s32 $0xFFFFFFB0  }
0xb7: {  	_ =	swait.ge [sflag:s0], $0x50  }
0xb8: {  	[sflag:s0] =	ssyncset.done $0x0  }
0xb9: {  	[sflag:s0] =	ssyncadd.s32 $0xFFFFFFB0  }
0xba: {  	[tilespmem:s14], [sflag:$0x2] =	stream.indirect.gather [hbm4b:s18+s12], $0x1, s4, s12, $0xb8;
	[tilespmem:$0x1D880] =	vst v63  }
0xbb: {  	_ = 	snop  }
0xbc: {  	[tilespmem:s15], [sflag:$0x4] =	stream.indirect.gather [hbm4b:s10+s12], $0x80, s4, s12, $0xb8;
	[tilespmem:$0x1D880] =	vst v63  }
0xbd: {  	s3 =	simm.s32 $0x60E0  }
0xbe: {  	[tilespmem:s3], [sflag:$0x4] =	stream.indirect.gather [hbm4b:s16+s12], $0x10, s5, s12, $0xb8;
	[tilespmem:$0x1D880] =	vst v63  }
0xbf: {  	_ =	swait.ge [sflag:s22], $0x2800  }
0xc0: {  	[sflag:s22] =	ssyncset.done $0x0  }
0xc1: {  	[sflag:s22] =	ssyncadd.s32 $0xFFFFD800  }
0xc2: {  	_ =	swait.ge [sflag:s22], $0x500  }
0xc3: {  	[sflag:s22] =	ssyncset.done $0x0  }
0xc4: {  	[sflag:s22] =	ssyncadd.s32 $0xFFFFFB00  }
0xc5: {  	_ =	swait.ge [sflag:s22], $0x500  }
0xc6: {  	[sflag:s22] =	ssyncset.done $0x0  }
0xc7: {  	s21 =	simm.s32 $0xC0;
	s24 =	simm.s32 $0x1F0;
	[sflag:s22] =	ssyncadd.s32 $0xFFFFFB00  }
.LBB2_5:
0xc8: {  	s19 =	sshra.s32 s21, $0x2  }
0xc9: {  	v1 =	vld [tilespmem:s19+$0x28C0]  }
0xca: {  	v2 =	vld [tilespmem:s19+$0x2DC0]  }
0xcb: {  	v3 =	vld [tilespmem:s19+$0x28D0]  }
0xcc: {  	v4 =	vld [tilespmem:s19+$0x2DD0]  }
0xcd: {  	v5 =	vld [tilespmem:s19+$0x28E0]  }
0xce: {  	v6 =	vld [tilespmem:s19+$0x2DE0]  }
0xcf: {  	v7 =	vld [tilespmem:s19+$0x28F0]  }
0xd0: {  	v8 =	vld [tilespmem:s19+$0x2DF0];
	_ =	sdelay $0x1  }
0xd1: {  	v1 =	vadd.f32 v2, v1  }
0xd2: {  	v2 =	vadd.f32 v4, v3  }
0xd3: {  	v3 =	vadd.f32 v6, v5;
	v11 =	vmul.f32 $2.000000030e-01, v1  }
0xd4: {  	v12 =	vadd.f32 v8, v7;
	v13 =	vmul.f32 $2.000000030e-01, v2  }
0xd5: {  	v14 =	vmul.f32 $2.000000030e-01, v3;
	v1 =	vmax.f32 v1, v11  }
0xd6: {  	v15 =	vmul.f32 $2.000000030e-01, v12;
	v2 =	vmax.f32 v2, v13;
	v1 =	vmul.f32 $1.442695020e+00, v1  }
0xd7: {  	v3 =	vmax.f32 v3, v14;
	v2 =	vmul.f32 $1.442695020e+00, v2  }
0xd8: {  	(erf) = vpow2.f32 v1;
	v1 =	vmul.f32 $1.442695020e+00, v3;
	v3 =	vmax.f32 v12, v15  }
0xd9: {  	(erf) = vpow2.f32 v2;
	v2 =	vmul.f32 $1.442695020e+00, v3  }
0xda: {  	(erf) = vpow2.f32 v1  }
0xdb: {  	(erf) = vpow2.f32 v2;
	_ =	sdelay $0x5  }
0xdc: {  	v1 =	vpop (erf)  }
0xdd: {  	v2 =	vpop (erf);
	v3 =	vnsel vm0, $0x0, v1  }
0xde: {  	v16 =	vpop (erf);
	v17 =	vnsel vm0, $0x0, v2;
	[tilespmem:s19+$0x32C0] =	vst v3  }
0xdf: {  	v3 =	vnsel vm0, $0x0, v16;
	v18 =	vpop (erf);
	[tilespmem:s19+$0x32D0] =	vst v17  }
0xe0: {  	v19 =	vnsel vm0, $0x0, v18;
	[tilespmem:s19+$0x32E0] =	vst v3  }
0xe1: {  	[tilespmem:s19+$0x32F0] =	vst v19  }
0xe2: {  	v3 =	vld [tilespmem:s24+$0xFFFFFF00]  }
0xe3: {  	v5 =	vld [tilespmem:s24+$0xFFFFFF10]  }
0xe4: {  	v20 =	vld [tilespmem:s24+$0xFFFFFF20]  }
0xe5: {  	v9 =	vbroadcast v1, $0x0;
	v21 =	vld [tilespmem:s24+$0xFFFFFF30]  }
0xe6: {  	v11 =	vbroadcast v1, $0x1;
	v10 =	vld [tilespmem:s24+$0xFFFFFF40]  }
0xe7: {  	v22 =	vbroadcast v1, $0x2;
	v12 =	vld [tilespmem:s24+$0xFFFFFF50];
	v3 =	vmul.f32 v3, v9  }
0xe8: {  	v23 =	vbroadcast v1, $0x3;
	v13 =	vld [tilespmem:s24+$0xFFFFFF60];
	v5 =	vmul.f32 v5, v11  }
0xe9: {  	v24 =	vbroadcast v1, $0x4;
	v14 =	vld [tilespmem:s24+$0xFFFFFF70];
	v7 =	vmul.f32 v20, v22;
	[tilespmem:s24+$0xFFFFFF00] =	vst v3  }
0xea: {  	v25 =	vbroadcast v1, $0x5;
	v26 =	vld [tilespmem:s24+$0xFFFFFF90];
	v8 =	vmul.f32 v21, v23;
	[tilespmem:s24+$0xFFFFFF10] =	vst v5  }
0xeb: {  	v27 =	vbroadcast v1, $0x6;
	v28 =	vld [tilespmem:s24+$0xFFFFFFA0];
	v9 =	vmul.f32 v10, v24;
	[tilespmem:s24+$0xFFFFFF20] =	vst v7  }
0xec: {  	v1 =	vbroadcast v1, $0x7;
	v29 =	vld [tilespmem:s24+$0xFFFFFFB0];
	v11 =	vmul.f32 v12, v25;
	[tilespmem:s24+$0xFFFFFF30] =	vst v8  }
0xed: {  	v32 =	vbroadcast v2, $0x1;
	v31 =	vld [tilespmem:s24+$0xFFFFFFC0];
	v10 =	vmul.f32 v13, v27;
	[tilespmem:s24+$0xFFFFFF40] =	vst v9  }
0xee: {  	v34 =	vbroadcast v2, $0x2;
	v33 =	vld [tilespmem:s24+$0xFFFFFFD0];
	v1 =	vmul.f32 v14, v1;
	[tilespmem:s24+$0xFFFFFF50] =	vst v11  }
0xef: {  	v36 =	vbroadcast v2, $0x3;
	v3 =	vld [tilespmem:s24+$0xFFFFFF80];
	[tilespmem:s24+$0xFFFFFF60] =	vst v10;
	v5 =	vmul.f32 v26, v32  }
0xf0: {  	v37 =	vbroadcast v2, $0x4;
	v35 =	vld [tilespmem:s24+$0xFFFFFFE0];
	[tilespmem:s24+$0xFFFFFF70] =	vst v1;
	v7 =	vmul.f32 v28, v34  }
0xf1: {  	v38 =	vbroadcast v2, $0x5;
	v41 =	vld [tilespmem:s24+$0x20];
	v8 =	vmul.f32 v29, v36;
	[tilespmem:s24+$0xFFFFFF90] =	vst v5  }
0xf2: {  	v30 =	vbroadcast v2, $0x0;
	v1 =	vld [tilespmem:s24+$0xFFFFFFF0];
	v9 =	vmul.f32 v31, v37;
	[tilespmem:s24+$0xFFFFFFA0] =	vst v7  }
0xf3: {  	v40 =	vbroadcast v2, $0x6;
	v42 =	vld [tilespmem:s24+$0x30];
	v11 =	vmul.f32 v33, v38;
	[tilespmem:s24+$0xFFFFFFB0] =	vst v8  }
0xf4: {  	v46 =	vbroadcast v16, $0x2;
	v44 =	vld [tilespmem:s24+$0x40];
	[tilespmem:s24+$0xFFFFFFC0] =	vst v9;
	v3 =	vmul.f32 v3, v30  }
0xf5: {  	v2 =	vbroadcast v2, $0x7;
	v39 =	vld [tilespmem:s24+$0x10];
	v10 =	vmul.f32 v35, v40;
	[tilespmem:s24+$0xFFFFFFD0] =	vst v11  }
0xf6: {  	v48 =	vbroadcast v16, $0x3;
	v7 =	vmul.f32 v41, v46;
	[tilespmem:s24+$0xFFFFFF80] =	vst v3;
	v3 =	vld [tilespmem:s24+$0x0]  }
0xf7: {  	v49 =	vbroadcast v16, $0x4;
	v45 =	vld [tilespmem:s24+$0x50];
	[tilespmem:s24+$0xFFFFFFE0] =	vst v10;
	v1 =	vmul.f32 v1, v2  }
0xf8: {  	v47 =	vld [tilespmem:s24+$0x60];
	v5 =	vmul.f32 v42, v48;
	[tilespmem:s24+$0x20] =	vst v7;
	v2 =	vbroadcast v16, $0x1  }
0xf9: {  	v43 =	vbroadcast v16, $0x0;
	v9 =	vmul.f32 v44, v49;
	[tilespmem:s24+$0xFFFFFFF0] =	vst v1;
	v1 =	vld [tilespmem:s24+$0x70]  }
0xfa: {  	v50 =	vbroadcast v16, $0x5;
	v52 =	vld [tilespmem:s24+$0xA0];
	[tilespmem:s24+$0x30] =	vst v5;
	v2 =	vmul.f32 v39, v2  }
0xfb: {  	v51 =	vbroadcast v16, $0x6;
	v57 =	vld [tilespmem:s24+$0xD0];
	[tilespmem:s24+$0x40] =	vst v9;
	v3 =	vmul.f32 v3, v43  }
0xfc: {  	v4 =	vbroadcast v16, $0x7;
	v8 =	vmul.f32 v45, v50;
	[tilespmem:s24+$0x10] =	vst v2;
	v2 =	vld [tilespmem:s24+$0x90]  }
0xfd: {  	v58 =	vbroadcast v18, $0x2;
	v10 =	vmul.f32 v47, v51;
	[tilespmem:s24+$0x0] =	vst v3;
	v3 =	vld [tilespmem:s24+$0x80]  }
0xfe: {  	v62 =	vbroadcast v18, $0x5;
	v55 =	vld [tilespmem:s24+$0xC0];
	[tilespmem:s24+$0x50] =	vst v8;
	v1 =	vmul.f32 v1, v4  }
0xff: {  	v56 =	vbroadcast v18, $0x1;
	v53 =	vld [tilespmem:s24+$0xB0];
	[tilespmem:s24+$0x60] =	vst v10;
	v7 =	vmul.f32 v52, v58  }
0x100: {  	v54 =	vbroadcast v18, $0x0;
	v4 =	vmul.f32 v57, v62;
	[tilespmem:s24+$0x70] =	vst v1;
	v1 =	vld [tilespmem:s24+$0xF0]  }
0x101: {  	v61 =	vbroadcast v18, $0x4;
	v59 =	vld [tilespmem:s24+$0xE0];
	[tilespmem:s24+$0xA0] =	vst v7;
	v2 =	vmul.f32 v2, v56  }
0x102: {  	v60 =	vbroadcast v18, $0x3;
	[tilespmem:s24+$0xD0] =	vst v4;
	v3 =	vmul.f32 v3, v54  }
0x103: {  	p0 =	sne.s32 s21, $0x13C0;
	v6 =	vbroadcast v18, $0x7;
	[tilespmem:s24+$0x90] =	vst v2;
	v2 =	vmul.f32 v55, v61  }
.Ltmp1:
0x104: {  	v63 =	vbroadcast v18, $0x6;
	[tilespmem:s24+$0x80] =	vst v3;
	v3 =	vmul.f32 v53, v60;
	(pc) =	sbr.rel @p0 .LBB2_5-.Ltmp1, $4  }
0x105: {  	[tilespmem:s24+$0xC0] =	vst v2;
	v1 =	vmul.f32 v1, v6  }
0x106: {  	[tilespmem:s24+$0xB0] =	vst v3;
	v3 =	vmul.f32 v59, v63  }
0x107: {  	[tilespmem:s24+$0xF0] =	vst v1  }
0x108: {  	s21 =	sadd.s32 $0x100, s21;
	[tilespmem:s24+$0xE0] =	vst v3;
	s24 =	sadd.s32 $0x200, s24  }
0x109: {  	v1 =	vld [tilespmem:$0x50]  }
0x10a: {  	v2 =	vld [tilespmem:$0x60]  }
0x10b: {  	v3 =	vld [tilespmem:$0x70]  }
0x10c: {  	v4 =	vld [tilespmem:$0x80]  }
0x10d: {  	v5 =	vld [tilespmem:$0x90]  }
0x10e: {  	[tilespmem:$0x6FE0] =	vst v1  }
0x10f: {  	[tilespmem:$0x6FF0] =	vst v2  }
0x110: {  	s21 =	smul.u32 $0xA0, s20;
	[tilespmem:$0x7000] =	vst v3  }
0x111: {  	[tilespmem:$0x7010] =	vst v4  }
0x112: {  	s19 =	sadd.s32 s21, s8;
	[tilespmem:$0x7020] =	vst v5  }
0x113: {  	[spmem:s11] =	stream.indirect.scatter.add.f32 [tilespmem:s29], [sflag:$0x5], $0x80, s23, s12, $0xb8;
	[tilespmem:$0x1D880] =	vst v63  }
0x114: {  	s19 =	sshrl.u32 s19, $0x3  }
0x115: {  	[spmem:s13] =	stream.indirect.scatter.add.f32 [tilespmem:s31], [sflag:$0x5], $0x10, s23, s12, $0xb8;
	[tilespmem:$0x1D880] =	vst v63  }
0x116: {  	s24 =	sadd.s32 s17, s19  }
0x117: {  	[tilespmem:s1], [sflag:$0x1] =	stream.linear.gather [hbm4b:s24+s1], $0x50, $0x38;
	[tilespmem:$0x1D880] =	vst v63  }
0x118: {  	s19 =	sadd.s32 s18, s19  }
0x119: {  	[tilespmem:s12], [sflag:$0x1] =	stream.linear.gather [hbm4b:s19+s1], $0x50, $0x38;
	[tilespmem:$0x1D880] =	vst v63  }
0x11a: {  	_ =	swait.ge [sflag:s6], $0x50  }
0x11b: {  	[sflag:s6] =	ssyncset.done $0x0  }
0x11c: {  	s3 =	simm.s32 $0x65E0;
	[sflag:s6] =	ssyncadd.s32 $0xFFFFFFB0  }
0x11d: {  	[tilespmem:s3], [sflag:$0x4] =	stream.indirect.gather [hbm4b:s16+s12], $0x10, s14, s12, $0xb8;
	[tilespmem:$0x1D880] =	vst v63  }
0x11e: {  	_ =	swait.ge [sflag:s25], $0x2800  }
0x11f: {  	[sflag:s25] =	ssyncset.done $0x0  }
0x120: {  	[sflag:s25] =	ssyncadd.s32 $0xFFFFD800  }
0x121: {  	_ =	swait.ge [sflag:s25], $0x500  }
0x122: {  	[sflag:s25] =	ssyncset.done $0x0  }
0x123: {  	[sflag:s25] =	ssyncadd.s32 $0xFFFFFB00  }
0x124: {  	_ =	swait.ge [sflag:s0], $0x50  }
0x125: {  	[sflag:s0] =	ssyncset.done $0x0  }
0x126: {  	[sflag:s0] =	ssyncadd.s32 $0xFFFFFFB0  }
0x127: {  	_ =	swait.ge [sflag:s0], $0x50  }
0x128: {  	[sflag:s0] =	ssyncset.done $0x0  }
0x129: {  	[sflag:s0] =	ssyncadd.s32 $0xFFFFFFB0  }
0x12a: {  	[tilespmem:s2], [sflag:$0x2] =	stream.indirect.gather [hbm4b:s18+s12], $0x1, s1, s12, $0xb8;
	[tilespmem:$0x1D880] =	vst v63  }
0x12b: {  	_ = 	snop  }
0x12c: {  	[tilespmem:s29], [sflag:$0x3] =	stream.indirect.gather [hbm4b:s10+s12], $0x80, s1, s12, $0xb8;
	[tilespmem:$0x1D880] =	vst v63  }
0x12d: {  	s24 =	simm.s32 $0x28F0  }
0x12e: {  	[tilespmem:s24], [sflag:$0x3] =	stream.indirect.gather [hbm4b:s16+s12], $0x10, s12, s12, $0xb8;
	[tilespmem:$0x1D880] =	vst v63  }
0x12f: {  	_ =	swait.ge [sflag:s26], $0x2800  }
0x130: {  	[sflag:s26] =	ssyncset.done $0x0  }
0x131: {  	[sflag:s26] =	ssyncadd.s32 $0xFFFFD800  }
0x132: {  	_ =	swait.ge [sflag:s26], $0x500  }
0x133: {  	[sflag:s26] =	ssyncset.done $0x0  }
0x134: {  	[sflag:s26] =	ssyncadd.s32 $0xFFFFFB00  }
0x135: {  	_ =	swait.ge [sflag:s26], $0x500  }
0x136: {  	[sflag:s26] =	ssyncset.done $0x0  }
0x137: {  	s19 =	simm.s32 $0x39E0;
	s24 =	simm.s32 $0xC0;
	[sflag:s26] =	ssyncadd.s32 $0xFFFFFB00  }
.LBB2_7:
0x138: {  	s3 =	sshra.s32 s24, $0x2  }
0x139: {  	v1 =	vld [tilespmem:s3+$0x60B0]  }
0x13a: {  	v2 =	vld [tilespmem:s3+$0x65B0]  }
0x13b: {  	v3 =	vld [tilespmem:s3+$0x60C0]  }
0x13c: {  	v4 =	vld [tilespmem:s3+$0x65C0]  }
0x13d: {  	v5 =	vld [tilespmem:s3+$0x60D0]  }
0x13e: {  	v6 =	vld [tilespmem:s3+$0x65D0]  }
0x13f: {  	v7 =	vld [tilespmem:s3+$0x60E0]  }
0x140: {  	v8 =	vld [tilespmem:s3+$0x65E0];
	_ =	sdelay $0x1  }
0x141: {  	v1 =	vadd.f32 v2, v1  }
0x142: {  	v2 =	vadd.f32 v4, v3  }
0x143: {  	v3 =	vadd.f32 v6, v5;
	v11 =	vmul.f32 $2.000000030e-01, v1  }
0x144: {  	v12 =	vadd.f32 v8, v7;
	v13 =	vmul.f32 $2.000000030e-01, v2  }
0x145: {  	v14 =	vmul.f32 $2.000000030e-01, v3;
	v1 =	vmax.f32 v1, v11  }
0x146: {  	v15 =	vmul.f32 $2.000000030e-01, v12;
	v2 =	vmax.f32 v2, v13;
	v1 =	vmul.f32 $1.442695020e+00, v1  }
0x147: {  	v3 =	vmax.f32 v3, v14;
	v2 =	vmul.f32 $1.442695020e+00, v2  }
0x148: {  	(erf) = vpow2.f32 v1;
	v1 =	vmul.f32 $1.442695020e+00, v3;
	v3 =	vmax.f32 v12, v15  }
0x149: {  	(erf) = vpow2.f32 v2;
	v2 =	vmul.f32 $1.442695020e+00, v3  }
0x14a: {  	(erf) = vpow2.f32 v1  }
0x14b: {  	(erf) = vpow2.f32 v2;
	_ =	sdelay $0x5  }
0x14c: {  	v1 =	vpop (erf)  }
0x14d: {  	v2 =	vpop (erf);
	v3 =	vnsel vm0, $0x0, v1  }
0x14e: {  	v16 =	vpop (erf);
	v17 =	vnsel vm0, $0x0, v2;
	[tilespmem:s3+$0x6AB0] =	vst v3  }
0x14f: {  	v3 =	vnsel vm0, $0x0, v16;
	v18 =	vpop (erf);
	[tilespmem:s3+$0x6AC0] =	vst v17  }
0x150: {  	v19 =	vnsel vm0, $0x0, v18;
	[tilespmem:s3+$0x6AD0] =	vst v3  }
0x151: {  	[tilespmem:s3+$0x6AE0] =	vst v19  }
0x152: {  	v3 =	vld [tilespmem:s19+$0xFFFFFF00]  }
0x153: {  	v5 =	vld [tilespmem:s19+$0xFFFFFF10]  }
0x154: {  	v20 =	vld [tilespmem:s19+$0xFFFFFF20]  }
0x155: {  	v9 =	vbroadcast v1, $0x0;
	v21 =	vld [tilespmem:s19+$0xFFFFFF30]  }
0x156: {  	v11 =	vbroadcast v1, $0x1;
	v10 =	vld [tilespmem:s19+$0xFFFFFF40]  }
0x157: {  	v22 =	vbroadcast v1, $0x2;
	v12 =	vld [tilespmem:s19+$0xFFFFFF50];
	v3 =	vmul.f32 v3, v9  }
0x158: {  	v23 =	vbroadcast v1, $0x3;
	v13 =	vld [tilespmem:s19+$0xFFFFFF60];
	v5 =	vmul.f32 v5, v11  }
0x159: {  	v24 =	vbroadcast v1, $0x4;
	v14 =	vld [tilespmem:s19+$0xFFFFFF70];
	v7 =	vmul.f32 v20, v22;
	[tilespmem:s19+$0xFFFFFF00] =	vst v3  }
0x15a: {  	v25 =	vbroadcast v1, $0x5;
	v26 =	vld [tilespmem:s19+$0xFFFFFF90];
	v8 =	vmul.f32 v21, v23;
	[tilespmem:s19+$0xFFFFFF10] =	vst v5  }
0x15b: {  	v27 =	vbroadcast v1, $0x6;
	v28 =	vld [tilespmem:s19+$0xFFFFFFA0];
	v9 =	vmul.f32 v10, v24;
	[tilespmem:s19+$0xFFFFFF20] =	vst v7  }
0x15c: {  	v1 =	vbroadcast v1, $0x7;
	v29 =	vld [tilespmem:s19+$0xFFFFFFB0];
	v11 =	vmul.f32 v12, v25;
	[tilespmem:s19+$0xFFFFFF30] =	vst v8  }
0x15d: {  	v32 =	vbroadcast v2, $0x1;
	v31 =	vld [tilespmem:s19+$0xFFFFFFC0];
	v10 =	vmul.f32 v13, v27;
	[tilespmem:s19+$0xFFFFFF40] =	vst v9  }
0x15e: {  	v34 =	vbroadcast v2, $0x2;
	v33 =	vld [tilespmem:s19+$0xFFFFFFD0];
	v1 =	vmul.f32 v14, v1;
	[tilespmem:s19+$0xFFFFFF50] =	vst v11  }
0x15f: {  	v36 =	vbroadcast v2, $0x3;
	v3 =	vld [tilespmem:s19+$0xFFFFFF80];
	[tilespmem:s19+$0xFFFFFF60] =	vst v10;
	v5 =	vmul.f32 v26, v32  }
0x160: {  	v37 =	vbroadcast v2, $0x4;
	v35 =	vld [tilespmem:s19+$0xFFFFFFE0];
	[tilespmem:s19+$0xFFFFFF70] =	vst v1;
	v7 =	vmul.f32 v28, v34  }
0x161: {  	v38 =	vbroadcast v2, $0x5;
	v41 =	vld [tilespmem:s19+$0x20];
	v8 =	vmul.f32 v29, v36;
	[tilespmem:s19+$0xFFFFFF90] =	vst v5  }
0x162: {  	v30 =	vbroadcast v2, $0x0;
	v1 =	vld [tilespmem:s19+$0xFFFFFFF0];
	v9 =	vmul.f32 v31, v37;
	[tilespmem:s19+$0xFFFFFFA0] =	vst v7  }
0x163: {  	v40 =	vbroadcast v2, $0x6;
	v42 =	vld [tilespmem:s19+$0x30];
	v11 =	vmul.f32 v33, v38;
	[tilespmem:s19+$0xFFFFFFB0] =	vst v8  }
0x164: {  	v46 =	vbroadcast v16, $0x2;
	v44 =	vld [tilespmem:s19+$0x40];
	[tilespmem:s19+$0xFFFFFFC0] =	vst v9;
	v3 =	vmul.f32 v3, v30  }
0x165: {  	v2 =	vbroadcast v2, $0x7;
	v39 =	vld [tilespmem:s19+$0x10];
	v10 =	vmul.f32 v35, v40;
	[tilespmem:s19+$0xFFFFFFD0] =	vst v11  }
0x166: {  	v48 =	vbroadcast v16, $0x3;
	v7 =	vmul.f32 v41, v46;
	[tilespmem:s19+$0xFFFFFF80] =	vst v3;
	v3 =	vld [tilespmem:s19+$0x0]  }
0x167: {  	v49 =	vbroadcast v16, $0x4;
	v45 =	vld [tilespmem:s19+$0x50];
	[tilespmem:s19+$0xFFFFFFE0] =	vst v10;
	v1 =	vmul.f32 v1, v2  }
0x168: {  	v47 =	vld [tilespmem:s19+$0x60];
	v5 =	vmul.f32 v42, v48;
	[tilespmem:s19+$0x20] =	vst v7;
	v2 =	vbroadcast v16, $0x1  }
0x169: {  	v43 =	vbroadcast v16, $0x0;
	v9 =	vmul.f32 v44, v49;
	[tilespmem:s19+$0xFFFFFFF0] =	vst v1;
	v1 =	vld [tilespmem:s19+$0x70]  }
0x16a: {  	v50 =	vbroadcast v16, $0x5;
	v52 =	vld [tilespmem:s19+$0xA0];
	[tilespmem:s19+$0x30] =	vst v5;
	v2 =	vmul.f32 v39, v2  }
0x16b: {  	v51 =	vbroadcast v16, $0x6;
	v57 =	vld [tilespmem:s19+$0xD0];
	[tilespmem:s19+$0x40] =	vst v9;
	v3 =	vmul.f32 v3, v43  }
0x16c: {  	v4 =	vbroadcast v16, $0x7;
	v8 =	vmul.f32 v45, v50;
	[tilespmem:s19+$0x10] =	vst v2;
	v2 =	vld [tilespmem:s19+$0x90]  }
0x16d: {  	v58 =	vbroadcast v18, $0x2;
	v10 =	vmul.f32 v47, v51;
	[tilespmem:s19+$0x0] =	vst v3;
	v3 =	vld [tilespmem:s19+$0x80]  }
0x16e: {  	v62 =	vbroadcast v18, $0x5;
	v55 =	vld [tilespmem:s19+$0xC0];
	[tilespmem:s19+$0x50] =	vst v8;
	v1 =	vmul.f32 v1, v4  }
0x16f: {  	v56 =	vbroadcast v18, $0x1;
	v53 =	vld [tilespmem:s19+$0xB0];
	[tilespmem:s19+$0x60] =	vst v10;
	v7 =	vmul.f32 v52, v58  }
0x170: {  	v54 =	vbroadcast v18, $0x0;
	v4 =	vmul.f32 v57, v62;
	[tilespmem:s19+$0x70] =	vst v1;
	v1 =	vld [tilespmem:s19+$0xF0]  }
0x171: {  	v61 =	vbroadcast v18, $0x4;
	v59 =	vld [tilespmem:s19+$0xE0];
	[tilespmem:s19+$0xA0] =	vst v7;
	v2 =	vmul.f32 v2, v56  }
0x172: {  	v60 =	vbroadcast v18, $0x3;
	[tilespmem:s19+$0xD0] =	vst v4;
	v3 =	vmul.f32 v3, v54  }
0x173: {  	p0 =	sne.s32 s24, $0x13C0;
	v6 =	vbroadcast v18, $0x7;
	[tilespmem:s19+$0x90] =	vst v2;
	v2 =	vmul.f32 v55, v61  }
.Ltmp2:
0x174: {  	v63 =	vbroadcast v18, $0x6;
	[tilespmem:s19+$0x80] =	vst v3;
	v3 =	vmul.f32 v53, v60;
	(pc) =	sbr.rel @p0 .LBB2_7-.Ltmp2, $4  }
0x175: {  	[tilespmem:s19+$0xC0] =	vst v2;
	v1 =	vmul.f32 v1, v6  }
0x176: {  	[tilespmem:s19+$0xB0] =	vst v3;
	v3 =	vmul.f32 v59, v63  }
0x177: {  	[tilespmem:s19+$0xF0] =	vst v1  }
0x178: {  	s24 =	sadd.s32 $0x100, s24;
	[tilespmem:s19+$0xE0] =	vst v3;
	s19 =	sadd.s32 $0x200, s19  }
0x179: {  	v1 =	vld [tilespmem:$0x3840]  }
0x17a: {  	v2 =	vld [tilespmem:$0x3850]  }
0x17b: {  	v3 =	vld [tilespmem:$0x3860]  }
0x17c: {  	v4 =	vld [tilespmem:$0x3870]  }
0x17d: {  	v5 =	vld [tilespmem:$0x3880]  }
0x17e: {  	[tilespmem:$0x7030] =	vst v1  }
0x17f: {  	[tilespmem:$0x7040] =	vst v2  }
0x180: {  	[tilespmem:$0x7050] =	vst v3  }
0x181: {  	[tilespmem:$0x7060] =	vst v4  }
0x182: {  	[tilespmem:$0x7070] =	vst v5  }
0x183: {  	[spmem:s11] =	stream.indirect.scatter.add.f32 [tilespmem:s15], [sflag:$0x6], $0x80, s28, s12, $0xb8;
	[tilespmem:$0x1D880] =	vst v63  }
0x184: {  	s3 =	simm.s32 $0x6AE0;
	p0 =	seq.s32 s20, $0x3D  }
0x185: {  	[spmem:s13] =	stream.indirect.scatter.add.f32 [tilespmem:s3], [sflag:$0x6], $0x10, s28, s12, $0xb8;
	[tilespmem:$0x1D880] =	vst v63  }
0x186: {  	s3 =	sadd.s32 @!p0 s21, s9  }
0x187: {  	s3 =	sshrl.u32 @!p0 s3, $0x3  }
0x188: {  	s24 =	simm.s32 @!p0 $0x37F0;
	s21 =	simm.s32 @!p0 $0x0;
	s19 =	sadd.s32 @!p0 s17, s3  }
0x189: {  	[tilespmem:s24], [sflag:$0x1] =	stream.linear.gather @!p0 [hbm4b:s19+s21], $0x50, $0x38;
	[tilespmem:$0x1D880] =	vst v63  }
0x18a: {  	s20 =	sadd.s32 $0x1, s20;
	s3 =	sadd.s32 @!p0 s18, s3;
	s19 =	simm.s32 @!p0 $0x3840  }
0x18b: {  	[tilespmem:s19], [sflag:$0x1] =	stream.linear.gather @!p0 [hbm4b:s3+s21], $0x50, $0x38;
	[tilespmem:$0x1D880] =	vst v63  }
0x18c: {  	p0 =	sne.s32 s20, $0x3E  }
.Ltmp3:
0x18d: {  	_ = 	snop;
	(pc) =	sbr.rel @p0 .LBB2_4-.Ltmp3, $4  }
0x18e: {  	_ =	swait.ge [sflag:s6], $0x50  }
0x18f: {  	[sflag:s6] =	ssyncset.done $0x0  }
0x190: {  	[sflag:s6] =	ssyncadd.s32 $0xFFFFFFB0  }
0x191: {  	[tilespmem:s7], [sflag:$0x3] =	stream.indirect.gather [hbm4b:s16+s12], $0x10, s2, s12, $0xb8;
	[tilespmem:$0x1D880] =	vst v63  }
0x192: {  	_ =	swait.ge [sflag:s22], $0x2800  }
0x193: {  	[sflag:s22] =	ssyncset.done $0x0  }
0x194: {  	[sflag:s22] =	ssyncadd.s32 $0xFFFFD800  }
0x195: {  	_ =	swait.ge [sflag:s22], $0x500  }
0x196: {  	[sflag:s22] =	ssyncset.done $0x0  }
0x197: {  	[sflag:s22] =	ssyncadd.s32 $0xFFFFFB00  }
0x198: {  	_ =	swait.ge [sflag:s22], $0x500  }
0x199: {  	[sflag:s22] =	ssyncset.done $0x0  }
0x19a: {  	s20 =	simm.s32 $0xC0;
	s19 =	simm.s32 $0x1F0;
	[sflag:s22] =	ssyncadd.s32 $0xFFFFFB00  }
.LBB2_10:
0x19b: {  	s3 =	sshra.s32 s20, $0x2  }
0x19c: {  	v1 =	vld [tilespmem:s3+$0x28C0]  }
0x19d: {  	v2 =	vld [tilespmem:s3+$0x2DC0]  }
0x19e: {  	v3 =	vld [tilespmem:s3+$0x28D0]  }
0x19f: {  	v4 =	vld [tilespmem:s3+$0x2DD0]  }
0x1a0: {  	v5 =	vld [tilespmem:s3+$0x28E0]  }
0x1a1: {  	v6 =	vld [tilespmem:s3+$0x2DE0]  }
0x1a2: {  	v7 =	vld [tilespmem:s3+$0x28F0]  }
0x1a3: {  	v8 =	vld [tilespmem:s3+$0x2DF0];
	_ =	sdelay $0x1  }
0x1a4: {  	v1 =	vadd.f32 v2, v1  }
0x1a5: {  	v2 =	vadd.f32 v4, v3  }
0x1a6: {  	v3 =	vadd.f32 v6, v5;
	v11 =	vmul.f32 $2.000000030e-01, v1  }
0x1a7: {  	v12 =	vadd.f32 v8, v7;
	v13 =	vmul.f32 $2.000000030e-01, v2  }
0x1a8: {  	v14 =	vmul.f32 $2.000000030e-01, v3;
	v1 =	vmax.f32 v1, v11  }
0x1a9: {  	v15 =	vmul.f32 $2.000000030e-01, v12;
	v2 =	vmax.f32 v2, v13;
	v1 =	vmul.f32 $1.442695020e+00, v1  }
0x1aa: {  	v3 =	vmax.f32 v3, v14;
	v2 =	vmul.f32 $1.442695020e+00, v2  }
0x1ab: {  	(erf) = vpow2.f32 v1;
	v1 =	vmul.f32 $1.442695020e+00, v3;
	v3 =	vmax.f32 v12, v15  }
0x1ac: {  	(erf) = vpow2.f32 v2;
	v2 =	vmul.f32 $1.442695020e+00, v3  }
0x1ad: {  	(erf) = vpow2.f32 v1  }
0x1ae: {  	(erf) = vpow2.f32 v2;
	_ =	sdelay $0x5  }
0x1af: {  	v1 =	vpop (erf)  }
0x1b0: {  	v2 =	vpop (erf);
	v3 =	vnsel vm0, $0x0, v1  }
0x1b1: {  	v16 =	vpop (erf);
	v17 =	vnsel vm0, $0x0, v2;
	[tilespmem:s3+$0x32C0] =	vst v3  }
0x1b2: {  	v3 =	vnsel vm0, $0x0, v16;
	v18 =	vpop (erf);
	[tilespmem:s3+$0x32D0] =	vst v17  }
0x1b3: {  	v19 =	vnsel vm0, $0x0, v18;
	[tilespmem:s3+$0x32E0] =	vst v3  }
0x1b4: {  	[tilespmem:s3+$0x32F0] =	vst v19  }
0x1b5: {  	v3 =	vld [tilespmem:s19+$0xFFFFFF00]  }
0x1b6: {  	v5 =	vld [tilespmem:s19+$0xFFFFFF10]  }
0x1b7: {  	v20 =	vld [tilespmem:s19+$0xFFFFFF20]  }
0x1b8: {  	v9 =	vbroadcast v1, $0x0;
	v21 =	vld [tilespmem:s19+$0xFFFFFF30]  }
0x1b9: {  	v11 =	vbroadcast v1, $0x1;
	v10 =	vld [tilespmem:s19+$0xFFFFFF40]  }
0x1ba: {  	v22 =	vbroadcast v1, $0x2;
	v12 =	vld [tilespmem:s19+$0xFFFFFF50];
	v3 =	vmul.f32 v3, v9  }
0x1bb: {  	v23 =	vbroadcast v1, $0x3;
	v13 =	vld [tilespmem:s19+$0xFFFFFF60];
	v5 =	vmul.f32 v5, v11  }
0x1bc: {  	v24 =	vbroadcast v1, $0x4;
	v14 =	vld [tilespmem:s19+$0xFFFFFF70];
	v7 =	vmul.f32 v20, v22;
	[tilespmem:s19+$0xFFFFFF00] =	vst v3  }
0x1bd: {  	v25 =	vbroadcast v1, $0x5;
	v26 =	vld [tilespmem:s19+$0xFFFFFF90];
	v8 =	vmul.f32 v21, v23;
	[tilespmem:s19+$0xFFFFFF10] =	vst v5  }
0x1be: {  	v27 =	vbroadcast v1, $0x6;
	v28 =	vld [tilespmem:s19+$0xFFFFFFA0];
	v9 =	vmul.f32 v10, v24;
	[tilespmem:s19+$0xFFFFFF20] =	vst v7  }
0x1bf: {  	v1 =	vbroadcast v1, $0x7;
	v29 =	vld [tilespmem:s19+$0xFFFFFFB0];
	v11 =	vmul.f32 v12, v25;
	[tilespmem:s19+$0xFFFFFF30] =	vst v8  }
0x1c0: {  	v32 =	vbroadcast v2, $0x1;
	v31 =	vld [tilespmem:s19+$0xFFFFFFC0];
	v10 =	vmul.f32 v13, v27;
	[tilespmem:s19+$0xFFFFFF40] =	vst v9  }
0x1c1: {  	v34 =	vbroadcast v2, $0x2;
	v33 =	vld [tilespmem:s19+$0xFFFFFFD0];
	v1 =	vmul.f32 v14, v1;
	[tilespmem:s19+$0xFFFFFF50] =	vst v11  }
0x1c2: {  	v36 =	vbroadcast v2, $0x3;
	v3 =	vld [tilespmem:s19+$0xFFFFFF80];
	[tilespmem:s19+$0xFFFFFF60] =	vst v10;
	v5 =	vmul.f32 v26, v32  }
0x1c3: {  	v37 =	vbroadcast v2, $0x4;
	v35 =	vld [tilespmem:s19+$0xFFFFFFE0];
	[tilespmem:s19+$0xFFFFFF70] =	vst v1;
	v7 =	vmul.f32 v28, v34  }
0x1c4: {  	v38 =	vbroadcast v2, $0x5;
	v41 =	vld [tilespmem:s19+$0x20];
	v8 =	vmul.f32 v29, v36;
	[tilespmem:s19+$0xFFFFFF90] =	vst v5  }
0x1c5: {  	v30 =	vbroadcast v2, $0x0;
	v1 =	vld [tilespmem:s19+$0xFFFFFFF0];
	v9 =	vmul.f32 v31, v37;
	[tilespmem:s19+$0xFFFFFFA0] =	vst v7  }
0x1c6: {  	v40 =	vbroadcast v2, $0x6;
	v42 =	vld [tilespmem:s19+$0x30];
	v11 =	vmul.f32 v33, v38;
	[tilespmem:s19+$0xFFFFFFB0] =	vst v8  }
0x1c7: {  	v46 =	vbroadcast v16, $0x2;
	v44 =	vld [tilespmem:s19+$0x40];
	[tilespmem:s19+$0xFFFFFFC0] =	vst v9;
	v3 =	vmul.f32 v3, v30  }
0x1c8: {  	v2 =	vbroadcast v2, $0x7;
	v39 =	vld [tilespmem:s19+$0x10];
	v10 =	vmul.f32 v35, v40;
	[tilespmem:s19+$0xFFFFFFD0] =	vst v11  }
0x1c9: {  	v48 =	vbroadcast v16, $0x3;
	v7 =	vmul.f32 v41, v46;
	[tilespmem:s19+$0xFFFFFF80] =	vst v3;
	v3 =	vld [tilespmem:s19+$0x0]  }
0x1ca: {  	v49 =	vbroadcast v16, $0x4;
	v45 =	vld [tilespmem:s19+$0x50];
	[tilespmem:s19+$0xFFFFFFE0] =	vst v10;
	v1 =	vmul.f32 v1, v2  }
0x1cb: {  	v47 =	vld [tilespmem:s19+$0x60];
	v5 =	vmul.f32 v42, v48;
	[tilespmem:s19+$0x20] =	vst v7;
	v2 =	vbroadcast v16, $0x1  }
0x1cc: {  	v43 =	vbroadcast v16, $0x0;
	v9 =	vmul.f32 v44, v49;
	[tilespmem:s19+$0xFFFFFFF0] =	vst v1;
	v1 =	vld [tilespmem:s19+$0x70]  }
0x1cd: {  	v50 =	vbroadcast v16, $0x5;
	v52 =	vld [tilespmem:s19+$0xA0];
	[tilespmem:s19+$0x30] =	vst v5;
	v2 =	vmul.f32 v39, v2  }
0x1ce: {  	v51 =	vbroadcast v16, $0x6;
	v57 =	vld [tilespmem:s19+$0xD0];
	[tilespmem:s19+$0x40] =	vst v9;
	v3 =	vmul.f32 v3, v43  }
0x1cf: {  	v4 =	vbroadcast v16, $0x7;
	v8 =	vmul.f32 v45, v50;
	[tilespmem:s19+$0x10] =	vst v2;
	v2 =	vld [tilespmem:s19+$0x90]  }
0x1d0: {  	v58 =	vbroadcast v18, $0x2;
	v10 =	vmul.f32 v47, v51;
	[tilespmem:s19+$0x0] =	vst v3;
	v3 =	vld [tilespmem:s19+$0x80]  }
0x1d1: {  	v62 =	vbroadcast v18, $0x5;
	v55 =	vld [tilespmem:s19+$0xC0];
	[tilespmem:s19+$0x50] =	vst v8;
	v1 =	vmul.f32 v1, v4  }
0x1d2: {  	v56 =	vbroadcast v18, $0x1;
	v53 =	vld [tilespmem:s19+$0xB0];
	[tilespmem:s19+$0x60] =	vst v10;
	v7 =	vmul.f32 v52, v58  }
0x1d3: {  	v54 =	vbroadcast v18, $0x0;
	v4 =	vmul.f32 v57, v62;
	[tilespmem:s19+$0x70] =	vst v1;
	v1 =	vld [tilespmem:s19+$0xF0]  }
0x1d4: {  	v61 =	vbroadcast v18, $0x4;
	v59 =	vld [tilespmem:s19+$0xE0];
	[tilespmem:s19+$0xA0] =	vst v7;
	v2 =	vmul.f32 v2, v56  }
0x1d5: {  	v60 =	vbroadcast v18, $0x3;
	[tilespmem:s19+$0xD0] =	vst v4;
	v3 =	vmul.f32 v3, v54  }
0x1d6: {  	p0 =	sne.s32 s20, $0x13C0;
	v6 =	vbroadcast v18, $0x7;
	[tilespmem:s19+$0x90] =	vst v2;
	v2 =	vmul.f32 v55, v61  }
.Ltmp4:
0x1d7: {  	v63 =	vbroadcast v18, $0x6;
	[tilespmem:s19+$0x80] =	vst v3;
	v3 =	vmul.f32 v53, v60;
	(pc) =	sbr.rel @p0 .LBB2_10-.Ltmp4, $4  }
0x1d8: {  	[tilespmem:s19+$0xC0] =	vst v2;
	v1 =	vmul.f32 v1, v6  }
0x1d9: {  	[tilespmem:s19+$0xB0] =	vst v3;
	v3 =	vmul.f32 v59, v63  }
0x1da: {  	[tilespmem:s19+$0xF0] =	vst v1  }
0x1db: {  	s20 =	sadd.s32 $0x100, s20;
	[tilespmem:s19+$0xE0] =	vst v3;
	s19 =	sadd.s32 $0x200, s19  }
0x1dc: {  	v1 =	vld [tilespmem:$0x50]  }
0x1dd: {  	v2 =	vld [tilespmem:$0x60]  }
0x1de: {  	v3 =	vld [tilespmem:$0x70]  }
0x1df: {  	v4 =	vld [tilespmem:$0x80]  }
0x1e0: {  	v5 =	vld [tilespmem:$0x90]  }
0x1e1: {  	[tilespmem:$0x6FE0] =	vst v1  }
0x1e2: {  	[tilespmem:$0x6FF0] =	vst v2  }
0x1e3: {  	[tilespmem:$0x7000] =	vst v3  }
0x1e4: {  	[tilespmem:$0x7010] =	vst v4  }
0x1e5: {  	[tilespmem:$0x7020] =	vst v5  }
0x1e6: {  	[spmem:s11] =	stream.indirect.scatter.add.f32 [tilespmem:s29], [sflag:$0x5], $0x80, s23, s12, $0xb8;
	[tilespmem:$0x1D880] =	vst v63  }
0x1e7: {  	s3 =	simm.s32 $0x6  }
0x1e8: {  	[spmem:s13] =	stream.indirect.scatter.add.f32 [tilespmem:s31], [sflag:$0x5], $0x10, s23, s12, $0xb8;
	[tilespmem:$0x1D880] =	vst v63  }
0x1e9: {  	_ =	swait.ge [sflag:s3], $0x2800  }
0x1ea: {  	[sflag:s3] =	ssyncset.done $0x0  }
0x1eb: {  	[sflag:s3] =	ssyncadd.s32 $0xFFFFD800  }
0x1ec: {  	_ =	swait.ge [sflag:s3], $0x500  }
0x1ed: {  	[sflag:s3] =	ssyncset.done $0x0  }
0x1ee: {  	[sflag:s3] =	ssyncadd.s32 $0xFFFFFB00  }
0x1ef: {  	_ =	swait.ge [sflag:s25], $0x2800  }
0x1f0: {  	[sflag:s25] =	ssyncset.done $0x0  }
0x1f1: {  	[sflag:s25] =	ssyncadd.s32 $0xFFFFD800  }
0x1f2: {  	_ =	swait.ge [sflag:s25], $0x500  }
0x1f3: {  	[sflag:s25] =	ssyncset.done $0x0  }
0x1f4: {  	[sflag:s25] =	ssyncadd.s32 $0xFFFFFB00  }
0x1f5: {  	s19 =	stileid.u32;
	[bflag:$0x0] =	sbarrier.arrive $0xFFFF  }
0x1f6: {  	s3 =	sshll.u32 s19, $0x6;
	s24 =	rddreg [dreg:$0xf]  }
0x1f7: {  	s3 =	sor.u32 $0x1C07, s3;
	s20 =	rddreg [dreg:$0x5];
	s19 =	sshrl.u32 s24, $0x3  }
0x1f8: {  	[hbm:s20], [sflag:s3] =	dma.local [spmem:s19], $0x800  }
0x1f9: {  	_ =	swait.ge [sflag:s30], $0x800  }
0x1fa: {  	[sflag:s30] =	ssyncset.done $0x0;
	s20 =	rddreg [dreg:$0x10]  }
0x1fb: {  	s21 =	rddreg [dreg:$0xa];
	[sflag:s30] =	ssyncadd.s32 $0xFFFFF800;
	s19 =	sshrl.u32 s20, $0x3  }
0x1fc: {  	[hbm:s21], [sflag:s3] =	dma.local [spmem:s19], $0x100  }
0x1fd: {  	_ =	swait.ge [sflag:s30], $0x100  }
0x1fe: {  	s21 =	sld [smem:$0x7F6]  }
0x1ff: {  	[sflag:s30] =	ssyncset.done $0x0  }
0x200: {  	s20 =	rddreg [dreg:$0x6];
	[sflag:s30] =	ssyncadd.s32 $0xFFFFFF00  }
0x201: {  	[hbm:s20], [sflag:s3] =	dma.local [spmem:s21], $0x800  }
0x202: {  	_ =	swait.ge [sflag:s30], $0x800  }
0x203: {  	s21 =	sld [smem:$0x7F7]  }
0x204: {  	[sflag:s30] =	ssyncset.done $0x0  }
0x205: {  	s20 =	rddreg [dreg:$0xb];
	[sflag:s30] =	ssyncadd.s32 $0xFFFFF800  }
0x206: {  	[hbm:s20], [sflag:s3] =	dma.local [spmem:s21], $0x100  }
0x207: {  	_ =	swait.ge [sflag:s30], $0x100  }
0x208: {  	s21 =	sld [smem:$0x7F8]  }
0x209: {  	[sflag:s30] =	ssyncset.done $0x0  }
0x20a: {  	s20 =	rddreg [dreg:$0x7];
	[sflag:s30] =	ssyncadd.s32 $0xFFFFFF00  }
0x20b: {  	[hbm:s20], [sflag:s3] =	dma.local [spmem:s21], $0x800  }
0x20c: {  	_ =	swait.ge [sflag:s30], $0x800  }
0x20d: {  	s21 =	sld [smem:$0x7F9]  }
0x20e: {  	[sflag:s30] =	ssyncset.done $0x0  }
0x20f: {  	s20 =	rddreg [dreg:$0xc];
	[sflag:s30] =	ssyncadd.s32 $0xFFFFF800  }
0x210: {  	[hbm:s20], [sflag:s3] =	dma.local [spmem:s21], $0x100  }
0x211: {  	_ =	swait.ge [sflag:s30], $0x100  }
0x212: {  	s21 =	sld [smem:$0x7FA]  }
0x213: {  	[sflag:s30] =	ssyncset.done $0x0  }
0x214: {  	s20 =	rddreg [dreg:$0x8];
	[sflag:s30] =	ssyncadd.s32 $0xFFFFFF00  }
0x215: {  	[hbm:s20], [sflag:s3] =	dma.local [spmem:s21], $0x800  }
0x216: {  	_ =	swait.ge [sflag:s30], $0x800  }
0x217: {  	s21 =	sld [smem:$0x7FB]  }
0x218: {  	[sflag:s30] =	ssyncset.done $0x0  }
0x219: {  	s20 =	rddreg [dreg:$0xd];
	[sflag:s30] =	ssyncadd.s32 $0xFFFFF800  }
0x21a: {  	[hbm:s20], [sflag:s3] =	dma.local [spmem:s21], $0x100  }
0x21b: {  	_ =	swait.ge [sflag:s30], $0x100  }
0x21c: {  	s21 =	sld [smem:$0x7FC]  }
0x21d: {  	[sflag:s30] =	ssyncset.done $0x0  }
0x21e: {  	s20 =	rddreg [dreg:$0x9];
	[sflag:s30] =	ssyncadd.s32 $0xFFFFFF00  }
0x21f: {  	[hbm:s20], [sflag:s3] =	dma.local [spmem:s21], $0x800  }
0x220: {  	_ =	swait.ge [sflag:s30], $0x800  }
0x221: {  	s21 =	sld [smem:$0x7FD]  }
0x222: {  	[sflag:s30] =	ssyncset.done $0x0  }
0x223: {  	s20 =	rddreg [dreg:$0xe];
	[sflag:s30] =	ssyncadd.s32 $0xFFFFF800  }
0x224: {  	[hbm:s20], [sflag:s3] =	dma.local [spmem:s21], $0x100  }
0x225: {  	_ =	swait.ge [sflag:s30], $0x100  }
0x226: {  	s20 =	sld [smem:$0x7F1]  }
0x227: {  	s21 =	sld [smem:$0x7F5];
	_ =	sdelay $0x1  }
0x228: {  	s19 =	sadd.s32 $0x1, s20  }
0x229: {  	p0 =	sne.s32 s19, s21  }
.Ltmp5:
0x22a: {  	_ = 	snop;
	(pc) =	sbr.rel @p0 .LBB2_1-.Ltmp5, $3  }
0x22b: {  	_ =	sdelay $0x1  }
0x22c: {  	[sflag:s30] =	ssyncset.done $0x0  }
0x22d: {  	[sflag:s30] =	ssyncadd.s32 $0xFFFFFF00  }
0x22e: {  	_ =	sfence.sel $0x180000  }
0x22f: {  	[bflag:$0x0] =	sbarrier.arrive $0xFFFF  }
0x230: {  	_ =	strace $0x90000047  }
0x231: {  	s0 =	stileid.u32;
	[bflag:$0x2] =	sbarrier.arrive $0xFFFF  }
0x232: {  	p0 =	sne.s32 s0, $0x0;
	s0 =	rddreg [dreg:$0x4]  }
0x233: {  	s0 =	sadd.s32 @!p0 $0x100000, s0  }
0x234: {  	[sflag:s0] =	ssyncadd.tile.s32 @!p0 $0x1;
	_ =	shalt  }
.Lfunc_end2:
_tile_overlayer_lowered:
.L_overlay_start_2:
0x235: {  	(tag) =	ssettag $0x2  }
0x236: {  	s0 =	rddreg [dreg:$0x0];
	s2 =	stileid.u32  }
0x237: {  	s1 =	rddreg [dreg:$0x1];
	p0 =	sne.s32 s2, $0x0  }
0x238: {  	s3 =	rddreg [dreg:$0x2];
	[bflag:$0x3] =	sbarrier.arrive $0xFFFF;
	s2 =	simm.s32 @!p0 $0x1C07  }
0x239: {  	[timem:s3], [sflag:s2] =	dma.local @!p0 [hbm:s0], s1  }
0x23a: {  	s0 =	simm.s32 @!p0 $0x7  }
0x23b: {  	_ =	swait.ge @!p0 [sflag:s0], s1  }
0x23c: {  	s1 =	ssub.s32 @!p0 $0x0, s1;
	[sflag:s0] =	ssyncset.done @!p0 $0x0  }
0x23d: {  	[sflag:s0] =	ssyncadd.s32 @!p0 s1  }
0x23e: {  	[bflag:$0x3] =	sbarrier.arrive $0xFFFF  }
0x23f: {  	_ =	shalt  }

</sc_bundles>
